<compile_context>
chip_gen: v7x
topology: tpu7x:2x2x1
jax: 0.10.2.dev20260603
libtpu: 0.0.44.dev20260713+nightly
codegen_flags: <defaults>
</compile_context>

<pallas_src>
import functools

import jax
import jax.numpy as jnp
from jax import lax
from jax.experimental import pallas as pl
from jax.experimental.pallas import tpu as pltpu
from jax.experimental.pallas import tpu_sc as plsc

N = 10000
D = 128
NH = 8
NC, NS = 2, 16

EC = 112
CHUNKS = 180
HALF = CHUNKS // 2
EPT = EC * CHUNKS
E_PAD = NS * EPT
RSH = 10112
TRASH = 10100

NP = 10240
PT = 10496
SENT = 10240


def _prologue_body(x_ref, w_ref, a_ref, feat_ref, lg_ref):
    feat = jnp.dot(x_ref[:], w_ref[:], preferred_element_type=jnp.float32)
    feat_ref[:] = feat
    lg_ref[:] = jnp.dot(feat, a_ref[:], preferred_element_type=jnp.float32)


def _tc_prologue(x_both, w_gat, a_pad):
    m = x_both.shape[0]
    br = 1000
    return pl.pallas_call(
        _prologue_body,
        grid=(m // br,),
        in_specs=[
            pl.BlockSpec((br, D), lambda i: (i, 0)),
            pl.BlockSpec((D, D), lambda i: (0, 0)),
            pl.BlockSpec((D, D), lambda i: (0, 0)),
        ],
        out_specs=[
            pl.BlockSpec((br, D), lambda i: (i, 0)),
            pl.BlockSpec((br, D), lambda i: (i, 0)),
        ],
        out_shape=[
            jax.ShapeDtypeStruct((m, D), jnp.float32),
            jax.ShapeDtypeStruct((m, D), jnp.float32),
        ],
    )(x_both, w_gat, a_pad)


def _epilogue_body(u_ref, s_ref, r_ref, w_ref, bg_ref, p_ref):
    s_full = jnp.dot(s_ref[:], r_ref[:], preferred_element_type=jnp.float32)
    u = u_ref[:]
    g = jnp.where(s_full > 0.0, u / s_full, 0.0) + bg_ref[:]
    nrm = jnp.sqrt(jnp.sum(g * g, axis=1, keepdims=True))
    gn = g / jnp.maximum(nrm, 1e-12)
    p_ref[:] = jnp.dot(gn, w_ref[0], preferred_element_type=jnp.float32)


def _tc_epilogue(u2, s2, r_m, w_both, bg):
    m = u2.shape[0]
    br = 1000
    nb = m // br
    return pl.pallas_call(
        _epilogue_body,
        grid=(nb,),
        in_specs=[
            pl.BlockSpec((br, D), lambda i: (i, 0)),
            pl.BlockSpec((br, D), lambda i: (i, 0)),
            pl.BlockSpec((D, D), lambda i: (0, 0)),
            pl.BlockSpec((1, D, D), lambda i: (i // (nb // 2), 0, 0)),
            pl.BlockSpec((1, D), lambda i: (0, 0)),
        ],
        out_specs=pl.BlockSpec((br, D), lambda i: (i, 0)),
        out_shape=jax.ShapeDtypeStruct((m, D), jnp.float32),
    )(u2, s2, r_m, w_both, bg)


@functools.cache
def _get_ex_kernel():
  return pl.kernel(
    _ex_kernel,
    out_type=jax.ShapeDtypeStruct((NC * E_PAD * 16,), jnp.float32),
    mesh=plsc.VectorSubcoreMesh(core_axis_name="c", subcore_axis_name="s", num_cores=NC, num_subcores=NS),
    scratch_types=[
        pltpu.VMEM((EC, D), jnp.float32),
        pltpu.VMEM((EC, D), jnp.float32),
        pltpu.VMEM((EC * 16,), jnp.float32),
        pltpu.VMEM((EC,), jnp.int32),
        pltpu.VMEM((EC,), jnp.int32),
        pltpu.SemaphoreType.DMA,
        pltpu.SemaphoreType.DMA,
    ])


def _ex_kernel(lg_hbm, srcg_hbm, dstg_hbm, ex_hbm,
               lgs_buf, lgd_buf, ex_buf, srcg_v, dstg_v, sem_a, sem_b):
    c = lax.axis_index("c")
    t = lax.axis_index("s")
    tch = (c * NS + t) * CHUNKS

    def chunk(kk, _):
        base = (tch + kk) * EC
        pltpu.sync_copy(srcg_hbm.at[pl.ds(base, EC)], srcg_v)
        pltpu.sync_copy(dstg_hbm.at[pl.ds(base, EC)], dstg_v)
        ca = pltpu.async_copy(lg_hbm.at[srcg_v], lgs_buf, sem_a)
        cb = pltpu.async_copy(lg_hbm.at[dstg_v], lgd_buf, sem_b)
        ca.wait()
        cb.wait()

        def edge(i, _):
            ev = lgs_buf[i, pl.ds(0, 16)] + lgd_buf[i, pl.ds(16, 16)]
            ev = jnp.where(ev > 0.0, ev, ev * jnp.float32(0.2))
            ex_buf[pl.ds(16 * i, 16)] = jnp.exp(ev)
            return 0

        lax.fori_loop(0, EC, edge, 0)
        pltpu.sync_copy(ex_buf, ex_hbm.at[pl.ds(base * 16, EC * 16)])
        return 0

    lax.fori_loop(0, CHUNKS, chunk, 0)


@functools.cache
def _get_s_kernel():
  return pl.kernel(
    _s_kernel,
    out_type=jax.ShapeDtypeStruct((NC, N, D), jnp.float32),
    mesh=plsc.VectorSubcoreMesh(core_axis_name="c", subcore_axis_name="s", num_cores=NC, num_subcores=NS),
    scratch_types=[
        pltpu.VMEM_SHARED((RSH, D), jnp.float32),
        pltpu.VMEM((EC, D), jnp.float32),
        pltpu.VMEM((2, EC * 16), jnp.float32),
        pltpu.VMEM((2, EC), jnp.int32),
        pltpu.SemaphoreType.DMA,
        pltpu.SemaphoreType.DMA,
    ])


def _s_kernel(ex_hbm, dstl_hbm, s_hbm, s_sh, exw_buf, exs, dstl2,
              sem_a, sem_b):
    c = lax.axis_index("c")
    t = lax.axis_index("s")
    zf = jnp.zeros((16,), jnp.float32)

    def zrow(i, _):
        for h in range(NH):
            exw_buf[i, pl.ds(16 * h, 16)] = zf
        return 0

    lax.fori_loop(0, EC, zrow, 0)
    z0 = t * (RSH // NS)
    zfull = (RSH // NS) // EC
    for k in range(zfull):
        pltpu.sync_copy(exw_buf, s_sh.at[pl.ds(z0 + k * EC, EC)])
    zrem = RSH // NS - zfull * EC
    pltpu.sync_copy(exw_buf.at[pl.ds(0, zrem)],
                    s_sh.at[pl.ds(z0 + zfull * EC, zrem)])
    plsc.subcore_barrier()

    tch = (c * NS + t) * CHUNKS

    def issue(cc, slot, sem, hrow0):
        pltpu.async_copy(ex_hbm.at[pl.ds((hrow0 + cc) * EC * 16, EC * 16)],
                         exs.at[slot], sem)
        pltpu.async_copy(dstl_hbm.at[pl.ds((hrow0 + cc) * EC, EC)],
                         dstl2.at[slot], sem)

    def drain(slot, sem):
        pltpu.make_async_copy(ex_hbm.at[pl.ds(0, EC * 16)], exs.at[slot],
                              sem).wait()
        pltpu.make_async_copy(dstl_hbm.at[pl.ds(0, EC)], dstl2.at[slot],
                              sem).wait()

    def compute(cc, slot):
        def edge(i, _):
            exw_buf[i, pl.ds(0, 16)] = exs[slot, pl.ds(16 * i, 16)]
            return 0

        lax.fori_loop(0, EC, edge, 0)
        pltpu.sync_copy(exw_buf, s_sh.at[dstl2.at[slot]], add=True)

    for h in range(2):
        hrow0 = tch + h * HALF
        issue(0, 0, sem_a, hrow0)

        def pair(kk2, _):
            e = 2 * kk2
            issue(e + 1, 1, sem_b, hrow0)
            drain(0, sem_a)
            compute(e, 0)

            @pl.when(kk2 + 1 < HALF // 2)
            def _pref():
                issue(e + 2, 0, sem_a, hrow0)

            drain(1, sem_b)
            compute(e + 1, 1)
            return 0

        lax.fori_loop(0, HALF // 2, pair, 0)

    plsc.subcore_barrier()
    nr = (N // NS) // 8 * 8
    o0 = t * nr
    pltpu.sync_copy(s_sh.at[pl.ds(o0, nr)], s_hbm.at[c, pl.ds(o0, nr)])

    @pl.when(t == 0)
    def _tail():
        o1 = NS * nr
        pltpu.sync_copy(s_sh.at[pl.ds(o1, N - o1)], s_hbm.at[c, pl.ds(o1, N - o1)])


@functools.cache
def _get_message_kernel():
  return pl.kernel(
    _message_kernel,
    out_type=jax.ShapeDtypeStruct((NC, N, D), jnp.float32),
    mesh=plsc.VectorSubcoreMesh(core_axis_name="c", subcore_axis_name="s", num_cores=NC, num_subcores=NS),
    scratch_types=[
        pltpu.VMEM_SHARED((RSH, D), jnp.float32),
        pltpu.VMEM((EC, D), jnp.float32),
        pltpu.VMEM((EC * 16,), jnp.float32),
        pltpu.VMEM((EC,), jnp.int32),
        pltpu.VMEM((EC,), jnp.int32),
        pltpu.SemaphoreType.DMA,
    ])


def _message_kernel(feat_hbm, ex_hbm, srcg_hbm, dstl_hbm, u_hbm,
                    u_sh, feat_buf, ex_buf, srcg_v, dstl_v, sem):
    c = lax.axis_index("c")
    t = lax.axis_index("s")
    zf = jnp.zeros((16,), jnp.float32)

    def zrow(i, _):
        for h in range(NH):
            feat_buf[i, pl.ds(16 * h, 16)] = zf
        return 0

    lax.fori_loop(0, EC, zrow, 0)
    z0 = t * (RSH // NS)
    zfull = (RSH // NS) // EC
    for k in range(zfull):
        pltpu.sync_copy(feat_buf, u_sh.at[pl.ds(z0 + k * EC, EC)])
    zrem = RSH // NS - zfull * EC
    pltpu.sync_copy(feat_buf.at[pl.ds(0, zrem)],
                    u_sh.at[pl.ds(z0 + zfull * EC, zrem)])
    plsc.subcore_barrier()

    tch = (c * NS + t) * CHUNKS

    def chunk(kk, _):
        base = (tch + kk) * EC
        pltpu.sync_copy(srcg_hbm.at[pl.ds(base, EC)], srcg_v)
        pltpu.sync_copy(dstl_hbm.at[pl.ds(base, EC)], dstl_v)
        pltpu.sync_copy(ex_hbm.at[pl.ds(base * 16, EC * 16)], ex_buf)
        pltpu.async_copy(feat_hbm.at[srcg_v], feat_buf, sem).wait()

        def edge(i, _):
            exv = ex_buf[pl.ds(16 * i, 16)]
            for h in range(NH):
                sl = pl.ds(16 * h, 16)
                feat_buf[i, sl] = feat_buf[i, sl] * exv[h]
            return 0

        lax.fori_loop(0, EC, edge, 0)
        pltpu.sync_copy(feat_buf, u_sh.at[dstl_v], add=True)
        return 0

    lax.fori_loop(0, CHUNKS, chunk, 0)
    plsc.subcore_barrier()
    nr = (N // NS) // 8 * 8
    o0 = t * nr
    pltpu.sync_copy(u_sh.at[pl.ds(o0, nr)], u_hbm.at[c, pl.ds(o0, nr)])

    @pl.when(t == 0)
    def _tail():
        o1 = NS * nr
        pltpu.sync_copy(u_sh.at[pl.ds(o1, N - o1)], u_hbm.at[c, pl.ds(o1, N - o1)])


@functools.cache
def _get_presence_kernel():
  return pl.kernel(
    _presence_kernel,
    out_type=jax.ShapeDtypeStruct((NC * NP,), jnp.int32),
    mesh=plsc.VectorSubcoreMesh(core_axis_name="c", subcore_axis_name="s", num_cores=NC, num_subcores=NS),
    scratch_types=[
        pltpu.VMEM_SHARED((PT,), jnp.int32),
        pltpu.VMEM_SHARED((PT,), jnp.int32),
        pltpu.VMEM((PT // NS,), jnp.int32),
        pltpu.VMEM((NP // NS // 128, 128), jnp.int32),
        pltpu.VMEM((128,), jnp.int32),
    ])


def _presence_kernel(idsp_hbm, pres_hbm, pres_a, pres_b, zbuf, ids2d,
                     ones_buf):
    c = lax.axis_index("c")
    t = lax.axis_index("s")
    zi = jnp.zeros((16,), jnp.int32)
    ones = jnp.ones((16,), jnp.int32)
    slc = PT // NS

    def zscan(i, _):
        zbuf[pl.ds(16 * i, 16)] = zi
        return 0

    lax.fori_loop(0, slc // 16, zscan, 0)

    def fill_ones(i, _):
        ones_buf[pl.ds(16 * i, 16)] = ones
        return 0

    lax.fori_loop(0, 8, fill_ones, 0)
    pltpu.sync_copy(zbuf, pres_a.at[pl.ds(t * slc, slc)])
    pltpu.sync_copy(zbuf, pres_b.at[pl.ds(t * slc, slc)])
    plsc.subcore_barrier()

    def scatter_graph(g, pres_sh):
        pltpu.sync_copy(idsp_hbm.at[g, t], ids2d)
        for j in range(NP // NS // 128):
            pltpu.sync_copy(ones_buf, pres_sh.at[ids2d.at[j]])

    scatter_graph(0, pres_a)
    scatter_graph(1, pres_b)
    plsc.subcore_barrier()
    o0 = t * (NP // NS)

    @pl.when(c == 0)
    def _copy_a():
        pltpu.sync_copy(pres_a.at[pl.ds(o0, NP // NS)], pres_hbm.at[pl.ds(o0, NP // NS)])

    @pl.when(c == 1)
    def _copy_b():
        pltpu.sync_copy(pres_b.at[pl.ds(o0, NP // NS)], pres_hbm.at[pl.ds(NP + o0, NP // NS)])


def _prefix_body(p_ref, tl_ref, tr_ref, pref_ref):
    p = p_ref[:].astype(jnp.float32)
    p = jnp.minimum(p, 1.0)
    within = jnp.dot(p, tl_ref[:], preferred_element_type=jnp.float32)
    rowsum = jnp.sum(p, axis=1, keepdims=True)
    offs = jnp.dot(tr_ref[:], rowsum, preferred_element_type=jnp.float32)
    pref_ref[:] = (within + offs).astype(jnp.int32)


def _tc_prefix(pres2d, t_lane, t_row):
    m = pres2d.shape[0]
    return pl.pallas_call(
        _prefix_body,
        grid=(1,),
        in_specs=[
            pl.BlockSpec((m, 128), lambda i: (0, 0)),
            pl.BlockSpec((128, 128), lambda i: (0, 0)),
            pl.BlockSpec((m, m), lambda i: (0, 0)),
        ],
        out_specs=pl.BlockSpec((m, 128), lambda i: (0, 0)),
        out_shape=jax.ShapeDtypeStruct((m, 128), jnp.int32),
    )(pres2d, t_lane, t_row)


@functools.cache
def _get_final_kernel():
  return pl.kernel(
    _final_kernel,
    out_type=jax.ShapeDtypeStruct((NP, D), jnp.float32),
    mesh=plsc.VectorSubcoreMesh(core_axis_name="c", subcore_axis_name="s", num_cores=NC, num_subcores=NS),
    scratch_types=[
        pltpu.VMEM_SHARED((NP,), jnp.int32),
        pltpu.VMEM_SHARED((NP,), jnp.int32),
        pltpu.VMEM((64,), jnp.int32),
        pltpu.VMEM((64,), jnp.int32),
        pltpu.VMEM((64,), jnp.int32),
        pltpu.VMEM((64,), jnp.int32),
        pltpu.VMEM((64, D), jnp.float32),
        pltpu.VMEM((64, D), jnp.float32),
        pltpu.VMEM((D,), jnp.float32),
        pltpu.SemaphoreType.DMA,
    ])


def _final_kernel(pref_hbm, idsr_hbm, p0_hbm, p1_hbm, bout_hbm, out_hbm,
                  loc_a, loc_b, ida, idb, rka, rkb, rows_a, rows_b, bout_v,
                  sem):
    c = lax.axis_index("c")
    t = lax.axis_index("s")
    slc = NP // NS
    pltpu.sync_copy(pref_hbm.at[pl.ds(t * slc, slc)], loc_a.at[pl.ds(t * slc, slc)])
    pltpu.sync_copy(pref_hbm.at[pl.ds(NP + t * slc, slc)], loc_b.at[pl.ds(t * slc, slc)])
    pltpu.sync_copy(bout_hbm, bout_v)
    plsc.subcore_barrier()
    w32 = t * NC + c
    base_row = w32 * (NP // (NC * NS))

    def rowchunk(k, _):
        r0 = base_row + k * 64
        pltpu.sync_copy(idsr_hbm.at[pl.ds(r0, 64)], ida)
        pltpu.sync_copy(idsr_hbm.at[pl.ds(NP + r0, 64)], idb)
        pltpu.async_copy(loc_a.at[ida], rka, sem).wait()
        pltpu.async_copy(loc_b.at[idb], rkb, sem).wait()
        pltpu.async_copy(p0_hbm.at[rka], rows_a, sem).wait()
        pltpu.async_copy(p1_hbm.at[rkb], rows_b, sem).wait()

        def comb(r, _):
            for h in range(NH):
                sl = pl.ds(16 * h, 16)
                rows_a[r, sl] = rows_a[r, sl] + rows_b[r, sl] + bout_v[sl]
            return 0

        lax.fori_loop(0, 64, comb, 0)
        pltpu.sync_copy(rows_a, out_hbm.at[pl.ds(r0, 64)])
        return 0

    lax.fori_loop(0, NP // (NC * NS) // 64, rowchunk, 0)


def kernel(h_init, x_i, edge_index_i, node_ids_i, x_j, edge_index_j,
           node_ids_j, W_gat, attn_l, attn_r, b_gat, W_out, b_out):
    f32 = jnp.float32
    x_both = jnp.concatenate([x_i, x_j], axis=0)
    eye8 = jnp.eye(NH, dtype=f32)
    a_l = (attn_l[:, :, None] * eye8[:, None, :]).reshape(D, NH)
    a_r = (attn_r[:, :, None] * eye8[:, None, :]).reshape(D, NH)
    a_big = jnp.concatenate(
        [a_l, a_r, a_r, a_l, jnp.zeros((D, D - 32), f32)], axis=1)
    feat, lg = _tc_prologue(x_both, W_gat, a_big)

    e = edge_index_i.shape[1]
    pad = E_PAD - e
    zpad = jnp.zeros((pad,), jnp.int32)
    tpad = jnp.full((pad,), TRASH, jnp.int32)
    srcg = jnp.concatenate([edge_index_i[0], zpad,
                            edge_index_j[0] + N, zpad])
    dstg = jnp.concatenate([edge_index_i[1], zpad,
                            edge_index_j[1] + N, zpad])
    dstl = jnp.concatenate([edge_index_i[1], tpad,
                            edge_index_j[1], tpad])
    ex_all = _get_ex_kernel()(lg, srcg, dstg)
    s = _get_s_kernel()(ex_all, dstl)
    u = _get_message_kernel()(feat, ex_all, srcg, dstl)

    r_m = (eye8[:, :, None] * jnp.ones((1, 1, 16), f32)).reshape(NH, D)
    r_m = jnp.concatenate([r_m, jnp.zeros((D - NH, D), f32)], axis=0)
    w_both = jnp.stack([W_out[:D], W_out[D:]])
    p = _tc_epilogue(u.reshape(NC * N, D), s.reshape(NC * N, D), r_m,
                     w_both, b_gat.reshape(1, D))
    p0, p1 = p[:N], p[N:]

    spad = jnp.full((NP - N,), SENT, jnp.int32)
    znp = jnp.zeros((NP - N,), jnp.int32)
    idsp = jnp.stack([
        jnp.concatenate([node_ids_i, spad]),
        jnp.concatenate([node_ids_j, spad]),
    ]).reshape(2, NS, NP // NS // 128, 128)
    idsr = jnp.concatenate([node_ids_i, znp, node_ids_j, znp])
    pres = _get_presence_kernel()(idsp)
    t_lane = jnp.triu(jnp.ones((128, 128), f32), 1)
    t_row = jnp.kron(jnp.eye(2, dtype=f32),
                     jnp.tril(jnp.ones((NP // 128, NP // 128), f32), -1))
    pref = _tc_prefix(pres.reshape(NC * NP // 128, 128), t_lane, t_row)
    hout = _get_final_kernel()(pref.reshape(NC * NP), idsr, p0, p1, b_out)
    return jnp.stack([hout[:N]])

# --- scband reference (transcript-rebuilt; emitter-appended) ---
"""Pipeline reference for scband-static-gat-78675210928330 (READ-ONLY COPY).

The authoritative reference and input builder live on the scoring server;
editing this copy changes nothing except your own understanding.
"""

import jax, jax.numpy as jnp
import numpy as np

N = 10000
E = 320000
D_IN = 128
HID = 128
HEADS = 8
HD = HID // HEADS
OUT = 128


def setup_inputs(seed: int = 0) -> dict:
    key = jax.random.key(seed)
    ks = jax.random.split(key, 14)
    inp = {}
    inp["h_init"] = jax.random.normal(ks[0], (N, HID), dtype=jnp.float32)
    inp["x_i"] = jax.random.normal(ks[1], (N, D_IN), dtype=jnp.float32)
    inp["edge_index_i"] = jax.random.randint(ks[2], (2, E), 0, N, dtype=jnp.int64) if jax.config.read("jax_enable_x64") else jax.random.randint(ks[2], (2, E), 0, N).astype(jnp.int32)
    inp["node_ids_i"] = jax.random.randint(ks[3], (N,), 0, N).astype(jnp.int32)
    inp["x_j"] = jax.random.normal(ks[4], (N, D_IN), dtype=jnp.float32)
    inp["edge_index_j"] = jax.random.randint(ks[5], (2, E), 0, N).astype(jnp.int32)
    inp["edge_index_i"] = inp["edge_index_i"].astype(jnp.int32)
    inp["node_ids_j"] = jax.random.randint(ks[6], (N,), 0, N).astype(jnp.int32)
    # learned params: single-layer multi-head GAT (8 heads, concat -> HID) + output linear
    inp["W_gat"] = jax.random.normal(ks[7], (D_IN, HEADS * HD), dtype=jnp.float32) / np.sqrt(D_IN)
    inp["attn_l"] = jax.random.normal(ks[8], (HEADS, HD), dtype=jnp.float32) * 0.1
    inp["attn_r"] = jax.random.normal(ks[9], (HEADS, HD), dtype=jnp.float32) * 0.1
    inp["b_gat"] = jnp.zeros((HEADS * HD,), dtype=jnp.float32)
    inp["W_out"] = jax.random.normal(ks[10], (2 * HID, OUT), dtype=jnp.float32) / np.sqrt(2 * HID)
    inp["b_out"] = jnp.zeros((OUT,), dtype=jnp.float32)
    return inp


def _gat_layer(x, edge_index, W, attn_l, attn_r, b):
    n = x.shape[0]
    src = edge_index[0]
    dst = edge_index[1]
    feat = (x @ W).reshape(n, HEADS, HD)
    el = jnp.sum(feat * attn_l[None, :, :], axis=-1)  # [N, H]
    er = jnp.sum(feat * attn_r[None, :, :], axis=-1)  # [N, H]
    e = jax.nn.leaky_relu(el[src] + er[dst], negative_slope=0.2)  # [E, H]
    m = jax.ops.segment_max(e, dst, num_segments=n)
    m = jnp.where(jnp.isfinite(m), m, 0.0)
    ex = jnp.exp(e - m[dst])
    s = jax.ops.segment_sum(ex, dst, num_segments=n)
    alpha = ex / s[dst]
    msg = alpha[:, :, None] * feat[src]  # [E, H, D]
    out = jax.ops.segment_sum(msg, dst, num_segments=n)  # [N, H, D]
    return out.reshape(n, HEADS * HD) + b[None, :]


def _l2_normalize(x, eps=1e-12):
    nrm = jnp.sqrt(jnp.sum(x * x, axis=1, keepdims=True))
    return x / jnp.maximum(nrm, eps)


def reference(h_init, x_i, edge_index_i, node_ids_i, x_j, edge_index_j, node_ids_j,
              W_gat, attn_l, attn_r, b_gat, W_out, b_out):
    sage_o_i = _gat_layer(x_i, edge_index_i, W_gat, attn_l, attn_r, b_gat)
    sage_o_j = _gat_layer(x_j, edge_index_j, W_gat, attn_l, attn_r, b_gat)
    sage_o_i = _l2_normalize(sage_o_i)
    sage_o_j = _l2_normalize(sage_o_j)
    _, idx_i = jnp.unique(node_ids_i, return_inverse=True, size=node_ids_i.shape[0])
    _, idx_j = jnp.unique(node_ids_j, return_inverse=True, size=node_ids_j.shape[0])
    idx_i = idx_i.reshape(-1)
    idx_j = idx_j.reshape(-1)
    h_cat = jnp.concatenate([sage_o_i[idx_i], sage_o_j[idx_j]], axis=-1)
    h_cur = h_cat @ W_out + b_out[None, :]
    h_cur = jnp.squeeze(h_cur, axis=-1) if h_cur.shape[-1] == 1 else h_cur
    return jnp.stack([h_cur])

if __name__ == "__main__":
    import jax
    _d = setup_inputs()
    print(jax.jit(kernel)(*tuple(_d.values())))

</pallas_src>

<mosaic_0001>
#map = affine_map<(d0, d1) -> (0, 0, 0, 0)>
#map1 = affine_map<(d0, d1) -> (0)>
module attributes {stable_mosaic.version = 14 : i64} {
  func.func @_presence_kernel(%arg0: i32, %arg1: i32, %arg2: memref<2x16x5x128xi32, #tpu.memory_space<hbm>>, %arg3: memref<20480xi32, #tpu.memory_space<hbm>>, %arg4: memref<10496xi32, #tpu.memory_space<vmem_shared>>, %arg5: memref<10496xi32, #tpu.memory_space<vmem_shared>>, %arg6: memref<656xi32, #tpu.memory_space<vmem>>, %arg7: memref<5x128xi32, #tpu.memory_space<vmem>>, %arg8: memref<128xi32, #tpu.memory_space<vmem>>) attributes {dimension_semantics = [#tpu.dimension_semantics<core_parallel>, #tpu.dimension_semantics<subcore_parallel>], iteration_bounds = array<i64: 2, 16>, scalar_prefetch = 0 : i64, scratch_operands = 5 : i64, tpu.core_type = #tpu.core_type<sc_vector_subcore>, window_params = [{transform_indices = #map}, {transform_indices = #map1}]} {
    %broadcast_in_dim3A = arith.constant 0 : i32
    %broadcast_in_dim3A_0 = vector.broadcast %broadcast_in_dim3A : i32 to vector<16xi32>
    %broadcast_in_dim3A_1 = arith.constant 1 : i32
    %broadcast_in_dim3A_2 = vector.broadcast %broadcast_in_dim3A_1 : i32 to vector<16xi32>
    %scan3A = arith.constant 0 : i32
    %scan3A_3 = arith.constant 0 : i32
    %scan3A_4 = arith.constant 41 : i32
    %scan3A_5 = arith.addi %scan3A_3, %scan3A_4 : i32
    %scan3A_6 = arith.constant 1 : i32
    %scan3A_7 = scf.for %scan3A_40 = %scan3A_3 to %scan3A_5 step %scan3A_6 iter_args(%scan3A_41 = %scan3A) -> (i32)  : i32 {
      %mul3A_42 = arith.constant 16 : i32
      %mul3A_43 = arith.muli %mul3A_42, %scan3A_40 : i32
      %swap3A = arith.index_cast %mul3A_43 : i32 to index
      %swap3A_44 = tpu.vector_load %arg6[%swap3A] {strides = array<i32>} : memref<656xi32, #tpu.memory_space<vmem>>, vector<16xi32>,
      %swap3A_45 = vector.shape_cast %swap3A_44 : vector<16xi32> to vector<16xi32>
      %swap3A_46 = vector.shape_cast %broadcast_in_dim3A_0 : vector<16xi32> to vector<16xi32>
      tpu.vector_store %arg6[%swap3A], %swap3A_46 {strides = array<i32>} : memref<656xi32, #tpu.memory_space<vmem>>, vector<16xi32>,
      %scan3A_47 = arith.constant 0 : i32
      scf.yield %scan3A_47 : i32
    }
    %scan3A_8 = arith.constant 41 : i32
    %scan3A_9 = arith.constant 0 : i32
    %scan3A_10 = arith.constant 0 : i32
    %scan3A_11 = arith.constant 8 : i32
    %scan3A_12 = arith.addi %scan3A_10, %scan3A_11 : i32
    %scan3A_13 = arith.constant 1 : i32
    %scan3A_14 = scf.for %scan3A_40 = %scan3A_10 to %scan3A_12 step %scan3A_13 iter_args(%scan3A_41 = %scan3A_9) -> (i32)  : i32 {
      %mul3A_42 = arith.constant 16 : i32
      %mul3A_43 = arith.muli %mul3A_42, %scan3A_40 : i32
      %swap3A = arith.index_cast %mul3A_43 : i32 to index
      %swap3A_44 = tpu.vector_load %arg8[%swap3A] {strides = array<i32>} : memref<128xi32, #tpu.memory_space<vmem>>, vector<16xi32>,
      %swap3A_45 = vector.shape_cast %swap3A_44 : vector<16xi32> to vector<16xi32>
      %swap3A_46 = vector.shape_cast %broadcast_in_dim3A_2 : vector<16xi32> to vector<16xi32>
      tpu.vector_store %arg8[%swap3A], %swap3A_46 {strides = array<i32>} : memref<128xi32, #tpu.memory_space<vmem>>, vector<16xi32>,
      %scan3A_47 = arith.constant 0 : i32
      scf.yield %scan3A_47 : i32
    }
    %scan3A_15 = arith.constant 8 : i32
    %mul3A = arith.constant 656 : i32
    %mul3A_16 = arith.muli %arg1, %mul3A : i32
    "tpu.region"() ({
      %run_scoped3A_40 = tpu.sem_alloc : memref<!tpu.dma_semaphore, #tpu.memory_space<semaphore_mem>>
      %dma_start3A = tpu.memref_slice %arg4[%mul3A_16] : memref<10496xi32, #tpu.memory_space<vmem_shared>> -> memref<656xi32, #tpu.memory_space<vmem_shared>>
      %dma_start3A_41 = tpu.memref_slice %arg4[%mul3A_16] : memref<10496xi32, #tpu.memory_space<vmem_shared>> -> memref<656xi32, #tpu.memory_space<vmem_shared>>
      tpu.enqueue_dma source(%arg6 : memref<656xi32, #tpu.memory_space<vmem>>) target(%dma_start3A_41 : memref<656xi32, #tpu.memory_space<vmem_shared>>) target_semaphore(%run_scoped3A_40 : memref<!tpu.dma_semaphore, #tpu.memory_space<semaphore_mem>>)
      %dma_wait3A = tpu.memref_slice %arg4[%mul3A_16] : memref<10496xi32, #tpu.memory_space<vmem_shared>> -> memref<656xi32, #tpu.memory_space<vmem_shared>>
      %dma_wait3A_42 = tpu.memref_slice %arg4[%mul3A_16] : memref<10496xi32, #tpu.memory_space<vmem_shared>> -> memref<656xi32, #tpu.memory_space<vmem_shared>>
      tpu.wait_dma2 semaphore(%run_scoped3A_40 : memref<!tpu.dma_semaphore, #tpu.memory_space<semaphore_mem>>) src(%arg6 : memref<656xi32, #tpu.memory_space<vmem>>) dst(%dma_wait3A_42 : memref<656xi32, #tpu.memory_space<vmem_shared>>)
      tpu.yield
    }) : () -> ()
    %mul3A_17 = arith.constant 656 : i32
    %mul3A_18 = arith.muli %arg1, %mul3A_17 : i32
    "tpu.region"() ({
      %run_scoped3A_40 = tpu.sem_alloc : memref<!tpu.dma_semaphore, #tpu.memory_space<semaphore_mem>>
      %dma_start3A = tpu.memref_slice %arg5[%mul3A_18] : memref<10496xi32, #tpu.memory_space<vmem_shared>> -> memref<656xi32, #tpu.memory_space<vmem_shared>>
      %dma_start3A_41 = tpu.memref_slice %arg5[%mul3A_18] : memref<10496xi32, #tpu.memory_space<vmem_shared>> -> memref<656xi32, #tpu.memory_space<vmem_shared>>
      tpu.enqueue_dma source(%arg6 : memref<656xi32, #tpu.memory_space<vmem>>) target(%dma_start3A_41 : memref<656xi32, #tpu.memory_space<vmem_shared>>) target_semaphore(%run_scoped3A_40 : memref<!tpu.dma_semaphore, #tpu.memory_space<semaphore_mem>>)
      %dma_wait3A = tpu.memref_slice %arg5[%mul3A_18] : memref<10496xi32, #tpu.memory_space<vmem_shared>> -> memref<656xi32, #tpu.memory_space<vmem_shared>>
      %dma_wait3A_42 = tpu.memref_slice %arg5[%mul3A_18] : memref<10496xi32, #tpu.memory_space<vmem_shared>> -> memref<656xi32, #tpu.memory_space<vmem_shared>>
      tpu.wait_dma2 semaphore(%run_scoped3A_40 : memref<!tpu.dma_semaphore, #tpu.memory_space<semaphore_mem>>) src(%arg6 : memref<656xi32, #tpu.memory_space<vmem>>) dst(%dma_wait3A_42 : memref<656xi32, #tpu.memory_space<vmem_shared>>)
      tpu.yield
    }) : () -> ()
    %barrier3A = arith.constant 0 : index
    tpu.barrier barrier_id(%barrier3A)
    %run_scoped3A = arith.constant 0 : i32
    "tpu.region"() ({
      %run_scoped3A_40 = tpu.sem_alloc : memref<!tpu.dma_semaphore, #tpu.memory_space<semaphore_mem>>
      %dma_start3A = arith.constant 0 : i32
      %dma_start3A_41 = arith.constant 0 : i32
      %dma_start3A_42 = tpu.memref_slice %arg2[%run_scoped3A, %arg1, %dma_start3A, %dma_start3A_41] : memref<2x16x5x128xi32, #tpu.memory_space<hbm>> -> memref<1x1x5x128xi32, #tpu.memory_space<hbm>>
      %dma_start3A_43 = tpu.memref_squeeze %dma_start3A_42 : memref<1x1x5x128xi32, #tpu.memory_space<hbm>> -> memref<5x128xi32, #tpu.memory_space<hbm>>
      %dma_start3A_44 = arith.constant 0 : i32
      %dma_start3A_45 = arith.constant 0 : i32
      %dma_start3A_46 = tpu.memref_slice %arg2[%run_scoped3A, %arg1, %dma_start3A_44, %dma_start3A_45] : memref<2x16x5x128xi32, #tpu.memory_space<hbm>> -> memref<1x1x5x128xi32, #tpu.memory_space<hbm>>
      %dma_start3A_47 = tpu.memref_squeeze %dma_start3A_46 : memref<1x1x5x128xi32, #tpu.memory_space<hbm>> -> memref<5x128xi32, #tpu.memory_space<hbm>>
      tpu.enqueue_dma source(%dma_start3A_47 : memref<5x128xi32, #tpu.memory_space<hbm>>) target(%arg7 : memref<5x128xi32, #tpu.memory_space<vmem>>) target_semaphore(%run_scoped3A_40 : memref<!tpu.dma_semaphore, #tpu.memory_space<semaphore_mem>>)
      %dma_wait3A = arith.constant 0 : i32
      %dma_wait3A_48 = arith.constant 0 : i32
      %dma_wait3A_49 = tpu.memref_slice %arg2[%run_scoped3A, %arg1, %dma_wait3A, %dma_wait3A_48] : memref<2x16x5x128xi32, #tpu.memory_space<hbm>> -> memref<1x1x5x128xi32, #tpu.memory_space<hbm>>
      %dma_wait3A_50 = tpu.memref_squeeze %dma_wait3A_49 : memref<1x1x5x128xi32, #tpu.memory_space<hbm>> -> memref<5x128xi32, #tpu.memory_space<hbm>>
      %dma_wait3A_51 = arith.constant 0 : i32
      %dma_wait3A_52 = arith.constant 0 : i32
      %dma_wait3A_53 = tpu.memref_slice %arg2[%run_scoped3A, %arg1, %dma_wait3A_51, %dma_wait3A_52] : memref<2x16x5x128xi32, #tpu.memory_space<hbm>> -> memref<1x1x5x128xi32, #tpu.memory_space<hbm>>
      %dma_wait3A_54 = tpu.memref_squeeze %dma_wait3A_53 : memref<1x1x5x128xi32, #tpu.memory_space<hbm>> -> memref<5x128xi32, #tpu.memory_space<hbm>>
      tpu.wait_dma2 semaphore(%run_scoped3A_40 : memref<!tpu.dma_semaphore, #tpu.memory_space<semaphore_mem>>) src(%dma_wait3A_54 : memref<5x128xi32, #tpu.memory_space<hbm>>) dst(%arg7 : memref<5x128xi32, #tpu.memory_space<vmem>>)
      tpu.yield
    }) : () -> ()
    %run_scoped3A_19 = arith.constant 0 : i32
    "tpu.region"() ({
      %run_scoped3A_40 = tpu.sem_alloc : memref<!tpu.dma_semaphore, #tpu.memory_space<semaphore_mem>>
      %dma_start3A = arith.constant 0 : i32
      %dma_start3A_41 = tpu.memref_slice %arg7[%run_scoped3A_19, %dma_start3A] : memref<5x128xi32, #tpu.memory_space<vmem>> -> memref<1x128xi32, #tpu.memory_space<vmem>>
      %dma_start3A_42 = tpu.memref_squeeze %dma_start3A_41 : memref<1x128xi32, #tpu.memory_space<vmem>> -> memref<128xi32, #tpu.memory_space<vmem>>
      %dma_start3A_43 = arith.constant 0 : i32
      %dma_start3A_44 = tpu.memref_slice %arg4[%dma_start3A_43] : memref<10496xi32, #tpu.memory_space<vmem_shared>> -> memref<10496xi32, #tpu.memory_space<vmem_shared>>
      tpu.enqueue_indirect_dma source(%arg8 : memref<128xi32, #tpu.memory_space<vmem>>) target(%dma_start3A_44 : memref<10496xi32, #tpu.memory_space<vmem_shared>>) offsets(%dma_start3A_42 : memref<128xi32, #tpu.memory_space<vmem>>) semaphore(%run_scoped3A_40 : memref<!tpu.dma_semaphore, #tpu.memory_space<semaphore_mem>>)
      %dma_wait3A = arith.constant 0 : i32
      %dma_wait3A_45 = tpu.memref_slice %arg7[%run_scoped3A_19, %dma_wait3A] : memref<5x128xi32, #tpu.memory_space<vmem>> -> memref<1x128xi32, #tpu.memory_space<vmem>>
      %dma_wait3A_46 = tpu.memref_squeeze %dma_wait3A_45 : memref<1x128xi32, #tpu.memory_space<vmem>> -> memref<128xi32, #tpu.memory_space<vmem>>
      %dma_wait3A_47 = arith.constant 0 : i32
      %dma_wait3A_48 = tpu.memref_slice %arg4[%dma_wait3A_47] : memref<10496xi32, #tpu.memory_space<vmem_shared>> -> memref<10496xi32, #tpu.memory_space<vmem_shared>>
      tpu.wait_indirect_dma semaphore(%run_scoped3A_40 : memref<!tpu.dma_semaphore, #tpu.memory_space<semaphore_mem>>) src(%arg8 : memref<128xi32, #tpu.memory_space<vmem>>) dst(%dma_wait3A_48 : memref<10496xi32, #tpu.memory_space<vmem_shared>>)
      tpu.yield
    }) : () -> ()
    %run_scoped3A_20 = arith.constant 1 : i32
    "tpu.region"() ({
      %run_scoped3A_40 = tpu.sem_alloc : memref<!tpu.dma_semaphore, #tpu.memory_space<semaphore_mem>>
      %dma_start3A = arith.constant 0 : i32
      %dma_start3A_41 = tpu.memref_slice %arg7[%run_scoped3A_20, %dma_start3A] : memref<5x128xi32, #tpu.memory_space<vmem>> -> memref<1x128xi32, #tpu.memory_space<vmem>>
      %dma_start3A_42 = tpu.memref_squeeze %dma_start3A_41 : memref<1x128xi32, #tpu.memory_space<vmem>> -> memref<128xi32, #tpu.memory_space<vmem>>
      %dma_start3A_43 = arith.constant 0 : i32
      %dma_start3A_44 = tpu.memref_slice %arg4[%dma_start3A_43] : memref<10496xi32, #tpu.memory_space<vmem_shared>> -> memref<10496xi32, #tpu.memory_space<vmem_shared>>
      tpu.enqueue_indirect_dma source(%arg8 : memref<128xi32, #tpu.memory_space<vmem>>) target(%dma_start3A_44 : memref<10496xi32, #tpu.memory_space<vmem_shared>>) offsets(%dma_start3A_42 : memref<128xi32, #tpu.memory_space<vmem>>) semaphore(%run_scoped3A_40 : memref<!tpu.dma_semaphore, #tpu.memory_space<semaphore_mem>>)
      %dma_wait3A = arith.constant 0 : i32
      %dma_wait3A_45 = tpu.memref_slice %arg7[%run_scoped3A_20, %dma_wait3A] : memref<5x128xi32, #tpu.memory_space<vmem>> -> memref<1x128xi32, #tpu.memory_space<vmem>>
      %dma_wait3A_46 = tpu.memref_squeeze %dma_wait3A_45 : memref<1x128xi32, #tpu.memory_space<vmem>> -> memref<128xi32, #tpu.memory_space<vmem>>
      %dma_wait3A_47 = arith.constant 0 : i32
      %dma_wait3A_48 = tpu.memref_slice %arg4[%dma_wait3A_47] : memref<10496xi32, #tpu.memory_space<vmem_shared>> -> memref<10496xi32, #tpu.memory_space<vmem_shared>>
      tpu.wait_indirect_dma semaphore(%run_scoped3A_40 : memref<!tpu.dma_semaphore, #tpu.memory_space<semaphore_mem>>) src(%arg8 : memref<128xi32, #tpu.memory_space<vmem>>) dst(%dma_wait3A_48 : memref<10496xi32, #tpu.memory_space<vmem_shared>>)
      tpu.yield
    }) : () -> ()
    %run_scoped3A_21 = arith.constant 2 : i32
    "tpu.region"() ({
      %run_scoped3A_40 = tpu.sem_alloc : memref<!tpu.dma_semaphore, #tpu.memory_space<semaphore_mem>>
      %dma_start3A = arith.constant 0 : i32
      %dma_start3A_41 = tpu.memref_slice %arg7[%run_scoped3A_21, %dma_start3A] : memref<5x128xi32, #tpu.memory_space<vmem>> -> memref<1x128xi32, #tpu.memory_space<vmem>>
      %dma_start3A_42 = tpu.memref_squeeze %dma_start3A_41 : memref<1x128xi32, #tpu.memory_space<vmem>> -> memref<128xi32, #tpu.memory_space<vmem>>
      %dma_start3A_43 = arith.constant 0 : i32
      %dma_start3A_44 = tpu.memref_slice %arg4[%dma_start3A_43] : memref<10496xi32, #tpu.memory_space<vmem_shared>> -> memref<10496xi32, #tpu.memory_space<vmem_shared>>
      tpu.enqueue_indirect_dma source(%arg8 : memref<128xi32, #tpu.memory_space<vmem>>) target(%dma_start3A_44 : memref<10496xi32, #tpu.memory_space<vmem_shared>>) offsets(%dma_start3A_42 : memref<128xi32, #tpu.memory_space<vmem>>) semaphore(%run_scoped3A_40 : memref<!tpu.dma_semaphore, #tpu.memory_space<semaphore_mem>>)
      %dma_wait3A = arith.constant 0 : i32
      %dma_wait3A_45 = tpu.memref_slice %arg7[%run_scoped3A_21, %dma_wait3A] : memref<5x128xi32, #tpu.memory_space<vmem>> -> memref<1x128xi32, #tpu.memory_space<vmem>>
      %dma_wait3A_46 = tpu.memref_squeeze %dma_wait3A_45 : memref<1x128xi32, #tpu.memory_space<vmem>> -> memref<128xi32, #tpu.memory_space<vmem>>
      %dma_wait3A_47 = arith.constant 0 : i32
      %dma_wait3A_48 = tpu.memref_slice %arg4[%dma_wait3A_47] : memref<10496xi32, #tpu.memory_space<vmem_shared>> -> memref<10496xi32, #tpu.memory_space<vmem_shared>>
      tpu.wait_indirect_dma semaphore(%run_scoped3A_40 : memref<!tpu.dma_semaphore, #tpu.memory_space<semaphore_mem>>) src(%arg8 : memref<128xi32, #tpu.memory_space<vmem>>) dst(%dma_wait3A_48 : memref<10496xi32, #tpu.memory_space<vmem_shared>>)
      tpu.yield
    }) : () -> ()
    %run_scoped3A_22 = arith.constant 3 : i32
    "tpu.region"() ({
      %run_scoped3A_40 = tpu.sem_alloc : memref<!tpu.dma_semaphore, #tpu.memory_space<semaphore_mem>>
      %dma_start3A = arith.constant 0 : i32
      %dma_start3A_41 = tpu.memref_slice %arg7[%run_scoped3A_22, %dma_start3A] : memref<5x128xi32, #tpu.memory_space<vmem>> -> memref<1x128xi32, #tpu.memory_space<vmem>>
      %dma_start3A_42 = tpu.memref_squeeze %dma_start3A_41 : memref<1x128xi32, #tpu.memory_space<vmem>> -> memref<128xi32, #tpu.memory_space<vmem>>
      %dma_start3A_43 = arith.constant 0 : i32
      %dma_start3A_44 = tpu.memref_slice %arg4[%dma_start3A_43] : memref<10496xi32, #tpu.memory_space<vmem_shared>> -> memref<10496xi32, #tpu.memory_space<vmem_shared>>
      tpu.enqueue_indirect_dma source(%arg8 : memref<128xi32, #tpu.memory_space<vmem>>) target(%dma_start3A_44 : memref<10496xi32, #tpu.memory_space<vmem_shared>>) offsets(%dma_start3A_42 : memref<128xi32, #tpu.memory_space<vmem>>) semaphore(%run_scoped3A_40 : memref<!tpu.dma_semaphore, #tpu.memory_space<semaphore_mem>>)
      %dma_wait3A = arith.constant 0 : i32
      %dma_wait3A_45 = tpu.memref_slice %arg7[%run_scoped3A_22, %dma_wait3A] : memref<5x128xi32, #tpu.memory_space<vmem>> -> memref<1x128xi32, #tpu.memory_space<vmem>>
      %dma_wait3A_46 = tpu.memref_squeeze %dma_wait3A_45 : memref<1x128xi32, #tpu.memory_space<vmem>> -> memref<128xi32, #tpu.memory_space<vmem>>
      %dma_wait3A_47 = arith.constant 0 : i32
      %dma_wait3A_48 = tpu.memref_slice %arg4[%dma_wait3A_47] : memref<10496xi32, #tpu.memory_space<vmem_shared>> -> memref<10496xi32, #tpu.memory_space<vmem_shared>>
      tpu.wait_indirect_dma semaphore(%run_scoped3A_40 : memref<!tpu.dma_semaphore, #tpu.memory_space<semaphore_mem>>) src(%arg8 : memref<128xi32, #tpu.memory_space<vmem>>) dst(%dma_wait3A_48 : memref<10496xi32, #tpu.memory_space<vmem_shared>>)
      tpu.yield
    }) : () -> ()
    %run_scoped3A_23 = arith.constant 4 : i32
    "tpu.region"() ({
      %run_scoped3A_40 = tpu.sem_alloc : memref<!tpu.dma_semaphore, #tpu.memory_space<semaphore_mem>>
      %dma_start3A = arith.constant 0 : i32
      %dma_start3A_41 = tpu.memref_slice %arg7[%run_scoped3A_23, %dma_start3A] : memref<5x128xi32, #tpu.memory_space<vmem>> -> memref<1x128xi32, #tpu.memory_space<vmem>>
      %dma_start3A_42 = tpu.memref_squeeze %dma_start3A_41 : memref<1x128xi32, #tpu.memory_space<vmem>> -> memref<128xi32, #tpu.memory_space<vmem>>
      %dma_start3A_43 = arith.constant 0 : i32
      %dma_start3A_44 = tpu.memref_slice %arg4[%dma_start3A_43] : memref<10496xi32, #tpu.memory_space<vmem_shared>> -> memref<10496xi32, #tpu.memory_space<vmem_shared>>
      tpu.enqueue_indirect_dma source(%arg8 : memref<128xi32, #tpu.memory_space<vmem>>) target(%dma_start3A_44 : memref<10496xi32, #tpu.memory_space<vmem_shared>>) offsets(%dma_start3A_42 : memref<128xi32, #tpu.memory_space<vmem>>) semaphore(%run_scoped3A_40 : memref<!tpu.dma_semaphore, #tpu.memory_space<semaphore_mem>>)
      %dma_wait3A = arith.constant 0 : i32
      %dma_wait3A_45 = tpu.memref_slice %arg7[%run_scoped3A_23, %dma_wait3A] : memref<5x128xi32, #tpu.memory_space<vmem>> -> memref<1x128xi32, #tpu.memory_space<vmem>>
      %dma_wait3A_46 = tpu.memref_squeeze %dma_wait3A_45 : memref<1x128xi32, #tpu.memory_space<vmem>> -> memref<128xi32, #tpu.memory_space<vmem>>
      %dma_wait3A_47 = arith.constant 0 : i32
      %dma_wait3A_48 = tpu.memref_slice %arg4[%dma_wait3A_47] : memref<10496xi32, #tpu.memory_space<vmem_shared>> -> memref<10496xi32, #tpu.memory_space<vmem_shared>>
      tpu.wait_indirect_dma semaphore(%run_scoped3A_40 : memref<!tpu.dma_semaphore, #tpu.memory_space<semaphore_mem>>) src(%arg8 : memref<128xi32, #tpu.memory_space<vmem>>) dst(%dma_wait3A_48 : memref<10496xi32, #tpu.memory_space<vmem_shared>>)
      tpu.yield
    }) : () -> ()
    %run_scoped3A_24 = arith.constant 1 : i32
    "tpu.region"() ({
      %run_scoped3A_40 = tpu.sem_alloc : memref<!tpu.dma_semaphore, #tpu.memory_space<semaphore_mem>>
      %dma_start3A = arith.constant 0 : i32
      %dma_start3A_41 = arith.constant 0 : i32
      %dma_start3A_42 = tpu.memref_slice %arg2[%run_scoped3A_24, %arg1, %dma_start3A, %dma_start3A_41] : memref<2x16x5x128xi32, #tpu.memory_space<hbm>> -> memref<1x1x5x128xi32, #tpu.memory_space<hbm>>
      %dma_start3A_43 = tpu.memref_squeeze %dma_start3A_42 : memref<1x1x5x128xi32, #tpu.memory_space<hbm>> -> memref<5x128xi32, #tpu.memory_space<hbm>>
      %dma_start3A_44 = arith.constant 0 : i32
      %dma_start3A_45 = arith.constant 0 : i32
      %dma_start3A_46 = tpu.memref_slice %arg2[%run_scoped3A_24, %arg1, %dma_start3A_44, %dma_start3A_45] : memref<2x16x5x128xi32, #tpu.memory_space<hbm>> -> memref<1x1x5x128xi32, #tpu.memory_space<hbm>>
      %dma_start3A_47 = tpu.memref_squeeze %dma_start3A_46 : memref<1x1x5x128xi32, #tpu.memory_space<hbm>> -> memref<5x128xi32, #tpu.memory_space<hbm>>
      tpu.enqueue_dma source(%dma_start3A_47 : memref<5x128xi32, #tpu.memory_space<hbm>>) target(%arg7 : memref<5x128xi32, #tpu.memory_space<vmem>>) target_semaphore(%run_scoped3A_40 : memref<!tpu.dma_semaphore, #tpu.memory_space<semaphore_mem>>)
      %dma_wait3A = arith.constant 0 : i32
      %dma_wait3A_48 = arith.constant 0 : i32
      %dma_wait3A_49 = tpu.memref_slice %arg2[%run_scoped3A_24, %arg1, %dma_wait3A, %dma_wait3A_48] : memref<2x16x5x128xi32, #tpu.memory_space<hbm>> -> memref<1x1x5x128xi32, #tpu.memory_space<hbm>>
      %dma_wait3A_50 = tpu.memref_squeeze %dma_wait3A_49 : memref<1x1x5x128xi32, #tpu.memory_space<hbm>> -> memref<5x128xi32, #tpu.memory_space<hbm>>
      %dma_wait3A_51 = arith.constant 0 : i32
      %dma_wait3A_52 = arith.constant 0 : i32
      %dma_wait3A_53 = tpu.memref_slice %arg2[%run_scoped3A_24, %arg1, %dma_wait3A_51, %dma_wait3A_52] : memref<2x16x5x128xi32, #tpu.memory_space<hbm>> -> memref<1x1x5x128xi32, #tpu.memory_space<hbm>>
      %dma_wait3A_54 = tpu.memref_squeeze %dma_wait3A_53 : memref<1x1x5x128xi32, #tpu.memory_space<hbm>> -> memref<5x128xi32, #tpu.memory_space<hbm>>
      tpu.wait_dma2 semaphore(%run_scoped3A_40 : memref<!tpu.dma_semaphore, #tpu.memory_space<semaphore_mem>>) src(%dma_wait3A_54 : memref<5x128xi32, #tpu.memory_space<hbm>>) dst(%arg7 : memref<5x128xi32, #tpu.memory_space<vmem>>)
      tpu.yield
    }) : () -> ()
    %run_scoped3A_25 = arith.constant 0 : i32
    "tpu.region"() ({
      %run_scoped3A_40 = tpu.sem_alloc : memref<!tpu.dma_semaphore, #tpu.memory_space<semaphore_mem>>
      %dma_start3A = arith.constant 0 : i32
      %dma_start3A_41 = tpu.memref_slice %arg7[%run_scoped3A_25, %dma_start3A] : memref<5x128xi32, #tpu.memory_space<vmem>> -> memref<1x128xi32, #tpu.memory_space<vmem>>
      %dma_start3A_42 = tpu.memref_squeeze %dma_start3A_41 : memref<1x128xi32, #tpu.memory_space<vmem>> -> memref<128xi32, #tpu.memory_space<vmem>>
      %dma_start3A_43 = arith.constant 0 : i32
      %dma_start3A_44 = tpu.memref_slice %arg5[%dma_start3A_43] : memref<10496xi32, #tpu.memory_space<vmem_shared>> -> memref<10496xi32, #tpu.memory_space<vmem_shared>>
      tpu.enqueue_indirect_dma source(%arg8 : memref<128xi32, #tpu.memory_space<vmem>>) target(%dma_start3A_44 : memref<10496xi32, #tpu.memory_space<vmem_shared>>) offsets(%dma_start3A_42 : memref<128xi32, #tpu.memory_space<vmem>>) semaphore(%run_scoped3A_40 : memref<!tpu.dma_semaphore, #tpu.memory_space<semaphore_mem>>)
      %dma_wait3A = arith.constant 0 : i32
      %dma_wait3A_45 = tpu.memref_slice %arg7[%run_scoped3A_25, %dma_wait3A] : memref<5x128xi32, #tpu.memory_space<vmem>> -> memref<1x128xi32, #tpu.memory_space<vmem>>
      %dma_wait3A_46 = tpu.memref_squeeze %dma_wait3A_45 : memref<1x128xi32, #tpu.memory_space<vmem>> -> memref<128xi32, #tpu.memory_space<vmem>>
      %dma_wait3A_47 = arith.constant 0 : i32
      %dma_wait3A_48 = tpu.memref_slice %arg5[%dma_wait3A_47] : memref<10496xi32, #tpu.memory_space<vmem_shared>> -> memref<10496xi32, #tpu.memory_space<vmem_shared>>
      tpu.wait_indirect_dma semaphore(%run_scoped3A_40 : memref<!tpu.dma_semaphore, #tpu.memory_space<semaphore_mem>>) src(%arg8 : memref<128xi32, #tpu.memory_space<vmem>>) dst(%dma_wait3A_48 : memref<10496xi32, #tpu.memory_space<vmem_shared>>)
      tpu.yield
    }) : () -> ()
    %run_scoped3A_26 = arith.constant 1 : i32
    "tpu.region"() ({
      %run_scoped3A_40 = tpu.sem_alloc : memref<!tpu.dma_semaphore, #tpu.memory_space<semaphore_mem>>
      %dma_start3A = arith.constant 0 : i32
      %dma_start3A_41 = tpu.memref_slice %arg7[%run_scoped3A_26, %dma_start3A] : memref<5x128xi32, #tpu.memory_space<vmem>> -> memref<1x128xi32, #tpu.memory_space<vmem>>
      %dma_start3A_42 = tpu.memref_squeeze %dma_start3A_41 : memref<1x128xi32, #tpu.memory_space<vmem>> -> memref<128xi32, #tpu.memory_space<vmem>>
      %dma_start3A_43 = arith.constant 0 : i32
      %dma_start3A_44 = tpu.memref_slice %arg5[%dma_start3A_43] : memref<10496xi32, #tpu.memory_space<vmem_shared>> -> memref<10496xi32, #tpu.memory_space<vmem_shared>>
      tpu.enqueue_indirect_dma source(%arg8 : memref<128xi32, #tpu.memory_space<vmem>>) target(%dma_start3A_44 : memref<10496xi32, #tpu.memory_space<vmem_shared>>) offsets(%dma_start3A_42 : memref<128xi32, #tpu.memory_space<vmem>>) semaphore(%run_scoped3A_40 : memref<!tpu.dma_semaphore, #tpu.memory_space<semaphore_mem>>)
      %dma_wait3A = arith.constant 0 : i32
      %dma_wait3A_45 = tpu.memref_slice %arg7[%run_scoped3A_26, %dma_wait3A] : memref<5x128xi32, #tpu.memory_space<vmem>> -> memref<1x128xi32, #tpu.memory_space<vmem>>
      %dma_wait3A_46 = tpu.memref_squeeze %dma_wait3A_45 : memref<1x128xi32, #tpu.memory_space<vmem>> -> memref<128xi32, #tpu.memory_space<vmem>>
      %dma_wait3A_47 = arith.constant 0 : i32
      %dma_wait3A_48 = tpu.memref_slice %arg5[%dma_wait3A_47] : memref<10496xi32, #tpu.memory_space<vmem_shared>> -> memref<10496xi32, #tpu.memory_space<vmem_shared>>
      tpu.wait_indirect_dma semaphore(%run_scoped3A_40 : memref<!tpu.dma_semaphore, #tpu.memory_space<semaphore_mem>>) src(%arg8 : memref<128xi32, #tpu.memory_space<vmem>>) dst(%dma_wait3A_48 : memref<10496xi32, #tpu.memory_space<vmem_shared>>)
      tpu.yield
    }) : () -> ()
    %run_scoped3A_27 = arith.constant 2 : i32
    "tpu.region"() ({
      %run_scoped3A_40 = tpu.sem_alloc : memref<!tpu.dma_semaphore, #tpu.memory_space<semaphore_mem>>
      %dma_start3A = arith.constant 0 : i32
      %dma_start3A_41 = tpu.memref_slice %arg7[%run_scoped3A_27, %dma_start3A] : memref<5x128xi32, #tpu.memory_space<vmem>> -> memref<1x128xi32, #tpu.memory_space<vmem>>
      %dma_start3A_42 = tpu.memref_squeeze %dma_start3A_41 : memref<1x128xi32, #tpu.memory_space<vmem>> -> memref<128xi32, #tpu.memory_space<vmem>>
      %dma_start3A_43 = arith.constant 0 : i32
      %dma_start3A_44 = tpu.memref_slice %arg5[%dma_start3A_43] : memref<10496xi32, #tpu.memory_space<vmem_shared>> -> memref<10496xi32, #tpu.memory_space<vmem_shared>>
      tpu.enqueue_indirect_dma source(%arg8 : memref<128xi32, #tpu.memory_space<vmem>>) target(%dma_start3A_44 : memref<10496xi32, #tpu.memory_space<vmem_shared>>) offsets(%dma_start3A_42 : memref<128xi32, #tpu.memory_space<vmem>>) semaphore(%run_scoped3A_40 : memref<!tpu.dma_semaphore, #tpu.memory_space<semaphore_mem>>)
      %dma_wait3A = arith.constant 0 : i32
      %dma_wait3A_45 = tpu.memref_slice %arg7[%run_scoped3A_27, %dma_wait3A] : memref<5x128xi32, #tpu.memory_space<vmem>> -> memref<1x128xi32, #tpu.memory_space<vmem>>
      %dma_wait3A_46 = tpu.memref_squeeze %dma_wait3A_45 : memref<1x128xi32, #tpu.memory_space<vmem>> -> memref<128xi32, #tpu.memory_space<vmem>>
      %dma_wait3A_47 = arith.constant 0 : i32
      %dma_wait3A_48 = tpu.memref_slice %arg5[%dma_wait3A_47] : memref<10496xi32, #tpu.memory_space<vmem_shared>> -> memref<10496xi32, #tpu.memory_space<vmem_shared>>
      tpu.wait_indirect_dma semaphore(%run_scoped3A_40 : memref<!tpu.dma_semaphore, #tpu.memory_space<semaphore_mem>>) src(%arg8 : memref<128xi32, #tpu.memory_space<vmem>>) dst(%dma_wait3A_48 : memref<10496xi32, #tpu.memory_space<vmem_shared>>)
      tpu.yield
    }) : () -> ()
    %run_scoped3A_28 = arith.constant 3 : i32
    "tpu.region"() ({
      %run_scoped3A_40 = tpu.sem_alloc : memref<!tpu.dma_semaphore, #tpu.memory_space<semaphore_mem>>
      %dma_start3A = arith.constant 0 : i32
      %dma_start3A_41 = tpu.memref_slice %arg7[%run_scoped3A_28, %dma_start3A] : memref<5x128xi32, #tpu.memory_space<vmem>> -> memref<1x128xi32, #tpu.memory_space<vmem>>
      %dma_start3A_42 = tpu.memref_squeeze %dma_start3A_41 : memref<1x128xi32, #tpu.memory_space<vmem>> -> memref<128xi32, #tpu.memory_space<vmem>>
      %dma_start3A_43 = arith.constant 0 : i32
      %dma_start3A_44 = tpu.memref_slice %arg5[%dma_start3A_43] : memref<10496xi32, #tpu.memory_space<vmem_shared>> -> memref<10496xi32, #tpu.memory_space<vmem_shared>>
      tpu.enqueue_indirect_dma source(%arg8 : memref<128xi32, #tpu.memory_space<vmem>>) target(%dma_start3A_44 : memref<10496xi32, #tpu.memory_space<vmem_shared>>) offsets(%dma_start3A_42 : memref<128xi32, #tpu.memory_space<vmem>>) semaphore(%run_scoped3A_40 : memref<!tpu.dma_semaphore, #tpu.memory_space<semaphore_mem>>)
      %dma_wait3A = arith.constant 0 : i32
      %dma_wait3A_45 = tpu.memref_slice %arg7[%run_scoped3A_28, %dma_wait3A] : memref<5x128xi32, #tpu.memory_space<vmem>> -> memref<1x128xi32, #tpu.memory_space<vmem>>
      %dma_wait3A_46 = tpu.memref_squeeze %dma_wait3A_45 : memref<1x128xi32, #tpu.memory_space<vmem>> -> memref<128xi32, #tpu.memory_space<vmem>>
      %dma_wait3A_47 = arith.constant 0 : i32
      %dma_wait3A_48 = tpu.memref_slice %arg5[%dma_wait3A_47] : memref<10496xi32, #tpu.memory_space<vmem_shared>> -> memref<10496xi32, #tpu.memory_space<vmem_shared>>
      tpu.wait_indirect_dma semaphore(%run_scoped3A_40 : memref<!tpu.dma_semaphore, #tpu.memory_space<semaphore_mem>>) src(%arg8 : memref<128xi32, #tpu.memory_space<vmem>>) dst(%dma_wait3A_48 : memref<10496xi32, #tpu.memory_space<vmem_shared>>)
      tpu.yield
    }) : () -> ()
    %run_scoped3A_29 = arith.constant 4 : i32
    "tpu.region"() ({
      %run_scoped3A_40 = tpu.sem_alloc : memref<!tpu.dma_semaphore, #tpu.memory_space<semaphore_mem>>
      %dma_start3A = arith.constant 0 : i32
      %dma_start3A_41 = tpu.memref_slice %arg7[%run_scoped3A_29, %dma_start3A] : memref<5x128xi32, #tpu.memory_space<vmem>> -> memref<1x128xi32, #tpu.memory_space<vmem>>
      %dma_start3A_42 = tpu.memref_squeeze %dma_start3A_41 : memref<1x128xi32, #tpu.memory_space<vmem>> -> memref<128xi32, #tpu.memory_space<vmem>>
      %dma_start3A_43 = arith.constant 0 : i32
      %dma_start3A_44 = tpu.memref_slice %arg5[%dma_start3A_43] : memref<10496xi32, #tpu.memory_space<vmem_shared>> -> memref<10496xi32, #tpu.memory_space<vmem_shared>>
      tpu.enqueue_indirect_dma source(%arg8 : memref<128xi32, #tpu.memory_space<vmem>>) target(%dma_start3A_44 : memref<10496xi32, #tpu.memory_space<vmem_shared>>) offsets(%dma_start3A_42 : memref<128xi32, #tpu.memory_space<vmem>>) semaphore(%run_scoped3A_40 : memref<!tpu.dma_semaphore, #tpu.memory_space<semaphore_mem>>)
      %dma_wait3A = arith.constant 0 : i32
      %dma_wait3A_45 = tpu.memref_slice %arg7[%run_scoped3A_29, %dma_wait3A] : memref<5x128xi32, #tpu.memory_space<vmem>> -> memref<1x128xi32, #tpu.memory_space<vmem>>
      %dma_wait3A_46 = tpu.memref_squeeze %dma_wait3A_45 : memref<1x128xi32, #tpu.memory_space<vmem>> -> memref<128xi32, #tpu.memory_space<vmem>>
      %dma_wait3A_47 = arith.constant 0 : i32
      %dma_wait3A_48 = tpu.memref_slice %arg5[%dma_wait3A_47] : memref<10496xi32, #tpu.memory_space<vmem_shared>> -> memref<10496xi32, #tpu.memory_space<vmem_shared>>
      tpu.wait_indirect_dma semaphore(%run_scoped3A_40 : memref<!tpu.dma_semaphore, #tpu.memory_space<semaphore_mem>>) src(%arg8 : memref<128xi32, #tpu.memory_space<vmem>>) dst(%dma_wait3A_48 : memref<10496xi32, #tpu.memory_space<vmem_shared>>)
      tpu.yield
    }) : () -> ()
    %barrier3A_30 = arith.constant 0 : index
    tpu.barrier barrier_id(%barrier3A_30)
    %mul3A_31 = arith.constant 640 : i32
    %mul3A_32 = arith.muli %arg1, %mul3A_31 : i32
    %eq3A = arith.constant 0 : i32
    %eq3A_33 = arith.cmpi eq, %arg0, %eq3A : i32
    %convert_element_type3A = arith.extui %eq3A_33 : i1 to i32
    %cond3A = arith.constant 0 : i32
    %cond3A_34 = arith.cmpi ne, %convert_element_type3A, %cond3A : i32
    scf.if %cond3A_34 {
      "tpu.region"() ({
        %run_scoped3A_40 = tpu.sem_alloc : memref<!tpu.dma_semaphore, #tpu.memory_space<semaphore_mem>>
        %dma_start3A = tpu.memref_slice %arg3[%mul3A_32] : memref<20480xi32, #tpu.memory_space<hbm>> -> memref<640xi32, #tpu.memory_space<hbm>>
        %dma_start3A_41 = tpu.memref_slice %arg4[%mul3A_32] : memref<10496xi32, #tpu.memory_space<vmem_shared>> -> memref<640xi32, #tpu.memory_space<vmem_shared>>
        tpu.enqueue_dma source(%dma_start3A_41 : memref<640xi32, #tpu.memory_space<vmem_shared>>) target(%dma_start3A : memref<640xi32, #tpu.memory_space<hbm>>) target_semaphore(%run_scoped3A_40 : memref<!tpu.dma_semaphore, #tpu.memory_space<semaphore_mem>>)
        %dma_wait3A = tpu.memref_slice %arg3[%mul3A_32] : memref<20480xi32, #tpu.memory_space<hbm>> -> memref<640xi32, #tpu.memory_space<hbm>>
        %dma_wait3A_42 = tpu.memref_slice %arg4[%mul3A_32] : memref<10496xi32, #tpu.memory_space<vmem_shared>> -> memref<640xi32, #tpu.memory_space<vmem_shared>>
        tpu.wait_dma2 semaphore(%run_scoped3A_40 : memref<!tpu.dma_semaphore, #tpu.memory_space<semaphore_mem>>) src(%dma_wait3A_42 : memref<640xi32, #tpu.memory_space<vmem_shared>>) dst(%dma_wait3A : memref<640xi32, #tpu.memory_space<hbm>>)
        tpu.yield
      }) : () -> ()
    } else {
    }
    %eq3A_35 = arith.constant 1 : i32
    %eq3A_36 = arith.cmpi eq, %arg0, %eq3A_35 : i32
    %convert_element_type3A_37 = arith.extui %eq3A_36 : i1 to i32
    %cond3A_38 = arith.constant 0 : i32
    %cond3A_39 = arith.cmpi ne, %convert_element_type3A_37, %cond3A_38 : i32
    scf.if %cond3A_39 {
      %add3A = arith.constant 10240 : i32
      %add3A_40 = arith.addi %add3A, %mul3A_32 : i32
      "tpu.region"() ({
        %run_scoped3A_41 = tpu.sem_alloc : memref<!tpu.dma_semaphore, #tpu.memory_space<semaphore_mem>>
        %dma_start3A = tpu.memref_slice %arg3[%add3A_40] : memref<20480xi32, #tpu.memory_space<hbm>> -> memref<640xi32, #tpu.memory_space<hbm>>
        %dma_start3A_42 = tpu.memref_slice %arg5[%mul3A_32] : memref<10496xi32, #tpu.memory_space<vmem_shared>> -> memref<640xi32, #tpu.memory_space<vmem_shared>>
        tpu.enqueue_dma source(%dma_start3A_42 : memref<640xi32, #tpu.memory_space<vmem_shared>>) target(%dma_start3A : memref<640xi32, #tpu.memory_space<hbm>>) target_semaphore(%run_scoped3A_41 : memref<!tpu.dma_semaphore, #tpu.memory_space<semaphore_mem>>)
        %dma_wait3A = tpu.memref_slice %arg3[%add3A_40] : memref<20480xi32, #tpu.memory_space<hbm>> -> memref<640xi32, #tpu.memory_space<hbm>>
        %dma_wait3A_43 = tpu.memref_slice %arg5[%mul3A_32] : memref<10496xi32, #tpu.memory_space<vmem_shared>> -> memref<640xi32, #tpu.memory_space<vmem_shared>>
        tpu.wait_dma2 semaphore(%run_scoped3A_41 : memref<!tpu.dma_semaphore, #tpu.memory_space<semaphore_mem>>) src(%dma_wait3A_43 : memref<640xi32, #tpu.memory_space<vmem_shared>>) dst(%dma_wait3A : memref<640xi32, #tpu.memory_space<hbm>>)
        tpu.yield
      }) : () -> ()
    } else {
    }
    return
  }
}

#map = affine_map<(d0, d1) -> (0, 0)>
#map1 = affine_map<(d0, d1) -> (0)>
module attributes {stable_mosaic.version = 14 : i64} {
  func.func @_ex_kernel(%arg0: i32, %arg1: i32, %arg2: memref<20000x128xf32, #tpu.memory_space<hbm>>, %arg3: memref<645120xi32, #tpu.memory_space<hbm>>, %arg4: memref<645120xi32, #tpu.memory_space<hbm>>, %arg5: memref<10321920xf32, #tpu.memory_space<hbm>>, %arg6: memref<112x128xf32, #tpu.memory_space<vmem>>, %arg7: memref<112x128xf32, #tpu.memory_space<vmem>>, %arg8: memref<1792xf32, #tpu.memory_space<vmem>>, %arg9: memref<112xi32, #tpu.memory_space<vmem>>, %arg10: memref<112xi32, #tpu.memory_space<vmem>>, %arg11: memref<!tpu.dma_semaphore, #tpu.memory_space<semaphore_mem>>, %arg12: memref<!tpu.dma_semaphore, #tpu.memory_space<semaphore_mem>>) attributes {dimension_semantics = [#tpu.dimension_semantics<core_parallel>, #tpu.dimension_semantics<subcore_parallel>], iteration_bounds = array<i64: 2, 16>, scalar_prefetch = 0 : i64, scratch_operands = 7 : i64, tpu.core_type = #tpu.core_type<sc_vector_subcore>, window_params = [{transform_indices = #map}, {transform_indices = #map1}, {transform_indices = #map1}, {transform_indices = #map1}]} {
    %mul3A = arith.constant 16 : i32
    %mul3A_0 = arith.muli %arg0, %mul3A : i32
    %add3A = arith.addi %mul3A_0, %arg1 : i32
    %mul3A_1 = arith.constant 180 : i32
    %mul3A_2 = arith.muli %add3A, %mul3A_1 : i32
    %scan3A = arith.constant 0 : i32
    %scan3A_3 = arith.constant 0 : i32
    %scan3A_4 = arith.constant 180 : i32
    %scan3A_5 = arith.addi %scan3A_3, %scan3A_4 : i32
    %scan3A_6 = arith.constant 1 : i32
    %scan3A_7 = scf.for %scan3A_9 = %scan3A_3 to %scan3A_5 step %scan3A_6 iter_args(%scan3A_10 = %scan3A) -> (i32)  : i32 {
      %add3A_11 = arith.addi %mul3A_2, %scan3A_9 : i32
      %mul3A_12 = arith.constant 112 : i32
      %mul3A_13 = arith.muli %add3A_11, %mul3A_12 : i32
      "tpu.region"() ({
        %run_scoped3A = tpu.sem_alloc : memref<!tpu.dma_semaphore, #tpu.memory_space<semaphore_mem>>
        %dma_start3A_34 = tpu.memref_slice %arg3[%mul3A_13] : memref<645120xi32, #tpu.memory_space<hbm>> -> memref<112xi32, #tpu.memory_space<hbm>>
        %dma_start3A_35 = tpu.memref_slice %arg3[%mul3A_13] : memref<645120xi32, #tpu.memory_space<hbm>> -> memref<112xi32, #tpu.memory_space<hbm>>
        tpu.enqueue_dma source(%dma_start3A_35 : memref<112xi32, #tpu.memory_space<hbm>>) target(%arg9 : memref<112xi32, #tpu.memory_space<vmem>>) target_semaphore(%run_scoped3A : memref<!tpu.dma_semaphore, #tpu.memory_space<semaphore_mem>>)
        %dma_wait3A_36 = tpu.memref_slice %arg3[%mul3A_13] : memref<645120xi32, #tpu.memory_space<hbm>> -> memref<112xi32, #tpu.memory_space<hbm>>
        %dma_wait3A_37 = tpu.memref_slice %arg3[%mul3A_13] : memref<645120xi32, #tpu.memory_space<hbm>> -> memref<112xi32, #tpu.memory_space<hbm>>
        tpu.wait_dma2 semaphore(%run_scoped3A : memref<!tpu.dma_semaphore, #tpu.memory_space<semaphore_mem>>) src(%dma_wait3A_37 : memref<112xi32, #tpu.memory_space<hbm>>) dst(%arg9 : memref<112xi32, #tpu.memory_space<vmem>>)
        tpu.yield
      }) : () -> ()
      "tpu.region"() ({
        %run_scoped3A = tpu.sem_alloc : memref<!tpu.dma_semaphore, #tpu.memory_space<semaphore_mem>>
        %dma_start3A_34 = tpu.memref_slice %arg4[%mul3A_13] : memref<645120xi32, #tpu.memory_space<hbm>> -> memref<112xi32, #tpu.memory_space<hbm>>
        %dma_start3A_35 = tpu.memref_slice %arg4[%mul3A_13] : memref<645120xi32, #tpu.memory_space<hbm>> -> memref<112xi32, #tpu.memory_space<hbm>>
        tpu.enqueue_dma source(%dma_start3A_35 : memref<112xi32, #tpu.memory_space<hbm>>) target(%arg10 : memref<112xi32, #tpu.memory_space<vmem>>) target_semaphore(%run_scoped3A : memref<!tpu.dma_semaphore, #tpu.memory_space<semaphore_mem>>)
        %dma_wait3A_36 = tpu.memref_slice %arg4[%mul3A_13] : memref<645120xi32, #tpu.memory_space<hbm>> -> memref<112xi32, #tpu.memory_space<hbm>>
        %dma_wait3A_37 = tpu.memref_slice %arg4[%mul3A_13] : memref<645120xi32, #tpu.memory_space<hbm>> -> memref<112xi32, #tpu.memory_space<hbm>>
        tpu.wait_dma2 semaphore(%run_scoped3A : memref<!tpu.dma_semaphore, #tpu.memory_space<semaphore_mem>>) src(%dma_wait3A_37 : memref<112xi32, #tpu.memory_space<hbm>>) dst(%arg10 : memref<112xi32, #tpu.memory_space<vmem>>)
        tpu.yield
      }) : () -> ()
      %dma_start3A = arith.constant 0 : i32
      %dma_start3A_14 = arith.constant 0 : i32
      %dma_start3A_15 = tpu.memref_slice %arg2[%dma_start3A, %dma_start3A_14] : memref<20000x128xf32, #tpu.memory_space<hbm>> -> memref<20000x128xf32, #tpu.memory_space<hbm>>
      tpu.enqueue_indirect_dma source(%dma_start3A_15 : memref<20000x128xf32, #tpu.memory_space<hbm>>) target(%arg6 : memref<112x128xf32, #tpu.memory_space<vmem>>) offsets(%arg9 : memref<112xi32, #tpu.memory_space<vmem>>) semaphore(%arg11 : memref<!tpu.dma_semaphore, #tpu.memory_space<semaphore_mem>>)
      %dma_start3A_16 = arith.constant 0 : i32
      %dma_start3A_17 = arith.constant 0 : i32
      %dma_start3A_18 = tpu.memref_slice %arg2[%dma_start3A_16, %dma_start3A_17] : memref<20000x128xf32, #tpu.memory_space<hbm>> -> memref<20000x128xf32, #tpu.memory_space<hbm>>
      tpu.enqueue_indirect_dma source(%dma_start3A_18 : memref<20000x128xf32, #tpu.memory_space<hbm>>) target(%arg7 : memref<112x128xf32, #tpu.memory_space<vmem>>) offsets(%arg10 : memref<112xi32, #tpu.memory_space<vmem>>) semaphore(%arg12 : memref<!tpu.dma_semaphore, #tpu.memory_space<semaphore_mem>>)
      %dma_wait3A = arith.constant 0 : i32
      %dma_wait3A_19 = arith.constant 0 : i32
      %dma_wait3A_20 = tpu.memref_slice %arg2[%dma_wait3A, %dma_wait3A_19] : memref<20000x128xf32, #tpu.memory_space<hbm>> -> memref<20000x128xf32, #tpu.memory_space<hbm>>
      tpu.wait_indirect_dma semaphore(%arg11 : memref<!tpu.dma_semaphore, #tpu.memory_space<semaphore_mem>>) src(%dma_wait3A_20 : memref<20000x128xf32, #tpu.memory_space<hbm>>) dst(%arg6 : memref<112x128xf32, #tpu.memory_space<vmem>>)
      %dma_wait3A_21 = arith.constant 0 : i32
      %dma_wait3A_22 = arith.constant 0 : i32
      %dma_wait3A_23 = tpu.memref_slice %arg2[%dma_wait3A_21, %dma_wait3A_22] : memref<20000x128xf32, #tpu.memory_space<hbm>> -> memref<20000x128xf32, #tpu.memory_space<hbm>>
      tpu.wait_indirect_dma semaphore(%arg12 : memref<!tpu.dma_semaphore, #tpu.memory_space<semaphore_mem>>) src(%dma_wait3A_23 : memref<20000x128xf32, #tpu.memory_space<hbm>>) dst(%arg7 : memref<112x128xf32, #tpu.memory_space<vmem>>)
      %scan3A_24 = arith.constant 0 : i32
      %scan3A_25 = arith.constant 0 : i32
      %scan3A_26 = arith.constant 112 : i32
      %scan3A_27 = arith.addi %scan3A_25, %scan3A_26 : i32
      %scan3A_28 = arith.constant 1 : i32
      %scan3A_29 = scf.for %scan3A_34 = %scan3A_25 to %scan3A_27 step %scan3A_28 iter_args(%scan3A_35 = %scan3A_24) -> (i32)  : i32 {
        %get3A = arith.index_cast %scan3A_34 : i32 to index
        %get3A_36 = arith.constant 0 : index
        %get3A_37 = tpu.vector_load %arg6[%get3A, %get3A_36] {strides = array<i32>} : memref<112x128xf32, #tpu.memory_space<vmem>>, vector<1x16xf32>,
        %get3A_38 = vector.shape_cast %get3A_37 : vector<1x16xf32> to vector<16xf32>
        %get3A_39 = arith.index_cast %scan3A_34 : i32 to index
        %get3A_40 = arith.constant 16 : index
        %get3A_41 = tpu.vector_load %arg7[%get3A_39, %get3A_40] {strides = array<i32>} : memref<112x128xf32, #tpu.memory_space<vmem>>, vector<1x16xf32>,
        %get3A_42 = vector.shape_cast %get3A_41 : vector<1x16xf32> to vector<16xf32>
        %add3A_43 = arith.addf %get3A_38, %get3A_42 : vector<16xf32>
        %gt3A = arith.constant 0.000000e+00 : f32
        %gt3A_44 = vector.broadcast %gt3A : f32 to vector<16xf32>
        %gt3A_45 = arith.cmpf ogt, %add3A_43, %gt3A_44 : vector<16xf32>
        %mul3A_46 = arith.constant 2.000000e-01 : f32
        %mul3A_47 = vector.broadcast %mul3A_46 : f32 to vector<16xf32>
        %mul3A_48 = arith.mulf %add3A_43, %mul3A_47 : vector<16xf32>
        %select_n3A = arith.select %gt3A_45, %add3A_43, %mul3A_48 : vector<16xi1>, vector<16xf32>
        %exp3A = math.exp %select_n3A : vector<16xf32>
        %mul3A_49 = arith.constant 16 : i32
        %mul3A_50 = arith.muli %mul3A_49, %scan3A_34 : i32
        %swap3A = arith.index_cast %mul3A_50 : i32 to index
        %swap3A_51 = tpu.vector_load %arg8[%swap3A] {strides = array<i32>} : memref<1792xf32, #tpu.memory_space<vmem>>, vector<16xf32>,
        %swap3A_52 = vector.shape_cast %swap3A_51 : vector<16xf32> to vector<16xf32>
        %swap3A_53 = vector.shape_cast %exp3A : vector<16xf32> to vector<16xf32>
        tpu.vector_store %arg8[%swap3A], %swap3A_53 {strides = array<i32>} : memref<1792xf32, #tpu.memory_space<vmem>>, vector<16xf32>,
        %scan3A_54 = arith.constant 0 : i32
        scf.yield %scan3A_54 : i32
      }
      %scan3A_30 = arith.constant 112 : i32
      %mul3A_31 = arith.constant 16 : i32
      %mul3A_32 = arith.muli %mul3A_13, %mul3A_31 : i32
      "tpu.region"() ({
        %run_scoped3A = tpu.sem_alloc : memref<!tpu.dma_semaphore, #tpu.memory_space<semaphore_mem>>
        %dma_start3A_34 = tpu.memref_slice %arg5[%mul3A_32] : memref<10321920xf32, #tpu.memory_space<hbm>> -> memref<1792xf32, #tpu.memory_space<hbm>>
        %dma_start3A_35 = tpu.memref_slice %arg5[%mul3A_32] : memref<10321920xf32, #tpu.memory_space<hbm>> -> memref<1792xf32, #tpu.memory_space<hbm>>
        tpu.enqueue_dma source(%arg8 : memref<1792xf32, #tpu.memory_space<vmem>>) target(%dma_start3A_35 : memref<1792xf32, #tpu.memory_space<hbm>>) target_semaphore(%run_scoped3A : memref<!tpu.dma_semaphore, #tpu.memory_space<semaphore_mem>>)
        %dma_wait3A_36 = tpu.memref_slice %arg5[%mul3A_32] : memref<10321920xf32, #tpu.memory_space<hbm>> -> memref<1792xf32, #tpu.memory_space<hbm>>
        %dma_wait3A_37 = tpu.memref_slice %arg5[%mul3A_32] : memref<10321920xf32, #tpu.memory_space<hbm>> -> memref<1792xf32, #tpu.memory_space<hbm>>
        tpu.wait_dma2 semaphore(%run_scoped3A : memref<!tpu.dma_semaphore, #tpu.memory_space<semaphore_mem>>) src(%arg8 : memref<1792xf32, #tpu.memory_space<vmem>>) dst(%dma_wait3A_37 : memref<1792xf32, #tpu.memory_space<hbm>>)
        tpu.yield
      }) : () -> ()
      %scan3A_33 = arith.constant 0 : i32
      scf.yield %scan3A_33 : i32
    }
    %scan3A_8 = arith.constant 180 : i32
    return
  }
}

#map = affine_map<(d0, d1) -> (0)>
#map1 = affine_map<(d0, d1) -> (0, 0, 0)>
module attributes {stable_mosaic.version = 14 : i64} {
  func.func @_s_kernel(%arg0: i32, %arg1: i32, %arg2: memref<10321920xf32, #tpu.memory_space<hbm>>, %arg3: memref<645120xi32, #tpu.memory_space<hbm>>, %arg4: memref<2x10000x128xf32, #tpu.memory_space<hbm>>, %arg5: memref<10112x128xf32, #tpu.memory_space<vmem_shared>>, %arg6: memref<112x128xf32, #tpu.memory_space<vmem>>, %arg7: memref<2x1792xf32, #tpu.memory_space<vmem>>, %arg8: memref<2x112xi32, #tpu.memory_space<vmem>>, %arg9: memref<!tpu.dma_semaphore, #tpu.memory_space<semaphore_mem>>, %arg10: memref<!tpu.dma_semaphore, #tpu.memory_space<semaphore_mem>>) attributes {dimension_semantics = [#tpu.dimension_semantics<core_parallel>, #tpu.dimension_semantics<subcore_parallel>], iteration_bounds = array<i64: 2, 16>, scalar_prefetch = 0 : i64, scratch_operands = 6 : i64, tpu.core_type = #tpu.core_type<sc_vector_subcore>, window_params = [{transform_indices = #map}, {transform_indices = #map}, {transform_indices = #map1}]} {
    %broadcast_in_dim3A = arith.constant 0.000000e+00 : f32
    %broadcast_in_dim3A_0 = vector.broadcast %broadcast_in_dim3A : f32 to vector<16xf32>
    %scan3A = arith.constant 0 : i32
    %scan3A_1 = arith.constant 0 : i32
    %scan3A_2 = arith.constant 112 : i32
    %scan3A_3 = arith.addi %scan3A_1, %scan3A_2 : i32
    %scan3A_4 = arith.constant 1 : i32
    %scan3A_5 = scf.for %scan3A_102 = %scan3A_1 to %scan3A_3 step %scan3A_4 iter_args(%scan3A_103 = %scan3A) -> (i32)  : i32 {
      %swap3A = arith.index_cast %scan3A_102 : i32 to index
      %swap3A_104 = arith.constant 0 : index
      %swap3A_105 = tpu.vector_load %arg6[%swap3A, %swap3A_104] {strides = array<i32>} : memref<112x128xf32, #tpu.memory_space<vmem>>, vector<1x16xf32>,
      %swap3A_106 = vector.shape_cast %swap3A_105 : vector<1x16xf32> to vector<16xf32>
      %swap3A_107 = vector.shape_cast %broadcast_in_dim3A_0 : vector<16xf32> to vector<1x16xf32>
      tpu.vector_store %arg6[%swap3A, %swap3A_104], %swap3A_107 {strides = array<i32>} : memref<112x128xf32, #tpu.memory_space<vmem>>, vector<1x16xf32>,
      %swap3A_108 = arith.index_cast %scan3A_102 : i32 to index
      %swap3A_109 = arith.constant 16 : index
      %swap3A_110 = tpu.vector_load %arg6[%swap3A_108, %swap3A_109] {strides = array<i32>} : memref<112x128xf32, #tpu.memory_space<vmem>>, vector<1x16xf32>,
      %swap3A_111 = vector.shape_cast %swap3A_110 : vector<1x16xf32> to vector<16xf32>
      %swap3A_112 = vector.shape_cast %broadcast_in_dim3A_0 : vector<16xf32> to vector<1x16xf32>
      tpu.vector_store %arg6[%swap3A_108, %swap3A_109], %swap3A_112 {strides = array<i32>} : memref<112x128xf32, #tpu.memory_space<vmem>>, vector<1x16xf32>,
      %swap3A_113 = arith.index_cast %scan3A_102 : i32 to index
      %swap3A_114 = arith.constant 32 : index
      %swap3A_115 = tpu.vector_load %arg6[%swap3A_113, %swap3A_114] {strides = array<i32>} : memref<112x128xf32, #tpu.memory_space<vmem>>, vector<1x16xf32>,
      %swap3A_116 = vector.shape_cast %swap3A_115 : vector<1x16xf32> to vector<16xf32>
      %swap3A_117 = vector.shape_cast %broadcast_in_dim3A_0 : vector<16xf32> to vector<1x16xf32>
      tpu.vector_store %arg6[%swap3A_113, %swap3A_114], %swap3A_117 {strides = array<i32>} : memref<112x128xf32, #tpu.memory_space<vmem>>, vector<1x16xf32>,
      %swap3A_118 = arith.index_cast %scan3A_102 : i32 to index
      %swap3A_119 = arith.constant 48 : index
      %swap3A_120 = tpu.vector_load %arg6[%swap3A_118, %swap3A_119] {strides = array<i32>} : memref<112x128xf32, #tpu.memory_space<vmem>>, vector<1x16xf32>,
      %swap3A_121 = vector.shape_cast %swap3A_120 : vector<1x16xf32> to vector<16xf32>
      %swap3A_122 = vector.shape_cast %broadcast_in_dim3A_0 : vector<16xf32> to vector<1x16xf32>
      tpu.vector_store %arg6[%swap3A_118, %swap3A_119], %swap3A_122 {strides = array<i32>} : memref<112x128xf32, #tpu.memory_space<vmem>>, vector<1x16xf32>,
      %swap3A_123 = arith.index_cast %scan3A_102 : i32 to index
      %swap3A_124 = arith.constant 64 : index
      %swap3A_125 = tpu.vector_load %arg6[%swap3A_123, %swap3A_124] {strides = array<i32>} : memref<112x128xf32, #tpu.memory_space<vmem>>, vector<1x16xf32>,
      %swap3A_126 = vector.shape_cast %swap3A_125 : vector<1x16xf32> to vector<16xf32>
      %swap3A_127 = vector.shape_cast %broadcast_in_dim3A_0 : vector<16xf32> to vector<1x16xf32>
      tpu.vector_store %arg6[%swap3A_123, %swap3A_124], %swap3A_127 {strides = array<i32>} : memref<112x128xf32, #tpu.memory_space<vmem>>, vector<1x16xf32>,
      %swap3A_128 = arith.index_cast %scan3A_102 : i32 to index
      %swap3A_129 = arith.constant 80 : index
      %swap3A_130 = tpu.vector_load %arg6[%swap3A_128, %swap3A_129] {strides = array<i32>} : memref<112x128xf32, #tpu.memory_space<vmem>>, vector<1x16xf32>,
      %swap3A_131 = vector.shape_cast %swap3A_130 : vector<1x16xf32> to vector<16xf32>
      %swap3A_132 = vector.shape_cast %broadcast_in_dim3A_0 : vector<16xf32> to vector<1x16xf32>
      tpu.vector_store %arg6[%swap3A_128, %swap3A_129], %swap3A_132 {strides = array<i32>} : memref<112x128xf32, #tpu.memory_space<vmem>>, vector<1x16xf32>,
      %swap3A_133 = arith.index_cast %scan3A_102 : i32 to index
      %swap3A_134 = arith.constant 96 : index
      %swap3A_135 = tpu.vector_load %arg6[%swap3A_133, %swap3A_134] {strides = array<i32>} : memref<112x128xf32, #tpu.memory_space<vmem>>, vector<1x16xf32>,
      %swap3A_136 = vector.shape_cast %swap3A_135 : vector<1x16xf32> to vector<16xf32>
      %swap3A_137 = vector.shape_cast %broadcast_in_dim3A_0 : vector<16xf32> to vector<1x16xf32>
      tpu.vector_store %arg6[%swap3A_133, %swap3A_134], %swap3A_137 {strides = array<i32>} : memref<112x128xf32, #tpu.memory_space<vmem>>, vector<1x16xf32>,
      %swap3A_138 = arith.index_cast %scan3A_102 : i32 to index
      %swap3A_139 = arith.constant 112 : index
      %swap3A_140 = tpu.vector_load %arg6[%swap3A_138, %swap3A_139] {strides = array<i32>} : memref<112x128xf32, #tpu.memory_space<vmem>>, vector<1x16xf32>,
      %swap3A_141 = vector.shape_cast %swap3A_140 : vector<1x16xf32> to vector<16xf32>
      %swap3A_142 = vector.shape_cast %broadcast_in_dim3A_0 : vector<16xf32> to vector<1x16xf32>
      tpu.vector_store %arg6[%swap3A_138, %swap3A_139], %swap3A_142 {strides = array<i32>} : memref<112x128xf32, #tpu.memory_space<vmem>>, vector<1x16xf32>,
      %scan3A_143 = arith.constant 0 : i32
      scf.yield %scan3A_143 : i32
    }
    %scan3A_6 = arith.constant 112 : i32
    %mul3A = arith.constant 632 : i32
    %mul3A_7 = arith.muli %arg1, %mul3A : i32
    %add3A = arith.constant 0 : i32
    %add3A_8 = arith.addi %mul3A_7, %add3A : i32
    "tpu.region"() ({
      %run_scoped3A = tpu.sem_alloc : memref<!tpu.dma_semaphore, #tpu.memory_space<semaphore_mem>>
      %dma_start3A_102 = arith.constant 0 : i32
      %dma_start3A_103 = tpu.memref_slice %arg5[%add3A_8, %dma_start3A_102] : memref<10112x128xf32, #tpu.memory_space<vmem_shared>> -> memref<112x128xf32, #tpu.memory_space<vmem_shared>>
      %dma_start3A_104 = arith.constant 0 : i32
      %dma_start3A_105 = tpu.memref_slice %arg5[%add3A_8, %dma_start3A_104] : memref<10112x128xf32, #tpu.memory_space<vmem_shared>> -> memref<112x128xf32, #tpu.memory_space<vmem_shared>>
      tpu.enqueue_dma source(%arg6 : memref<112x128xf32, #tpu.memory_space<vmem>>) target(%dma_start3A_105 : memref<112x128xf32, #tpu.memory_space<vmem_shared>>) target_semaphore(%run_scoped3A : memref<!tpu.dma_semaphore, #tpu.memory_space<semaphore_mem>>)
      %dma_wait3A = arith.constant 0 : i32
      %dma_wait3A_106 = tpu.memref_slice %arg5[%add3A_8, %dma_wait3A] : memref<10112x128xf32, #tpu.memory_space<vmem_shared>> -> memref<112x128xf32, #tpu.memory_space<vmem_shared>>
      %dma_wait3A_107 = arith.constant 0 : i32
      %dma_wait3A_108 = tpu.memref_slice %arg5[%add3A_8, %dma_wait3A_107] : memref<10112x128xf32, #tpu.memory_space<vmem_shared>> -> memref<112x128xf32, #tpu.memory_space<vmem_shared>>
      tpu.wait_dma2 semaphore(%run_scoped3A : memref<!tpu.dma_semaphore, #tpu.memory_space<semaphore_mem>>) src(%arg6 : memref<112x128xf32, #tpu.memory_space<vmem>>) dst(%dma_wait3A_108 : memref<112x128xf32, #tpu.memory_space<vmem_shared>>)
      tpu.yield
    }) : () -> ()
    %add3A_9 = arith.constant 112 : i32
    %add3A_10 = arith.addi %mul3A_7, %add3A_9 : i32
    "tpu.region"() ({
      %run_scoped3A = tpu.sem_alloc : memref<!tpu.dma_semaphore, #tpu.memory_space<semaphore_mem>>
      %dma_start3A_102 = arith.constant 0 : i32
      %dma_start3A_103 = tpu.memref_slice %arg5[%add3A_10, %dma_start3A_102] : memref<10112x128xf32, #tpu.memory_space<vmem_shared>> -> memref<112x128xf32, #tpu.memory_space<vmem_shared>>
      %dma_start3A_104 = arith.constant 0 : i32
      %dma_start3A_105 = tpu.memref_slice %arg5[%add3A_10, %dma_start3A_104] : memref<10112x128xf32, #tpu.memory_space<vmem_shared>> -> memref<112x128xf32, #tpu.memory_space<vmem_shared>>
      tpu.enqueue_dma source(%arg6 : memref<112x128xf32, #tpu.memory_space<vmem>>) target(%dma_start3A_105 : memref<112x128xf32, #tpu.memory_space<vmem_shared>>) target_semaphore(%run_scoped3A : memref<!tpu.dma_semaphore, #tpu.memory_space<semaphore_mem>>)
      %dma_wait3A = arith.constant 0 : i32
      %dma_wait3A_106 = tpu.memref_slice %arg5[%add3A_10, %dma_wait3A] : memref<10112x128xf32, #tpu.memory_space<vmem_shared>> -> memref<112x128xf32, #tpu.memory_space<vmem_shared>>
      %dma_wait3A_107 = arith.constant 0 : i32
      %dma_wait3A_108 = tpu.memref_slice %arg5[%add3A_10, %dma_wait3A_107] : memref<10112x128xf32, #tpu.memory_space<vmem_shared>> -> memref<112x128xf32, #tpu.memory_space<vmem_shared>>
      tpu.wait_dma2 semaphore(%run_scoped3A : memref<!tpu.dma_semaphore, #tpu.memory_space<semaphore_mem>>) src(%arg6 : memref<112x128xf32, #tpu.memory_space<vmem>>) dst(%dma_wait3A_108 : memref<112x128xf32, #tpu.memory_space<vmem_shared>>)
      tpu.yield
    }) : () -> ()
    %add3A_11 = arith.constant 224 : i32
    %add3A_12 = arith.addi %mul3A_7, %add3A_11 : i32
    "tpu.region"() ({
      %run_scoped3A = tpu.sem_alloc : memref<!tpu.dma_semaphore, #tpu.memory_space<semaphore_mem>>
      %dma_start3A_102 = arith.constant 0 : i32
      %dma_start3A_103 = tpu.memref_slice %arg5[%add3A_12, %dma_start3A_102] : memref<10112x128xf32, #tpu.memory_space<vmem_shared>> -> memref<112x128xf32, #tpu.memory_space<vmem_shared>>
      %dma_start3A_104 = arith.constant 0 : i32
      %dma_start3A_105 = tpu.memref_slice %arg5[%add3A_12, %dma_start3A_104] : memref<10112x128xf32, #tpu.memory_space<vmem_shared>> -> memref<112x128xf32, #tpu.memory_space<vmem_shared>>
      tpu.enqueue_dma source(%arg6 : memref<112x128xf32, #tpu.memory_space<vmem>>) target(%dma_start3A_105 : memref<112x128xf32, #tpu.memory_space<vmem_shared>>) target_semaphore(%run_scoped3A : memref<!tpu.dma_semaphore, #tpu.memory_space<semaphore_mem>>)
      %dma_wait3A = arith.constant 0 : i32
      %dma_wait3A_106 = tpu.memref_slice %arg5[%add3A_12, %dma_wait3A] : memref<10112x128xf32, #tpu.memory_space<vmem_shared>> -> memref<112x128xf32, #tpu.memory_space<vmem_shared>>
      %dma_wait3A_107 = arith.constant 0 : i32
      %dma_wait3A_108 = tpu.memref_slice %arg5[%add3A_12, %dma_wait3A_107] : memref<10112x128xf32, #tpu.memory_space<vmem_shared>> -> memref<112x128xf32, #tpu.memory_space<vmem_shared>>
      tpu.wait_dma2 semaphore(%run_scoped3A : memref<!tpu.dma_semaphore, #tpu.memory_space<semaphore_mem>>) src(%arg6 : memref<112x128xf32, #tpu.memory_space<vmem>>) dst(%dma_wait3A_108 : memref<112x128xf32, #tpu.memory_space<vmem_shared>>)
      tpu.yield
    }) : () -> ()
    %add3A_13 = arith.constant 336 : i32
    %add3A_14 = arith.addi %mul3A_7, %add3A_13 : i32
    "tpu.region"() ({
      %run_scoped3A = tpu.sem_alloc : memref<!tpu.dma_semaphore, #tpu.memory_space<semaphore_mem>>
      %dma_start3A_102 = arith.constant 0 : i32
      %dma_start3A_103 = tpu.memref_slice %arg5[%add3A_14, %dma_start3A_102] : memref<10112x128xf32, #tpu.memory_space<vmem_shared>> -> memref<112x128xf32, #tpu.memory_space<vmem_shared>>
      %dma_start3A_104 = arith.constant 0 : i32
      %dma_start3A_105 = tpu.memref_slice %arg5[%add3A_14, %dma_start3A_104] : memref<10112x128xf32, #tpu.memory_space<vmem_shared>> -> memref<112x128xf32, #tpu.memory_space<vmem_shared>>
      tpu.enqueue_dma source(%arg6 : memref<112x128xf32, #tpu.memory_space<vmem>>) target(%dma_start3A_105 : memref<112x128xf32, #tpu.memory_space<vmem_shared>>) target_semaphore(%run_scoped3A : memref<!tpu.dma_semaphore, #tpu.memory_space<semaphore_mem>>)
      %dma_wait3A = arith.constant 0 : i32
      %dma_wait3A_106 = tpu.memref_slice %arg5[%add3A_14, %dma_wait3A] : memref<10112x128xf32, #tpu.memory_space<vmem_shared>> -> memref<112x128xf32, #tpu.memory_space<vmem_shared>>
      %dma_wait3A_107 = arith.constant 0 : i32
      %dma_wait3A_108 = tpu.memref_slice %arg5[%add3A_14, %dma_wait3A_107] : memref<10112x128xf32, #tpu.memory_space<vmem_shared>> -> memref<112x128xf32, #tpu.memory_space<vmem_shared>>
      tpu.wait_dma2 semaphore(%run_scoped3A : memref<!tpu.dma_semaphore, #tpu.memory_space<semaphore_mem>>) src(%arg6 : memref<112x128xf32, #tpu.memory_space<vmem>>) dst(%dma_wait3A_108 : memref<112x128xf32, #tpu.memory_space<vmem_shared>>)
      tpu.yield
    }) : () -> ()
    %add3A_15 = arith.constant 448 : i32
    %add3A_16 = arith.addi %mul3A_7, %add3A_15 : i32
    "tpu.region"() ({
      %run_scoped3A = tpu.sem_alloc : memref<!tpu.dma_semaphore, #tpu.memory_space<semaphore_mem>>
      %dma_start3A_102 = arith.constant 0 : i32
      %dma_start3A_103 = tpu.memref_slice %arg5[%add3A_16, %dma_start3A_102] : memref<10112x128xf32, #tpu.memory_space<vmem_shared>> -> memref<112x128xf32, #tpu.memory_space<vmem_shared>>
      %dma_start3A_104 = arith.constant 0 : i32
      %dma_start3A_105 = tpu.memref_slice %arg5[%add3A_16, %dma_start3A_104] : memref<10112x128xf32, #tpu.memory_space<vmem_shared>> -> memref<112x128xf32, #tpu.memory_space<vmem_shared>>
      tpu.enqueue_dma source(%arg6 : memref<112x128xf32, #tpu.memory_space<vmem>>) target(%dma_start3A_105 : memref<112x128xf32, #tpu.memory_space<vmem_shared>>) target_semaphore(%run_scoped3A : memref<!tpu.dma_semaphore, #tpu.memory_space<semaphore_mem>>)
      %dma_wait3A = arith.constant 0 : i32
      %dma_wait3A_106 = tpu.memref_slice %arg5[%add3A_16, %dma_wait3A] : memref<10112x128xf32, #tpu.memory_space<vmem_shared>> -> memref<112x128xf32, #tpu.memory_space<vmem_shared>>
      %dma_wait3A_107 = arith.constant 0 : i32
      %dma_wait3A_108 = tpu.memref_slice %arg5[%add3A_16, %dma_wait3A_107] : memref<10112x128xf32, #tpu.memory_space<vmem_shared>> -> memref<112x128xf32, #tpu.memory_space<vmem_shared>>
      tpu.wait_dma2 semaphore(%run_scoped3A : memref<!tpu.dma_semaphore, #tpu.memory_space<semaphore_mem>>) src(%arg6 : memref<112x128xf32, #tpu.memory_space<vmem>>) dst(%dma_wait3A_108 : memref<112x128xf32, #tpu.memory_space<vmem_shared>>)
      tpu.yield
    }) : () -> ()
    %add3A_17 = arith.constant 560 : i32
    %add3A_18 = arith.addi %mul3A_7, %add3A_17 : i32
    "tpu.region"() ({
      %run_scoped3A = tpu.sem_alloc : memref<!tpu.dma_semaphore, #tpu.memory_space<semaphore_mem>>
      %dma_start3A_102 = arith.constant 0 : i32
      %dma_start3A_103 = arith.constant 0 : i32
      %dma_start3A_104 = tpu.memref_slice %arg6[%dma_start3A_102, %dma_start3A_103] : memref<112x128xf32, #tpu.memory_space<vmem>> -> memref<72x128xf32, #tpu.memory_space<vmem>>
      %dma_start3A_105 = arith.constant 0 : i32
      %dma_start3A_106 = tpu.memref_slice %arg5[%add3A_18, %dma_start3A_105] : memref<10112x128xf32, #tpu.memory_space<vmem_shared>> -> memref<72x128xf32, #tpu.memory_space<vmem_shared>>
      %dma_start3A_107 = arith.constant 0 : i32
      %dma_start3A_108 = tpu.memref_slice %arg5[%add3A_18, %dma_start3A_107] : memref<10112x128xf32, #tpu.memory_space<vmem_shared>> -> memref<72x128xf32, #tpu.memory_space<vmem_shared>>
      %dma_start3A_109 = arith.constant 0 : i32
      %dma_start3A_110 = arith.constant 0 : i32
      %dma_start3A_111 = tpu.memref_slice %arg6[%dma_start3A_109, %dma_start3A_110] : memref<112x128xf32, #tpu.memory_space<vmem>> -> memref<72x128xf32, #tpu.memory_space<vmem>>
      tpu.enqueue_dma source(%dma_start3A_111 : memref<72x128xf32, #tpu.memory_space<vmem>>) target(%dma_start3A_108 : memref<72x128xf32, #tpu.memory_space<vmem_shared>>) target_semaphore(%run_scoped3A : memref<!tpu.dma_semaphore, #tpu.memory_space<semaphore_mem>>)
      %dma_wait3A = arith.constant 0 : i32
      %dma_wait3A_112 = arith.constant 0 : i32
      %dma_wait3A_113 = tpu.memref_slice %arg6[%dma_wait3A, %dma_wait3A_112] : memref<112x128xf32, #tpu.memory_space<vmem>> -> memref<72x128xf32, #tpu.memory_space<vmem>>
      %dma_wait3A_114 = arith.constant 0 : i32
      %dma_wait3A_115 = tpu.memref_slice %arg5[%add3A_18, %dma_wait3A_114] : memref<10112x128xf32, #tpu.memory_space<vmem_shared>> -> memref<72x128xf32, #tpu.memory_space<vmem_shared>>
      %dma_wait3A_116 = arith.constant 0 : i32
      %dma_wait3A_117 = tpu.memref_slice %arg5[%add3A_18, %dma_wait3A_116] : memref<10112x128xf32, #tpu.memory_space<vmem_shared>> -> memref<72x128xf32, #tpu.memory_space<vmem_shared>>
      %dma_wait3A_118 = arith.constant 0 : i32
      %dma_wait3A_119 = arith.constant 0 : i32
      %dma_wait3A_120 = tpu.memref_slice %arg6[%dma_wait3A_118, %dma_wait3A_119] : memref<112x128xf32, #tpu.memory_space<vmem>> -> memref<72x128xf32, #tpu.memory_space<vmem>>
      tpu.wait_dma2 semaphore(%run_scoped3A : memref<!tpu.dma_semaphore, #tpu.memory_space<semaphore_mem>>) src(%dma_wait3A_120 : memref<72x128xf32, #tpu.memory_space<vmem>>) dst(%dma_wait3A_117 : memref<72x128xf32, #tpu.memory_space<vmem_shared>>)
      tpu.yield
    }) : () -> ()
    %barrier3A = arith.constant 0 : index
    tpu.barrier barrier_id(%barrier3A)
    %mul3A_19 = arith.constant 16 : i32
    %mul3A_20 = arith.muli %arg0, %mul3A_19 : i32
    %add3A_21 = arith.addi %mul3A_20, %arg1 : i32
    %mul3A_22 = arith.constant 180 : i32
    %mul3A_23 = arith.muli %add3A_21, %mul3A_22 : i32
    %add3A_24 = arith.constant 0 : i32
    %add3A_25 = arith.addi %mul3A_23, %add3A_24 : i32
    %add3A_26 = arith.constant 0 : i32
    %add3A_27 = arith.addi %add3A_25, %add3A_26 : i32
    %mul3A_28 = arith.constant 112 : i32
    %mul3A_29 = arith.muli %add3A_27, %mul3A_28 : i32
    %mul3A_30 = arith.constant 16 : i32
    %mul3A_31 = arith.muli %mul3A_29, %mul3A_30 : i32
    %dma_start3A = arith.constant 0 : i32
    %dma_start3A_32 = arith.constant 0 : i32
    %dma_start3A_33 = tpu.memref_slice %arg7[%dma_start3A, %dma_start3A_32] : memref<2x1792xf32, #tpu.memory_space<vmem>> -> memref<1x1792xf32, #tpu.memory_space<vmem>>
    %dma_start3A_34 = tpu.memref_squeeze %dma_start3A_33 : memref<1x1792xf32, #tpu.memory_space<vmem>> -> memref<1792xf32, #tpu.memory_space<vmem>>
    %dma_start3A_35 = tpu.memref_slice %arg2[%mul3A_31] : memref<10321920xf32, #tpu.memory_space<hbm>> -> memref<1792xf32, #tpu.memory_space<hbm>>
    %dma_start3A_36 = arith.constant 0 : i32
    %dma_start3A_37 = tpu.memref_slice %arg7[%dma_start3A, %dma_start3A_36] : memref<2x1792xf32, #tpu.memory_space<vmem>> -> memref<1x1792xf32, #tpu.memory_space<vmem>>
    %dma_start3A_38 = tpu.memref_squeeze %dma_start3A_37 : memref<1x1792xf32, #tpu.memory_space<vmem>> -> memref<1792xf32, #tpu.memory_space<vmem>>
    %dma_start3A_39 = tpu.memref_slice %arg2[%mul3A_31] : memref<10321920xf32, #tpu.memory_space<hbm>> -> memref<1792xf32, #tpu.memory_space<hbm>>
    tpu.enqueue_dma source(%dma_start3A_39 : memref<1792xf32, #tpu.memory_space<hbm>>) target(%dma_start3A_38 : memref<1792xf32, #tpu.memory_space<vmem>>) target_semaphore(%arg9 : memref<!tpu.dma_semaphore, #tpu.memory_space<semaphore_mem>>)
    %add3A_40 = arith.constant 0 : i32
    %add3A_41 = arith.addi %add3A_25, %add3A_40 : i32
    %mul3A_42 = arith.constant 112 : i32
    %mul3A_43 = arith.muli %add3A_41, %mul3A_42 : i32
    %dma_start3A_44 = arith.constant 0 : i32
    %dma_start3A_45 = arith.constant 0 : i32
    %dma_start3A_46 = tpu.memref_slice %arg8[%dma_start3A_44, %dma_start3A_45] : memref<2x112xi32, #tpu.memory_space<vmem>> -> memref<1x112xi32, #tpu.memory_space<vmem>>
    %dma_start3A_47 = tpu.memref_squeeze %dma_start3A_46 : memref<1x112xi32, #tpu.memory_space<vmem>> -> memref<112xi32, #tpu.memory_space<vmem>>
    %dma_start3A_48 = tpu.memref_slice %arg3[%mul3A_43] : memref<645120xi32, #tpu.memory_space<hbm>> -> memref<112xi32, #tpu.memory_space<hbm>>
    %dma_start3A_49 = arith.constant 0 : i32
    %dma_start3A_50 = tpu.memref_slice %arg8[%dma_start3A_44, %dma_start3A_49] : memref<2x112xi32, #tpu.memory_space<vmem>> -> memref<1x112xi32, #tpu.memory_space<vmem>>
    %dma_start3A_51 = tpu.memref_squeeze %dma_start3A_50 : memref<1x112xi32, #tpu.memory_space<vmem>> -> memref<112xi32, #tpu.memory_space<vmem>>
    %dma_start3A_52 = tpu.memref_slice %arg3[%mul3A_43] : memref<645120xi32, #tpu.memory_space<hbm>> -> memref<112xi32, #tpu.memory_space<hbm>>
    tpu.enqueue_dma source(%dma_start3A_52 : memref<112xi32, #tpu.memory_space<hbm>>) target(%dma_start3A_51 : memref<112xi32, #tpu.memory_space<vmem>>) target_semaphore(%arg9 : memref<!tpu.dma_semaphore, #tpu.memory_space<semaphore_mem>>)
    %scan3A_53 = arith.constant 0 : i32
    %scan3A_54 = arith.constant 0 : i32
    %scan3A_55 = arith.constant 45 : i32
    %scan3A_56 = arith.addi %scan3A_54, %scan3A_55 : i32
    %scan3A_57 = arith.constant 1 : i32
    %scan3A_58 = scf.for %scan3A_102 = %scan3A_54 to %scan3A_56 step %scan3A_57 iter_args(%scan3A_103 = %scan3A_53) -> (i32)  : i32 {
      %mul3A_104 = arith.constant 2 : i32
      %mul3A_105 = arith.muli %mul3A_104, %scan3A_102 : i32
      %add3A_106 = arith.constant 1 : i32
      %add3A_107 = arith.addi %mul3A_105, %add3A_106 : i32
      %add3A_108 = arith.addi %add3A_25, %add3A_107 : i32
      %mul3A_109 = arith.constant 112 : i32
      %mul3A_110 = arith.muli %add3A_108, %mul3A_109 : i32
      %mul3A_111 = arith.constant 16 : i32
      %mul3A_112 = arith.muli %mul3A_110, %mul3A_111 : i32
      %dma_start3A_113 = arith.constant 1 : i32
      %dma_start3A_114 = arith.constant 0 : i32
      %dma_start3A_115 = tpu.memref_slice %arg7[%dma_start3A_113, %dma_start3A_114] : memref<2x1792xf32, #tpu.memory_space<vmem>> -> memref<1x1792xf32, #tpu.memory_space<vmem>>
      %dma_start3A_116 = tpu.memref_squeeze %dma_start3A_115 : memref<1x1792xf32, #tpu.memory_space<vmem>> -> memref<1792xf32, #tpu.memory_space<vmem>>
      %dma_start3A_117 = tpu.memref_slice %arg2[%mul3A_112] : memref<10321920xf32, #tpu.memory_space<hbm>> -> memref<1792xf32, #tpu.memory_space<hbm>>
      %dma_start3A_118 = arith.constant 0 : i32
      %dma_start3A_119 = tpu.memref_slice %arg7[%dma_start3A_113, %dma_start3A_118] : memref<2x1792xf32, #tpu.memory_space<vmem>> -> memref<1x1792xf32, #tpu.memory_space<vmem>>
      %dma_start3A_120 = tpu.memref_squeeze %dma_start3A_119 : memref<1x1792xf32, #tpu.memory_space<vmem>> -> memref<1792xf32, #tpu.memory_space<vmem>>
      %dma_start3A_121 = tpu.memref_slice %arg2[%mul3A_112] : memref<10321920xf32, #tpu.memory_space<hbm>> -> memref<1792xf32, #tpu.memory_space<hbm>>
      tpu.enqueue_dma source(%dma_start3A_121 : memref<1792xf32, #tpu.memory_space<hbm>>) target(%dma_start3A_120 : memref<1792xf32, #tpu.memory_space<vmem>>) target_semaphore(%arg10 : memref<!tpu.dma_semaphore, #tpu.memory_space<semaphore_mem>>)
      %add3A_122 = arith.addi %add3A_25, %add3A_107 : i32
      %mul3A_123 = arith.constant 112 : i32
      %mul3A_124 = arith.muli %add3A_122, %mul3A_123 : i32
      %dma_start3A_125 = arith.constant 1 : i32
      %dma_start3A_126 = arith.constant 0 : i32
      %dma_start3A_127 = tpu.memref_slice %arg8[%dma_start3A_125, %dma_start3A_126] : memref<2x112xi32, #tpu.memory_space<vmem>> -> memref<1x112xi32, #tpu.memory_space<vmem>>
      %dma_start3A_128 = tpu.memref_squeeze %dma_start3A_127 : memref<1x112xi32, #tpu.memory_space<vmem>> -> memref<112xi32, #tpu.memory_space<vmem>>
      %dma_start3A_129 = tpu.memref_slice %arg3[%mul3A_124] : memref<645120xi32, #tpu.memory_space<hbm>> -> memref<112xi32, #tpu.memory_space<hbm>>
      %dma_start3A_130 = arith.constant 0 : i32
      %dma_start3A_131 = tpu.memref_slice %arg8[%dma_start3A_125, %dma_start3A_130] : memref<2x112xi32, #tpu.memory_space<vmem>> -> memref<1x112xi32, #tpu.memory_space<vmem>>
      %dma_start3A_132 = tpu.memref_squeeze %dma_start3A_131 : memref<1x112xi32, #tpu.memory_space<vmem>> -> memref<112xi32, #tpu.memory_space<vmem>>
      %dma_start3A_133 = tpu.memref_slice %arg3[%mul3A_124] : memref<645120xi32, #tpu.memory_space<hbm>> -> memref<112xi32, #tpu.memory_space<hbm>>
      tpu.enqueue_dma source(%dma_start3A_133 : memref<112xi32, #tpu.memory_space<hbm>>) target(%dma_start3A_132 : memref<112xi32, #tpu.memory_space<vmem>>) target_semaphore(%arg10 : memref<!tpu.dma_semaphore, #tpu.memory_space<semaphore_mem>>)
      %dma_wait3A = arith.constant 0 : i32
      %dma_wait3A_134 = arith.constant 0 : i32
      %dma_wait3A_135 = tpu.memref_slice %arg7[%dma_wait3A, %dma_wait3A_134] : memref<2x1792xf32, #tpu.memory_space<vmem>> -> memref<1x1792xf32, #tpu.memory_space<vmem>>
      %dma_wait3A_136 = tpu.memref_squeeze %dma_wait3A_135 : memref<1x1792xf32, #tpu.memory_space<vmem>> -> memref<1792xf32, #tpu.memory_space<vmem>>
      %dma_wait3A_137 = arith.constant 0 : i32
      %dma_wait3A_138 = tpu.memref_slice %arg2[%dma_wait3A_137] : memref<10321920xf32, #tpu.memory_space<hbm>> -> memref<1792xf32, #tpu.memory_space<hbm>>
      %dma_wait3A_139 = arith.constant 0 : i32
      %dma_wait3A_140 = tpu.memref_slice %arg7[%dma_wait3A, %dma_wait3A_139] : memref<2x1792xf32, #tpu.memory_space<vmem>> -> memref<1x1792xf32, #tpu.memory_space<vmem>>
      %dma_wait3A_141 = tpu.memref_squeeze %dma_wait3A_140 : memref<1x1792xf32, #tpu.memory_space<vmem>> -> memref<1792xf32, #tpu.memory_space<vmem>>
      %dma_wait3A_142 = arith.constant 0 : i32
      %dma_wait3A_143 = tpu.memref_slice %arg2[%dma_wait3A_142] : memref<10321920xf32, #tpu.memory_space<hbm>> -> memref<1792xf32, #tpu.memory_space<hbm>>
      tpu.wait_dma2 semaphore(%arg9 : memref<!tpu.dma_semaphore, #tpu.memory_space<semaphore_mem>>) src(%dma_wait3A_143 : memref<1792xf32, #tpu.memory_space<hbm>>) dst(%dma_wait3A_141 : memref<1792xf32, #tpu.memory_space<vmem>>)
      %dma_wait3A_144 = arith.constant 0 : i32
      %dma_wait3A_145 = arith.constant 0 : i32
      %dma_wait3A_146 = tpu.memref_slice %arg8[%dma_wait3A_144, %dma_wait3A_145] : memref<2x112xi32, #tpu.memory_space<vmem>> -> memref<1x112xi32, #tpu.memory_space<vmem>>
      %dma_wait3A_147 = tpu.memref_squeeze %dma_wait3A_146 : memref<1x112xi32, #tpu.memory_space<vmem>> -> memref<112xi32, #tpu.memory_space<vmem>>
      %dma_wait3A_148 = arith.constant 0 : i32
      %dma_wait3A_149 = tpu.memref_slice %arg3[%dma_wait3A_148] : memref<645120xi32, #tpu.memory_space<hbm>> -> memref<112xi32, #tpu.memory_space<hbm>>
      %dma_wait3A_150 = arith.constant 0 : i32
      %dma_wait3A_151 = tpu.memref_slice %arg8[%dma_wait3A_144, %dma_wait3A_150] : memref<2x112xi32, #tpu.memory_space<vmem>> -> memref<1x112xi32, #tpu.memory_space<vmem>>
      %dma_wait3A_152 = tpu.memref_squeeze %dma_wait3A_151 : memref<1x112xi32, #tpu.memory_space<vmem>> -> memref<112xi32, #tpu.memory_space<vmem>>
      %dma_wait3A_153 = arith.constant 0 : i32
      %dma_wait3A_154 = tpu.memref_slice %arg3[%dma_wait3A_153] : memref<645120xi32, #tpu.memory_space<hbm>> -> memref<112xi32, #tpu.memory_space<hbm>>
      tpu.wait_dma2 semaphore(%arg9 : memref<!tpu.dma_semaphore, #tpu.memory_space<semaphore_mem>>) src(%dma_wait3A_154 : memref<112xi32, #tpu.memory_space<hbm>>) dst(%dma_wait3A_152 : memref<112xi32, #tpu.memory_space<vmem>>)
      %scan3A_155 = arith.constant 0 : i32
      %scan3A_156 = arith.constant 0 : i32
      %scan3A_157 = arith.constant 112 : i32
      %scan3A_158 = arith.addi %scan3A_156, %scan3A_157 : i32
      %scan3A_159 = arith.constant 1 : i32
      %scan3A_160 = scf.for %scan3A_201 = %scan3A_156 to %scan3A_158 step %scan3A_159 iter_args(%scan3A_202 = %scan3A_155) -> (i32)  : i32 {
        %mul3A_203 = arith.constant 16 : i32
        %mul3A_204 = arith.muli %mul3A_203, %scan3A_201 : i32
        %get3A = arith.constant 0 : i32
        %get3A_205 = arith.index_cast %get3A : i32 to index
        %get3A_206 = arith.index_cast %mul3A_204 : i32 to index
        %get3A_207 = tpu.vector_load %arg7[%get3A_205, %get3A_206] {strides = array<i32>} : memref<2x1792xf32, #tpu.memory_space<vmem>>, vector<1x16xf32>,
        %get3A_208 = vector.shape_cast %get3A_207 : vector<1x16xf32> to vector<16xf32>
        %swap3A = arith.index_cast %scan3A_201 : i32 to index
        %swap3A_209 = arith.constant 0 : index
        %swap3A_210 = tpu.vector_load %arg6[%swap3A, %swap3A_209] {strides = array<i32>} : memref<112x128xf32, #tpu.memory_space<vmem>>, vector<1x16xf32>,
        %swap3A_211 = vector.shape_cast %swap3A_210 : vector<1x16xf32> to vector<16xf32>
        %swap3A_212 = vector.shape_cast %get3A_208 : vector<16xf32> to vector<1x16xf32>
        tpu.vector_store %arg6[%swap3A, %swap3A_209], %swap3A_212 {strides = array<i32>} : memref<112x128xf32, #tpu.memory_space<vmem>>, vector<1x16xf32>,
        %scan3A_213 = arith.constant 0 : i32
        scf.yield %scan3A_213 : i32
      }
      %scan3A_161 = arith.constant 112 : i32
      %run_scoped3A = arith.constant 0 : i32
      "tpu.region"() ({
        %run_scoped3A_201 = tpu.sem_alloc : memref<!tpu.dma_semaphore, #tpu.memory_space<semaphore_mem>>
        %dma_start3A_202 = arith.constant 0 : i32
        %dma_start3A_203 = tpu.memref_slice %arg8[%run_scoped3A, %dma_start3A_202] : memref<2x112xi32, #tpu.memory_space<vmem>> -> memref<1x112xi32, #tpu.memory_space<vmem>>
        %dma_start3A_204 = tpu.memref_squeeze %dma_start3A_203 : memref<1x112xi32, #tpu.memory_space<vmem>> -> memref<112xi32, #tpu.memory_space<vmem>>
        %dma_start3A_205 = arith.constant 0 : i32
        %dma_start3A_206 = arith.constant 0 : i32
        %dma_start3A_207 = tpu.memref_slice %arg5[%dma_start3A_205, %dma_start3A_206] : memref<10112x128xf32, #tpu.memory_space<vmem_shared>> -> memref<10112x128xf32, #tpu.memory_space<vmem_shared>>
        tpu.enqueue_indirect_dma source(%arg6 : memref<112x128xf32, #tpu.memory_space<vmem>>) target(%dma_start3A_207 : memref<10112x128xf32, #tpu.memory_space<vmem_shared>>) offsets(%dma_start3A_204 : memref<112xi32, #tpu.memory_space<vmem>>) semaphore(%run_scoped3A_201 : memref<!tpu.dma_semaphore, #tpu.memory_space<semaphore_mem>>) {add = true}
        %dma_wait3A_208 = arith.constant 0 : i32
        %dma_wait3A_209 = tpu.memref_slice %arg8[%run_scoped3A, %dma_wait3A_208] : memref<2x112xi32, #tpu.memory_space<vmem>> -> memref<1x112xi32, #tpu.memory_space<vmem>>
        %dma_wait3A_210 = tpu.memref_squeeze %dma_wait3A_209 : memref<1x112xi32, #tpu.memory_space<vmem>> -> memref<112xi32, #tpu.memory_space<vmem>>
        %dma_wait3A_211 = arith.constant 0 : i32
        %dma_wait3A_212 = arith.constant 0 : i32
        %dma_wait3A_213 = tpu.memref_slice %arg5[%dma_wait3A_211, %dma_wait3A_212] : memref<10112x128xf32, #tpu.memory_space<vmem_shared>> -> memref<10112x128xf32, #tpu.memory_space<vmem_shared>>
        tpu.wait_indirect_dma semaphore(%run_scoped3A_201 : memref<!tpu.dma_semaphore, #tpu.memory_space<semaphore_mem>>) src(%arg6 : memref<112x128xf32, #tpu.memory_space<vmem>>) dst(%dma_wait3A_213 : memref<10112x128xf32, #tpu.memory_space<vmem_shared>>)
        tpu.yield
      }) : () -> ()
      %add3A_162 = arith.constant 1 : i32
      %add3A_163 = arith.addi %scan3A_102, %add3A_162 : i32
      %lt3A = arith.constant 45 : i32
      %lt3A_164 = arith.cmpi slt, %add3A_163, %lt3A : i32
      %convert_element_type3A_165 = arith.extui %lt3A_164 : i1 to i32
      %cond3A_166 = arith.constant 0 : i32
      %cond3A_167 = arith.cmpi ne, %convert_element_type3A_165, %cond3A_166 : i32
      scf.if %cond3A_167 {
        %add3A_201 = arith.constant 2 : i32
        %add3A_202 = arith.addi %mul3A_105, %add3A_201 : i32
        %add3A_203 = arith.addi %add3A_25, %add3A_202 : i32
        %mul3A_204 = arith.constant 112 : i32
        %mul3A_205 = arith.muli %add3A_203, %mul3A_204 : i32
        %mul3A_206 = arith.constant 16 : i32
        %mul3A_207 = arith.muli %mul3A_205, %mul3A_206 : i32
        %dma_start3A_208 = arith.constant 0 : i32
        %dma_start3A_209 = arith.constant 0 : i32
        %dma_start3A_210 = tpu.memref_slice %arg7[%dma_start3A_208, %dma_start3A_209] : memref<2x1792xf32, #tpu.memory_space<vmem>> -> memref<1x1792xf32, #tpu.memory_space<vmem>>
        %dma_start3A_211 = tpu.memref_squeeze %dma_start3A_210 : memref<1x1792xf32, #tpu.memory_space<vmem>> -> memref<1792xf32, #tpu.memory_space<vmem>>
        %dma_start3A_212 = tpu.memref_slice %arg2[%mul3A_207] : memref<10321920xf32, #tpu.memory_space<hbm>> -> memref<1792xf32, #tpu.memory_space<hbm>>
        %dma_start3A_213 = arith.constant 0 : i32
        %dma_start3A_214 = tpu.memref_slice %arg7[%dma_start3A_208, %dma_start3A_213] : memref<2x1792xf32, #tpu.memory_space<vmem>> -> memref<1x1792xf32, #tpu.memory_space<vmem>>
        %dma_start3A_215 = tpu.memref_squeeze %dma_start3A_214 : memref<1x1792xf32, #tpu.memory_space<vmem>> -> memref<1792xf32, #tpu.memory_space<vmem>>
        %dma_start3A_216 = tpu.memref_slice %arg2[%mul3A_207] : memref<10321920xf32, #tpu.memory_space<hbm>> -> memref<1792xf32, #tpu.memory_space<hbm>>
        tpu.enqueue_dma source(%dma_start3A_216 : memref<1792xf32, #tpu.memory_space<hbm>>) target(%dma_start3A_215 : memref<1792xf32, #tpu.memory_space<vmem>>) target_semaphore(%arg9 : memref<!tpu.dma_semaphore, #tpu.memory_space<semaphore_mem>>)
        %add3A_217 = arith.addi %add3A_25, %add3A_202 : i32
        %mul3A_218 = arith.constant 112 : i32
        %mul3A_219 = arith.muli %add3A_217, %mul3A_218 : i32
        %dma_start3A_220 = arith.constant 0 : i32
        %dma_start3A_221 = arith.constant 0 : i32
        %dma_start3A_222 = tpu.memref_slice %arg8[%dma_start3A_220, %dma_start3A_221] : memref<2x112xi32, #tpu.memory_space<vmem>> -> memref<1x112xi32, #tpu.memory_space<vmem>>
        %dma_start3A_223 = tpu.memref_squeeze %dma_start3A_222 : memref<1x112xi32, #tpu.memory_space<vmem>> -> memref<112xi32, #tpu.memory_space<vmem>>
        %dma_start3A_224 = tpu.memref_slice %arg3[%mul3A_219] : memref<645120xi32, #tpu.memory_space<hbm>> -> memref<112xi32, #tpu.memory_space<hbm>>
        %dma_start3A_225 = arith.constant 0 : i32
        %dma_start3A_226 = tpu.memref_slice %arg8[%dma_start3A_220, %dma_start3A_225] : memref<2x112xi32, #tpu.memory_space<vmem>> -> memref<1x112xi32, #tpu.memory_space<vmem>>
        %dma_start3A_227 = tpu.memref_squeeze %dma_start3A_226 : memref<1x112xi32, #tpu.memory_space<vmem>> -> memref<112xi32, #tpu.memory_space<vmem>>
        %dma_start3A_228 = tpu.memref_slice %arg3[%mul3A_219] : memref<645120xi32, #tpu.memory_space<hbm>> -> memref<112xi32, #tpu.memory_space<hbm>>
        tpu.enqueue_dma source(%dma_start3A_228 : memref<112xi32, #tpu.memory_space<hbm>>) target(%dma_start3A_227 : memref<112xi32, #tpu.memory_space<vmem>>) target_semaphore(%arg9 : memref<!tpu.dma_semaphore, #tpu.memory_space<semaphore_mem>>)
      } else {
      }
      %dma_wait3A_168 = arith.constant 1 : i32
      %dma_wait3A_169 = arith.constant 0 : i32
      %dma_wait3A_170 = tpu.memref_slice %arg7[%dma_wait3A_168, %dma_wait3A_169] : memref<2x1792xf32, #tpu.memory_space<vmem>> -> memref<1x1792xf32, #tpu.memory_space<vmem>>
      %dma_wait3A_171 = tpu.memref_squeeze %dma_wait3A_170 : memref<1x1792xf32, #tpu.memory_space<vmem>> -> memref<1792xf32, #tpu.memory_space<vmem>>
      %dma_wait3A_172 = arith.constant 0 : i32
      %dma_wait3A_173 = tpu.memref_slice %arg2[%dma_wait3A_172] : memref<10321920xf32, #tpu.memory_space<hbm>> -> memref<1792xf32, #tpu.memory_space<hbm>>
      %dma_wait3A_174 = arith.constant 0 : i32
      %dma_wait3A_175 = tpu.memref_slice %arg7[%dma_wait3A_168, %dma_wait3A_174] : memref<2x1792xf32, #tpu.memory_space<vmem>> -> memref<1x1792xf32, #tpu.memory_space<vmem>>
      %dma_wait3A_176 = tpu.memref_squeeze %dma_wait3A_175 : memref<1x1792xf32, #tpu.memory_space<vmem>> -> memref<1792xf32, #tpu.memory_space<vmem>>
      %dma_wait3A_177 = arith.constant 0 : i32
      %dma_wait3A_178 = tpu.memref_slice %arg2[%dma_wait3A_177] : memref<10321920xf32, #tpu.memory_space<hbm>> -> memref<1792xf32, #tpu.memory_space<hbm>>
      tpu.wait_dma2 semaphore(%arg10 : memref<!tpu.dma_semaphore, #tpu.memory_space<semaphore_mem>>) src(%dma_wait3A_178 : memref<1792xf32, #tpu.memory_space<hbm>>) dst(%dma_wait3A_176 : memref<1792xf32, #tpu.memory_space<vmem>>)
      %dma_wait3A_179 = arith.constant 1 : i32
      %dma_wait3A_180 = arith.constant 0 : i32
      %dma_wait3A_181 = tpu.memref_slice %arg8[%dma_wait3A_179, %dma_wait3A_180] : memref<2x112xi32, #tpu.memory_space<vmem>> -> memref<1x112xi32, #tpu.memory_space<vmem>>
      %dma_wait3A_182 = tpu.memref_squeeze %dma_wait3A_181 : memref<1x112xi32, #tpu.memory_space<vmem>> -> memref<112xi32, #tpu.memory_space<vmem>>
      %dma_wait3A_183 = arith.constant 0 : i32
      %dma_wait3A_184 = tpu.memref_slice %arg3[%dma_wait3A_183] : memref<645120xi32, #tpu.memory_space<hbm>> -> memref<112xi32, #tpu.memory_space<hbm>>
      %dma_wait3A_185 = arith.constant 0 : i32
      %dma_wait3A_186 = tpu.memref_slice %arg8[%dma_wait3A_179, %dma_wait3A_185] : memref<2x112xi32, #tpu.memory_space<vmem>> -> memref<1x112xi32, #tpu.memory_space<vmem>>
      %dma_wait3A_187 = tpu.memref_squeeze %dma_wait3A_186 : memref<1x112xi32, #tpu.memory_space<vmem>> -> memref<112xi32, #tpu.memory_space<vmem>>
      %dma_wait3A_188 = arith.constant 0 : i32
      %dma_wait3A_189 = tpu.memref_slice %arg3[%dma_wait3A_188] : memref<645120xi32, #tpu.memory_space<hbm>> -> memref<112xi32, #tpu.memory_space<hbm>>
      tpu.wait_dma2 semaphore(%arg10 : memref<!tpu.dma_semaphore, #tpu.memory_space<semaphore_mem>>) src(%dma_wait3A_189 : memref<112xi32, #tpu.memory_space<hbm>>) dst(%dma_wait3A_187 : memref<112xi32, #tpu.memory_space<vmem>>)
      %add3A_190 = arith.constant 1 : i32
      %add3A_191 = arith.addi %mul3A_105, %add3A_190 : i32
      %scan3A_192 = arith.constant 0 : i32
      %scan3A_193 = arith.constant 0 : i32
      %scan3A_194 = arith.constant 112 : i32
      %scan3A_195 = arith.addi %scan3A_193, %scan3A_194 : i32
      %scan3A_196 = arith.constant 1 : i32
      %scan3A_197 = scf.for %scan3A_201 = %scan3A_193 to %scan3A_195 step %scan3A_196 iter_args(%scan3A_202 = %scan3A_192) -> (i32)  : i32 {
        %mul3A_203 = arith.constant 16 : i32
        %mul3A_204 = arith.muli %mul3A_203, %scan3A_201 : i32
        %get3A = arith.constant 1 : i32
        %get3A_205 = arith.index_cast %get3A : i32 to index
        %get3A_206 = arith.index_cast %mul3A_204 : i32 to index
        %get3A_207 = tpu.vector_load %arg7[%get3A_205, %get3A_206] {strides = array<i32>} : memref<2x1792xf32, #tpu.memory_space<vmem>>, vector<1x16xf32>,
        %get3A_208 = vector.shape_cast %get3A_207 : vector<1x16xf32> to vector<16xf32>
        %swap3A = arith.index_cast %scan3A_201 : i32 to index
        %swap3A_209 = arith.constant 0 : index
        %swap3A_210 = tpu.vector_load %arg6[%swap3A, %swap3A_209] {strides = array<i32>} : memref<112x128xf32, #tpu.memory_space<vmem>>, vector<1x16xf32>,
        %swap3A_211 = vector.shape_cast %swap3A_210 : vector<1x16xf32> to vector<16xf32>
        %swap3A_212 = vector.shape_cast %get3A_208 : vector<16xf32> to vector<1x16xf32>
        tpu.vector_store %arg6[%swap3A, %swap3A_209], %swap3A_212 {strides = array<i32>} : memref<112x128xf32, #tpu.memory_space<vmem>>, vector<1x16xf32>,
        %scan3A_213 = arith.constant 0 : i32
        scf.yield %scan3A_213 : i32
      }
      %scan3A_198 = arith.constant 112 : i32
      %run_scoped3A_199 = arith.constant 1 : i32
      "tpu.region"() ({
        %run_scoped3A_201 = tpu.sem_alloc : memref<!tpu.dma_semaphore, #tpu.memory_space<semaphore_mem>>
        %dma_start3A_202 = arith.constant 0 : i32
        %dma_start3A_203 = tpu.memref_slice %arg8[%run_scoped3A_199, %dma_start3A_202] : memref<2x112xi32, #tpu.memory_space<vmem>> -> memref<1x112xi32, #tpu.memory_space<vmem>>
        %dma_start3A_204 = tpu.memref_squeeze %dma_start3A_203 : memref<1x112xi32, #tpu.memory_space<vmem>> -> memref<112xi32, #tpu.memory_space<vmem>>
        %dma_start3A_205 = arith.constant 0 : i32
        %dma_start3A_206 = arith.constant 0 : i32
        %dma_start3A_207 = tpu.memref_slice %arg5[%dma_start3A_205, %dma_start3A_206] : memref<10112x128xf32, #tpu.memory_space<vmem_shared>> -> memref<10112x128xf32, #tpu.memory_space<vmem_shared>>
        tpu.enqueue_indirect_dma source(%arg6 : memref<112x128xf32, #tpu.memory_space<vmem>>) target(%dma_start3A_207 : memref<10112x128xf32, #tpu.memory_space<vmem_shared>>) offsets(%dma_start3A_204 : memref<112xi32, #tpu.memory_space<vmem>>) semaphore(%run_scoped3A_201 : memref<!tpu.dma_semaphore, #tpu.memory_space<semaphore_mem>>) {add = true}
        %dma_wait3A_208 = arith.constant 0 : i32
        %dma_wait3A_209 = tpu.memref_slice %arg8[%run_scoped3A_199, %dma_wait3A_208] : memref<2x112xi32, #tpu.memory_space<vmem>> -> memref<1x112xi32, #tpu.memory_space<vmem>>
        %dma_wait3A_210 = tpu.memref_squeeze %dma_wait3A_209 : memref<1x112xi32, #tpu.memory_space<vmem>> -> memref<112xi32, #tpu.memory_space<vmem>>
        %dma_wait3A_211 = arith.constant 0 : i32
        %dma_wait3A_212 = arith.constant 0 : i32
        %dma_wait3A_213 = tpu.memref_slice %arg5[%dma_wait3A_211, %dma_wait3A_212] : memref<10112x128xf32, #tpu.memory_space<vmem_shared>> -> memref<10112x128xf32, #tpu.memory_space<vmem_shared>>
        tpu.wait_indirect_dma semaphore(%run_scoped3A_201 : memref<!tpu.dma_semaphore, #tpu.memory_space<semaphore_mem>>) src(%arg6 : memref<112x128xf32, #tpu.memory_space<vmem>>) dst(%dma_wait3A_213 : memref<10112x128xf32, #tpu.memory_space<vmem_shared>>)
        tpu.yield
      }) : () -> ()
      %scan3A_200 = arith.constant 0 : i32
      scf.yield %scan3A_200 : i32
    }
    %scan3A_59 = arith.constant 45 : i32
    %add3A_60 = arith.constant 90 : i32
    %add3A_61 = arith.addi %mul3A_23, %add3A_60 : i32
    %add3A_62 = arith.constant 0 : i32
    %add3A_63 = arith.addi %add3A_61, %add3A_62 : i32
    %mul3A_64 = arith.constant 112 : i32
    %mul3A_65 = arith.muli %add3A_63, %mul3A_64 : i32
    %mul3A_66 = arith.constant 16 : i32
    %mul3A_67 = arith.muli %mul3A_65, %mul3A_66 : i32
    %dma_start3A_68 = arith.constant 0 : i32
    %dma_start3A_69 = arith.constant 0 : i32
    %dma_start3A_70 = tpu.memref_slice %arg7[%dma_start3A_68, %dma_start3A_69] : memref<2x1792xf32, #tpu.memory_space<vmem>> -> memref<1x1792xf32, #tpu.memory_space<vmem>>
    %dma_start3A_71 = tpu.memref_squeeze %dma_start3A_70 : memref<1x1792xf32, #tpu.memory_space<vmem>> -> memref<1792xf32, #tpu.memory_space<vmem>>
    %dma_start3A_72 = tpu.memref_slice %arg2[%mul3A_67] : memref<10321920xf32, #tpu.memory_space<hbm>> -> memref<1792xf32, #tpu.memory_space<hbm>>
    %dma_start3A_73 = arith.constant 0 : i32
    %dma_start3A_74 = tpu.memref_slice %arg7[%dma_start3A_68, %dma_start3A_73] : memref<2x1792xf32, #tpu.memory_space<vmem>> -> memref<1x1792xf32, #tpu.memory_space<vmem>>
    %dma_start3A_75 = tpu.memref_squeeze %dma_start3A_74 : memref<1x1792xf32, #tpu.memory_space<vmem>> -> memref<1792xf32, #tpu.memory_space<vmem>>
    %dma_start3A_76 = tpu.memref_slice %arg2[%mul3A_67] : memref<10321920xf32, #tpu.memory_space<hbm>> -> memref<1792xf32, #tpu.memory_space<hbm>>
    tpu.enqueue_dma source(%dma_start3A_76 : memref<1792xf32, #tpu.memory_space<hbm>>) target(%dma_start3A_75 : memref<1792xf32, #tpu.memory_space<vmem>>) target_semaphore(%arg9 : memref<!tpu.dma_semaphore, #tpu.memory_space<semaphore_mem>>)
    %add3A_77 = arith.constant 0 : i32
    %add3A_78 = arith.addi %add3A_61, %add3A_77 : i32
    %mul3A_79 = arith.constant 112 : i32
    %mul3A_80 = arith.muli %add3A_78, %mul3A_79 : i32
    %dma_start3A_81 = arith.constant 0 : i32
    %dma_start3A_82 = arith.constant 0 : i32
    %dma_start3A_83 = tpu.memref_slice %arg8[%dma_start3A_81, %dma_start3A_82] : memref<2x112xi32, #tpu.memory_space<vmem>> -> memref<1x112xi32, #tpu.memory_space<vmem>>
    %dma_start3A_84 = tpu.memref_squeeze %dma_start3A_83 : memref<1x112xi32, #tpu.memory_space<vmem>> -> memref<112xi32, #tpu.memory_space<vmem>>
    %dma_start3A_85 = tpu.memref_slice %arg3[%mul3A_80] : memref<645120xi32, #tpu.memory_space<hbm>> -> memref<112xi32, #tpu.memory_space<hbm>>
    %dma_start3A_86 = arith.constant 0 : i32
    %dma_start3A_87 = tpu.memref_slice %arg8[%dma_start3A_81, %dma_start3A_86] : memref<2x112xi32, #tpu.memory_space<vmem>> -> memref<1x112xi32, #tpu.memory_space<vmem>>
    %dma_start3A_88 = tpu.memref_squeeze %dma_start3A_87 : memref<1x112xi32, #tpu.memory_space<vmem>> -> memref<112xi32, #tpu.memory_space<vmem>>
    %dma_start3A_89 = tpu.memref_slice %arg3[%mul3A_80] : memref<645120xi32, #tpu.memory_space<hbm>> -> memref<112xi32, #tpu.memory_space<hbm>>
    tpu.enqueue_dma source(%dma_start3A_89 : memref<112xi32, #tpu.memory_space<hbm>>) target(%dma_start3A_88 : memref<112xi32, #tpu.memory_space<vmem>>) target_semaphore(%arg9 : memref<!tpu.dma_semaphore, #tpu.memory_space<semaphore_mem>>)
    %scan3A_90 = arith.constant 0 : i32
    %scan3A_91 = arith.constant 0 : i32
    %scan3A_92 = arith.constant 45 : i32
    %scan3A_93 = arith.addi %scan3A_91, %scan3A_92 : i32
    %scan3A_94 = arith.constant 1 : i32
    %scan3A_95 = scf.for %scan3A_102 = %scan3A_91 to %scan3A_93 step %scan3A_94 iter_args(%scan3A_103 = %scan3A_90) -> (i32)  : i32 {
      %mul3A_104 = arith.constant 2 : i32
      %mul3A_105 = arith.muli %mul3A_104, %scan3A_102 : i32
      %add3A_106 = arith.constant 1 : i32
      %add3A_107 = arith.addi %mul3A_105, %add3A_106 : i32
      %add3A_108 = arith.addi %add3A_61, %add3A_107 : i32
      %mul3A_109 = arith.constant 112 : i32
      %mul3A_110 = arith.muli %add3A_108, %mul3A_109 : i32
      %mul3A_111 = arith.constant 16 : i32
      %mul3A_112 = arith.muli %mul3A_110, %mul3A_111 : i32
      %dma_start3A_113 = arith.constant 1 : i32
      %dma_start3A_114 = arith.constant 0 : i32
      %dma_start3A_115 = tpu.memref_slice %arg7[%dma_start3A_113, %dma_start3A_114] : memref<2x1792xf32, #tpu.memory_space<vmem>> -> memref<1x1792xf32, #tpu.memory_space<vmem>>
      %dma_start3A_116 = tpu.memref_squeeze %dma_start3A_115 : memref<1x1792xf32, #tpu.memory_space<vmem>> -> memref<1792xf32, #tpu.memory_space<vmem>>
      %dma_start3A_117 = tpu.memref_slice %arg2[%mul3A_112] : memref<10321920xf32, #tpu.memory_space<hbm>> -> memref<1792xf32, #tpu.memory_space<hbm>>
      %dma_start3A_118 = arith.constant 0 : i32
      %dma_start3A_119 = tpu.memref_slice %arg7[%dma_start3A_113, %dma_start3A_118] : memref<2x1792xf32, #tpu.memory_space<vmem>> -> memref<1x1792xf32, #tpu.memory_space<vmem>>
      %dma_start3A_120 = tpu.memref_squeeze %dma_start3A_119 : memref<1x1792xf32, #tpu.memory_space<vmem>> -> memref<1792xf32, #tpu.memory_space<vmem>>
      %dma_start3A_121 = tpu.memref_slice %arg2[%mul3A_112] : memref<10321920xf32, #tpu.memory_space<hbm>> -> memref<1792xf32, #tpu.memory_space<hbm>>
      tpu.enqueue_dma source(%dma_start3A_121 : memref<1792xf32, #tpu.memory_space<hbm>>) target(%dma_start3A_120 : memref<1792xf32, #tpu.memory_space<vmem>>) target_semaphore(%arg10 : memref<!tpu.dma_semaphore, #tpu.memory_space<semaphore_mem>>)
      %add3A_122 = arith.addi %add3A_61, %add3A_107 : i32
      %mul3A_123 = arith.constant 112 : i32
      %mul3A_124 = arith.muli %add3A_122, %mul3A_123 : i32
      %dma_start3A_125 = arith.constant 1 : i32
      %dma_start3A_126 = arith.constant 0 : i32
      %dma_start3A_127 = tpu.memref_slice %arg8[%dma_start3A_125, %dma_start3A_126] : memref<2x112xi32, #tpu.memory_space<vmem>> -> memref<1x112xi32, #tpu.memory_space<vmem>>
      %dma_start3A_128 = tpu.memref_squeeze %dma_start3A_127 : memref<1x112xi32, #tpu.memory_space<vmem>> -> memref<112xi32, #tpu.memory_space<vmem>>
      %dma_start3A_129 = tpu.memref_slice %arg3[%mul3A_124] : memref<645120xi32, #tpu.memory_space<hbm>> -> memref<112xi32, #tpu.memory_space<hbm>>
      %dma_start3A_130 = arith.constant 0 : i32
      %dma_start3A_131 = tpu.memref_slice %arg8[%dma_start3A_125, %dma_start3A_130] : memref<2x112xi32, #tpu.memory_space<vmem>> -> memref<1x112xi32, #tpu.memory_space<vmem>>
      %dma_start3A_132 = tpu.memref_squeeze %dma_start3A_131 : memref<1x112xi32, #tpu.memory_space<vmem>> -> memref<112xi32, #tpu.memory_space<vmem>>
      %dma_start3A_133 = tpu.memref_slice %arg3[%mul3A_124] : memref<645120xi32, #tpu.memory_space<hbm>> -> memref<112xi32, #tpu.memory_space<hbm>>
      tpu.enqueue_dma source(%dma_start3A_133 : memref<112xi32, #tpu.memory_space<hbm>>) target(%dma_start3A_132 : memref<112xi32, #tpu.memory_space<vmem>>) target_semaphore(%arg10 : memref<!tpu.dma_semaphore, #tpu.memory_space<semaphore_mem>>)
      %dma_wait3A = arith.constant 0 : i32
      %dma_wait3A_134 = arith.constant 0 : i32
      %dma_wait3A_135 = tpu.memref_slice %arg7[%dma_wait3A, %dma_wait3A_134] : memref<2x1792xf32, #tpu.memory_space<vmem>> -> memref<1x1792xf32, #tpu.memory_space<vmem>>
      %dma_wait3A_136 = tpu.memref_squeeze %dma_wait3A_135 : memref<1x1792xf32, #tpu.memory_space<vmem>> -> memref<1792xf32, #tpu.memory_space<vmem>>
      %dma_wait3A_137 = arith.constant 0 : i32
      %dma_wait3A_138 = tpu.memref_slice %arg2[%dma_wait3A_137] : memref<10321920xf32, #tpu.memory_space<hbm>> -> memref<1792xf32, #tpu.memory_space<hbm>>
      %dma_wait3A_139 = arith.constant 0 : i32
      %dma_wait3A_140 = tpu.memref_slice %arg7[%dma_wait3A, %dma_wait3A_139] : memref<2x1792xf32, #tpu.memory_space<vmem>> -> memref<1x1792xf32, #tpu.memory_space<vmem>>
      %dma_wait3A_141 = tpu.memref_squeeze %dma_wait3A_140 : memref<1x1792xf32, #tpu.memory_space<vmem>> -> memref<1792xf32, #tpu.memory_space<vmem>>
      %dma_wait3A_142 = arith.constant 0 : i32
      %dma_wait3A_143 = tpu.memref_slice %arg2[%dma_wait3A_142] : memref<10321920xf32, #tpu.memory_space<hbm>> -> memref<1792xf32, #tpu.memory_space<hbm>>
      tpu.wait_dma2 semaphore(%arg9 : memref<!tpu.dma_semaphore, #tpu.memory_space<semaphore_mem>>) src(%dma_wait3A_143 : memref<1792xf32, #tpu.memory_space<hbm>>) dst(%dma_wait3A_141 : memref<1792xf32, #tpu.memory_space<vmem>>)
      %dma_wait3A_144 = arith.constant 0 : i32
      %dma_wait3A_145 = arith.constant 0 : i32
      %dma_wait3A_146 = tpu.memref_slice %arg8[%dma_wait3A_144, %dma_wait3A_145] : memref<2x112xi32, #tpu.memory_space<vmem>> -> memref<1x112xi32, #tpu.memory_space<vmem>>
      %dma_wait3A_147 = tpu.memref_squeeze %dma_wait3A_146 : memref<1x112xi32, #tpu.memory_space<vmem>> -> memref<112xi32, #tpu.memory_space<vmem>>
      %dma_wait3A_148 = arith.constant 0 : i32
      %dma_wait3A_149 = tpu.memref_slice %arg3[%dma_wait3A_148] : memref<645120xi32, #tpu.memory_space<hbm>> -> memref<112xi32, #tpu.memory_space<hbm>>
      %dma_wait3A_150 = arith.constant 0 : i32
      %dma_wait3A_151 = tpu.memref_slice %arg8[%dma_wait3A_144, %dma_wait3A_150] : memref<2x112xi32, #tpu.memory_space<vmem>> -> memref<1x112xi32, #tpu.memory_space<vmem>>
      %dma_wait3A_152 = tpu.memref_squeeze %dma_wait3A_151 : memref<1x112xi32, #tpu.memory_space<vmem>> -> memref<112xi32, #tpu.memory_space<vmem>>
      %dma_wait3A_153 = arith.constant 0 : i32
      %dma_wait3A_154 = tpu.memref_slice %arg3[%dma_wait3A_153] : memref<645120xi32, #tpu.memory_space<hbm>> -> memref<112xi32, #tpu.memory_space<hbm>>
      tpu.wait_dma2 semaphore(%arg9 : memref<!tpu.dma_semaphore, #tpu.memory_space<semaphore_mem>>) src(%dma_wait3A_154 : memref<112xi32, #tpu.memory_space<hbm>>) dst(%dma_wait3A_152 : memref<112xi32, #tpu.memory_space<vmem>>)
      %scan3A_155 = arith.constant 0 : i32
      %scan3A_156 = arith.constant 0 : i32
      %scan3A_157 = arith.constant 112 : i32
      %scan3A_158 = arith.addi %scan3A_156, %scan3A_157 : i32
      %scan3A_159 = arith.constant 1 : i32
      %scan3A_160 = scf.for %scan3A_201 = %scan3A_156 to %scan3A_158 step %scan3A_159 iter_args(%scan3A_202 = %scan3A_155) -> (i32)  : i32 {
        %mul3A_203 = arith.constant 16 : i32
        %mul3A_204 = arith.muli %mul3A_203, %scan3A_201 : i32
        %get3A = arith.constant 0 : i32
        %get3A_205 = arith.index_cast %get3A : i32 to index
        %get3A_206 = arith.index_cast %mul3A_204 : i32 to index
        %get3A_207 = tpu.vector_load %arg7[%get3A_205, %get3A_206] {strides = array<i32>} : memref<2x1792xf32, #tpu.memory_space<vmem>>, vector<1x16xf32>,
        %get3A_208 = vector.shape_cast %get3A_207 : vector<1x16xf32> to vector<16xf32>
        %swap3A = arith.index_cast %scan3A_201 : i32 to index
        %swap3A_209 = arith.constant 0 : index
        %swap3A_210 = tpu.vector_load %arg6[%swap3A, %swap3A_209] {strides = array<i32>} : memref<112x128xf32, #tpu.memory_space<vmem>>, vector<1x16xf32>,
        %swap3A_211 = vector.shape_cast %swap3A_210 : vector<1x16xf32> to vector<16xf32>
        %swap3A_212 = vector.shape_cast %get3A_208 : vector<16xf32> to vector<1x16xf32>
        tpu.vector_store %arg6[%swap3A, %swap3A_209], %swap3A_212 {strides = array<i32>} : memref<112x128xf32, #tpu.memory_space<vmem>>, vector<1x16xf32>,
        %scan3A_213 = arith.constant 0 : i32
        scf.yield %scan3A_213 : i32
      }
      %scan3A_161 = arith.constant 112 : i32
      %run_scoped3A = arith.constant 0 : i32
      "tpu.region"() ({
        %run_scoped3A_201 = tpu.sem_alloc : memref<!tpu.dma_semaphore, #tpu.memory_space<semaphore_mem>>
        %dma_start3A_202 = arith.constant 0 : i32
        %dma_start3A_203 = tpu.memref_slice %arg8[%run_scoped3A, %dma_start3A_202] : memref<2x112xi32, #tpu.memory_space<vmem>> -> memref<1x112xi32, #tpu.memory_space<vmem>>
        %dma_start3A_204 = tpu.memref_squeeze %dma_start3A_203 : memref<1x112xi32, #tpu.memory_space<vmem>> -> memref<112xi32, #tpu.memory_space<vmem>>
        %dma_start3A_205 = arith.constant 0 : i32
        %dma_start3A_206 = arith.constant 0 : i32
        %dma_start3A_207 = tpu.memref_slice %arg5[%dma_start3A_205, %dma_start3A_206] : memref<10112x128xf32, #tpu.memory_space<vmem_shared>> -> memref<10112x128xf32, #tpu.memory_space<vmem_shared>>
        tpu.enqueue_indirect_dma source(%arg6 : memref<112x128xf32, #tpu.memory_space<vmem>>) target(%dma_start3A_207 : memref<10112x128xf32, #tpu.memory_space<vmem_shared>>) offsets(%dma_start3A_204 : memref<112xi32, #tpu.memory_space<vmem>>) semaphore(%run_scoped3A_201 : memref<!tpu.dma_semaphore, #tpu.memory_space<semaphore_mem>>) {add = true}
        %dma_wait3A_208 = arith.constant 0 : i32
        %dma_wait3A_209 = tpu.memref_slice %arg8[%run_scoped3A, %dma_wait3A_208] : memref<2x112xi32, #tpu.memory_space<vmem>> -> memref<1x112xi32, #tpu.memory_space<vmem>>
        %dma_wait3A_210 = tpu.memref_squeeze %dma_wait3A_209 : memref<1x112xi32, #tpu.memory_space<vmem>> -> memref<112xi32, #tpu.memory_space<vmem>>
        %dma_wait3A_211 = arith.constant 0 : i32
        %dma_wait3A_212 = arith.constant 0 : i32
        %dma_wait3A_213 = tpu.memref_slice %arg5[%dma_wait3A_211, %dma_wait3A_212] : memref<10112x128xf32, #tpu.memory_space<vmem_shared>> -> memref<10112x128xf32, #tpu.memory_space<vmem_shared>>
        tpu.wait_indirect_dma semaphore(%run_scoped3A_201 : memref<!tpu.dma_semaphore, #tpu.memory_space<semaphore_mem>>) src(%arg6 : memref<112x128xf32, #tpu.memory_space<vmem>>) dst(%dma_wait3A_213 : memref<10112x128xf32, #tpu.memory_space<vmem_shared>>)
        tpu.yield
      }) : () -> ()
      %add3A_162 = arith.constant 1 : i32
      %add3A_163 = arith.addi %scan3A_102, %add3A_162 : i32
      %lt3A = arith.constant 45 : i32
      %lt3A_164 = arith.cmpi slt, %add3A_163, %lt3A : i32
      %convert_element_type3A_165 = arith.extui %lt3A_164 : i1 to i32
      %cond3A_166 = arith.constant 0 : i32
      %cond3A_167 = arith.cmpi ne, %convert_element_type3A_165, %cond3A_166 : i32
      scf.if %cond3A_167 {
        %add3A_201 = arith.constant 2 : i32
        %add3A_202 = arith.addi %mul3A_105, %add3A_201 : i32
        %add3A_203 = arith.addi %add3A_61, %add3A_202 : i32
        %mul3A_204 = arith.constant 112 : i32
        %mul3A_205 = arith.muli %add3A_203, %mul3A_204 : i32
        %mul3A_206 = arith.constant 16 : i32
        %mul3A_207 = arith.muli %mul3A_205, %mul3A_206 : i32
        %dma_start3A_208 = arith.constant 0 : i32
        %dma_start3A_209 = arith.constant 0 : i32
        %dma_start3A_210 = tpu.memref_slice %arg7[%dma_start3A_208, %dma_start3A_209] : memref<2x1792xf32, #tpu.memory_space<vmem>> -> memref<1x1792xf32, #tpu.memory_space<vmem>>
        %dma_start3A_211 = tpu.memref_squeeze %dma_start3A_210 : memref<1x1792xf32, #tpu.memory_space<vmem>> -> memref<1792xf32, #tpu.memory_space<vmem>>
        %dma_start3A_212 = tpu.memref_slice %arg2[%mul3A_207] : memref<10321920xf32, #tpu.memory_space<hbm>> -> memref<1792xf32, #tpu.memory_space<hbm>>
        %dma_start3A_213 = arith.constant 0 : i32
        %dma_start3A_214 = tpu.memref_slice %arg7[%dma_start3A_208, %dma_start3A_213] : memref<2x1792xf32, #tpu.memory_space<vmem>> -> memref<1x1792xf32, #tpu.memory_space<vmem>>
        %dma_start3A_215 = tpu.memref_squeeze %dma_start3A_214 : memref<1x1792xf32, #tpu.memory_space<vmem>> -> memref<1792xf32, #tpu.memory_space<vmem>>
        %dma_start3A_216 = tpu.memref_slice %arg2[%mul3A_207] : memref<10321920xf32, #tpu.memory_space<hbm>> -> memref<1792xf32, #tpu.memory_space<hbm>>
        tpu.enqueue_dma source(%dma_start3A_216 : memref<1792xf32, #tpu.memory_space<hbm>>) target(%dma_start3A_215 : memref<1792xf32, #tpu.memory_space<vmem>>) target_semaphore(%arg9 : memref<!tpu.dma_semaphore, #tpu.memory_space<semaphore_mem>>)
        %add3A_217 = arith.addi %add3A_61, %add3A_202 : i32
        %mul3A_218 = arith.constant 112 : i32
        %mul3A_219 = arith.muli %add3A_217, %mul3A_218 : i32
        %dma_start3A_220 = arith.constant 0 : i32
        %dma_start3A_221 = arith.constant 0 : i32
        %dma_start3A_222 = tpu.memref_slice %arg8[%dma_start3A_220, %dma_start3A_221] : memref<2x112xi32, #tpu.memory_space<vmem>> -> memref<1x112xi32, #tpu.memory_space<vmem>>
        %dma_start3A_223 = tpu.memref_squeeze %dma_start3A_222 : memref<1x112xi32, #tpu.memory_space<vmem>> -> memref<112xi32, #tpu.memory_space<vmem>>
        %dma_start3A_224 = tpu.memref_slice %arg3[%mul3A_219] : memref<645120xi32, #tpu.memory_space<hbm>> -> memref<112xi32, #tpu.memory_space<hbm>>
        %dma_start3A_225 = arith.constant 0 : i32
        %dma_start3A_226 = tpu.memref_slice %arg8[%dma_start3A_220, %dma_start3A_225] : memref<2x112xi32, #tpu.memory_space<vmem>> -> memref<1x112xi32, #tpu.memory_space<vmem>>
        %dma_start3A_227 = tpu.memref_squeeze %dma_start3A_226 : memref<1x112xi32, #tpu.memory_space<vmem>> -> memref<112xi32, #tpu.memory_space<vmem>>
        %dma_start3A_228 = tpu.memref_slice %arg3[%mul3A_219] : memref<645120xi32, #tpu.memory_space<hbm>> -> memref<112xi32, #tpu.memory_space<hbm>>
        tpu.enqueue_dma source(%dma_start3A_228 : memref<112xi32, #tpu.memory_space<hbm>>) target(%dma_start3A_227 : memref<112xi32, #tpu.memory_space<vmem>>) target_semaphore(%arg9 : memref<!tpu.dma_semaphore, #tpu.memory_space<semaphore_mem>>)
      } else {
      }
      %dma_wait3A_168 = arith.constant 1 : i32
      %dma_wait3A_169 = arith.constant 0 : i32
      %dma_wait3A_170 = tpu.memref_slice %arg7[%dma_wait3A_168, %dma_wait3A_169] : memref<2x1792xf32, #tpu.memory_space<vmem>> -> memref<1x1792xf32, #tpu.memory_space<vmem>>
      %dma_wait3A_171 = tpu.memref_squeeze %dma_wait3A_170 : memref<1x1792xf32, #tpu.memory_space<vmem>> -> memref<1792xf32, #tpu.memory_space<vmem>>
      %dma_wait3A_172 = arith.constant 0 : i32
      %dma_wait3A_173 = tpu.memref_slice %arg2[%dma_wait3A_172] : memref<10321920xf32, #tpu.memory_space<hbm>> -> memref<1792xf32, #tpu.memory_space<hbm>>
      %dma_wait3A_174 = arith.constant 0 : i32
      %dma_wait3A_175 = tpu.memref_slice %arg7[%dma_wait3A_168, %dma_wait3A_174] : memref<2x1792xf32, #tpu.memory_space<vmem>> -> memref<1x1792xf32, #tpu.memory_space<vmem>>
      %dma_wait3A_176 = tpu.memref_squeeze %dma_wait3A_175 : memref<1x1792xf32, #tpu.memory_space<vmem>> -> memref<1792xf32, #tpu.memory_space<vmem>>
      %dma_wait3A_177 = arith.constant 0 : i32
      %dma_wait3A_178 = tpu.memref_slice %arg2[%dma_wait3A_177] : memref<10321920xf32, #tpu.memory_space<hbm>> -> memref<1792xf32, #tpu.memory_space<hbm>>
      tpu.wait_dma2 semaphore(%arg10 : memref<!tpu.dma_semaphore, #tpu.memory_space<semaphore_mem>>) src(%dma_wait3A_178 : memref<1792xf32, #tpu.memory_space<hbm>>) dst(%dma_wait3A_176 : memref<1792xf32, #tpu.memory_space<vmem>>)
      %dma_wait3A_179 = arith.constant 1 : i32
      %dma_wait3A_180 = arith.constant 0 : i32
      %dma_wait3A_181 = tpu.memref_slice %arg8[%dma_wait3A_179, %dma_wait3A_180] : memref<2x112xi32, #tpu.memory_space<vmem>> -> memref<1x112xi32, #tpu.memory_space<vmem>>
      %dma_wait3A_182 = tpu.memref_squeeze %dma_wait3A_181 : memref<1x112xi32, #tpu.memory_space<vmem>> -> memref<112xi32, #tpu.memory_space<vmem>>
      %dma_wait3A_183 = arith.constant 0 : i32
      %dma_wait3A_184 = tpu.memref_slice %arg3[%dma_wait3A_183] : memref<645120xi32, #tpu.memory_space<hbm>> -> memref<112xi32, #tpu.memory_space<hbm>>
      %dma_wait3A_185 = arith.constant 0 : i32
      %dma_wait3A_186 = tpu.memref_slice %arg8[%dma_wait3A_179, %dma_wait3A_185] : memref<2x112xi32, #tpu.memory_space<vmem>> -> memref<1x112xi32, #tpu.memory_space<vmem>>
      %dma_wait3A_187 = tpu.memref_squeeze %dma_wait3A_186 : memref<1x112xi32, #tpu.memory_space<vmem>> -> memref<112xi32, #tpu.memory_space<vmem>>
      %dma_wait3A_188 = arith.constant 0 : i32
      %dma_wait3A_189 = tpu.memref_slice %arg3[%dma_wait3A_188] : memref<645120xi32, #tpu.memory_space<hbm>> -> memref<112xi32, #tpu.memory_space<hbm>>
      tpu.wait_dma2 semaphore(%arg10 : memref<!tpu.dma_semaphore, #tpu.memory_space<semaphore_mem>>) src(%dma_wait3A_189 : memref<112xi32, #tpu.memory_space<hbm>>) dst(%dma_wait3A_187 : memref<112xi32, #tpu.memory_space<vmem>>)
      %add3A_190 = arith.constant 1 : i32
      %add3A_191 = arith.addi %mul3A_105, %add3A_190 : i32
      %scan3A_192 = arith.constant 0 : i32
      %scan3A_193 = arith.constant 0 : i32
      %scan3A_194 = arith.constant 112 : i32
      %scan3A_195 = arith.addi %scan3A_193, %scan3A_194 : i32
      %scan3A_196 = arith.constant 1 : i32
      %scan3A_197 = scf.for %scan3A_201 = %scan3A_193 to %scan3A_195 step %scan3A_196 iter_args(%scan3A_202 = %scan3A_192) -> (i32)  : i32 {
        %mul3A_203 = arith.constant 16 : i32
        %mul3A_204 = arith.muli %mul3A_203, %scan3A_201 : i32
        %get3A = arith.constant 1 : i32
        %get3A_205 = arith.index_cast %get3A : i32 to index
        %get3A_206 = arith.index_cast %mul3A_204 : i32 to index
        %get3A_207 = tpu.vector_load %arg7[%get3A_205, %get3A_206] {strides = array<i32>} : memref<2x1792xf32, #tpu.memory_space<vmem>>, vector<1x16xf32>,
        %get3A_208 = vector.shape_cast %get3A_207 : vector<1x16xf32> to vector<16xf32>
        %swap3A = arith.index_cast %scan3A_201 : i32 to index
        %swap3A_209 = arith.constant 0 : index
        %swap3A_210 = tpu.vector_load %arg6[%swap3A, %swap3A_209] {strides = array<i32>} : memref<112x128xf32, #tpu.memory_space<vmem>>, vector<1x16xf32>,
        %swap3A_211 = vector.shape_cast %swap3A_210 : vector<1x16xf32> to vector<16xf32>
        %swap3A_212 = vector.shape_cast %get3A_208 : vector<16xf32> to vector<1x16xf32>
        tpu.vector_store %arg6[%swap3A, %swap3A_209], %swap3A_212 {strides = array<i32>} : memref<112x128xf32, #tpu.memory_space<vmem>>, vector<1x16xf32>,
        %scan3A_213 = arith.constant 0 : i32
        scf.yield %scan3A_213 : i32
      }
      %scan3A_198 = arith.constant 112 : i32
      %run_scoped3A_199 = arith.constant 1 : i32
      "tpu.region"() ({
        %run_scoped3A_201 = tpu.sem_alloc : memref<!tpu.dma_semaphore, #tpu.memory_space<semaphore_mem>>
        %dma_start3A_202 = arith.constant 0 : i32
        %dma_start3A_203 = tpu.memref_slice %arg8[%run_scoped3A_199, %dma_start3A_202] : memref<2x112xi32, #tpu.memory_space<vmem>> -> memref<1x112xi32, #tpu.memory_space<vmem>>
        %dma_start3A_204 = tpu.memref_squeeze %dma_start3A_203 : memref<1x112xi32, #tpu.memory_space<vmem>> -> memref<112xi32, #tpu.memory_space<vmem>>
        %dma_start3A_205 = arith.constant 0 : i32
        %dma_start3A_206 = arith.constant 0 : i32
        %dma_start3A_207 = tpu.memref_slice %arg5[%dma_start3A_205, %dma_start3A_206] : memref<10112x128xf32, #tpu.memory_space<vmem_shared>> -> memref<10112x128xf32, #tpu.memory_space<vmem_shared>>
        tpu.enqueue_indirect_dma source(%arg6 : memref<112x128xf32, #tpu.memory_space<vmem>>) target(%dma_start3A_207 : memref<10112x128xf32, #tpu.memory_space<vmem_shared>>) offsets(%dma_start3A_204 : memref<112xi32, #tpu.memory_space<vmem>>) semaphore(%run_scoped3A_201 : memref<!tpu.dma_semaphore, #tpu.memory_space<semaphore_mem>>) {add = true}
        %dma_wait3A_208 = arith.constant 0 : i32
        %dma_wait3A_209 = tpu.memref_slice %arg8[%run_scoped3A_199, %dma_wait3A_208] : memref<2x112xi32, #tpu.memory_space<vmem>> -> memref<1x112xi32, #tpu.memory_space<vmem>>
        %dma_wait3A_210 = tpu.memref_squeeze %dma_wait3A_209 : memref<1x112xi32, #tpu.memory_space<vmem>> -> memref<112xi32, #tpu.memory_space<vmem>>
        %dma_wait3A_211 = arith.constant 0 : i32
        %dma_wait3A_212 = arith.constant 0 : i32
        %dma_wait3A_213 = tpu.memref_slice %arg5[%dma_wait3A_211, %dma_wait3A_212] : memref<10112x128xf32, #tpu.memory_space<vmem_shared>> -> memref<10112x128xf32, #tpu.memory_space<vmem_shared>>
        tpu.wait_indirect_dma semaphore(%run_scoped3A_201 : memref<!tpu.dma_semaphore, #tpu.memory_space<semaphore_mem>>) src(%arg6 : memref<112x128xf32, #tpu.memory_space<vmem>>) dst(%dma_wait3A_213 : memref<10112x128xf32, #tpu.memory_space<vmem_shared>>)
        tpu.yield
      }) : () -> ()
      %scan3A_200 = arith.constant 0 : i32
      scf.yield %scan3A_200 : i32
    }
    %scan3A_96 = arith.constant 45 : i32
    %barrier3A_97 = arith.constant 0 : index
    tpu.barrier barrier_id(%barrier3A_97)
    %mul3A_98 = arith.constant 624 : i32
    %mul3A_99 = arith.muli %arg1, %mul3A_98 : i32
    "tpu.region"() ({
      %run_scoped3A = tpu.sem_alloc : memref<!tpu.dma_semaphore, #tpu.memory_space<semaphore_mem>>
      %dma_start3A_102 = arith.constant 0 : i32
      %dma_start3A_103 = tpu.memref_slice %arg4[%arg0, %mul3A_99, %dma_start3A_102] : memref<2x10000x128xf32, #tpu.memory_space<hbm>> -> memref<1x624x128xf32, #tpu.memory_space<hbm>>
      %dma_start3A_104 = tpu.memref_squeeze %dma_start3A_103 : memref<1x624x128xf32, #tpu.memory_space<hbm>> -> memref<624x128xf32, #tpu.memory_space<hbm>>
      %dma_start3A_105 = arith.constant 0 : i32
      %dma_start3A_106 = tpu.memref_slice %arg5[%mul3A_99, %dma_start3A_105] : memref<10112x128xf32, #tpu.memory_space<vmem_shared>> -> memref<624x128xf32, #tpu.memory_space<vmem_shared>>
      tpu.enqueue_dma source(%dma_start3A_106 : memref<624x128xf32, #tpu.memory_space<vmem_shared>>) target(%dma_start3A_104 : memref<624x128xf32, #tpu.memory_space<hbm>>) target_semaphore(%run_scoped3A : memref<!tpu.dma_semaphore, #tpu.memory_space<semaphore_mem>>)
      %dma_wait3A = arith.constant 0 : i32
      %dma_wait3A_107 = tpu.memref_slice %arg4[%arg0, %mul3A_99, %dma_wait3A] : memref<2x10000x128xf32, #tpu.memory_space<hbm>> -> memref<1x624x128xf32, #tpu.memory_space<hbm>>
      %dma_wait3A_108 = tpu.memref_squeeze %dma_wait3A_107 : memref<1x624x128xf32, #tpu.memory_space<hbm>> -> memref<624x128xf32, #tpu.memory_space<hbm>>
      %dma_wait3A_109 = arith.constant 0 : i32
      %dma_wait3A_110 = tpu.memref_slice %arg5[%mul3A_99, %dma_wait3A_109] : memref<10112x128xf32, #tpu.memory_space<vmem_shared>> -> memref<624x128xf32, #tpu.memory_space<vmem_shared>>
      tpu.wait_dma2 semaphore(%run_scoped3A : memref<!tpu.dma_semaphore, #tpu.memory_space<semaphore_mem>>) src(%dma_wait3A_110 : memref<624x128xf32, #tpu.memory_space<vmem_shared>>) dst(%dma_wait3A_108 : memref<624x128xf32, #tpu.memory_space<hbm>>)
      tpu.yield
    }) : () -> ()
    %eq3A = arith.constant 0 : i32
    %eq3A_100 = arith.cmpi eq, %arg1, %eq3A : i32
    %convert_element_type3A = arith.extui %eq3A_100 : i1 to i32
    %cond3A = arith.constant 0 : i32
    %cond3A_101 = arith.cmpi ne, %convert_element_type3A, %cond3A : i32
    scf.if %cond3A_101 {
      "tpu.region"() ({
        %run_scoped3A = tpu.sem_alloc : memref<!tpu.dma_semaphore, #tpu.memory_space<semaphore_mem>>
        %dma_start3A_102 = arith.constant 9984 : i32
        %dma_start3A_103 = arith.constant 0 : i32
        %dma_start3A_104 = tpu.memref_slice %arg4[%arg0, %dma_start3A_102, %dma_start3A_103] : memref<2x10000x128xf32, #tpu.memory_space<hbm>> -> memref<1x16x128xf32, #tpu.memory_space<hbm>>
        %dma_start3A_105 = tpu.memref_squeeze %dma_start3A_104 : memref<1x16x128xf32, #tpu.memory_space<hbm>> -> memref<16x128xf32, #tpu.memory_space<hbm>>
        %dma_start3A_106 = arith.constant 9984 : i32
        %dma_start3A_107 = arith.constant 0 : i32
        %dma_start3A_108 = tpu.memref_slice %arg5[%dma_start3A_106, %dma_start3A_107] : memref<10112x128xf32, #tpu.memory_space<vmem_shared>> -> memref<16x128xf32, #tpu.memory_space<vmem_shared>>
        tpu.enqueue_dma source(%dma_start3A_108 : memref<16x128xf32, #tpu.memory_space<vmem_shared>>) target(%dma_start3A_105 : memref<16x128xf32, #tpu.memory_space<hbm>>) target_semaphore(%run_scoped3A : memref<!tpu.dma_semaphore, #tpu.memory_space<semaphore_mem>>)
        %dma_wait3A = arith.constant 9984 : i32
        %dma_wait3A_109 = arith.constant 0 : i32
        %dma_wait3A_110 = tpu.memref_slice %arg4[%arg0, %dma_wait3A, %dma_wait3A_109] : memref<2x10000x128xf32, #tpu.memory_space<hbm>> -> memref<1x16x128xf32, #tpu.memory_space<hbm>>
        %dma_wait3A_111 = tpu.memref_squeeze %dma_wait3A_110 : memref<1x16x128xf32, #tpu.memory_space<hbm>> -> memref<16x128xf32, #tpu.memory_space<hbm>>
        %dma_wait3A_112 = arith.constant 9984 : i32
        %dma_wait3A_113 = arith.constant 0 : i32
        %dma_wait3A_114 = tpu.memref_slice %arg5[%dma_wait3A_112, %dma_wait3A_113] : memref<10112x128xf32, #tpu.memory_space<vmem_shared>> -> memref<16x128xf32, #tpu.memory_space<vmem_shared>>
        tpu.wait_dma2 semaphore(%run_scoped3A : memref<!tpu.dma_semaphore, #tpu.memory_space<semaphore_mem>>) src(%dma_wait3A_114 : memref<16x128xf32, #tpu.memory_space<vmem_shared>>) dst(%dma_wait3A_111 : memref<16x128xf32, #tpu.memory_space<hbm>>)
        tpu.yield
      }) : () -> ()
    } else {
    }
    return
  }
}

#map = affine_map<(d0, d1) -> (0, 0)>
#map1 = affine_map<(d0, d1) -> (0)>
#map2 = affine_map<(d0, d1) -> (0, 0, 0)>
module attributes {stable_mosaic.version = 14 : i64} {
  func.func @_message_kernel(%arg0: i32, %arg1: i32, %arg2: memref<20000x128xf32, #tpu.memory_space<hbm>>, %arg3: memref<10321920xf32, #tpu.memory_space<hbm>>, %arg4: memref<645120xi32, #tpu.memory_space<hbm>>, %arg5: memref<645120xi32, #tpu.memory_space<hbm>>, %arg6: memref<2x10000x128xf32, #tpu.memory_space<hbm>>, %arg7: memref<10112x128xf32, #tpu.memory_space<vmem_shared>>, %arg8: memref<112x128xf32, #tpu.memory_space<vmem>>, %arg9: memref<1792xf32, #tpu.memory_space<vmem>>, %arg10: memref<112xi32, #tpu.memory_space<vmem>>, %arg11: memref<112xi32, #tpu.memory_space<vmem>>, %arg12: memref<!tpu.dma_semaphore, #tpu.memory_space<semaphore_mem>>) attributes {dimension_semantics = [#tpu.dimension_semantics<core_parallel>, #tpu.dimension_semantics<subcore_parallel>], iteration_bounds = array<i64: 2, 16>, scalar_prefetch = 0 : i64, scratch_operands = 6 : i64, tpu.core_type = #tpu.core_type<sc_vector_subcore>, window_params = [{transform_indices = #map}, {transform_indices = #map1}, {transform_indices = #map1}, {transform_indices = #map1}, {transform_indices = #map2}]} {
    %broadcast_in_dim3A = arith.constant 0.000000e+00 : f32
    %broadcast_in_dim3A_0 = vector.broadcast %broadcast_in_dim3A : f32 to vector<16xf32>
    %scan3A = arith.constant 0 : i32
    %scan3A_1 = arith.constant 0 : i32
    %scan3A_2 = arith.constant 112 : i32
    %scan3A_3 = arith.addi %scan3A_1, %scan3A_2 : i32
    %scan3A_4 = arith.constant 1 : i32
    %scan3A_5 = scf.for %scan3A_36 = %scan3A_1 to %scan3A_3 step %scan3A_4 iter_args(%scan3A_37 = %scan3A) -> (i32)  : i32 {
      %swap3A = arith.index_cast %scan3A_36 : i32 to index
      %swap3A_38 = arith.constant 0 : index
      %swap3A_39 = tpu.vector_load %arg8[%swap3A, %swap3A_38] {strides = array<i32>} : memref<112x128xf32, #tpu.memory_space<vmem>>, vector<1x16xf32>,
      %swap3A_40 = vector.shape_cast %swap3A_39 : vector<1x16xf32> to vector<16xf32>
      %swap3A_41 = vector.shape_cast %broadcast_in_dim3A_0 : vector<16xf32> to vector<1x16xf32>
      tpu.vector_store %arg8[%swap3A, %swap3A_38], %swap3A_41 {strides = array<i32>} : memref<112x128xf32, #tpu.memory_space<vmem>>, vector<1x16xf32>,
      %swap3A_42 = arith.index_cast %scan3A_36 : i32 to index
      %swap3A_43 = arith.constant 16 : index
      %swap3A_44 = tpu.vector_load %arg8[%swap3A_42, %swap3A_43] {strides = array<i32>} : memref<112x128xf32, #tpu.memory_space<vmem>>, vector<1x16xf32>,
      %swap3A_45 = vector.shape_cast %swap3A_44 : vector<1x16xf32> to vector<16xf32>
      %swap3A_46 = vector.shape_cast %broadcast_in_dim3A_0 : vector<16xf32> to vector<1x16xf32>
      tpu.vector_store %arg8[%swap3A_42, %swap3A_43], %swap3A_46 {strides = array<i32>} : memref<112x128xf32, #tpu.memory_space<vmem>>, vector<1x16xf32>,
      %swap3A_47 = arith.index_cast %scan3A_36 : i32 to index
      %swap3A_48 = arith.constant 32 : index
      %swap3A_49 = tpu.vector_load %arg8[%swap3A_47, %swap3A_48] {strides = array<i32>} : memref<112x128xf32, #tpu.memory_space<vmem>>, vector<1x16xf32>,
      %swap3A_50 = vector.shape_cast %swap3A_49 : vector<1x16xf32> to vector<16xf32>
      %swap3A_51 = vector.shape_cast %broadcast_in_dim3A_0 : vector<16xf32> to vector<1x16xf32>
      tpu.vector_store %arg8[%swap3A_47, %swap3A_48], %swap3A_51 {strides = array<i32>} : memref<112x128xf32, #tpu.memory_space<vmem>>, vector<1x16xf32>,
      %swap3A_52 = arith.index_cast %scan3A_36 : i32 to index
      %swap3A_53 = arith.constant 48 : index
      %swap3A_54 = tpu.vector_load %arg8[%swap3A_52, %swap3A_53] {strides = array<i32>} : memref<112x128xf32, #tpu.memory_space<vmem>>, vector<1x16xf32>,
      %swap3A_55 = vector.shape_cast %swap3A_54 : vector<1x16xf32> to vector<16xf32>
      %swap3A_56 = vector.shape_cast %broadcast_in_dim3A_0 : vector<16xf32> to vector<1x16xf32>
      tpu.vector_store %arg8[%swap3A_52, %swap3A_53], %swap3A_56 {strides = array<i32>} : memref<112x128xf32, #tpu.memory_space<vmem>>, vector<1x16xf32>,
      %swap3A_57 = arith.index_cast %scan3A_36 : i32 to index
      %swap3A_58 = arith.constant 64 : index
      %swap3A_59 = tpu.vector_load %arg8[%swap3A_57, %swap3A_58] {strides = array<i32>} : memref<112x128xf32, #tpu.memory_space<vmem>>, vector<1x16xf32>,
      %swap3A_60 = vector.shape_cast %swap3A_59 : vector<1x16xf32> to vector<16xf32>
      %swap3A_61 = vector.shape_cast %broadcast_in_dim3A_0 : vector<16xf32> to vector<1x16xf32>
      tpu.vector_store %arg8[%swap3A_57, %swap3A_58], %swap3A_61 {strides = array<i32>} : memref<112x128xf32, #tpu.memory_space<vmem>>, vector<1x16xf32>,
      %swap3A_62 = arith.index_cast %scan3A_36 : i32 to index
      %swap3A_63 = arith.constant 80 : index
      %swap3A_64 = tpu.vector_load %arg8[%swap3A_62, %swap3A_63] {strides = array<i32>} : memref<112x128xf32, #tpu.memory_space<vmem>>, vector<1x16xf32>,
      %swap3A_65 = vector.shape_cast %swap3A_64 : vector<1x16xf32> to vector<16xf32>
      %swap3A_66 = vector.shape_cast %broadcast_in_dim3A_0 : vector<16xf32> to vector<1x16xf32>
      tpu.vector_store %arg8[%swap3A_62, %swap3A_63], %swap3A_66 {strides = array<i32>} : memref<112x128xf32, #tpu.memory_space<vmem>>, vector<1x16xf32>,
      %swap3A_67 = arith.index_cast %scan3A_36 : i32 to index
      %swap3A_68 = arith.constant 96 : index
      %swap3A_69 = tpu.vector_load %arg8[%swap3A_67, %swap3A_68] {strides = array<i32>} : memref<112x128xf32, #tpu.memory_space<vmem>>, vector<1x16xf32>,
      %swap3A_70 = vector.shape_cast %swap3A_69 : vector<1x16xf32> to vector<16xf32>
      %swap3A_71 = vector.shape_cast %broadcast_in_dim3A_0 : vector<16xf32> to vector<1x16xf32>
      tpu.vector_store %arg8[%swap3A_67, %swap3A_68], %swap3A_71 {strides = array<i32>} : memref<112x128xf32, #tpu.memory_space<vmem>>, vector<1x16xf32>,
      %swap3A_72 = arith.index_cast %scan3A_36 : i32 to index
      %swap3A_73 = arith.constant 112 : index
      %swap3A_74 = tpu.vector_load %arg8[%swap3A_72, %swap3A_73] {strides = array<i32>} : memref<112x128xf32, #tpu.memory_space<vmem>>, vector<1x16xf32>,
      %swap3A_75 = vector.shape_cast %swap3A_74 : vector<1x16xf32> to vector<16xf32>
      %swap3A_76 = vector.shape_cast %broadcast_in_dim3A_0 : vector<16xf32> to vector<1x16xf32>
      tpu.vector_store %arg8[%swap3A_72, %swap3A_73], %swap3A_76 {strides = array<i32>} : memref<112x128xf32, #tpu.memory_space<vmem>>, vector<1x16xf32>,
      %scan3A_77 = arith.constant 0 : i32
      scf.yield %scan3A_77 : i32
    }
    %scan3A_6 = arith.constant 112 : i32
    %mul3A = arith.constant 632 : i32
    %mul3A_7 = arith.muli %arg1, %mul3A : i32
    %add3A = arith.constant 0 : i32
    %add3A_8 = arith.addi %mul3A_7, %add3A : i32
    "tpu.region"() ({
      %run_scoped3A = tpu.sem_alloc : memref<!tpu.dma_semaphore, #tpu.memory_space<semaphore_mem>>
      %dma_start3A = arith.constant 0 : i32
      %dma_start3A_36 = tpu.memref_slice %arg7[%add3A_8, %dma_start3A] : memref<10112x128xf32, #tpu.memory_space<vmem_shared>> -> memref<112x128xf32, #tpu.memory_space<vmem_shared>>
      %dma_start3A_37 = arith.constant 0 : i32
      %dma_start3A_38 = tpu.memref_slice %arg7[%add3A_8, %dma_start3A_37] : memref<10112x128xf32, #tpu.memory_space<vmem_shared>> -> memref<112x128xf32, #tpu.memory_space<vmem_shared>>
      tpu.enqueue_dma source(%arg8 : memref<112x128xf32, #tpu.memory_space<vmem>>) target(%dma_start3A_38 : memref<112x128xf32, #tpu.memory_space<vmem_shared>>) target_semaphore(%run_scoped3A : memref<!tpu.dma_semaphore, #tpu.memory_space<semaphore_mem>>)
      %dma_wait3A = arith.constant 0 : i32
      %dma_wait3A_39 = tpu.memref_slice %arg7[%add3A_8, %dma_wait3A] : memref<10112x128xf32, #tpu.memory_space<vmem_shared>> -> memref<112x128xf32, #tpu.memory_space<vmem_shared>>
      %dma_wait3A_40 = arith.constant 0 : i32
      %dma_wait3A_41 = tpu.memref_slice %arg7[%add3A_8, %dma_wait3A_40] : memref<10112x128xf32, #tpu.memory_space<vmem_shared>> -> memref<112x128xf32, #tpu.memory_space<vmem_shared>>
      tpu.wait_dma2 semaphore(%run_scoped3A : memref<!tpu.dma_semaphore, #tpu.memory_space<semaphore_mem>>) src(%arg8 : memref<112x128xf32, #tpu.memory_space<vmem>>) dst(%dma_wait3A_41 : memref<112x128xf32, #tpu.memory_space<vmem_shared>>)
      tpu.yield
    }) : () -> ()
    %add3A_9 = arith.constant 112 : i32
    %add3A_10 = arith.addi %mul3A_7, %add3A_9 : i32
    "tpu.region"() ({
      %run_scoped3A = tpu.sem_alloc : memref<!tpu.dma_semaphore, #tpu.memory_space<semaphore_mem>>
      %dma_start3A = arith.constant 0 : i32
      %dma_start3A_36 = tpu.memref_slice %arg7[%add3A_10, %dma_start3A] : memref<10112x128xf32, #tpu.memory_space<vmem_shared>> -> memref<112x128xf32, #tpu.memory_space<vmem_shared>>
      %dma_start3A_37 = arith.constant 0 : i32
      %dma_start3A_38 = tpu.memref_slice %arg7[%add3A_10, %dma_start3A_37] : memref<10112x128xf32, #tpu.memory_space<vmem_shared>> -> memref<112x128xf32, #tpu.memory_space<vmem_shared>>
      tpu.enqueue_dma source(%arg8 : memref<112x128xf32, #tpu.memory_space<vmem>>) target(%dma_start3A_38 : memref<112x128xf32, #tpu.memory_space<vmem_shared>>) target_semaphore(%run_scoped3A : memref<!tpu.dma_semaphore, #tpu.memory_space<semaphore_mem>>)
      %dma_wait3A = arith.constant 0 : i32
      %dma_wait3A_39 = tpu.memref_slice %arg7[%add3A_10, %dma_wait3A] : memref<10112x128xf32, #tpu.memory_space<vmem_shared>> -> memref<112x128xf32, #tpu.memory_space<vmem_shared>>
      %dma_wait3A_40 = arith.constant 0 : i32
      %dma_wait3A_41 = tpu.memref_slice %arg7[%add3A_10, %dma_wait3A_40] : memref<10112x128xf32, #tpu.memory_space<vmem_shared>> -> memref<112x128xf32, #tpu.memory_space<vmem_shared>>
      tpu.wait_dma2 semaphore(%run_scoped3A : memref<!tpu.dma_semaphore, #tpu.memory_space<semaphore_mem>>) src(%arg8 : memref<112x128xf32, #tpu.memory_space<vmem>>) dst(%dma_wait3A_41 : memref<112x128xf32, #tpu.memory_space<vmem_shared>>)
      tpu.yield
    }) : () -> ()
    %add3A_11 = arith.constant 224 : i32
    %add3A_12 = arith.addi %mul3A_7, %add3A_11 : i32
    "tpu.region"() ({
      %run_scoped3A = tpu.sem_alloc : memref<!tpu.dma_semaphore, #tpu.memory_space<semaphore_mem>>
      %dma_start3A = arith.constant 0 : i32
      %dma_start3A_36 = tpu.memref_slice %arg7[%add3A_12, %dma_start3A] : memref<10112x128xf32, #tpu.memory_space<vmem_shared>> -> memref<112x128xf32, #tpu.memory_space<vmem_shared>>
      %dma_start3A_37 = arith.constant 0 : i32
      %dma_start3A_38 = tpu.memref_slice %arg7[%add3A_12, %dma_start3A_37] : memref<10112x128xf32, #tpu.memory_space<vmem_shared>> -> memref<112x128xf32, #tpu.memory_space<vmem_shared>>
      tpu.enqueue_dma source(%arg8 : memref<112x128xf32, #tpu.memory_space<vmem>>) target(%dma_start3A_38 : memref<112x128xf32, #tpu.memory_space<vmem_shared>>) target_semaphore(%run_scoped3A : memref<!tpu.dma_semaphore, #tpu.memory_space<semaphore_mem>>)
      %dma_wait3A = arith.constant 0 : i32
      %dma_wait3A_39 = tpu.memref_slice %arg7[%add3A_12, %dma_wait3A] : memref<10112x128xf32, #tpu.memory_space<vmem_shared>> -> memref<112x128xf32, #tpu.memory_space<vmem_shared>>
      %dma_wait3A_40 = arith.constant 0 : i32
      %dma_wait3A_41 = tpu.memref_slice %arg7[%add3A_12, %dma_wait3A_40] : memref<10112x128xf32, #tpu.memory_space<vmem_shared>> -> memref<112x128xf32, #tpu.memory_space<vmem_shared>>
      tpu.wait_dma2 semaphore(%run_scoped3A : memref<!tpu.dma_semaphore, #tpu.memory_space<semaphore_mem>>) src(%arg8 : memref<112x128xf32, #tpu.memory_space<vmem>>) dst(%dma_wait3A_41 : memref<112x128xf32, #tpu.memory_space<vmem_shared>>)
      tpu.yield
    }) : () -> ()
    %add3A_13 = arith.constant 336 : i32
    %add3A_14 = arith.addi %mul3A_7, %add3A_13 : i32
    "tpu.region"() ({
      %run_scoped3A = tpu.sem_alloc : memref<!tpu.dma_semaphore, #tpu.memory_space<semaphore_mem>>
      %dma_start3A = arith.constant 0 : i32
      %dma_start3A_36 = tpu.memref_slice %arg7[%add3A_14, %dma_start3A] : memref<10112x128xf32, #tpu.memory_space<vmem_shared>> -> memref<112x128xf32, #tpu.memory_space<vmem_shared>>
      %dma_start3A_37 = arith.constant 0 : i32
      %dma_start3A_38 = tpu.memref_slice %arg7[%add3A_14, %dma_start3A_37] : memref<10112x128xf32, #tpu.memory_space<vmem_shared>> -> memref<112x128xf32, #tpu.memory_space<vmem_shared>>
      tpu.enqueue_dma source(%arg8 : memref<112x128xf32, #tpu.memory_space<vmem>>) target(%dma_start3A_38 : memref<112x128xf32, #tpu.memory_space<vmem_shared>>) target_semaphore(%run_scoped3A : memref<!tpu.dma_semaphore, #tpu.memory_space<semaphore_mem>>)
      %dma_wait3A = arith.constant 0 : i32
      %dma_wait3A_39 = tpu.memref_slice %arg7[%add3A_14, %dma_wait3A] : memref<10112x128xf32, #tpu.memory_space<vmem_shared>> -> memref<112x128xf32, #tpu.memory_space<vmem_shared>>
      %dma_wait3A_40 = arith.constant 0 : i32
      %dma_wait3A_41 = tpu.memref_slice %arg7[%add3A_14, %dma_wait3A_40] : memref<10112x128xf32, #tpu.memory_space<vmem_shared>> -> memref<112x128xf32, #tpu.memory_space<vmem_shared>>
      tpu.wait_dma2 semaphore(%run_scoped3A : memref<!tpu.dma_semaphore, #tpu.memory_space<semaphore_mem>>) src(%arg8 : memref<112x128xf32, #tpu.memory_space<vmem>>) dst(%dma_wait3A_41 : memref<112x128xf32, #tpu.memory_space<vmem_shared>>)
      tpu.yield
    }) : () -> ()
    %add3A_15 = arith.constant 448 : i32
    %add3A_16 = arith.addi %mul3A_7, %add3A_15 : i32
    "tpu.region"() ({
      %run_scoped3A = tpu.sem_alloc : memref<!tpu.dma_semaphore, #tpu.memory_space<semaphore_mem>>
      %dma_start3A = arith.constant 0 : i32
      %dma_start3A_36 = tpu.memref_slice %arg7[%add3A_16, %dma_start3A] : memref<10112x128xf32, #tpu.memory_space<vmem_shared>> -> memref<112x128xf32, #tpu.memory_space<vmem_shared>>
      %dma_start3A_37 = arith.constant 0 : i32
      %dma_start3A_38 = tpu.memref_slice %arg7[%add3A_16, %dma_start3A_37] : memref<10112x128xf32, #tpu.memory_space<vmem_shared>> -> memref<112x128xf32, #tpu.memory_space<vmem_shared>>
      tpu.enqueue_dma source(%arg8 : memref<112x128xf32, #tpu.memory_space<vmem>>) target(%dma_start3A_38 : memref<112x128xf32, #tpu.memory_space<vmem_shared>>) target_semaphore(%run_scoped3A : memref<!tpu.dma_semaphore, #tpu.memory_space<semaphore_mem>>)
      %dma_wait3A = arith.constant 0 : i32
      %dma_wait3A_39 = tpu.memref_slice %arg7[%add3A_16, %dma_wait3A] : memref<10112x128xf32, #tpu.memory_space<vmem_shared>> -> memref<112x128xf32, #tpu.memory_space<vmem_shared>>
      %dma_wait3A_40 = arith.constant 0 : i32
      %dma_wait3A_41 = tpu.memref_slice %arg7[%add3A_16, %dma_wait3A_40] : memref<10112x128xf32, #tpu.memory_space<vmem_shared>> -> memref<112x128xf32, #tpu.memory_space<vmem_shared>>
      tpu.wait_dma2 semaphore(%run_scoped3A : memref<!tpu.dma_semaphore, #tpu.memory_space<semaphore_mem>>) src(%arg8 : memref<112x128xf32, #tpu.memory_space<vmem>>) dst(%dma_wait3A_41 : memref<112x128xf32, #tpu.memory_space<vmem_shared>>)
      tpu.yield
    }) : () -> ()
    %add3A_17 = arith.constant 560 : i32
    %add3A_18 = arith.addi %mul3A_7, %add3A_17 : i32
    "tpu.region"() ({
      %run_scoped3A = tpu.sem_alloc : memref<!tpu.dma_semaphore, #tpu.memory_space<semaphore_mem>>
      %dma_start3A = arith.constant 0 : i32
      %dma_start3A_36 = arith.constant 0 : i32
      %dma_start3A_37 = tpu.memref_slice %arg8[%dma_start3A, %dma_start3A_36] : memref<112x128xf32, #tpu.memory_space<vmem>> -> memref<72x128xf32, #tpu.memory_space<vmem>>
      %dma_start3A_38 = arith.constant 0 : i32
      %dma_start3A_39 = tpu.memref_slice %arg7[%add3A_18, %dma_start3A_38] : memref<10112x128xf32, #tpu.memory_space<vmem_shared>> -> memref<72x128xf32, #tpu.memory_space<vmem_shared>>
      %dma_start3A_40 = arith.constant 0 : i32
      %dma_start3A_41 = tpu.memref_slice %arg7[%add3A_18, %dma_start3A_40] : memref<10112x128xf32, #tpu.memory_space<vmem_shared>> -> memref<72x128xf32, #tpu.memory_space<vmem_shared>>
      %dma_start3A_42 = arith.constant 0 : i32
      %dma_start3A_43 = arith.constant 0 : i32
      %dma_start3A_44 = tpu.memref_slice %arg8[%dma_start3A_42, %dma_start3A_43] : memref<112x128xf32, #tpu.memory_space<vmem>> -> memref<72x128xf32, #tpu.memory_space<vmem>>
      tpu.enqueue_dma source(%dma_start3A_44 : memref<72x128xf32, #tpu.memory_space<vmem>>) target(%dma_start3A_41 : memref<72x128xf32, #tpu.memory_space<vmem_shared>>) target_semaphore(%run_scoped3A : memref<!tpu.dma_semaphore, #tpu.memory_space<semaphore_mem>>)
      %dma_wait3A = arith.constant 0 : i32
      %dma_wait3A_45 = arith.constant 0 : i32
      %dma_wait3A_46 = tpu.memref_slice %arg8[%dma_wait3A, %dma_wait3A_45] : memref<112x128xf32, #tpu.memory_space<vmem>> -> memref<72x128xf32, #tpu.memory_space<vmem>>
      %dma_wait3A_47 = arith.constant 0 : i32
      %dma_wait3A_48 = tpu.memref_slice %arg7[%add3A_18, %dma_wait3A_47] : memref<10112x128xf32, #tpu.memory_space<vmem_shared>> -> memref<72x128xf32, #tpu.memory_space<vmem_shared>>
      %dma_wait3A_49 = arith.constant 0 : i32
      %dma_wait3A_50 = tpu.memref_slice %arg7[%add3A_18, %dma_wait3A_49] : memref<10112x128xf32, #tpu.memory_space<vmem_shared>> -> memref<72x128xf32, #tpu.memory_space<vmem_shared>>
      %dma_wait3A_51 = arith.constant 0 : i32
      %dma_wait3A_52 = arith.constant 0 : i32
      %dma_wait3A_53 = tpu.memref_slice %arg8[%dma_wait3A_51, %dma_wait3A_52] : memref<112x128xf32, #tpu.memory_space<vmem>> -> memref<72x128xf32, #tpu.memory_space<vmem>>
      tpu.wait_dma2 semaphore(%run_scoped3A : memref<!tpu.dma_semaphore, #tpu.memory_space<semaphore_mem>>) src(%dma_wait3A_53 : memref<72x128xf32, #tpu.memory_space<vmem>>) dst(%dma_wait3A_50 : memref<72x128xf32, #tpu.memory_space<vmem_shared>>)
      tpu.yield
    }) : () -> ()
    %barrier3A = arith.constant 0 : index
    tpu.barrier barrier_id(%barrier3A)
    %mul3A_19 = arith.constant 16 : i32
    %mul3A_20 = arith.muli %arg0, %mul3A_19 : i32
    %add3A_21 = arith.addi %mul3A_20, %arg1 : i32
    %mul3A_22 = arith.constant 180 : i32
    %mul3A_23 = arith.muli %add3A_21, %mul3A_22 : i32
    %scan3A_24 = arith.constant 0 : i32
    %scan3A_25 = arith.constant 0 : i32
    %scan3A_26 = arith.constant 180 : i32
    %scan3A_27 = arith.addi %scan3A_25, %scan3A_26 : i32
    %scan3A_28 = arith.constant 1 : i32
    %scan3A_29 = scf.for %scan3A_36 = %scan3A_25 to %scan3A_27 step %scan3A_28 iter_args(%scan3A_37 = %scan3A_24) -> (i32)  : i32 {
      %add3A_38 = arith.addi %mul3A_23, %scan3A_36 : i32
      %mul3A_39 = arith.constant 112 : i32
      %mul3A_40 = arith.muli %add3A_38, %mul3A_39 : i32
      "tpu.region"() ({
        %run_scoped3A = tpu.sem_alloc : memref<!tpu.dma_semaphore, #tpu.memory_space<semaphore_mem>>
        %dma_start3A_55 = tpu.memref_slice %arg4[%mul3A_40] : memref<645120xi32, #tpu.memory_space<hbm>> -> memref<112xi32, #tpu.memory_space<hbm>>
        %dma_start3A_56 = tpu.memref_slice %arg4[%mul3A_40] : memref<645120xi32, #tpu.memory_space<hbm>> -> memref<112xi32, #tpu.memory_space<hbm>>
        tpu.enqueue_dma source(%dma_start3A_56 : memref<112xi32, #tpu.memory_space<hbm>>) target(%arg10 : memref<112xi32, #tpu.memory_space<vmem>>) target_semaphore(%run_scoped3A : memref<!tpu.dma_semaphore, #tpu.memory_space<semaphore_mem>>)
        %dma_wait3A_57 = tpu.memref_slice %arg4[%mul3A_40] : memref<645120xi32, #tpu.memory_space<hbm>> -> memref<112xi32, #tpu.memory_space<hbm>>
        %dma_wait3A_58 = tpu.memref_slice %arg4[%mul3A_40] : memref<645120xi32, #tpu.memory_space<hbm>> -> memref<112xi32, #tpu.memory_space<hbm>>
        tpu.wait_dma2 semaphore(%run_scoped3A : memref<!tpu.dma_semaphore, #tpu.memory_space<semaphore_mem>>) src(%dma_wait3A_58 : memref<112xi32, #tpu.memory_space<hbm>>) dst(%arg10 : memref<112xi32, #tpu.memory_space<vmem>>)
        tpu.yield
      }) : () -> ()
      "tpu.region"() ({
        %run_scoped3A = tpu.sem_alloc : memref<!tpu.dma_semaphore, #tpu.memory_space<semaphore_mem>>
        %dma_start3A_55 = tpu.memref_slice %arg5[%mul3A_40] : memref<645120xi32, #tpu.memory_space<hbm>> -> memref<112xi32, #tpu.memory_space<hbm>>
        %dma_start3A_56 = tpu.memref_slice %arg5[%mul3A_40] : memref<645120xi32, #tpu.memory_space<hbm>> -> memref<112xi32, #tpu.memory_space<hbm>>
        tpu.enqueue_dma source(%dma_start3A_56 : memref<112xi32, #tpu.memory_space<hbm>>) target(%arg11 : memref<112xi32, #tpu.memory_space<vmem>>) target_semaphore(%run_scoped3A : memref<!tpu.dma_semaphore, #tpu.memory_space<semaphore_mem>>)
        %dma_wait3A_57 = tpu.memref_slice %arg5[%mul3A_40] : memref<645120xi32, #tpu.memory_space<hbm>> -> memref<112xi32, #tpu.memory_space<hbm>>
        %dma_wait3A_58 = tpu.memref_slice %arg5[%mul3A_40] : memref<645120xi32, #tpu.memory_space<hbm>> -> memref<112xi32, #tpu.memory_space<hbm>>
        tpu.wait_dma2 semaphore(%run_scoped3A : memref<!tpu.dma_semaphore, #tpu.memory_space<semaphore_mem>>) src(%dma_wait3A_58 : memref<112xi32, #tpu.memory_space<hbm>>) dst(%arg11 : memref<112xi32, #tpu.memory_space<vmem>>)
        tpu.yield
      }) : () -> ()
      %mul3A_41 = arith.constant 16 : i32
      %mul3A_42 = arith.muli %mul3A_40, %mul3A_41 : i32
      "tpu.region"() ({
        %run_scoped3A = tpu.sem_alloc : memref<!tpu.dma_semaphore, #tpu.memory_space<semaphore_mem>>
        %dma_start3A_55 = tpu.memref_slice %arg3[%mul3A_42] : memref<10321920xf32, #tpu.memory_space<hbm>> -> memref<1792xf32, #tpu.memory_space<hbm>>
        %dma_start3A_56 = tpu.memref_slice %arg3[%mul3A_42] : memref<10321920xf32, #tpu.memory_space<hbm>> -> memref<1792xf32, #tpu.memory_space<hbm>>
        tpu.enqueue_dma source(%dma_start3A_56 : memref<1792xf32, #tpu.memory_space<hbm>>) target(%arg9 : memref<1792xf32, #tpu.memory_space<vmem>>) target_semaphore(%run_scoped3A : memref<!tpu.dma_semaphore, #tpu.memory_space<semaphore_mem>>)
        %dma_wait3A_57 = tpu.memref_slice %arg3[%mul3A_42] : memref<10321920xf32, #tpu.memory_space<hbm>> -> memref<1792xf32, #tpu.memory_space<hbm>>
        %dma_wait3A_58 = tpu.memref_slice %arg3[%mul3A_42] : memref<10321920xf32, #tpu.memory_space<hbm>> -> memref<1792xf32, #tpu.memory_space<hbm>>
        tpu.wait_dma2 semaphore(%run_scoped3A : memref<!tpu.dma_semaphore, #tpu.memory_space<semaphore_mem>>) src(%dma_wait3A_58 : memref<1792xf32, #tpu.memory_space<hbm>>) dst(%arg9 : memref<1792xf32, #tpu.memory_space<vmem>>)
        tpu.yield
      }) : () -> ()
      %dma_start3A = arith.constant 0 : i32
      %dma_start3A_43 = arith.constant 0 : i32
      %dma_start3A_44 = tpu.memref_slice %arg2[%dma_start3A, %dma_start3A_43] : memref<20000x128xf32, #tpu.memory_space<hbm>> -> memref<20000x128xf32, #tpu.memory_space<hbm>>
      tpu.enqueue_indirect_dma source(%dma_start3A_44 : memref<20000x128xf32, #tpu.memory_space<hbm>>) target(%arg8 : memref<112x128xf32, #tpu.memory_space<vmem>>) offsets(%arg10 : memref<112xi32, #tpu.memory_space<vmem>>) semaphore(%arg12 : memref<!tpu.dma_semaphore, #tpu.memory_space<semaphore_mem>>)
      %dma_wait3A = arith.constant 0 : i32
      %dma_wait3A_45 = arith.constant 0 : i32
      %dma_wait3A_46 = tpu.memref_slice %arg2[%dma_wait3A, %dma_wait3A_45] : memref<20000x128xf32, #tpu.memory_space<hbm>> -> memref<20000x128xf32, #tpu.memory_space<hbm>>
      tpu.wait_indirect_dma semaphore(%arg12 : memref<!tpu.dma_semaphore, #tpu.memory_space<semaphore_mem>>) src(%dma_wait3A_46 : memref<20000x128xf32, #tpu.memory_space<hbm>>) dst(%arg8 : memref<112x128xf32, #tpu.memory_space<vmem>>)
      %scan3A_47 = arith.constant 0 : i32
      %scan3A_48 = arith.constant 0 : i32
      %scan3A_49 = arith.constant 112 : i32
      %scan3A_50 = arith.addi %scan3A_48, %scan3A_49 : i32
      %scan3A_51 = arith.constant 1 : i32
      %scan3A_52 = scf.for %scan3A_55 = %scan3A_48 to %scan3A_50 step %scan3A_51 iter_args(%scan3A_56 = %scan3A_47) -> (i32)  : i32 {
        %mul3A_57 = arith.constant 16 : i32
        %mul3A_58 = arith.muli %mul3A_57, %scan3A_55 : i32
        %get3A = arith.index_cast %mul3A_58 : i32 to index
        %get3A_59 = tpu.vector_load %arg9[%get3A] {strides = array<i32>} : memref<1792xf32, #tpu.memory_space<vmem>>, vector<16xf32>,
        %get3A_60 = vector.shape_cast %get3A_59 : vector<16xf32> to vector<16xf32>
        %get3A_61 = arith.index_cast %scan3A_55 : i32 to index
        %get3A_62 = arith.constant 0 : index
        %get3A_63 = tpu.vector_load %arg8[%get3A_61, %get3A_62] {strides = array<i32>} : memref<112x128xf32, #tpu.memory_space<vmem>>, vector<1x16xf32>,
        %get3A_64 = vector.shape_cast %get3A_63 : vector<1x16xf32> to vector<16xf32>
        %slice3A = vector.extract_strided_slice %get3A_60 {offsets = [0], sizes = [1], strides = [1]} : vector<16xf32> to vector<1xf32>
        %squeeze3A = vector.extract %slice3A[0] : f32 from vector<1xf32>
        %mul3A_65 = vector.broadcast %squeeze3A : f32 to vector<16xf32>
        %mul3A_66 = arith.mulf %get3A_64, %mul3A_65 : vector<16xf32>
        %swap3A = arith.index_cast %scan3A_55 : i32 to index
        %swap3A_67 = arith.constant 0 : index
        %swap3A_68 = tpu.vector_load %arg8[%swap3A, %swap3A_67] {strides = array<i32>} : memref<112x128xf32, #tpu.memory_space<vmem>>, vector<1x16xf32>,
        %swap3A_69 = vector.shape_cast %swap3A_68 : vector<1x16xf32> to vector<16xf32>
        %swap3A_70 = vector.shape_cast %mul3A_66 : vector<16xf32> to vector<1x16xf32>
        tpu.vector_store %arg8[%swap3A, %swap3A_67], %swap3A_70 {strides = array<i32>} : memref<112x128xf32, #tpu.memory_space<vmem>>, vector<1x16xf32>,
        %get3A_71 = arith.index_cast %scan3A_55 : i32 to index
        %get3A_72 = arith.constant 16 : index
        %get3A_73 = tpu.vector_load %arg8[%get3A_71, %get3A_72] {strides = array<i32>} : memref<112x128xf32, #tpu.memory_space<vmem>>, vector<1x16xf32>,
        %get3A_74 = vector.shape_cast %get3A_73 : vector<1x16xf32> to vector<16xf32>
        %slice3A_75 = vector.extract_strided_slice %get3A_60 {offsets = [1], sizes = [1], strides = [1]} : vector<16xf32> to vector<1xf32>
        %squeeze3A_76 = vector.extract %slice3A_75[0] : f32 from vector<1xf32>
        %mul3A_77 = vector.broadcast %squeeze3A_76 : f32 to vector<16xf32>
        %mul3A_78 = arith.mulf %get3A_74, %mul3A_77 : vector<16xf32>
        %swap3A_79 = arith.index_cast %scan3A_55 : i32 to index
        %swap3A_80 = arith.constant 16 : index
        %swap3A_81 = tpu.vector_load %arg8[%swap3A_79, %swap3A_80] {strides = array<i32>} : memref<112x128xf32, #tpu.memory_space<vmem>>, vector<1x16xf32>,
        %swap3A_82 = vector.shape_cast %swap3A_81 : vector<1x16xf32> to vector<16xf32>
        %swap3A_83 = vector.shape_cast %mul3A_78 : vector<16xf32> to vector<1x16xf32>
        tpu.vector_store %arg8[%swap3A_79, %swap3A_80], %swap3A_83 {strides = array<i32>} : memref<112x128xf32, #tpu.memory_space<vmem>>, vector<1x16xf32>,
        %get3A_84 = arith.index_cast %scan3A_55 : i32 to index
        %get3A_85 = arith.constant 32 : index
        %get3A_86 = tpu.vector_load %arg8[%get3A_84, %get3A_85] {strides = array<i32>} : memref<112x128xf32, #tpu.memory_space<vmem>>, vector<1x16xf32>,
        %get3A_87 = vector.shape_cast %get3A_86 : vector<1x16xf32> to vector<16xf32>
        %slice3A_88 = vector.extract_strided_slice %get3A_60 {offsets = [2], sizes = [1], strides = [1]} : vector<16xf32> to vector<1xf32>
        %squeeze3A_89 = vector.extract %slice3A_88[0] : f32 from vector<1xf32>
        %mul3A_90 = vector.broadcast %squeeze3A_89 : f32 to vector<16xf32>
        %mul3A_91 = arith.mulf %get3A_87, %mul3A_90 : vector<16xf32>
        %swap3A_92 = arith.index_cast %scan3A_55 : i32 to index
        %swap3A_93 = arith.constant 32 : index
        %swap3A_94 = tpu.vector_load %arg8[%swap3A_92, %swap3A_93] {strides = array<i32>} : memref<112x128xf32, #tpu.memory_space<vmem>>, vector<1x16xf32>,
        %swap3A_95 = vector.shape_cast %swap3A_94 : vector<1x16xf32> to vector<16xf32>
        %swap3A_96 = vector.shape_cast %mul3A_91 : vector<16xf32> to vector<1x16xf32>
        tpu.vector_store %arg8[%swap3A_92, %swap3A_93], %swap3A_96 {strides = array<i32>} : memref<112x128xf32, #tpu.memory_space<vmem>>, vector<1x16xf32>,
        %get3A_97 = arith.index_cast %scan3A_55 : i32 to index
        %get3A_98 = arith.constant 48 : index
        %get3A_99 = tpu.vector_load %arg8[%get3A_97, %get3A_98] {strides = array<i32>} : memref<112x128xf32, #tpu.memory_space<vmem>>, vector<1x16xf32>,
        %get3A_100 = vector.shape_cast %get3A_99 : vector<1x16xf32> to vector<16xf32>
        %slice3A_101 = vector.extract_strided_slice %get3A_60 {offsets = [3], sizes = [1], strides = [1]} : vector<16xf32> to vector<1xf32>
        %squeeze3A_102 = vector.extract %slice3A_101[0] : f32 from vector<1xf32>
        %mul3A_103 = vector.broadcast %squeeze3A_102 : f32 to vector<16xf32>
        %mul3A_104 = arith.mulf %get3A_100, %mul3A_103 : vector<16xf32>
        %swap3A_105 = arith.index_cast %scan3A_55 : i32 to index
        %swap3A_106 = arith.constant 48 : index
        %swap3A_107 = tpu.vector_load %arg8[%swap3A_105, %swap3A_106] {strides = array<i32>} : memref<112x128xf32, #tpu.memory_space<vmem>>, vector<1x16xf32>,
        %swap3A_108 = vector.shape_cast %swap3A_107 : vector<1x16xf32> to vector<16xf32>
        %swap3A_109 = vector.shape_cast %mul3A_104 : vector<16xf32> to vector<1x16xf32>
        tpu.vector_store %arg8[%swap3A_105, %swap3A_106], %swap3A_109 {strides = array<i32>} : memref<112x128xf32, #tpu.memory_space<vmem>>, vector<1x16xf32>,
        %get3A_110 = arith.index_cast %scan3A_55 : i32 to index
        %get3A_111 = arith.constant 64 : index
        %get3A_112 = tpu.vector_load %arg8[%get3A_110, %get3A_111] {strides = array<i32>} : memref<112x128xf32, #tpu.memory_space<vmem>>, vector<1x16xf32>,
        %get3A_113 = vector.shape_cast %get3A_112 : vector<1x16xf32> to vector<16xf32>
        %slice3A_114 = vector.extract_strided_slice %get3A_60 {offsets = [4], sizes = [1], strides = [1]} : vector<16xf32> to vector<1xf32>
        %squeeze3A_115 = vector.extract %slice3A_114[0] : f32 from vector<1xf32>
        %mul3A_116 = vector.broadcast %squeeze3A_115 : f32 to vector<16xf32>
        %mul3A_117 = arith.mulf %get3A_113, %mul3A_116 : vector<16xf32>
        %swap3A_118 = arith.index_cast %scan3A_55 : i32 to index
        %swap3A_119 = arith.constant 64 : index
        %swap3A_120 = tpu.vector_load %arg8[%swap3A_118, %swap3A_119] {strides = array<i32>} : memref<112x128xf32, #tpu.memory_space<vmem>>, vector<1x16xf32>,
        %swap3A_121 = vector.shape_cast %swap3A_120 : vector<1x16xf32> to vector<16xf32>
        %swap3A_122 = vector.shape_cast %mul3A_117 : vector<16xf32> to vector<1x16xf32>
        tpu.vector_store %arg8[%swap3A_118, %swap3A_119], %swap3A_122 {strides = array<i32>} : memref<112x128xf32, #tpu.memory_space<vmem>>, vector<1x16xf32>,
        %get3A_123 = arith.index_cast %scan3A_55 : i32 to index
        %get3A_124 = arith.constant 80 : index
        %get3A_125 = tpu.vector_load %arg8[%get3A_123, %get3A_124] {strides = array<i32>} : memref<112x128xf32, #tpu.memory_space<vmem>>, vector<1x16xf32>,
        %get3A_126 = vector.shape_cast %get3A_125 : vector<1x16xf32> to vector<16xf32>
        %slice3A_127 = vector.extract_strided_slice %get3A_60 {offsets = [5], sizes = [1], strides = [1]} : vector<16xf32> to vector<1xf32>
        %squeeze3A_128 = vector.extract %slice3A_127[0] : f32 from vector<1xf32>
        %mul3A_129 = vector.broadcast %squeeze3A_128 : f32 to vector<16xf32>
        %mul3A_130 = arith.mulf %get3A_126, %mul3A_129 : vector<16xf32>
        %swap3A_131 = arith.index_cast %scan3A_55 : i32 to index
        %swap3A_132 = arith.constant 80 : index
        %swap3A_133 = tpu.vector_load %arg8[%swap3A_131, %swap3A_132] {strides = array<i32>} : memref<112x128xf32, #tpu.memory_space<vmem>>, vector<1x16xf32>,
        %swap3A_134 = vector.shape_cast %swap3A_133 : vector<1x16xf32> to vector<16xf32>
        %swap3A_135 = vector.shape_cast %mul3A_130 : vector<16xf32> to vector<1x16xf32>
        tpu.vector_store %arg8[%swap3A_131, %swap3A_132], %swap3A_135 {strides = array<i32>} : memref<112x128xf32, #tpu.memory_space<vmem>>, vector<1x16xf32>,
        %get3A_136 = arith.index_cast %scan3A_55 : i32 to index
        %get3A_137 = arith.constant 96 : index
        %get3A_138 = tpu.vector_load %arg8[%get3A_136, %get3A_137] {strides = array<i32>} : memref<112x128xf32, #tpu.memory_space<vmem>>, vector<1x16xf32>,
        %get3A_139 = vector.shape_cast %get3A_138 : vector<1x16xf32> to vector<16xf32>
        %slice3A_140 = vector.extract_strided_slice %get3A_60 {offsets = [6], sizes = [1], strides = [1]} : vector<16xf32> to vector<1xf32>
        %squeeze3A_141 = vector.extract %slice3A_140[0] : f32 from vector<1xf32>
        %mul3A_142 = vector.broadcast %squeeze3A_141 : f32 to vector<16xf32>
        %mul3A_143 = arith.mulf %get3A_139, %mul3A_142 : vector<16xf32>
        %swap3A_144 = arith.index_cast %scan3A_55 : i32 to index
        %swap3A_145 = arith.constant 96 : index
        %swap3A_146 = tpu.vector_load %arg8[%swap3A_144, %swap3A_145] {strides = array<i32>} : memref<112x128xf32, #tpu.memory_space<vmem>>, vector<1x16xf32>,
        %swap3A_147 = vector.shape_cast %swap3A_146 : vector<1x16xf32> to vector<16xf32>
        %swap3A_148 = vector.shape_cast %mul3A_143 : vector<16xf32> to vector<1x16xf32>
        tpu.vector_store %arg8[%swap3A_144, %swap3A_145], %swap3A_148 {strides = array<i32>} : memref<112x128xf32, #tpu.memory_space<vmem>>, vector<1x16xf32>,
        %get3A_149 = arith.index_cast %scan3A_55 : i32 to index
        %get3A_150 = arith.constant 112 : index
        %get3A_151 = tpu.vector_load %arg8[%get3A_149, %get3A_150] {strides = array<i32>} : memref<112x128xf32, #tpu.memory_space<vmem>>, vector<1x16xf32>,
        %get3A_152 = vector.shape_cast %get3A_151 : vector<1x16xf32> to vector<16xf32>
        %slice3A_153 = vector.extract_strided_slice %get3A_60 {offsets = [7], sizes = [1], strides = [1]} : vector<16xf32> to vector<1xf32>
        %squeeze3A_154 = vector.extract %slice3A_153[0] : f32 from vector<1xf32>
        %mul3A_155 = vector.broadcast %squeeze3A_154 : f32 to vector<16xf32>
        %mul3A_156 = arith.mulf %get3A_152, %mul3A_155 : vector<16xf32>
        %swap3A_157 = arith.index_cast %scan3A_55 : i32 to index
        %swap3A_158 = arith.constant 112 : index
        %swap3A_159 = tpu.vector_load %arg8[%swap3A_157, %swap3A_158] {strides = array<i32>} : memref<112x128xf32, #tpu.memory_space<vmem>>, vector<1x16xf32>,
        %swap3A_160 = vector.shape_cast %swap3A_159 : vector<1x16xf32> to vector<16xf32>
        %swap3A_161 = vector.shape_cast %mul3A_156 : vector<16xf32> to vector<1x16xf32>
        tpu.vector_store %arg8[%swap3A_157, %swap3A_158], %swap3A_161 {strides = array<i32>} : memref<112x128xf32, #tpu.memory_space<vmem>>, vector<1x16xf32>,
        %scan3A_162 = arith.constant 0 : i32
        scf.yield %scan3A_162 : i32
      }
      %scan3A_53 = arith.constant 112 : i32
      "tpu.region"() ({
        %run_scoped3A = tpu.sem_alloc : memref<!tpu.dma_semaphore, #tpu.memory_space<semaphore_mem>>
        %dma_start3A_55 = arith.constant 0 : i32
        %dma_start3A_56 = arith.constant 0 : i32
        %dma_start3A_57 = tpu.memref_slice %arg7[%dma_start3A_55, %dma_start3A_56] : memref<10112x128xf32, #tpu.memory_space<vmem_shared>> -> memref<10112x128xf32, #tpu.memory_space<vmem_shared>>
        tpu.enqueue_indirect_dma source(%arg8 : memref<112x128xf32, #tpu.memory_space<vmem>>) target(%dma_start3A_57 : memref<10112x128xf32, #tpu.memory_space<vmem_shared>>) offsets(%arg11 : memref<112xi32, #tpu.memory_space<vmem>>) semaphore(%run_scoped3A : memref<!tpu.dma_semaphore, #tpu.memory_space<semaphore_mem>>) {add = true}
        %dma_wait3A_58 = arith.constant 0 : i32
        %dma_wait3A_59 = arith.constant 0 : i32
        %dma_wait3A_60 = tpu.memref_slice %arg7[%dma_wait3A_58, %dma_wait3A_59] : memref<10112x128xf32, #tpu.memory_space<vmem_shared>> -> memref<10112x128xf32, #tpu.memory_space<vmem_shared>>
        tpu.wait_indirect_dma semaphore(%run_scoped3A : memref<!tpu.dma_semaphore, #tpu.memory_space<semaphore_mem>>) src(%arg8 : memref<112x128xf32, #tpu.memory_space<vmem>>) dst(%dma_wait3A_60 : memref<10112x128xf32, #tpu.memory_space<vmem_shared>>)
        tpu.yield
      }) : () -> ()
      %scan3A_54 = arith.constant 0 : i32
      scf.yield %scan3A_54 : i32
    }
    %scan3A_30 = arith.constant 180 : i32
    %barrier3A_31 = arith.constant 0 : index
    tpu.barrier barrier_id(%barrier3A_31)
    %mul3A_32 = arith.constant 624 : i32
    %mul3A_33 = arith.muli %arg1, %mul3A_32 : i32
    "tpu.region"() ({
      %run_scoped3A = tpu.sem_alloc : memref<!tpu.dma_semaphore, #tpu.memory_space<semaphore_mem>>
      %dma_start3A = arith.constant 0 : i32
      %dma_start3A_36 = tpu.memref_slice %arg6[%arg0, %mul3A_33, %dma_start3A] : memref<2x10000x128xf32, #tpu.memory_space<hbm>> -> memref<1x624x128xf32, #tpu.memory_space<hbm>>
      %dma_start3A_37 = tpu.memref_squeeze %dma_start3A_36 : memref<1x624x128xf32, #tpu.memory_space<hbm>> -> memref<624x128xf32, #tpu.memory_space<hbm>>
      %dma_start3A_38 = arith.constant 0 : i32
      %dma_start3A_39 = tpu.memref_slice %arg7[%mul3A_33, %dma_start3A_38] : memref<10112x128xf32, #tpu.memory_space<vmem_shared>> -> memref<624x128xf32, #tpu.memory_space<vmem_shared>>
      tpu.enqueue_dma source(%dma_start3A_39 : memref<624x128xf32, #tpu.memory_space<vmem_shared>>) target(%dma_start3A_37 : memref<624x128xf32, #tpu.memory_space<hbm>>) target_semaphore(%run_scoped3A : memref<!tpu.dma_semaphore, #tpu.memory_space<semaphore_mem>>)
      %dma_wait3A = arith.constant 0 : i32
      %dma_wait3A_40 = tpu.memref_slice %arg6[%arg0, %mul3A_33, %dma_wait3A] : memref<2x10000x128xf32, #tpu.memory_space<hbm>> -> memref<1x624x128xf32, #tpu.memory_space<hbm>>
      %dma_wait3A_41 = tpu.memref_squeeze %dma_wait3A_40 : memref<1x624x128xf32, #tpu.memory_space<hbm>> -> memref<624x128xf32, #tpu.memory_space<hbm>>
      %dma_wait3A_42 = arith.constant 0 : i32
      %dma_wait3A_43 = tpu.memref_slice %arg7[%mul3A_33, %dma_wait3A_42] : memref<10112x128xf32, #tpu.memory_space<vmem_shared>> -> memref<624x128xf32, #tpu.memory_space<vmem_shared>>
      tpu.wait_dma2 semaphore(%run_scoped3A : memref<!tpu.dma_semaphore, #tpu.memory_space<semaphore_mem>>) src(%dma_wait3A_43 : memref<624x128xf32, #tpu.memory_space<vmem_shared>>) dst(%dma_wait3A_41 : memref<624x128xf32, #tpu.memory_space<hbm>>)
      tpu.yield
    }) : () -> ()
    %eq3A = arith.constant 0 : i32
    %eq3A_34 = arith.cmpi eq, %arg1, %eq3A : i32
    %convert_element_type3A = arith.extui %eq3A_34 : i1 to i32
    %cond3A = arith.constant 0 : i32
    %cond3A_35 = arith.cmpi ne, %convert_element_type3A, %cond3A : i32
    scf.if %cond3A_35 {
      "tpu.region"() ({
        %run_scoped3A = tpu.sem_alloc : memref<!tpu.dma_semaphore, #tpu.memory_space<semaphore_mem>>
        %dma_start3A = arith.constant 9984 : i32
        %dma_start3A_36 = arith.constant 0 : i32
        %dma_start3A_37 = tpu.memref_slice %arg6[%arg0, %dma_start3A, %dma_start3A_36] : memref<2x10000x128xf32, #tpu.memory_space<hbm>> -> memref<1x16x128xf32, #tpu.memory_space<hbm>>
        %dma_start3A_38 = tpu.memref_squeeze %dma_start3A_37 : memref<1x16x128xf32, #tpu.memory_space<hbm>> -> memref<16x128xf32, #tpu.memory_space<hbm>>
        %dma_start3A_39 = arith.constant 9984 : i32
        %dma_start3A_40 = arith.constant 0 : i32
        %dma_start3A_41 = tpu.memref_slice %arg7[%dma_start3A_39, %dma_start3A_40] : memref<10112x128xf32, #tpu.memory_space<vmem_shared>> -> memref<16x128xf32, #tpu.memory_space<vmem_shared>>
        tpu.enqueue_dma source(%dma_start3A_41 : memref<16x128xf32, #tpu.memory_space<vmem_shared>>) target(%dma_start3A_38 : memref<16x128xf32, #tpu.memory_space<hbm>>) target_semaphore(%run_scoped3A : memref<!tpu.dma_semaphore, #tpu.memory_space<semaphore_mem>>)
        %dma_wait3A = arith.constant 9984 : i32
        %dma_wait3A_42 = arith.constant 0 : i32
        %dma_wait3A_43 = tpu.memref_slice %arg6[%arg0, %dma_wait3A, %dma_wait3A_42] : memref<2x10000x128xf32, #tpu.memory_space<hbm>> -> memref<1x16x128xf32, #tpu.memory_space<hbm>>
        %dma_wait3A_44 = tpu.memref_squeeze %dma_wait3A_43 : memref<1x16x128xf32, #tpu.memory_space<hbm>> -> memref<16x128xf32, #tpu.memory_space<hbm>>
        %dma_wait3A_45 = arith.constant 9984 : i32
        %dma_wait3A_46 = arith.constant 0 : i32
        %dma_wait3A_47 = tpu.memref_slice %arg7[%dma_wait3A_45, %dma_wait3A_46] : memref<10112x128xf32, #tpu.memory_space<vmem_shared>> -> memref<16x128xf32, #tpu.memory_space<vmem_shared>>
        tpu.wait_dma2 semaphore(%run_scoped3A : memref<!tpu.dma_semaphore, #tpu.memory_space<semaphore_mem>>) src(%dma_wait3A_47 : memref<16x128xf32, #tpu.memory_space<vmem_shared>>) dst(%dma_wait3A_44 : memref<16x128xf32, #tpu.memory_space<hbm>>)
        tpu.yield
      }) : () -> ()
    } else {
    }
    return
  }
}

#map = affine_map<(d0, d1) -> (0)>
#map1 = affine_map<(d0, d1) -> (0, 0)>
module attributes {stable_mosaic.version = 14 : i64} {
  func.func @_final_kernel(%arg0: i32, %arg1: i32, %arg2: memref<20480xi32, #tpu.memory_space<hbm>>, %arg3: memref<20480xi32, #tpu.memory_space<hbm>>, %arg4: memref<10000x128xf32, #tpu.memory_space<hbm>>, %arg5: memref<10000x128xf32, #tpu.memory_space<hbm>>, %arg6: memref<128xf32, #tpu.memory_space<hbm>>, %arg7: memref<10240x128xf32, #tpu.memory_space<hbm>>, %arg8: memref<10240xi32, #tpu.memory_space<vmem_shared>>, %arg9: memref<10240xi32, #tpu.memory_space<vmem_shared>>, %arg10: memref<64xi32, #tpu.memory_space<vmem>>, %arg11: memref<64xi32, #tpu.memory_space<vmem>>, %arg12: memref<64xi32, #tpu.memory_space<vmem>>, %arg13: memref<64xi32, #tpu.memory_space<vmem>>, %arg14: memref<64x128xf32, #tpu.memory_space<vmem>>, %arg15: memref<64x128xf32, #tpu.memory_space<vmem>>, %arg16: memref<128xf32, #tpu.memory_space<vmem>>, %arg17: memref<!tpu.dma_semaphore, #tpu.memory_space<semaphore_mem>>) attributes {dimension_semantics = [#tpu.dimension_semantics<core_parallel>, #tpu.dimension_semantics<subcore_parallel>], iteration_bounds = array<i64: 2, 16>, scalar_prefetch = 0 : i64, scratch_operands = 10 : i64, tpu.core_type = #tpu.core_type<sc_vector_subcore>, window_params = [{transform_indices = #map}, {transform_indices = #map}, {transform_indices = #map1}, {transform_indices = #map1}, {transform_indices = #map}, {transform_indices = #map1}]} {
    %mul3A = arith.constant 640 : i32
    %mul3A_0 = arith.muli %arg1, %mul3A : i32
    %mul3A_1 = arith.constant 640 : i32
    %mul3A_2 = arith.muli %arg1, %mul3A_1 : i32
    "tpu.region"() ({
      %run_scoped3A = tpu.sem_alloc : memref<!tpu.dma_semaphore, #tpu.memory_space<semaphore_mem>>
      %dma_start3A = tpu.memref_slice %arg8[%mul3A_2] : memref<10240xi32, #tpu.memory_space<vmem_shared>> -> memref<640xi32, #tpu.memory_space<vmem_shared>>
      %dma_start3A_19 = tpu.memref_slice %arg2[%mul3A_0] : memref<20480xi32, #tpu.memory_space<hbm>> -> memref<640xi32, #tpu.memory_space<hbm>>
      tpu.enqueue_dma source(%dma_start3A_19 : memref<640xi32, #tpu.memory_space<hbm>>) target(%dma_start3A : memref<640xi32, #tpu.memory_space<vmem_shared>>) target_semaphore(%run_scoped3A : memref<!tpu.dma_semaphore, #tpu.memory_space<semaphore_mem>>)
      %dma_wait3A = tpu.memref_slice %arg8[%mul3A_2] : memref<10240xi32, #tpu.memory_space<vmem_shared>> -> memref<640xi32, #tpu.memory_space<vmem_shared>>
      %dma_wait3A_20 = tpu.memref_slice %arg2[%mul3A_0] : memref<20480xi32, #tpu.memory_space<hbm>> -> memref<640xi32, #tpu.memory_space<hbm>>
      tpu.wait_dma2 semaphore(%run_scoped3A : memref<!tpu.dma_semaphore, #tpu.memory_space<semaphore_mem>>) src(%dma_wait3A_20 : memref<640xi32, #tpu.memory_space<hbm>>) dst(%dma_wait3A : memref<640xi32, #tpu.memory_space<vmem_shared>>)
      tpu.yield
    }) : () -> ()
    %mul3A_3 = arith.constant 640 : i32
    %mul3A_4 = arith.muli %arg1, %mul3A_3 : i32
    %add3A = arith.constant 10240 : i32
    %add3A_5 = arith.addi %add3A, %mul3A_4 : i32
    %mul3A_6 = arith.constant 640 : i32
    %mul3A_7 = arith.muli %arg1, %mul3A_6 : i32
    "tpu.region"() ({
      %run_scoped3A = tpu.sem_alloc : memref<!tpu.dma_semaphore, #tpu.memory_space<semaphore_mem>>
      %dma_start3A = tpu.memref_slice %arg9[%mul3A_7] : memref<10240xi32, #tpu.memory_space<vmem_shared>> -> memref<640xi32, #tpu.memory_space<vmem_shared>>
      %dma_start3A_19 = tpu.memref_slice %arg2[%add3A_5] : memref<20480xi32, #tpu.memory_space<hbm>> -> memref<640xi32, #tpu.memory_space<hbm>>
      tpu.enqueue_dma source(%dma_start3A_19 : memref<640xi32, #tpu.memory_space<hbm>>) target(%dma_start3A : memref<640xi32, #tpu.memory_space<vmem_shared>>) target_semaphore(%run_scoped3A : memref<!tpu.dma_semaphore, #tpu.memory_space<semaphore_mem>>)
      %dma_wait3A = tpu.memref_slice %arg9[%mul3A_7] : memref<10240xi32, #tpu.memory_space<vmem_shared>> -> memref<640xi32, #tpu.memory_space<vmem_shared>>
      %dma_wait3A_20 = tpu.memref_slice %arg2[%add3A_5] : memref<20480xi32, #tpu.memory_space<hbm>> -> memref<640xi32, #tpu.memory_space<hbm>>
      tpu.wait_dma2 semaphore(%run_scoped3A : memref<!tpu.dma_semaphore, #tpu.memory_space<semaphore_mem>>) src(%dma_wait3A_20 : memref<640xi32, #tpu.memory_space<hbm>>) dst(%dma_wait3A : memref<640xi32, #tpu.memory_space<vmem_shared>>)
      tpu.yield
    }) : () -> ()
    "tpu.region"() ({
      %run_scoped3A = tpu.sem_alloc : memref<!tpu.dma_semaphore, #tpu.memory_space<semaphore_mem>>
      tpu.enqueue_dma source(%arg6 : memref<128xf32, #tpu.memory_space<hbm>>) target(%arg16 : memref<128xf32, #tpu.memory_space<vmem>>) target_semaphore(%run_scoped3A : memref<!tpu.dma_semaphore, #tpu.memory_space<semaphore_mem>>)
      tpu.wait_dma2 semaphore(%run_scoped3A : memref<!tpu.dma_semaphore, #tpu.memory_space<semaphore_mem>>) src(%arg6 : memref<128xf32, #tpu.memory_space<hbm>>) dst(%arg16 : memref<128xf32, #tpu.memory_space<vmem>>)
      tpu.yield
    }) : () -> ()
    %barrier3A = arith.constant 0 : index
    tpu.barrier barrier_id(%barrier3A)
    %mul3A_8 = arith.constant 2 : i32
    %mul3A_9 = arith.muli %arg1, %mul3A_8 : i32
    %add3A_10 = arith.addi %mul3A_9, %arg0 : i32
    %mul3A_11 = arith.constant 320 : i32
    %mul3A_12 = arith.muli %add3A_10, %mul3A_11 : i32
    %scan3A = arith.constant 0 : i32
    %scan3A_13 = arith.constant 0 : i32
    %scan3A_14 = arith.constant 5 : i32
    %scan3A_15 = arith.addi %scan3A_13, %scan3A_14 : i32
    %scan3A_16 = arith.constant 1 : i32
    %scan3A_17 = scf.for %scan3A_19 = %scan3A_13 to %scan3A_15 step %scan3A_16 iter_args(%scan3A_20 = %scan3A) -> (i32)  : i32 {
      %mul3A_21 = arith.constant 64 : i32
      %mul3A_22 = arith.muli %scan3A_19, %mul3A_21 : i32
      %add3A_23 = arith.addi %mul3A_12, %mul3A_22 : i32
      "tpu.region"() ({
        %run_scoped3A = tpu.sem_alloc : memref<!tpu.dma_semaphore, #tpu.memory_space<semaphore_mem>>
        %dma_start3A_52 = tpu.memref_slice %arg3[%add3A_23] : memref<20480xi32, #tpu.memory_space<hbm>> -> memref<64xi32, #tpu.memory_space<hbm>>
        %dma_start3A_53 = tpu.memref_slice %arg3[%add3A_23] : memref<20480xi32, #tpu.memory_space<hbm>> -> memref<64xi32, #tpu.memory_space<hbm>>
        tpu.enqueue_dma source(%dma_start3A_53 : memref<64xi32, #tpu.memory_space<hbm>>) target(%arg10 : memref<64xi32, #tpu.memory_space<vmem>>) target_semaphore(%run_scoped3A : memref<!tpu.dma_semaphore, #tpu.memory_space<semaphore_mem>>)
        %dma_wait3A_54 = tpu.memref_slice %arg3[%add3A_23] : memref<20480xi32, #tpu.memory_space<hbm>> -> memref<64xi32, #tpu.memory_space<hbm>>
        %dma_wait3A_55 = tpu.memref_slice %arg3[%add3A_23] : memref<20480xi32, #tpu.memory_space<hbm>> -> memref<64xi32, #tpu.memory_space<hbm>>
        tpu.wait_dma2 semaphore(%run_scoped3A : memref<!tpu.dma_semaphore, #tpu.memory_space<semaphore_mem>>) src(%dma_wait3A_55 : memref<64xi32, #tpu.memory_space<hbm>>) dst(%arg10 : memref<64xi32, #tpu.memory_space<vmem>>)
        tpu.yield
      }) : () -> ()
      %add3A_24 = arith.constant 10240 : i32
      %add3A_25 = arith.addi %add3A_24, %add3A_23 : i32
      "tpu.region"() ({
        %run_scoped3A = tpu.sem_alloc : memref<!tpu.dma_semaphore, #tpu.memory_space<semaphore_mem>>
        %dma_start3A_52 = tpu.memref_slice %arg3[%add3A_25] : memref<20480xi32, #tpu.memory_space<hbm>> -> memref<64xi32, #tpu.memory_space<hbm>>
        %dma_start3A_53 = tpu.memref_slice %arg3[%add3A_25] : memref<20480xi32, #tpu.memory_space<hbm>> -> memref<64xi32, #tpu.memory_space<hbm>>
        tpu.enqueue_dma source(%dma_start3A_53 : memref<64xi32, #tpu.memory_space<hbm>>) target(%arg11 : memref<64xi32, #tpu.memory_space<vmem>>) target_semaphore(%run_scoped3A : memref<!tpu.dma_semaphore, #tpu.memory_space<semaphore_mem>>)
        %dma_wait3A_54 = tpu.memref_slice %arg3[%add3A_25] : memref<20480xi32, #tpu.memory_space<hbm>> -> memref<64xi32, #tpu.memory_space<hbm>>
        %dma_wait3A_55 = tpu.memref_slice %arg3[%add3A_25] : memref<20480xi32, #tpu.memory_space<hbm>> -> memref<64xi32, #tpu.memory_space<hbm>>
        tpu.wait_dma2 semaphore(%run_scoped3A : memref<!tpu.dma_semaphore, #tpu.memory_space<semaphore_mem>>) src(%dma_wait3A_55 : memref<64xi32, #tpu.memory_space<hbm>>) dst(%arg11 : memref<64xi32, #tpu.memory_space<vmem>>)
        tpu.yield
      }) : () -> ()
      %dma_start3A = arith.constant 0 : i32
      %dma_start3A_26 = tpu.memref_slice %arg8[%dma_start3A] : memref<10240xi32, #tpu.memory_space<vmem_shared>> -> memref<10240xi32, #tpu.memory_space<vmem_shared>>
      tpu.enqueue_indirect_dma source(%dma_start3A_26 : memref<10240xi32, #tpu.memory_space<vmem_shared>>) target(%arg12 : memref<64xi32, #tpu.memory_space<vmem>>) offsets(%arg10 : memref<64xi32, #tpu.memory_space<vmem>>) semaphore(%arg17 : memref<!tpu.dma_semaphore, #tpu.memory_space<semaphore_mem>>)
      %dma_wait3A = arith.constant 0 : i32
      %dma_wait3A_27 = tpu.memref_slice %arg8[%dma_wait3A] : memref<10240xi32, #tpu.memory_space<vmem_shared>> -> memref<10240xi32, #tpu.memory_space<vmem_shared>>
      tpu.wait_indirect_dma semaphore(%arg17 : memref<!tpu.dma_semaphore, #tpu.memory_space<semaphore_mem>>) src(%dma_wait3A_27 : memref<10240xi32, #tpu.memory_space<vmem_shared>>) dst(%arg12 : memref<64xi32, #tpu.memory_space<vmem>>)
      %dma_start3A_28 = arith.constant 0 : i32
      %dma_start3A_29 = tpu.memref_slice %arg9[%dma_start3A_28] : memref<10240xi32, #tpu.memory_space<vmem_shared>> -> memref<10240xi32, #tpu.memory_space<vmem_shared>>
      tpu.enqueue_indirect_dma source(%dma_start3A_29 : memref<10240xi32, #tpu.memory_space<vmem_shared>>) target(%arg13 : memref<64xi32, #tpu.memory_space<vmem>>) offsets(%arg11 : memref<64xi32, #tpu.memory_space<vmem>>) semaphore(%arg17 : memref<!tpu.dma_semaphore, #tpu.memory_space<semaphore_mem>>)
      %dma_wait3A_30 = arith.constant 0 : i32
      %dma_wait3A_31 = tpu.memref_slice %arg9[%dma_wait3A_30] : memref<10240xi32, #tpu.memory_space<vmem_shared>> -> memref<10240xi32, #tpu.memory_space<vmem_shared>>
      tpu.wait_indirect_dma semaphore(%arg17 : memref<!tpu.dma_semaphore, #tpu.memory_space<semaphore_mem>>) src(%dma_wait3A_31 : memref<10240xi32, #tpu.memory_space<vmem_shared>>) dst(%arg13 : memref<64xi32, #tpu.memory_space<vmem>>)
      %dma_start3A_32 = arith.constant 0 : i32
      %dma_start3A_33 = arith.constant 0 : i32
      %dma_start3A_34 = tpu.memref_slice %arg4[%dma_start3A_32, %dma_start3A_33] : memref<10000x128xf32, #tpu.memory_space<hbm>> -> memref<10000x128xf32, #tpu.memory_space<hbm>>
      tpu.enqueue_indirect_dma source(%dma_start3A_34 : memref<10000x128xf32, #tpu.memory_space<hbm>>) target(%arg14 : memref<64x128xf32, #tpu.memory_space<vmem>>) offsets(%arg12 : memref<64xi32, #tpu.memory_space<vmem>>) semaphore(%arg17 : memref<!tpu.dma_semaphore, #tpu.memory_space<semaphore_mem>>)
      %dma_wait3A_35 = arith.constant 0 : i32
      %dma_wait3A_36 = arith.constant 0 : i32
      %dma_wait3A_37 = tpu.memref_slice %arg4[%dma_wait3A_35, %dma_wait3A_36] : memref<10000x128xf32, #tpu.memory_space<hbm>> -> memref<10000x128xf32, #tpu.memory_space<hbm>>
      tpu.wait_indirect_dma semaphore(%arg17 : memref<!tpu.dma_semaphore, #tpu.memory_space<semaphore_mem>>) src(%dma_wait3A_37 : memref<10000x128xf32, #tpu.memory_space<hbm>>) dst(%arg14 : memref<64x128xf32, #tpu.memory_space<vmem>>)
      %dma_start3A_38 = arith.constant 0 : i32
      %dma_start3A_39 = arith.constant 0 : i32
      %dma_start3A_40 = tpu.memref_slice %arg5[%dma_start3A_38, %dma_start3A_39] : memref<10000x128xf32, #tpu.memory_space<hbm>> -> memref<10000x128xf32, #tpu.memory_space<hbm>>
      tpu.enqueue_indirect_dma source(%dma_start3A_40 : memref<10000x128xf32, #tpu.memory_space<hbm>>) target(%arg15 : memref<64x128xf32, #tpu.memory_space<vmem>>) offsets(%arg13 : memref<64xi32, #tpu.memory_space<vmem>>) semaphore(%arg17 : memref<!tpu.dma_semaphore, #tpu.memory_space<semaphore_mem>>)
      %dma_wait3A_41 = arith.constant 0 : i32
      %dma_wait3A_42 = arith.constant 0 : i32
      %dma_wait3A_43 = tpu.memref_slice %arg5[%dma_wait3A_41, %dma_wait3A_42] : memref<10000x128xf32, #tpu.memory_space<hbm>> -> memref<10000x128xf32, #tpu.memory_space<hbm>>
      tpu.wait_indirect_dma semaphore(%arg17 : memref<!tpu.dma_semaphore, #tpu.memory_space<semaphore_mem>>) src(%dma_wait3A_43 : memref<10000x128xf32, #tpu.memory_space<hbm>>) dst(%arg15 : memref<64x128xf32, #tpu.memory_space<vmem>>)
      %scan3A_44 = arith.constant 0 : i32
      %scan3A_45 = arith.constant 0 : i32
      %scan3A_46 = arith.constant 64 : i32
      %scan3A_47 = arith.addi %scan3A_45, %scan3A_46 : i32
      %scan3A_48 = arith.constant 1 : i32
      %scan3A_49 = scf.for %scan3A_52 = %scan3A_45 to %scan3A_47 step %scan3A_48 iter_args(%scan3A_53 = %scan3A_44) -> (i32)  : i32 {
        %get3A = arith.index_cast %scan3A_52 : i32 to index
        %get3A_54 = arith.constant 0 : index
        %get3A_55 = tpu.vector_load %arg14[%get3A, %get3A_54] {strides = array<i32>} : memref<64x128xf32, #tpu.memory_space<vmem>>, vector<1x16xf32>,
        %get3A_56 = vector.shape_cast %get3A_55 : vector<1x16xf32> to vector<16xf32>
        %get3A_57 = arith.index_cast %scan3A_52 : i32 to index
        %get3A_58 = arith.constant 0 : index
        %get3A_59 = tpu.vector_load %arg15[%get3A_57, %get3A_58] {strides = array<i32>} : memref<64x128xf32, #tpu.memory_space<vmem>>, vector<1x16xf32>,
        %get3A_60 = vector.shape_cast %get3A_59 : vector<1x16xf32> to vector<16xf32>
        %add3A_61 = arith.addf %get3A_56, %get3A_60 : vector<16xf32>
        %get3A_62 = arith.constant 0 : index
        %get3A_63 = tpu.vector_load %arg16[%get3A_62] {strides = array<i32>} : memref<128xf32, #tpu.memory_space<vmem>>, vector<16xf32>,
        %get3A_64 = vector.shape_cast %get3A_63 : vector<16xf32> to vector<16xf32>
        %add3A_65 = arith.addf %add3A_61, %get3A_64 : vector<16xf32>
        %swap3A = arith.index_cast %scan3A_52 : i32 to index
        %swap3A_66 = arith.constant 0 : index
        %swap3A_67 = tpu.vector_load %arg14[%swap3A, %swap3A_66] {strides = array<i32>} : memref<64x128xf32, #tpu.memory_space<vmem>>, vector<1x16xf32>,
        %swap3A_68 = vector.shape_cast %swap3A_67 : vector<1x16xf32> to vector<16xf32>
        %swap3A_69 = vector.shape_cast %add3A_65 : vector<16xf32> to vector<1x16xf32>
        tpu.vector_store %arg14[%swap3A, %swap3A_66], %swap3A_69 {strides = array<i32>} : memref<64x128xf32, #tpu.memory_space<vmem>>, vector<1x16xf32>,
        %get3A_70 = arith.index_cast %scan3A_52 : i32 to index
        %get3A_71 = arith.constant 16 : index
        %get3A_72 = tpu.vector_load %arg14[%get3A_70, %get3A_71] {strides = array<i32>} : memref<64x128xf32, #tpu.memory_space<vmem>>, vector<1x16xf32>,
        %get3A_73 = vector.shape_cast %get3A_72 : vector<1x16xf32> to vector<16xf32>
        %get3A_74 = arith.index_cast %scan3A_52 : i32 to index
        %get3A_75 = arith.constant 16 : index
        %get3A_76 = tpu.vector_load %arg15[%get3A_74, %get3A_75] {strides = array<i32>} : memref<64x128xf32, #tpu.memory_space<vmem>>, vector<1x16xf32>,
        %get3A_77 = vector.shape_cast %get3A_76 : vector<1x16xf32> to vector<16xf32>
        %add3A_78 = arith.addf %get3A_73, %get3A_77 : vector<16xf32>
        %get3A_79 = arith.constant 16 : index
        %get3A_80 = tpu.vector_load %arg16[%get3A_79] {strides = array<i32>} : memref<128xf32, #tpu.memory_space<vmem>>, vector<16xf32>,
        %get3A_81 = vector.shape_cast %get3A_80 : vector<16xf32> to vector<16xf32>
        %add3A_82 = arith.addf %add3A_78, %get3A_81 : vector<16xf32>
        %swap3A_83 = arith.index_cast %scan3A_52 : i32 to index
        %swap3A_84 = arith.constant 16 : index
        %swap3A_85 = tpu.vector_load %arg14[%swap3A_83, %swap3A_84] {strides = array<i32>} : memref<64x128xf32, #tpu.memory_space<vmem>>, vector<1x16xf32>,
        %swap3A_86 = vector.shape_cast %swap3A_85 : vector<1x16xf32> to vector<16xf32>
        %swap3A_87 = vector.shape_cast %add3A_82 : vector<16xf32> to vector<1x16xf32>
        tpu.vector_store %arg14[%swap3A_83, %swap3A_84], %swap3A_87 {strides = array<i32>} : memref<64x128xf32, #tpu.memory_space<vmem>>, vector<1x16xf32>,
        %get3A_88 = arith.index_cast %scan3A_52 : i32 to index
        %get3A_89 = arith.constant 32 : index
        %get3A_90 = tpu.vector_load %arg14[%get3A_88, %get3A_89] {strides = array<i32>} : memref<64x128xf32, #tpu.memory_space<vmem>>, vector<1x16xf32>,
        %get3A_91 = vector.shape_cast %get3A_90 : vector<1x16xf32> to vector<16xf32>
        %get3A_92 = arith.index_cast %scan3A_52 : i32 to index
        %get3A_93 = arith.constant 32 : index
        %get3A_94 = tpu.vector_load %arg15[%get3A_92, %get3A_93] {strides = array<i32>} : memref<64x128xf32, #tpu.memory_space<vmem>>, vector<1x16xf32>,
        %get3A_95 = vector.shape_cast %get3A_94 : vector<1x16xf32> to vector<16xf32>
        %add3A_96 = arith.addf %get3A_91, %get3A_95 : vector<16xf32>
        %get3A_97 = arith.constant 32 : index
        %get3A_98 = tpu.vector_load %arg16[%get3A_97] {strides = array<i32>} : memref<128xf32, #tpu.memory_space<vmem>>, vector<16xf32>,
        %get3A_99 = vector.shape_cast %get3A_98 : vector<16xf32> to vector<16xf32>
        %add3A_100 = arith.addf %add3A_96, %get3A_99 : vector<16xf32>
        %swap3A_101 = arith.index_cast %scan3A_52 : i32 to index
        %swap3A_102 = arith.constant 32 : index
        %swap3A_103 = tpu.vector_load %arg14[%swap3A_101, %swap3A_102] {strides = array<i32>} : memref<64x128xf32, #tpu.memory_space<vmem>>, vector<1x16xf32>,
        %swap3A_104 = vector.shape_cast %swap3A_103 : vector<1x16xf32> to vector<16xf32>
        %swap3A_105 = vector.shape_cast %add3A_100 : vector<16xf32> to vector<1x16xf32>
        tpu.vector_store %arg14[%swap3A_101, %swap3A_102], %swap3A_105 {strides = array<i32>} : memref<64x128xf32, #tpu.memory_space<vmem>>, vector<1x16xf32>,
        %get3A_106 = arith.index_cast %scan3A_52 : i32 to index
        %get3A_107 = arith.constant 48 : index
        %get3A_108 = tpu.vector_load %arg14[%get3A_106, %get3A_107] {strides = array<i32>} : memref<64x128xf32, #tpu.memory_space<vmem>>, vector<1x16xf32>,
        %get3A_109 = vector.shape_cast %get3A_108 : vector<1x16xf32> to vector<16xf32>
        %get3A_110 = arith.index_cast %scan3A_52 : i32 to index
        %get3A_111 = arith.constant 48 : index
        %get3A_112 = tpu.vector_load %arg15[%get3A_110, %get3A_111] {strides = array<i32>} : memref<64x128xf32, #tpu.memory_space<vmem>>, vector<1x16xf32>,
        %get3A_113 = vector.shape_cast %get3A_112 : vector<1x16xf32> to vector<16xf32>
        %add3A_114 = arith.addf %get3A_109, %get3A_113 : vector<16xf32>
        %get3A_115 = arith.constant 48 : index
        %get3A_116 = tpu.vector_load %arg16[%get3A_115] {strides = array<i32>} : memref<128xf32, #tpu.memory_space<vmem>>, vector<16xf32>,
        %get3A_117 = vector.shape_cast %get3A_116 : vector<16xf32> to vector<16xf32>
        %add3A_118 = arith.addf %add3A_114, %get3A_117 : vector<16xf32>
        %swap3A_119 = arith.index_cast %scan3A_52 : i32 to index
        %swap3A_120 = arith.constant 48 : index
        %swap3A_121 = tpu.vector_load %arg14[%swap3A_119, %swap3A_120] {strides = array<i32>} : memref<64x128xf32, #tpu.memory_space<vmem>>, vector<1x16xf32>,
        %swap3A_122 = vector.shape_cast %swap3A_121 : vector<1x16xf32> to vector<16xf32>
        %swap3A_123 = vector.shape_cast %add3A_118 : vector<16xf32> to vector<1x16xf32>
        tpu.vector_store %arg14[%swap3A_119, %swap3A_120], %swap3A_123 {strides = array<i32>} : memref<64x128xf32, #tpu.memory_space<vmem>>, vector<1x16xf32>,
        %get3A_124 = arith.index_cast %scan3A_52 : i32 to index
        %get3A_125 = arith.constant 64 : index
        %get3A_126 = tpu.vector_load %arg14[%get3A_124, %get3A_125] {strides = array<i32>} : memref<64x128xf32, #tpu.memory_space<vmem>>, vector<1x16xf32>,
        %get3A_127 = vector.shape_cast %get3A_126 : vector<1x16xf32> to vector<16xf32>
        %get3A_128 = arith.index_cast %scan3A_52 : i32 to index
        %get3A_129 = arith.constant 64 : index
        %get3A_130 = tpu.vector_load %arg15[%get3A_128, %get3A_129] {strides = array<i32>} : memref<64x128xf32, #tpu.memory_space<vmem>>, vector<1x16xf32>,
        %get3A_131 = vector.shape_cast %get3A_130 : vector<1x16xf32> to vector<16xf32>
        %add3A_132 = arith.addf %get3A_127, %get3A_131 : vector<16xf32>
        %get3A_133 = arith.constant 64 : index
        %get3A_134 = tpu.vector_load %arg16[%get3A_133] {strides = array<i32>} : memref<128xf32, #tpu.memory_space<vmem>>, vector<16xf32>,
        %get3A_135 = vector.shape_cast %get3A_134 : vector<16xf32> to vector<16xf32>
        %add3A_136 = arith.addf %add3A_132, %get3A_135 : vector<16xf32>
        %swap3A_137 = arith.index_cast %scan3A_52 : i32 to index
        %swap3A_138 = arith.constant 64 : index
        %swap3A_139 = tpu.vector_load %arg14[%swap3A_137, %swap3A_138] {strides = array<i32>} : memref<64x128xf32, #tpu.memory_space<vmem>>, vector<1x16xf32>,
        %swap3A_140 = vector.shape_cast %swap3A_139 : vector<1x16xf32> to vector<16xf32>
        %swap3A_141 = vector.shape_cast %add3A_136 : vector<16xf32> to vector<1x16xf32>
        tpu.vector_store %arg14[%swap3A_137, %swap3A_138], %swap3A_141 {strides = array<i32>} : memref<64x128xf32, #tpu.memory_space<vmem>>, vector<1x16xf32>,
        %get3A_142 = arith.index_cast %scan3A_52 : i32 to index
        %get3A_143 = arith.constant 80 : index
        %get3A_144 = tpu.vector_load %arg14[%get3A_142, %get3A_143] {strides = array<i32>} : memref<64x128xf32, #tpu.memory_space<vmem>>, vector<1x16xf32>,
        %get3A_145 = vector.shape_cast %get3A_144 : vector<1x16xf32> to vector<16xf32>
        %get3A_146 = arith.index_cast %scan3A_52 : i32 to index
        %get3A_147 = arith.constant 80 : index
        %get3A_148 = tpu.vector_load %arg15[%get3A_146, %get3A_147] {strides = array<i32>} : memref<64x128xf32, #tpu.memory_space<vmem>>, vector<1x16xf32>,
        %get3A_149 = vector.shape_cast %get3A_148 : vector<1x16xf32> to vector<16xf32>
        %add3A_150 = arith.addf %get3A_145, %get3A_149 : vector<16xf32>
        %get3A_151 = arith.constant 80 : index
        %get3A_152 = tpu.vector_load %arg16[%get3A_151] {strides = array<i32>} : memref<128xf32, #tpu.memory_space<vmem>>, vector<16xf32>,
        %get3A_153 = vector.shape_cast %get3A_152 : vector<16xf32> to vector<16xf32>
        %add3A_154 = arith.addf %add3A_150, %get3A_153 : vector<16xf32>
        %swap3A_155 = arith.index_cast %scan3A_52 : i32 to index
        %swap3A_156 = arith.constant 80 : index
        %swap3A_157 = tpu.vector_load %arg14[%swap3A_155, %swap3A_156] {strides = array<i32>} : memref<64x128xf32, #tpu.memory_space<vmem>>, vector<1x16xf32>,
        %swap3A_158 = vector.shape_cast %swap3A_157 : vector<1x16xf32> to vector<16xf32>
        %swap3A_159 = vector.shape_cast %add3A_154 : vector<16xf32> to vector<1x16xf32>
        tpu.vector_store %arg14[%swap3A_155, %swap3A_156], %swap3A_159 {strides = array<i32>} : memref<64x128xf32, #tpu.memory_space<vmem>>, vector<1x16xf32>,
        %get3A_160 = arith.index_cast %scan3A_52 : i32 to index
        %get3A_161 = arith.constant 96 : index
        %get3A_162 = tpu.vector_load %arg14[%get3A_160, %get3A_161] {strides = array<i32>} : memref<64x128xf32, #tpu.memory_space<vmem>>, vector<1x16xf32>,
        %get3A_163 = vector.shape_cast %get3A_162 : vector<1x16xf32> to vector<16xf32>
        %get3A_164 = arith.index_cast %scan3A_52 : i32 to index
        %get3A_165 = arith.constant 96 : index
        %get3A_166 = tpu.vector_load %arg15[%get3A_164, %get3A_165] {strides = array<i32>} : memref<64x128xf32, #tpu.memory_space<vmem>>, vector<1x16xf32>,
        %get3A_167 = vector.shape_cast %get3A_166 : vector<1x16xf32> to vector<16xf32>
        %add3A_168 = arith.addf %get3A_163, %get3A_167 : vector<16xf32>
        %get3A_169 = arith.constant 96 : index
        %get3A_170 = tpu.vector_load %arg16[%get3A_169] {strides = array<i32>} : memref<128xf32, #tpu.memory_space<vmem>>, vector<16xf32>,
        %get3A_171 = vector.shape_cast %get3A_170 : vector<16xf32> to vector<16xf32>
        %add3A_172 = arith.addf %add3A_168, %get3A_171 : vector<16xf32>
        %swap3A_173 = arith.index_cast %scan3A_52 : i32 to index
        %swap3A_174 = arith.constant 96 : index
        %swap3A_175 = tpu.vector_load %arg14[%swap3A_173, %swap3A_174] {strides = array<i32>} : memref<64x128xf32, #tpu.memory_space<vmem>>, vector<1x16xf32>,
        %swap3A_176 = vector.shape_cast %swap3A_175 : vector<1x16xf32> to vector<16xf32>
        %swap3A_177 = vector.shape_cast %add3A_172 : vector<16xf32> to vector<1x16xf32>
        tpu.vector_store %arg14[%swap3A_173, %swap3A_174], %swap3A_177 {strides = array<i32>} : memref<64x128xf32, #tpu.memory_space<vmem>>, vector<1x16xf32>,
        %get3A_178 = arith.index_cast %scan3A_52 : i32 to index
        %get3A_179 = arith.constant 112 : index
        %get3A_180 = tpu.vector_load %arg14[%get3A_178, %get3A_179] {strides = array<i32>} : memref<64x128xf32, #tpu.memory_space<vmem>>, vector<1x16xf32>,
        %get3A_181 = vector.shape_cast %get3A_180 : vector<1x16xf32> to vector<16xf32>
        %get3A_182 = arith.index_cast %scan3A_52 : i32 to index
        %get3A_183 = arith.constant 112 : index
        %get3A_184 = tpu.vector_load %arg15[%get3A_182, %get3A_183] {strides = array<i32>} : memref<64x128xf32, #tpu.memory_space<vmem>>, vector<1x16xf32>,
        %get3A_185 = vector.shape_cast %get3A_184 : vector<1x16xf32> to vector<16xf32>
        %add3A_186 = arith.addf %get3A_181, %get3A_185 : vector<16xf32>
        %get3A_187 = arith.constant 112 : index
        %get3A_188 = tpu.vector_load %arg16[%get3A_187] {strides = array<i32>} : memref<128xf32, #tpu.memory_space<vmem>>, vector<16xf32>,
        %get3A_189 = vector.shape_cast %get3A_188 : vector<16xf32> to vector<16xf32>
        %add3A_190 = arith.addf %add3A_186, %get3A_189 : vector<16xf32>
        %swap3A_191 = arith.index_cast %scan3A_52 : i32 to index
        %swap3A_192 = arith.constant 112 : index
        %swap3A_193 = tpu.vector_load %arg14[%swap3A_191, %swap3A_192] {strides = array<i32>} : memref<64x128xf32, #tpu.memory_space<vmem>>, vector<1x16xf32>,
        %swap3A_194 = vector.shape_cast %swap3A_193 : vector<1x16xf32> to vector<16xf32>
        %swap3A_195 = vector.shape_cast %add3A_190 : vector<16xf32> to vector<1x16xf32>
        tpu.vector_store %arg14[%swap3A_191, %swap3A_192], %swap3A_195 {strides = array<i32>} : memref<64x128xf32, #tpu.memory_space<vmem>>, vector<1x16xf32>,
        %scan3A_196 = arith.constant 0 : i32
        scf.yield %scan3A_196 : i32
      }
      %scan3A_50 = arith.constant 64 : i32
      "tpu.region"() ({
        %run_scoped3A = tpu.sem_alloc : memref<!tpu.dma_semaphore, #tpu.memory_space<semaphore_mem>>
        %dma_start3A_52 = arith.constant 0 : i32
        %dma_start3A_53 = tpu.memref_slice %arg7[%add3A_23, %dma_start3A_52] : memref<10240x128xf32, #tpu.memory_space<hbm>> -> memref<64x128xf32, #tpu.memory_space<hbm>>
        %dma_start3A_54 = arith.constant 0 : i32
        %dma_start3A_55 = tpu.memref_slice %arg7[%add3A_23, %dma_start3A_54] : memref<10240x128xf32, #tpu.memory_space<hbm>> -> memref<64x128xf32, #tpu.memory_space<hbm>>
        tpu.enqueue_dma source(%arg14 : memref<64x128xf32, #tpu.memory_space<vmem>>) target(%dma_start3A_55 : memref<64x128xf32, #tpu.memory_space<hbm>>) target_semaphore(%run_scoped3A : memref<!tpu.dma_semaphore, #tpu.memory_space<semaphore_mem>>)
        %dma_wait3A_56 = arith.constant 0 : i32
        %dma_wait3A_57 = tpu.memref_slice %arg7[%add3A_23, %dma_wait3A_56] : memref<10240x128xf32, #tpu.memory_space<hbm>> -> memref<64x128xf32, #tpu.memory_space<hbm>>
        %dma_wait3A_58 = arith.constant 0 : i32
        %dma_wait3A_59 = tpu.memref_slice %arg7[%add3A_23, %dma_wait3A_58] : memref<10240x128xf32, #tpu.memory_space<hbm>> -> memref<64x128xf32, #tpu.memory_space<hbm>>
        tpu.wait_dma2 semaphore(%run_scoped3A : memref<!tpu.dma_semaphore, #tpu.memory_space<semaphore_mem>>) src(%arg14 : memref<64x128xf32, #tpu.memory_space<vmem>>) dst(%dma_wait3A_59 : memref<64x128xf32, #tpu.memory_space<hbm>>)
        tpu.yield
      }) : () -> ()
      %scan3A_51 = arith.constant 0 : i32
      scf.yield %scan3A_51 : i32
    }
    %scan3A_18 = arith.constant 5 : i32
    return
  }
}

module attributes {stable_mosaic.version = 14 : i64} {
  func.func @_prologue_body(%arg0: i32, %arg1: memref<1000x128xf32, #tpu.memory_space<vmem>>, %arg2: memref<128x128xf32, #tpu.memory_space<vmem>>, %arg3: memref<128x128xf32, #tpu.memory_space<vmem>>, %arg4: memref<1000x128xf32, #tpu.memory_space<vmem>>, %arg5: memref<1000x128xf32, #tpu.memory_space<vmem>>) attributes {dimension_semantics = [#tpu.dimension_semantics<arbitrary>], iteration_bounds = array<i64: 20>, scalar_prefetch = 0 : i64, scratch_operands = 0 : i64, tpu.core_type = #tpu.core_type<tc>, window_params = [{transform_indices = @transform_0, window_bounds = array<i64: 1000, 128>}, {pipeline_mode = #tpu.pipeline_mode<synchronous>, transform_indices = @transform_1, window_bounds = array<i64: 128, 128>}, {pipeline_mode = #tpu.pipeline_mode<synchronous>, transform_indices = @transform_2, window_bounds = array<i64: 128, 128>}, {transform_indices = @transform_3, window_bounds = array<i64: 1000, 128>}, {transform_indices = @transform_4, window_bounds = array<i64: 1000, 128>}]} {
    %get3A = arith.constant 0 : index
    %get3A_0 = arith.constant 0 : index
    %get3A_1 = vector.load %arg1[%get3A, %get3A_0] : memref<1000x128xf32, #tpu.memory_space<vmem>>, vector<1000x128xf32>
    %get3A_2 = arith.constant 0 : index
    %get3A_3 = arith.constant 0 : index
    %get3A_4 = vector.load %arg2[%get3A_2, %get3A_3] : memref<128x128xf32, #tpu.memory_space<vmem>>, vector<128x128xf32>
    %dot_general3A = arith.constant dense<0.000000e+00> : vector<1000x128xf32>
    %dot_general3A_5 = tpu.matmul %get3A_1, %get3A_4, %dot_general3A {dimension_numbers = #tpu.dot_dimension_numbers<[1], [0], [0], [1], [0, 0, 1, 1], [], []>, transpose_lhs_hint = false} : vector<1000x128xf32>, vector<128x128xf32>, vector<1000x128xf32> -> vector<1000x128xf32>
    %swap3A = arith.constant 0 : index
    %swap3A_6 = arith.constant 0 : index
    %swap3A_7 = vector.load %arg4[%swap3A, %swap3A_6] : memref<1000x128xf32, #tpu.memory_space<vmem>>, vector<1000x128xf32>
    tpu.vector_store %arg4[%swap3A, %swap3A_6], %dot_general3A_5 {strides = array<i32>} : memref<1000x128xf32, #tpu.memory_space<vmem>>, vector<1000x128xf32>,
    %get3A_8 = arith.constant 0 : index
    %get3A_9 = arith.constant 0 : index
    %get3A_10 = vector.load %arg3[%get3A_8, %get3A_9] : memref<128x128xf32, #tpu.memory_space<vmem>>, vector<128x128xf32>
    %dot_general3A_11 = arith.constant dense<0.000000e+00> : vector<1000x128xf32>
    %dot_general3A_12 = tpu.matmul %dot_general3A_5, %get3A_10, %dot_general3A_11 {dimension_numbers = #tpu.dot_dimension_numbers<[1], [0], [0], [1], [0, 0, 1, 1], [], []>, transpose_lhs_hint = false} : vector<1000x128xf32>, vector<128x128xf32>, vector<1000x128xf32> -> vector<1000x128xf32>
    %swap3A_13 = arith.constant 0 : index
    %swap3A_14 = arith.constant 0 : index
    %swap3A_15 = vector.load %arg5[%swap3A_13, %swap3A_14] : memref<1000x128xf32, #tpu.memory_space<vmem>>, vector<1000x128xf32>
    tpu.vector_store %arg5[%swap3A_13, %swap3A_14], %dot_general3A_12 {strides = array<i32>} : memref<1000x128xf32, #tpu.memory_space<vmem>>, vector<1000x128xf32>,
    return
  }
  func.func @transform_0(%arg0: i32) -> (i32, i32) {
    %c0_i32 = arith.constant 0 : i32
    %c0_i32_0 = arith.constant 0 : i32
    return %arg0, %c0_i32 : i32, i32
  }
  func.func @transform_1(%arg0: i32) -> (i32, i32) {
    %c0_i32 = arith.constant 0 : i32
    %c0_i32_0 = arith.constant 0 : i32
    %c0_i32_1 = arith.constant 0 : i32
    return %c0_i32, %c0_i32_0 : i32, i32
  }
  func.func @transform_2(%arg0: i32) -> (i32, i32) {
    %c0_i32 = arith.constant 0 : i32
    %c0_i32_0 = arith.constant 0 : i32
    %c0_i32_1 = arith.constant 0 : i32
    return %c0_i32, %c0_i32_0 : i32, i32
  }
  func.func @transform_3(%arg0: i32) -> (i32, i32) {
    %c0_i32 = arith.constant 0 : i32
    %c0_i32_0 = arith.constant 0 : i32
    return %arg0, %c0_i32 : i32, i32
  }
  func.func @transform_4(%arg0: i32) -> (i32, i32) {
    %c0_i32 = arith.constant 0 : i32
    %c0_i32_0 = arith.constant 0 : i32
    return %arg0, %c0_i32 : i32, i32
  }
}

module attributes {stable_mosaic.version = 14 : i64} {
  func.func @_prefix_body(%arg0: i32, %arg1: memref<160x128xi32, #tpu.memory_space<vmem>>, %arg2: memref<128x128xf32, #tpu.memory_space<vmem>>, %arg3: memref<160x160xf32, #tpu.memory_space<vmem>>, %arg4: memref<160x128xi32, #tpu.memory_space<vmem>>) attributes {dimension_semantics = [#tpu.dimension_semantics<arbitrary>], iteration_bounds = array<i64: 1>, scalar_prefetch = 0 : i64, scratch_operands = 0 : i64, tpu.core_type = #tpu.core_type<tc>, window_params = [{pipeline_mode = #tpu.pipeline_mode<synchronous>, transform_indices = @transform_0, window_bounds = array<i64: 160, 128>}, {pipeline_mode = #tpu.pipeline_mode<synchronous>, transform_indices = @transform_1, window_bounds = array<i64: 128, 128>}, {pipeline_mode = #tpu.pipeline_mode<synchronous>, transform_indices = @transform_2, window_bounds = array<i64: 160, 160>}, {pipeline_mode = #tpu.pipeline_mode<synchronous>, transform_indices = @transform_3, window_bounds = array<i64: 160, 128>}]} {
    %get3A = arith.constant 0 : index
    %get3A_0 = arith.constant 0 : index
    %get3A_1 = vector.load %arg1[%get3A, %get3A_0] : memref<160x128xi32, #tpu.memory_space<vmem>>, vector<160x128xi32>
    %convert_element_type3A = arith.sitofp %get3A_1 : vector<160x128xi32> to vector<160x128xf32>
    %min3A = arith.constant 1.000000e+00 : f32
    %min3A_2 = vector.broadcast %min3A : f32 to vector<160x128xf32>
    %min3A_3 = arith.minimumf %convert_element_type3A, %min3A_2 : vector<160x128xf32>
    %get3A_4 = arith.constant 0 : index
    %get3A_5 = arith.constant 0 : index
    %get3A_6 = vector.load %arg2[%get3A_4, %get3A_5] : memref<128x128xf32, #tpu.memory_space<vmem>>, vector<128x128xf32>
    %dot_general3A = arith.constant dense<0.000000e+00> : vector<160x128xf32>
    %dot_general3A_7 = tpu.matmul %min3A_3, %get3A_6, %dot_general3A {dimension_numbers = #tpu.dot_dimension_numbers<[1], [0], [0], [1], [0, 0, 1, 1], [], []>, transpose_lhs_hint = false} : vector<160x128xf32>, vector<128x128xf32>, vector<160x128xf32> -> vector<160x128xf32>
    %reduce_sum3A = arith.constant dense<0.000000e+00> : vector<160xf32>
    %reduce_sum3A_8 = vector.multi_reduction <add>, %min3A_3, %reduce_sum3A [1] : vector<160x128xf32> to vector<160xf32>
    %broadcast_in_dim3A = vector.shape_cast %reduce_sum3A_8 : vector<160xf32> to vector<160x1xf32>
    %get3A_9 = arith.constant 0 : index
    %get3A_10 = arith.constant 0 : index
    %get3A_11 = vector.load %arg3[%get3A_9, %get3A_10] : memref<160x160xf32, #tpu.memory_space<vmem>>, vector<160x160xf32>
    %dot_general3A_12 = arith.constant dense<0.000000e+00> : vector<160x1xf32>
    %dot_general3A_13 = tpu.matmul %get3A_11, %broadcast_in_dim3A, %dot_general3A_12 {dimension_numbers = #tpu.dot_dimension_numbers<[1], [0], [0], [1], [0, 0, 1, 1], [], []>, transpose_lhs_hint = false} : vector<160x160xf32>, vector<160x1xf32>, vector<160x1xf32> -> vector<160x1xf32>
    %add3A = vector.broadcast %dot_general3A_13 : vector<160x1xf32> to vector<160x128xf32>
    %add3A_14 = arith.addf %dot_general3A_7, %add3A : vector<160x128xf32>
    %convert_element_type3A_15 = arith.fptosi %add3A_14 : vector<160x128xf32> to vector<160x128xi32>
    %swap3A = arith.constant 0 : index
    %swap3A_16 = arith.constant 0 : index
    %swap3A_17 = vector.load %arg4[%swap3A, %swap3A_16] : memref<160x128xi32, #tpu.memory_space<vmem>>, vector<160x128xi32>
    tpu.vector_store %arg4[%swap3A, %swap3A_16], %convert_element_type3A_15 {strides = array<i32>} : memref<160x128xi32, #tpu.memory_space<vmem>>, vector<160x128xi32>,
    return
  }
  func.func @transform_0(%arg0: i32) -> (i32, i32) {
    %c0_i32 = arith.constant 0 : i32
    %c0_i32_0 = arith.constant 0 : i32
    %c0_i32_1 = arith.constant 0 : i32
    return %c0_i32, %c0_i32_0 : i32, i32
  }
  func.func @transform_1(%arg0: i32) -> (i32, i32) {
    %c0_i32 = arith.constant 0 : i32
    %c0_i32_0 = arith.constant 0 : i32
    %c0_i32_1 = arith.constant 0 : i32
    return %c0_i32, %c0_i32_0 : i32, i32
  }
  func.func @transform_2(%arg0: i32) -> (i32, i32) {
    %c0_i32 = arith.constant 0 : i32
    %c0_i32_0 = arith.constant 0 : i32
    %c0_i32_1 = arith.constant 0 : i32
    return %c0_i32, %c0_i32_0 : i32, i32
  }
  func.func @transform_3(%arg0: i32) -> (i32, i32) {
    %c0_i32 = arith.constant 0 : i32
    %c0_i32_0 = arith.constant 0 : i32
    %c0_i32_1 = arith.constant 0 : i32
    return %c0_i32, %c0_i32_0 : i32, i32
  }
}

module attributes {stable_mosaic.version = 14 : i64} {
  func.func @_epilogue_body(%arg0: i32, %arg1: memref<1000x128xf32, #tpu.memory_space<vmem>>, %arg2: memref<1000x128xf32, #tpu.memory_space<vmem>>, %arg3: memref<128x128xf32, #tpu.memory_space<vmem>>, %arg4: memref<1x128x128xf32, #tpu.memory_space<vmem>>, %arg5: memref<1x128xf32, #tpu.memory_space<vmem>>, %arg6: memref<1000x128xf32, #tpu.memory_space<vmem>>) attributes {dimension_semantics = [#tpu.dimension_semantics<arbitrary>], iteration_bounds = array<i64: 20>, scalar_prefetch = 0 : i64, scratch_operands = 0 : i64, tpu.core_type = #tpu.core_type<tc>, window_params = [{transform_indices = @transform_0, window_bounds = array<i64: 1000, 128>}, {transform_indices = @transform_1, window_bounds = array<i64: 1000, 128>}, {pipeline_mode = #tpu.pipeline_mode<synchronous>, transform_indices = @transform_2, window_bounds = array<i64: 128, 128>}, {transform_indices = @transform_3, window_bounds = array<i64: 1, 128, 128>}, {pipeline_mode = #tpu.pipeline_mode<synchronous>, transform_indices = @transform_4, window_bounds = array<i64: 1, 128>}, {transform_indices = @transform_5, window_bounds = array<i64: 1000, 128>}]} {
    %get3A = arith.constant 0 : index
    %get3A_0 = arith.constant 0 : index
    %get3A_1 = vector.load %arg2[%get3A, %get3A_0] : memref<1000x128xf32, #tpu.memory_space<vmem>>, vector<1000x128xf32>
    %get3A_2 = arith.constant 0 : index
    %get3A_3 = arith.constant 0 : index
    %get3A_4 = vector.load %arg3[%get3A_2, %get3A_3] : memref<128x128xf32, #tpu.memory_space<vmem>>, vector<128x128xf32>
    %dot_general3A = arith.constant dense<0.000000e+00> : vector<1000x128xf32>
    %dot_general3A_5 = tpu.matmul %get3A_1, %get3A_4, %dot_general3A {dimension_numbers = #tpu.dot_dimension_numbers<[1], [0], [0], [1], [0, 0, 1, 1], [], []>, transpose_lhs_hint = false} : vector<1000x128xf32>, vector<128x128xf32>, vector<1000x128xf32> -> vector<1000x128xf32>
    %get3A_6 = arith.constant 0 : index
    %get3A_7 = arith.constant 0 : index
    %get3A_8 = vector.load %arg1[%get3A_6, %get3A_7] : memref<1000x128xf32, #tpu.memory_space<vmem>>, vector<1000x128xf32>
    %gt3A = arith.constant 0.000000e+00 : f32
    %gt3A_9 = vector.broadcast %gt3A : f32 to vector<1000x128xf32>
    %gt3A_10 = arith.cmpf ogt, %dot_general3A_5, %gt3A_9 : vector<1000x128xf32>
    %div3A = arith.divf %get3A_8, %dot_general3A_5 : vector<1000x128xf32>
    %jit3A = arith.constant 0.000000e+00 : f32
    %broadcast_in_dim3A = vector.broadcast %jit3A : f32 to vector<1000x128xf32>
    %select_n3A = arith.select %gt3A_10, %div3A, %broadcast_in_dim3A : vector<1000x128xi1>, vector<1000x128xf32>
    %get3A_11 = arith.constant 0 : index
    %get3A_12 = arith.constant 0 : index
    %get3A_13 = vector.load %arg5[%get3A_11, %get3A_12] : memref<1x128xf32, #tpu.memory_space<vmem>>, vector<1x128xf32>
    %add3A = vector.broadcast %get3A_13 : vector<1x128xf32> to vector<1000x128xf32>
    %add3A_14 = arith.addf %select_n3A, %add3A : vector<1000x128xf32>
    %mul3A = arith.mulf %add3A_14, %add3A_14 : vector<1000x128xf32>
    %reduce_sum3A = arith.constant dense<0.000000e+00> : vector<1000xf32>
    %reduce_sum3A_15 = vector.multi_reduction <add>, %mul3A, %reduce_sum3A [1] : vector<1000x128xf32> to vector<1000xf32>
    %broadcast_in_dim3A_16 = vector.shape_cast %reduce_sum3A_15 : vector<1000xf32> to vector<1000x1xf32>
    %sqrt3A = math.sqrt %broadcast_in_dim3A_16 : vector<1000x1xf32>
    %max3A = arith.constant 9.99999996E-13 : f32
    %max3A_17 = vector.broadcast %max3A : f32 to vector<1000x1xf32>
    %max3A_18 = arith.maximumf %sqrt3A, %max3A_17 : vector<1000x1xf32>
    %div3A_19 = vector.broadcast %max3A_18 : vector<1000x1xf32> to vector<1000x128xf32>
    %div3A_20 = arith.divf %add3A_14, %div3A_19 : vector<1000x128xf32>
    %get3A_21 = arith.constant 0 : index
    %get3A_22 = arith.constant 0 : index
    %get3A_23 = arith.constant 0 : index
    %get3A_24 = vector.load %arg4[%get3A_21, %get3A_22, %get3A_23] : memref<1x128x128xf32, #tpu.memory_space<vmem>>, vector<1x128x128xf32>
    %get3A_25 = vector.shape_cast %get3A_24 : vector<1x128x128xf32> to vector<128x128xf32>
    %dot_general3A_26 = arith.constant dense<0.000000e+00> : vector<1000x128xf32>
    %dot_general3A_27 = tpu.matmul %div3A_20, %get3A_25, %dot_general3A_26 {dimension_numbers = #tpu.dot_dimension_numbers<[1], [0], [0], [1], [0, 0, 1, 1], [], []>, transpose_lhs_hint = false} : vector<1000x128xf32>, vector<128x128xf32>, vector<1000x128xf32> -> vector<1000x128xf32>
    %swap3A = arith.constant 0 : index
    %swap3A_28 = arith.constant 0 : index
    %swap3A_29 = vector.load %arg6[%swap3A, %swap3A_28] : memref<1000x128xf32, #tpu.memory_space<vmem>>, vector<1000x128xf32>
    tpu.vector_store %arg6[%swap3A, %swap3A_28], %dot_general3A_27 {strides = array<i32>} : memref<1000x128xf32, #tpu.memory_space<vmem>>, vector<1000x128xf32>,
    return
  }
  func.func @transform_0(%arg0: i32) -> (i32, i32) {
    %c0_i32 = arith.constant 0 : i32
    %c0_i32_0 = arith.constant 0 : i32
    return %arg0, %c0_i32 : i32, i32
  }
  func.func @transform_1(%arg0: i32) -> (i32, i32) {
    %c0_i32 = arith.constant 0 : i32
    %c0_i32_0 = arith.constant 0 : i32
    return %arg0, %c0_i32 : i32, i32
  }
  func.func @transform_2(%arg0: i32) -> (i32, i32) {
    %c0_i32 = arith.constant 0 : i32
    %c0_i32_0 = arith.constant 0 : i32
    %c0_i32_1 = arith.constant 0 : i32
    return %c0_i32, %c0_i32_0 : i32, i32
  }
  func.func @transform_3(%arg0: i32) -> (i32, i32, i32) {
    %jit3A = arith.constant 10 : i32
    %div3A = arith.divsi %arg0, %jit3A : i32
    %sign3A = arith.constant 0 : i32
    %sign3A_0 = arith.cmpi sgt, %arg0, %sign3A : i32
    %sign3A_1 = arith.extui %sign3A_0 : i1 to i32
    %sign3A_2 = arith.constant 0 : i32
    %sign3A_3 = arith.cmpi slt, %arg0, %sign3A_2 : i32
    %sign3A_4 = arith.extui %sign3A_3 : i1 to i32
    %sign3A_5 = arith.subi %sign3A_1, %sign3A_4 : i32
    %sign3A_6 = arith.constant 0 : i32
    %sign3A_7 = arith.cmpi sgt, %jit3A, %sign3A_6 : i32
    %sign3A_8 = arith.extui %sign3A_7 : i1 to i32
    %sign3A_9 = arith.constant 0 : i32
    %sign3A_10 = arith.cmpi slt, %jit3A, %sign3A_9 : i32
    %sign3A_11 = arith.extui %sign3A_10 : i1 to i32
    %sign3A_12 = arith.subi %sign3A_8, %sign3A_11 : i32
    %ne3A = arith.cmpi ne, %sign3A_5, %sign3A_12 : i32
    %rem3A = arith.remsi %arg0, %jit3A : i32
    %ne3A_13 = arith.constant 0 : i32
    %ne3A_14 = arith.cmpi ne, %rem3A, %ne3A_13 : i32
    %and3A = arith.andi %ne3A, %ne3A_14 : i1
    %sub3A = arith.constant 1 : i32
    %sub3A_15 = arith.subi %div3A, %sub3A : i32
    %select_n3A = arith.select %and3A, %sub3A_15, %div3A : i32
    %c0_i32 = arith.constant 0 : i32
    %c0_i32_16 = arith.constant 0 : i32
    %c0_i32_17 = arith.constant 0 : i32
    return %select_n3A, %c0_i32, %c0_i32_16 : i32, i32, i32
  }
  func.func @transform_4(%arg0: i32) -> (i32, i32) {
    %c0_i32 = arith.constant 0 : i32
    %c0_i32_0 = arith.constant 0 : i32
    %c0_i32_1 = arith.constant 0 : i32
    return %c0_i32, %c0_i32_0 : i32, i32
  }
  func.func @transform_5(%arg0: i32) -> (i32, i32) {
    %c0_i32 = arith.constant 0 : i32
    %c0_i32_0 = arith.constant 0 : i32
    return %arg0, %c0_i32 : i32, i32
  }
}

</mosaic_0001>

<sc_bundles>
// kernel: kernel.10.cloned.1.call-start
scs
__scs_entry_jumppad:
0x0: {  	(pc) =	sbr.rel $0x88, $3  }
0x1: {  	(tag) =	ssettag $0x0;
	lr =	simm.s32 $0x1  }
0x2: {  	[smem:$0x3F95] =	sst lr;
	_ =	strace $0xD0000000  }
0x3: {  	_ = 	snop  }
0x4: {  	_ = 	snop  }
0x5: {  	_ = 	snop  }
0x6: {  	_ = 	snop  }
0x7: {  	_ = 	snop  }
__scs_overlays_trampoline_lowered:
0x8: {  	[smem:$0x3FA4] =	sst s0  }
0x9: {  	[smem:$0x3FA5] =	sst s1  }
0xa: {  	[smem:$0x3FA6] =	sst s2  }
0xb: {  	[smem:$0x3FA7] =	sst s3  }
0xc: {  	[smem:$0x3FA8] =	sst s4  }
0xd: {  	[smem:$0x3FA9] =	sst s5  }
0xe: {  	[smem:$0x3FAA] =	sst s6  }
0xf: {  	[smem:$0x3FAB] =	sst s7  }
0x10: {  	[smem:$0x3FAC] =	sst s8  }
0x11: {  	[smem:$0x3FAD] =	sst s9;
	s0 =	simm.s32 @!p0 $0x0  }
0x12: {  	s1 =	sld [smem:$0x3F93];
	s0 =	simm.s32 @p0 $0x1  }
0x13: {  	[smem:$0x3FAE] =	sst s0;
	s0 =	simm.s32 @!p1 $0x0  }
0x14: {  	s2 =	sld [smem:$0x3F92];
	s0 =	simm.s32 @p1 $0x1  }
0x15: {  	[smem:$0x3FAF] =	sst s0;
	s0 =	simm.s32 @!p2 $0x0  }
0x16: {  	s3 =	sld [smem:$0x3FDB];
	s0 =	simm.s32 @p2 $0x1  }
0x17: {  	s4 =	simm.s32 $0x1BF5;
	[smem:$0x3FB1] =	sst s0  }
0x18: {  	s0 =	sld [smem:$0x3F94];
	_ =	swait.ge [sflag:s4], $0x0  }
0x19: {  	s7 =	sld [smem:$0x3F95]  }
0x1a: {  	s8 =	sadd.s32 $0xFFFFE003, lr  }
0x1b: {  	s9 =	sadd.s32 $0xFFFFFEF7, lr;
	s5 =	simm.s32 $0xFFFFFFFF;
	p2 =	slt.u32 s8, $0xFFFFF086  }
0x1c: {  	p1 =	slt.u32 s9, $0xF7A;
	s5 =	simm.s32 @!p2 $0x0  }
0x1d: {  	s5 =	simm.s32 @p1 $0x1;
	p0 =	seq.s32 s7, s2  }
0x1e: {  	s7 =	smul.u32 @!p0 $0xF7A, s2;
	p2 =	seq.s32 @!p0 s5, $0x0  }
0x1f: {  	s9 =	smul.u32 $0xF7A, s1;
	s8 =	simm.s32 @!p0 $0x1BF5;
	p2 =	por !p2, p0  }
0x20: {  	[sflag:s8] =	ssyncset.s32 @!p0 $0xFFFFF086;
	s6 =	sadd.s32 @!p0 s3, s7;
	s7 =	simm.s32 @!p0 $0x108  }
0x21: {  	s3 =	sadd.s32 s3, s9;
	s6 =	sadd.s32 @!p0 $0x88, s6;
	s7 =	simm.s32 @p2 $0x1082  }
0x22: {  	[simem:s7], [sflag:s8] =	dma.local @!p0 [hbm:s6], $0xF7A  }
0x23: {  	s9 =	sor.u32 $0xD0000000, s2;
	s6 =	simm.s32 $0x108;
	_ =	swait.ge @!p0 [sflag:s8], $0x0  }
0x24: {  	s3 =	sadd.s32 $0x88, s3;
	s6 =	simm.s32 @!p1 $0x1082;
	[sflag:s4] =	ssyncset.s32 $0xFFFFF086  }
0x25: {  	[simem:s6], [sflag:s4] =	dma.local [hbm:s3], $0xF7A  }
0x26: {  	[smem:$0x3F95] =	sst s1;
	(tag) =	ssettag s2;
	_ =	strace s9  }
0x27: {  	s1 =	sld [smem:$0x3FA5]  }
0x28: {  	s2 =	sld [smem:$0x3FA6]  }
0x29: {  	s4 =	sld [smem:$0x3FA8]  }
0x2a: {  	p0 =	seq.s32 s5, $0x0;
	s5 =	sld [smem:$0x3FA9]  }
0x2b: {  	s6 =	sld [smem:$0x3FAA]  }
0x2c: {  	s7 =	sld [smem:$0x3FAB]  }
0x2d: {  	s3 =	simm.s32 $0x108;
	s8 =	sld [smem:$0x3FAC]  }
0x2e: {  	s3 =	simm.s32 @!p0 $0x1082;
	s9 =	sld [smem:$0x3FAD]  }
0x2f: {  	lr =	sadd.s32 s0, s3;
	s0 =	sld [smem:$0x3FA4]  }
0x30: {  	s3 =	sld [smem:$0x3FA7]  }
0x31: {  	[smem:$0x3FB0] =	sst s10  }
0x32: {  	s10 =	sld [smem:$0x3FAE];
	_ =	sdelay $0x3  }
0x33: {  	p0 =	seq.s32 s10, $0x1;
	s10 =	sld [smem:$0x3FB0];
	_ =	sdelay $0x3  }
0x34: {  	[smem:$0x3FB0] =	sst s10  }
0x35: {  	s10 =	sld [smem:$0x3FAF];
	_ =	sdelay $0x3  }
0x36: {  	p1 =	seq.s32 s10, $0x1;
	s10 =	sld [smem:$0x3FB0];
	_ =	sdelay $0x3  }
0x37: {  	[smem:$0x3FB0] =	sst s10  }
0x38: {  	s10 =	sld [smem:$0x3FB1]  }
0x39: {  	_ = 	snop;
	(pc) =	sbr.ind lr, $3  }
0x3a: {  	_ = 	snop  }
0x3b: {  	_ = 	snop  }
0x3c: {  	p2 =	seq.s32 s10, $0x1;
	s10 =	sld [smem:$0x3FB0]  }
0x3d: {  	_ =	shalt  }
0x3e: {  	_ =	shalt  }
0x3f: {  	_ =	shalt  }
0x40: {  	_ =	shalt  }
0x41: {  	_ =	shalt  }
0x42: {  	_ =	shalt  }
0x43: {  	_ =	shalt  }
0x44: {  	_ =	shalt  }
0x45: {  	_ =	shalt  }
0x46: {  	_ =	shalt  }
0x47: {  	_ =	shalt  }
0x48: {  	_ =	shalt  }
0x49: {  	_ =	shalt  }
0x4a: {  	_ =	shalt  }
0x4b: {  	_ =	shalt  }
0x4c: {  	_ =	shalt  }
0x4d: {  	_ =	shalt  }
0x4e: {  	_ =	shalt  }
0x4f: {  	_ =	shalt  }
0x50: {  	_ =	shalt  }
0x51: {  	_ =	shalt  }
0x52: {  	_ =	shalt  }
0x53: {  	_ =	shalt  }
0x54: {  	_ =	shalt  }
0x55: {  	_ =	shalt  }
0x56: {  	_ =	shalt  }
0x57: {  	_ =	shalt  }
0x58: {  	_ =	shalt  }
0x59: {  	_ =	shalt  }
0x5a: {  	_ =	shalt  }
0x5b: {  	_ =	shalt  }
0x5c: {  	_ =	shalt  }
0x5d: {  	_ =	shalt  }
0x5e: {  	_ =	shalt  }
0x5f: {  	_ =	shalt  }
0x60: {  	_ =	shalt  }
0x61: {  	_ =	shalt  }
0x62: {  	_ =	shalt  }
0x63: {  	_ =	shalt  }
0x64: {  	_ =	shalt  }
0x65: {  	_ =	shalt  }
0x66: {  	_ =	shalt  }
0x67: {  	_ =	shalt  }
0x68: {  	_ =	shalt  }
0x69: {  	_ =	shalt  }
0x6a: {  	_ =	shalt  }
0x6b: {  	_ =	shalt  }
0x6c: {  	_ =	shalt  }
0x6d: {  	_ =	shalt  }
0x6e: {  	_ =	shalt  }
0x6f: {  	_ =	shalt  }
0x70: {  	_ =	shalt  }
0x71: {  	_ =	shalt  }
0x72: {  	_ =	shalt  }
0x73: {  	_ =	shalt  }
0x74: {  	_ =	shalt  }
0x75: {  	_ =	shalt  }
0x76: {  	_ =	shalt  }
0x77: {  	_ =	shalt  }
0x78: {  	_ =	shalt  }
0x79: {  	_ =	shalt  }
0x7a: {  	_ =	shalt  }
0x7b: {  	_ =	shalt  }
0x7c: {  	_ =	shalt  }
0x7d: {  	_ =	shalt  }
0x7e: {  	_ =	shalt  }
0x7f: {  	_ =	shalt  }
0x80: {  	_ =	shalt  }
0x81: {  	_ =	shalt  }
0x82: {  	_ =	shalt  }
0x83: {  	_ =	shalt  }
0x84: {  	_ =	shalt  }
0x85: {  	_ =	shalt  }
0x86: {  	_ =	shalt  }
0x87: {  	_ =	shalt  }
.Lfunc_end0:
.L_simem_size_0:
called_computation_lowered:
.L_overlay_start_0:
0x88: {  	s2 =	sld [smem:$0x3FD9]  }
0x89: {  	s3 =	sld [smem:$0x3FFE];
	_ =	sdelay $0x1  }
0x8a: {  	s1 =	srdreg.scid  }
0x8b: {  	s0 =	sand.u32 $0x1, s1  }
0x8c: {  	s16 =	sshll.u32 s0, $0xA;
	s2 =	sadd.s32 s3, s2  }
0x8d: {  	s2 =	sadd.s32 s2, s16  }
0x8e: {  	[smem:$0x3FBC] =	sst s2  }
0x8f: {  	_ = 	snop  }
0x90: {  	(tm) =	ssettm $0x1  }
0x91: {  	s17 =	sld [smem:$0x3FFB];
	_ =	sdelay $0x3  }
0x92: {  	_ =	strace s17  }
0x93: {  	s2 =	sld [smem:$0x3FFC];
	_ =	sdelay $0x3  }
0x94: {  	_ =	strace s2  }
0x95: {  	s2 =	sld [smem:$0x3FFD];
	_ =	sdelay $0x3  }
0x96: {  	_ =	strace s2  }
0x97: {  	_ =	strace $0x8FFFFFFF  }
0x98: {  	s18 =	sld [smem:$0x3FDB];
	_ =	sdelay $0x1  }
0x99: {  	s19 =	simm.s32 $_scs_section_size  }
0x9a: {  	s4 =	simm.s32 $_size__tile_overlayer_lowered;
	s5 =	simm.s32 $_tile_overlayer_lowered  }
0x9b: {  	s22 =	simm.s32 $0x1BFF;
	s21 =	sshll.u32 s5, $0x1;
	s2 =	sadd.s32 s19, s18  }
0x9c: {  	s6 =	simm.s32 $0x0;
	s20 =	sshll.u32 s4, $0x1;
	s4 =	sadd.s32 s21, s2  }
0x9d: {  	[timem:s6], [sflag:s22] =	dma.local [hbm:s4], s20  }
0x9e: {  	_ =	swait.ge [sflag:s22], s20  }
0x9f: {  	s3 =	ssub.s32 $0x0, s20;
	[sflag:s22] =	ssyncset.done $0x0  }
0xa0: {  	[sflag:s22] =	ssyncadd.s32 s3;
	_ =	sdelay $0x1  }
0xa1: {  	s23 =	simm.s32 $0x1B8B  }
0xa2: {  	_ =	swait.ge [sflag:s23], $0x1  }
0xa3: {  	[sflag:s23] =	ssyncset.done $0x0  }
0xa4: {  	s25 =	simm.s32 $0x1B8E;
	s24 =	sld [smem:$0x3FFE];
	[sflag:s23] =	ssyncadd.s32 $0xFFFFFFFF  }
0xa5: {  	s26 =	simm.s32 $execute0_lowered;
	[smem:$0x3FD2] =	sst s25  }
0xa6: {  	s4 =	sshll.u32 s26, $0x1;
	_ =	strace $0x80000046;
	[dreg:$0x1] =	wrdreg $0xFFFFFFFF  }
0xa7: {  	s28 =	simm.s32 $_size_execute0_lowered;
	s2 =	sadd.s32 s2, s4;
	[dreg:$0x0] =	wrdreg $0x0  }
0xa8: {  	s4 =	sshll.u32 s28, $0x1;
	[dreg:$0x2] =	wrdreg s2  }
0xa9: {  	[dreg:$0x3] =	wrdreg s4  }
0xaa: {  	[dreg:$0x4] =	wrdreg $0xC0  }
0xab: {  	_ =	task [dreg:s6], $0x5FFFF  }
0xac: {  	[dreg:$0x1] =	wrdreg $0xFFFFFFFF  }
0xad: {  	[dreg:$0x0] =	wrdreg $0x60  }
0xae: {  	[dreg:$0x2] =	wrdreg s24  }
0xaf: {  	[dreg:$0x3] =	wrdreg $0xA  }
0xb0: {  	_ =	task.clear_ibuf [dreg:s6], $0x4FFFF;
	_ =	strace $0x90000046  }
0xb1: {  	s29 =	simm.s32 $0xA;
	_ =	strace $0x80000048  }
0xb2: {  	_ =	swait.ge [sflag:s29], $0x1  }
0xb3: {  	[sflag:s29] =	ssyncadd.s32 $0xFFFFFFFF  }
0xb4: {  	_ =	strace $0x90000048  }
0xb5: {  	_ =	sfence  }
0xb6: {  	s30 =	sld [smem:$0x0];
	_ =	sdelay $0x2  }
0xb7: {  	s31 =	sshll.u32 s1, $0xD;
	s1 =	sshrl.u32 s1, $0x2  }
0xb8: {  	s3 =	sand.u32 $0x4000, s31;
	s1 =	sadd.s32 s1, s30  }
0xb9: {  	s0 =	sor.u32 s3, s0;
	s1 =	sshll.u32 s1, $0x11  }
0xba: {  	s0 =	sor.u32 s1, s0  }
0xbb: {  	s0 =	sadd.s32 $0x8F2B, s0  }
0xbc: {  	[sflag:s0] =	ssyncadd.remote.s32 $0x1  }
0xbd: {  	_ =	sfence.sel $0xFFFF  }
0xbe: {  	[dreg:$0x0] =	wrdreg $0xFFFFFFFF;
	(pc) =	sbr.abs _section_cstart, $3  }
0xbf: {  	[dreg:$0x1] =	wrdreg $0xFFFFFFFF  }
0xc0: {  	_ =	task.clear_ibuf [dreg:s6], $0x2FFFF;
	_ =	strace $0x9FFFFFFF  }
0xc1: {  	(tm) =	ssettm $0x7FFFFFFF  }
tec
execute0_lowered:
.L_overlay_start_1:
0x0: {  	(tag) =	ssettag $0x1  }
0x1: {  	s6 =	rddreg [dreg:$0x0]  }
0x2: {  	s0 =	rddreg [dreg:$0x1];
	s1 =	simm.s32 $0x0;
	s2 =	srdreg.scid  }
0x3: {  	s10 =	simm.s32 $0x3;
	s11 =	simm.s32 $0x7780;
	s12 =	simm.s32 $0x70  }
0x4: {  	s13 =	simm.s32 $0x3800;
	s14 =	simm.s32 $0x1;
	s15 =	simm.s32 $0x2  }
0x5: {  	s16 =	simm.s32 $0x7000;
	s17 =	simm.s32 $0x0;
	[smem:$0x7FF] =	sst s1  }
0x6: {  	s5 =	sand.u32 $0x1, s2;
	s3 =	sadd.s32 $0x3200, s6;
	s4 =	sadd.s32 $0xB3200, s6  }
0x7: {  	s2 =	stileid.u32;
	_ =	strace $0x80000047;
	s7 =	ssub.s32 $0x2, s5  }
0x8: {  	s9 =	sshll.u32 s5, $0x4;
	s5 =	sadd.s32 $0x9F600, s6;
	s8 =	sshrl.u32 s7, $0x1  }
0x9: {  	s6 =	sadd.s32 $0xC6E00, s6;
	s31 =	sor.u32 s2, s9;
	s8 =	ssub.s32 s7, s8  }
0xa: {  	s9 =	simm.s32 $0x7700;
	s7 =	smul.u32 $0xB4, s31;
	s8 =	smax.u32 s8, $0x1  }
.LBB2_1:
0xb: {  	s18 =	simm.s32 $0x0  }
.LBB2_2:
0xc: {  	s19 =	sadd.s32 s7, s18  }
0xd: {  	s20 =	smul.u32 $0xE, s19;
	_ =	sdelay $0x1  }
0xe: {  	s22 =	simm.s32 $0x0;
	s21 =	sadd.s32 s4, s20  }
0xf: {  	[tilespmem:s9], [sflag:$0x3] =	stream.linear.gather [hbm4b:s21+s22], $0x70, $0x38;
	[tilespmem:$0x7800] =	vst v63  }
0x10: {  	_ =	swait.ge [sflag:s10], $0x70  }
0x11: {  	[sflag:s10] =	ssyncset.done $0x0  }
0x12: {  	s20 =	sadd.s32 s5, s20;
	[sflag:s10] =	ssyncadd.s32 $0xFFFFFF90  }
0x13: {  	[tilespmem:s11], [sflag:$0x3] =	stream.linear.gather [hbm4b:s20+s22], $0x70, $0x38;
	[tilespmem:$0x7800] =	vst v63  }
0x14: {  	_ =	swait.ge [sflag:s10], $0x70  }
0x15: {  	[sflag:s10] =	ssyncset.done $0x0  }
0x16: {  	[sflag:s10] =	ssyncadd.s32 $0xFFFFFF90  }
0x17: {  	[tilespmem:s22], [sflag:$0x1] =	stream.indirect.gather [hbm4b:s3+s12], $0x80, s9, s12, $0xb8;
	[tilespmem:$0x7800] =	vst v63  }
0x18: {  	_ = 	snop  }
0x19: {  	[tilespmem:s13], [sflag:$0x2] =	stream.indirect.gather [hbm4b:s3+s12], $0x80, s11, s12, $0xb8;
	[tilespmem:$0x7800] =	vst v63  }
0x1a: {  	_ =	swait.ge [sflag:s14], $0x3800  }
0x1b: {  	[sflag:s14] =	ssyncset.done $0x0  }
0x1c: {  	[sflag:s14] =	ssyncadd.s32 $0xFFFFC800  }
0x1d: {  	_ =	swait.ge [sflag:s15], $0x3800  }
0x1e: {  	[sflag:s15] =	ssyncset.done $0x0  }
0x1f: {  	s31 =	simm.s32 $0x0;
	[sflag:s15] =	ssyncadd.s32 $0xFFFFC800  }
0x20: {  	v0 =	vld [tilespmem:s31+$0x3810]  }
0x21: {  	v1 =	vld [tilespmem:s31+$0x0];
	_ =	sdelay $0x4  }
0x22: {  	v0 =	vadd.f32 v0, v1;
	_ =	sdelay $0x1  }
0x23: {  	v1 =	vmul.f32 $2.000000030e-01, v0  }
0x24: {  	vm0 =	vgt.f32 v0, $0.0e+00  }
0x25: {  	v0 =	vsel vm0, v0, v1  }
0x26: {  	v0 =	vmul.f32 $1.442695020e+00, v0;
	_ =	sdelay $0x1  }
0x27: {  	(erf) = vpow2.f32 v0;
	_ =	sdelay $0x8  }
0x28: {  	s20 =	simm.s32 $0x7000;
	v0 =	vpop (erf)  }
0x29: {  	s22 =	simm.s32 $0x80;
	[tilespmem:s20+$0x0] =	vst v0  }
0x2a: {  	s21 =	simm.s32 $0x400;
	v0 =	vld [tilespmem:s22+$0x3810]  }
.LBB2_3:
0x2b: {  	p0 =	sne.s32 s21, $0xDE00;
	v1 =	vld [tilespmem:s22+$0x0];
	_ =	sdelay $0x4  }
0x2c: {  	v0 =	vadd.f32 v0, v1;
	_ =	sdelay $0x1  }
0x2d: {  	v1 =	vmul.f32 $2.000000030e-01, v0  }
0x2e: {  	vm0 =	vgt.f32 v0, $0.0e+00  }
0x2f: {  	v0 =	vsel vm0, v0, v1  }
0x30: {  	v0 =	vmul.f32 $1.442695020e+00, v0;
	_ =	sdelay $0x1  }
0x31: {  	(erf) = vpow2.f32 v0;
	_ =	sdelay $0x6  }
.Ltmp0:
0x32: {  	(pc) =	sbr.rel @p0 .LBB2_3-.Ltmp0, $4  }
0x33: {  	_ = 	snop  }
0x34: {  	s20 =	sadd.s32 $0x10, s20;
	v0 =	vpop (erf)  }
0x35: {  	s22 =	sshra.s32 s21, $0x2;
	[tilespmem:s20+$0x0] =	vst v0  }
0x36: {  	s21 =	sadd.s32 $0x200, s21;
	v0 =	vld [tilespmem:s22+$0x3810]  }
0x37: {  	v1 =	vld [tilespmem:s22+$0x0];
	_ =	sdelay $0x4  }
0x38: {  	v0 =	vadd.f32 v0, v1;
	_ =	sdelay $0x1  }
0x39: {  	v1 =	vmul.f32 $2.000000030e-01, v0  }
0x3a: {  	vm0 =	vgt.f32 v0, $0.0e+00  }
0x3b: {  	v0 =	vsel vm0, v0, v1  }
0x3c: {  	v0 =	vmul.f32 $1.442695020e+00, v0;
	_ =	sdelay $0x1  }
0x3d: {  	(erf) = vpow2.f32 v0;
	_ =	sdelay $0x7  }
0x3e: {  	s19 =	smul.u32 $0xE0, s19;
	s18 =	sadd.s32 $0x1, s18  }
0x3f: {  	s20 =	sadd.s32 $0x10, s20;
	p0 =	sne.s32 s18, $0xB4;
	v0 =	vpop (erf)  }
.Ltmp1:
0x40: {  	s19 =	sadd.s32 s6, s19;
	[tilespmem:s20+$0x0] =	vst v0;
	(pc) =	sbr.rel @p0 .LBB2_2-.Ltmp1, $4  }
0x41: {  	[hbm4b:s19+s1] =	stream.linear.scatter [tilespmem:s16], [sflag:$0x3], $0x700, $0x38;
	[tilespmem:$0x7800] =	vst v63  }
0x42: {  	_ =	swait.ge [sflag:s10], $0x700  }
0x43: {  	[sflag:s10] =	ssyncset.done $0x0  }
0x44: {  	[sflag:s10] =	ssyncadd.s32 $0xFFFFF900  }
0x45: {  	s17 =	sadd.s32 $0x1, s17  }
0x46: {  	p0 =	sne.s32 s17, s8  }
.Ltmp2:
0x47: {  	_ = 	snop;
	(pc) =	sbr.rel @p0 .LBB2_1-.Ltmp2, $1  }
0x48: {  	_ =	sdelay $0x3  }
0x49: {  	_ =	sfence.sel $0x180000  }
0x4a: {  	[bflag:$0x0] =	sbarrier.arrive $0xFFFF  }
0x4b: {  	p0 =	sne.s32 s2, $0x0;
	_ =	strace $0x90000047  }
0x4c: {  	s0 =	sadd.s32 @!p0 $0x100000, s0;
	[bflag:$0x2] =	sbarrier.arrive $0xFFFF  }
0x4d: {  	[sflag:s0] =	ssyncadd.tile.s32 @!p0 $0x1;
	_ =	shalt  }
.Lfunc_end2:
_tile_overlayer_lowered:
.L_overlay_start_2:
0x4e: {  	(tag) =	ssettag $0x2  }
0x4f: {  	s0 =	rddreg [dreg:$0x0];
	s2 =	stileid.u32  }
0x50: {  	s1 =	rddreg [dreg:$0x1];
	p0 =	sne.s32 s2, $0x0  }
0x51: {  	s3 =	rddreg [dreg:$0x2];
	[bflag:$0x3] =	sbarrier.arrive $0xFFFF;
	s2 =	simm.s32 @!p0 $0x1C03  }
0x52: {  	[timem:s3], [sflag:s2] =	dma.local @!p0 [hbm:s0], s1  }
0x53: {  	s0 =	simm.s32 @!p0 $0x3  }
0x54: {  	_ =	swait.ge @!p0 [sflag:s0], s1  }
0x55: {  	s1 =	ssub.s32 @!p0 $0x0, s1;
	[sflag:s0] =	ssyncset.done @!p0 $0x0  }
0x56: {  	[sflag:s0] =	ssyncadd.s32 @!p0 s1  }
0x57: {  	[bflag:$0x3] =	sbarrier.arrive $0xFFFF  }
0x58: {  	_ =	shalt  }

// kernel: kernel.13.cloned.1.call-start
scs
__scs_entry_jumppad:
0x0: {  	(pc) =	sbr.rel $0x88, $3  }
0x1: {  	(tag) =	ssettag $0x0;
	lr =	simm.s32 $0x1  }
0x2: {  	[smem:$0x3F95] =	sst lr;
	_ =	strace $0xD0000000  }
0x3: {  	_ = 	snop  }
0x4: {  	_ = 	snop  }
0x5: {  	_ = 	snop  }
0x6: {  	_ = 	snop  }
0x7: {  	_ = 	snop  }
__scs_overlays_trampoline_lowered:
0x8: {  	[smem:$0x3FA4] =	sst s0  }
0x9: {  	[smem:$0x3FA5] =	sst s1  }
0xa: {  	[smem:$0x3FA6] =	sst s2  }
0xb: {  	[smem:$0x3FA7] =	sst s3  }
0xc: {  	[smem:$0x3FA8] =	sst s4  }
0xd: {  	[smem:$0x3FA9] =	sst s5  }
0xe: {  	[smem:$0x3FAA] =	sst s6  }
0xf: {  	[smem:$0x3FAB] =	sst s7  }
0x10: {  	[smem:$0x3FAC] =	sst s8  }
0x11: {  	[smem:$0x3FAD] =	sst s9;
	s0 =	simm.s32 @!p0 $0x0  }
0x12: {  	s1 =	sld [smem:$0x3F93];
	s0 =	simm.s32 @p0 $0x1  }
0x13: {  	[smem:$0x3FAE] =	sst s0;
	s0 =	simm.s32 @!p1 $0x0  }
0x14: {  	s2 =	sld [smem:$0x3F92];
	s0 =	simm.s32 @p1 $0x1  }
0x15: {  	[smem:$0x3FAF] =	sst s0;
	s0 =	simm.s32 @!p2 $0x0  }
0x16: {  	s3 =	sld [smem:$0x3FDB];
	s0 =	simm.s32 @p2 $0x1  }
0x17: {  	s4 =	simm.s32 $0x1BF5;
	[smem:$0x3FB1] =	sst s0  }
0x18: {  	s0 =	sld [smem:$0x3F94];
	_ =	swait.ge [sflag:s4], $0x0  }
0x19: {  	s7 =	sld [smem:$0x3F95]  }
0x1a: {  	s8 =	sadd.s32 $0xFFFFE003, lr  }
0x1b: {  	s9 =	sadd.s32 $0xFFFFFEF7, lr;
	s5 =	simm.s32 $0xFFFFFFFF;
	p2 =	slt.u32 s8, $0xFFFFF086  }
0x1c: {  	p1 =	slt.u32 s9, $0xF7A;
	s5 =	simm.s32 @!p2 $0x0  }
0x1d: {  	s5 =	simm.s32 @p1 $0x1;
	p0 =	seq.s32 s7, s2  }
0x1e: {  	s7 =	smul.u32 @!p0 $0xF7A, s2;
	p2 =	seq.s32 @!p0 s5, $0x0  }
0x1f: {  	s9 =	smul.u32 $0xF7A, s1;
	s8 =	simm.s32 @!p0 $0x1BF5;
	p2 =	por !p2, p0  }
0x20: {  	[sflag:s8] =	ssyncset.s32 @!p0 $0xFFFFF086;
	s6 =	sadd.s32 @!p0 s3, s7;
	s7 =	simm.s32 @!p0 $0x108  }
0x21: {  	s3 =	sadd.s32 s3, s9;
	s6 =	sadd.s32 @!p0 $0x88, s6;
	s7 =	simm.s32 @p2 $0x1082  }
0x22: {  	[simem:s7], [sflag:s8] =	dma.local @!p0 [hbm:s6], $0xF7A  }
0x23: {  	s9 =	sor.u32 $0xD0000000, s2;
	s6 =	simm.s32 $0x108;
	_ =	swait.ge @!p0 [sflag:s8], $0x0  }
0x24: {  	s3 =	sadd.s32 $0x88, s3;
	s6 =	simm.s32 @!p1 $0x1082;
	[sflag:s4] =	ssyncset.s32 $0xFFFFF086  }
0x25: {  	[simem:s6], [sflag:s4] =	dma.local [hbm:s3], $0xF7A  }
0x26: {  	[smem:$0x3F95] =	sst s1;
	(tag) =	ssettag s2;
	_ =	strace s9  }
0x27: {  	s1 =	sld [smem:$0x3FA5]  }
0x28: {  	s2 =	sld [smem:$0x3FA6]  }
0x29: {  	s4 =	sld [smem:$0x3FA8]  }
0x2a: {  	p0 =	seq.s32 s5, $0x0;
	s5 =	sld [smem:$0x3FA9]  }
0x2b: {  	s6 =	sld [smem:$0x3FAA]  }
0x2c: {  	s7 =	sld [smem:$0x3FAB]  }
0x2d: {  	s3 =	simm.s32 $0x108;
	s8 =	sld [smem:$0x3FAC]  }
0x2e: {  	s3 =	simm.s32 @!p0 $0x1082;
	s9 =	sld [smem:$0x3FAD]  }
0x2f: {  	lr =	sadd.s32 s0, s3;
	s0 =	sld [smem:$0x3FA4]  }
0x30: {  	s3 =	sld [smem:$0x3FA7]  }
0x31: {  	[smem:$0x3FB0] =	sst s10  }
0x32: {  	s10 =	sld [smem:$0x3FAE];
	_ =	sdelay $0x3  }
0x33: {  	p0 =	seq.s32 s10, $0x1;
	s10 =	sld [smem:$0x3FB0];
	_ =	sdelay $0x3  }
0x34: {  	[smem:$0x3FB0] =	sst s10  }
0x35: {  	s10 =	sld [smem:$0x3FAF];
	_ =	sdelay $0x3  }
0x36: {  	p1 =	seq.s32 s10, $0x1;
	s10 =	sld [smem:$0x3FB0];
	_ =	sdelay $0x3  }
0x37: {  	[smem:$0x3FB0] =	sst s10  }
0x38: {  	s10 =	sld [smem:$0x3FB1]  }
0x39: {  	_ = 	snop;
	(pc) =	sbr.ind lr, $3  }
0x3a: {  	_ = 	snop  }
0x3b: {  	_ = 	snop  }
0x3c: {  	p2 =	seq.s32 s10, $0x1;
	s10 =	sld [smem:$0x3FB0]  }
0x3d: {  	_ =	shalt  }
0x3e: {  	_ =	shalt  }
0x3f: {  	_ =	shalt  }
0x40: {  	_ =	shalt  }
0x41: {  	_ =	shalt  }
0x42: {  	_ =	shalt  }
0x43: {  	_ =	shalt  }
0x44: {  	_ =	shalt  }
0x45: {  	_ =	shalt  }
0x46: {  	_ =	shalt  }
0x47: {  	_ =	shalt  }
0x48: {  	_ =	shalt  }
0x49: {  	_ =	shalt  }
0x4a: {  	_ =	shalt  }
0x4b: {  	_ =	shalt  }
0x4c: {  	_ =	shalt  }
0x4d: {  	_ =	shalt  }
0x4e: {  	_ =	shalt  }
0x4f: {  	_ =	shalt  }
0x50: {  	_ =	shalt  }
0x51: {  	_ =	shalt  }
0x52: {  	_ =	shalt  }
0x53: {  	_ =	shalt  }
0x54: {  	_ =	shalt  }
0x55: {  	_ =	shalt  }
0x56: {  	_ =	shalt  }
0x57: {  	_ =	shalt  }
0x58: {  	_ =	shalt  }
0x59: {  	_ =	shalt  }
0x5a: {  	_ =	shalt  }
0x5b: {  	_ =	shalt  }
0x5c: {  	_ =	shalt  }
0x5d: {  	_ =	shalt  }
0x5e: {  	_ =	shalt  }
0x5f: {  	_ =	shalt  }
0x60: {  	_ =	shalt  }
0x61: {  	_ =	shalt  }
0x62: {  	_ =	shalt  }
0x63: {  	_ =	shalt  }
0x64: {  	_ =	shalt  }
0x65: {  	_ =	shalt  }
0x66: {  	_ =	shalt  }
0x67: {  	_ =	shalt  }
0x68: {  	_ =	shalt  }
0x69: {  	_ =	shalt  }
0x6a: {  	_ =	shalt  }
0x6b: {  	_ =	shalt  }
0x6c: {  	_ =	shalt  }
0x6d: {  	_ =	shalt  }
0x6e: {  	_ =	shalt  }
0x6f: {  	_ =	shalt  }
0x70: {  	_ =	shalt  }
0x71: {  	_ =	shalt  }
0x72: {  	_ =	shalt  }
0x73: {  	_ =	shalt  }
0x74: {  	_ =	shalt  }
0x75: {  	_ =	shalt  }
0x76: {  	_ =	shalt  }
0x77: {  	_ =	shalt  }
0x78: {  	_ =	shalt  }
0x79: {  	_ =	shalt  }
0x7a: {  	_ =	shalt  }
0x7b: {  	_ =	shalt  }
0x7c: {  	_ =	shalt  }
0x7d: {  	_ =	shalt  }
0x7e: {  	_ =	shalt  }
0x7f: {  	_ =	shalt  }
0x80: {  	_ =	shalt  }
0x81: {  	_ =	shalt  }
0x82: {  	_ =	shalt  }
0x83: {  	_ =	shalt  }
0x84: {  	_ =	shalt  }
0x85: {  	_ =	shalt  }
0x86: {  	_ =	shalt  }
0x87: {  	_ =	shalt  }
.Lfunc_end0:
.L_simem_size_0:
called_computation.1_lowered:
.L_overlay_start_0:
0x88: {  	s2 =	sld [smem:$0x3FD9]  }
0x89: {  	s3 =	sld [smem:$0x3FFE];
	_ =	sdelay $0x1  }
0x8a: {  	s1 =	srdreg.scid  }
0x8b: {  	s0 =	sand.u32 $0x1, s1  }
0x8c: {  	s17 =	sshll.u32 s0, $0xA;
	s2 =	sadd.s32 s3, s2  }
0x8d: {  	s2 =	sadd.s32 s2, s17  }
0x8e: {  	[smem:$0x3FBC] =	sst s2  }
0x8f: {  	_ = 	snop  }
0x90: {  	s18 =	sld [smem:$0x3FD0];
	(tm) =	ssettm $0x1  }
0x91: {  	s19 =	sld [smem:$0x3FFB];
	_ =	sdelay $0x3  }
0x92: {  	_ =	strace s19  }
0x93: {  	s2 =	sld [smem:$0x3FFC];
	_ =	sdelay $0x3  }
0x94: {  	_ =	strace s2  }
0x95: {  	s2 =	sld [smem:$0x3FFD];
	_ =	sdelay $0x3  }
0x96: {  	_ =	strace s2  }
0x97: {  	_ =	strace $0x8FFFFFFF  }
0x98: {  	s20 =	sld [smem:$0x3FDB];
	_ =	sdelay $0x1  }
0x99: {  	s4 =	simm.s32 $_scs_section_size  }
0x9a: {  	s5 =	simm.s32 $_size__tile_overlayer_lowered;
	s6 =	simm.s32 $_tile_overlayer_lowered  }
0x9b: {  	s7 =	simm.s32 $0x1BFF;
	s21 =	sshll.u32 s6, $0x1;
	s4 =	sadd.s32 s4, s20  }
0x9c: {  	s22 =	simm.s32 $0x0;
	s5 =	sshll.u32 s5, $0x1;
	s6 =	sadd.s32 s21, s4  }
0x9d: {  	[timem:s22], [sflag:s7] =	dma.local [hbm:s6], s5  }
0x9e: {  	_ =	swait.ge [sflag:s7], s5  }
0x9f: {  	s5 =	ssub.s32 $0x0, s5;
	[sflag:s7] =	ssyncset.done $0x0  }
0xa0: {  	[sflag:s7] =	ssyncadd.s32 s5;
	_ =	sdelay $0x1  }
0xa1: {  	s23 =	simm.s32 $0x1B8B  }
0xa2: {  	_ =	swait.ge [sflag:s23], $0x1  }
0xa3: {  	[sflag:s23] =	ssyncset.done $0x0  }
0xa4: {  	[sflag:s23] =	ssyncadd.s32 $0xFFFFFFFF  }
0xa5: {  	s5 =	sld [smem:$0x0]  }
0xa6: {  	s6 =	sand.u32 $0xFFFFFFFE, s1  }
0xa7: {  	p0 =	sne.s32 s1, s6  }
0xa8: {  	s6 =	sshll.u32 @p0 s6, $0xE  }
0xa9: {  	s6 =	sadd.s32 @p0 $0x11B8D, s6;
	s7 =	sshll.u32 @p0 s5, $0x11  }
0xaa: {  	s6 =	sor.u32 @p0 s7, s6  }
0xab: {  	[sflag:s6] =	ssyncadd.remote.s32 @p0 $0x1;
	_ =	sdelay $0x1  }
0xac: {  	s6 =	simm.s32 @p0 $0x1B8D  }
0xad: {  	_ =	swait.eq @p0 [sflag:s6], $0x1  }
0xae: {  	[sflag:s6] =	ssyncadd.s32 @p0 $0xFFFFFFFF  }
0xaf: {  	s7 =	sshll.u32 @!p0 s1, $0xE  }
0xb0: {  	s7 =	sor.u32 @!p0 $0x4000, s7;
	s6 =	simm.s32 @!p0 $0x1B8D  }
0xb1: {  	s5 =	sshll.u32 @!p0 s5, $0x11;
	s7 =	sadd.s32 @!p0 $0x11B8D, s7;
	_ =	swait.eq @!p0 [sflag:s6], $0x1  }
0xb2: {  	s5 =	sor.u32 @!p0 s5, s7;
	[sflag:s6] =	ssyncadd.s32 @!p0 $0xFFFFFFFF  }
0xb3: {  	s25 =	simm.s32 $0x1B8E;
	s24 =	sld [smem:$0x3FFE];
	[sflag:s5] =	ssyncadd.remote.s32 @!p0 $0x1  }
0xb4: {  	s26 =	simm.s32 $execute0_lowered;
	[smem:$0x3FD2] =	sst s25  }
0xb5: {  	s6 =	sshll.u32 s26, $0x1;
	_ =	strace $0x8000004F;
	[dreg:$0x1] =	wrdreg $0xFFFFFFFF  }
0xb6: {  	s28 =	simm.s32 $_size_execute0_lowered;
	s4 =	sadd.s32 s4, s6;
	[dreg:$0x0] =	wrdreg $0x0  }
0xb7: {  	s6 =	sshll.u32 s28, $0x1;
	[dreg:$0x2] =	wrdreg s4  }
0xb8: {  	[dreg:$0x3] =	wrdreg s6  }
0xb9: {  	[dreg:$0x4] =	wrdreg $0xC0  }
0xba: {  	_ =	task [dreg:s22], $0x5FFFF  }
0xbb: {  	[dreg:$0x1] =	wrdreg $0xFFFFFFFF  }
0xbc: {  	[dreg:$0x0] =	wrdreg $0x60  }
0xbd: {  	[dreg:$0x2] =	wrdreg s24  }
0xbe: {  	[dreg:$0x3] =	wrdreg s18  }
0xbf: {  	[dreg:$0x4] =	wrdreg $0x0  }
0xc0: {  	[dreg:$0x5] =	wrdreg $0xA  }
0xc1: {  	_ =	task.clear_ibuf [dreg:s22], $0x6FFFF;
	_ =	strace $0x9000004F  }
0xc2: {  	s29 =	simm.s32 $0xA;
	_ =	strace $0x80000051  }
0xc3: {  	_ =	swait.ge [sflag:s29], $0x1  }
0xc4: {  	[sflag:s29] =	ssyncadd.s32 $0xFFFFFFFF  }
0xc5: {  	_ =	strace $0x90000051  }
0xc6: {  	_ =	sfence  }
0xc7: {  	s30 =	sld [smem:$0x0];
	_ =	sdelay $0x2  }
0xc8: {  	s31 =	sshll.u32 s1, $0xD;
	s1 =	sshrl.u32 s1, $0x2  }
0xc9: {  	s4 =	sand.u32 $0x4000, s31;
	s1 =	sadd.s32 s1, s30  }
0xca: {  	s0 =	sor.u32 s4, s0;
	s1 =	sshll.u32 s1, $0x11  }
0xcb: {  	s0 =	sor.u32 s1, s0  }
0xcc: {  	s0 =	sadd.s32 $0x8F2B, s0  }
0xcd: {  	[sflag:s0] =	ssyncadd.remote.s32 $0x1  }
0xce: {  	_ =	sfence.sel $0xFFFF  }
0xcf: {  	[dreg:$0x0] =	wrdreg $0xFFFFFFFF;
	(pc) =	sbr.abs _section_cstart, $3  }
0xd0: {  	[dreg:$0x1] =	wrdreg $0xFFFFFFFF  }
0xd1: {  	_ =	task.clear_ibuf [dreg:s22], $0x2FFFF;
	_ =	strace $0x9FFFFFFF  }
0xd2: {  	(tm) =	ssettm $0x7FFFFFFF  }
0xd3: {  	_ =	shalt  }
tec
execute0_lowered:
.L_overlay_start_1:
0x0: {  	(tag) =	ssettag $0x1  }
0x1: {  	s0 =	rddreg [dreg:$0x0]  }
0x2: {  	s1 =	rddreg [dreg:$0x1]  }
0x3: {  	s2 =	rddreg [dreg:$0x2];
	s3 =	srdreg.scid  }
0x4: {  	s14 =	simm.s32 $0x0;
	s10 =	stileid.u32;
	s28 =	simm.s32 $0x18200  }
0x5: {  	s29 =	simm.s32 $0x17580;
	s30 =	simm.s32 $0x17680;
	s31 =	simm.s32 $0x17880  }
0x6: {  	s3 =	sand.u32 $0x1, s3;
	[smem:$0x7FF] =	sst s14;
	s6 =	smul.u32 $0x4F000, s10  }
0x7: {  	s5 =	sadd.s32 $0xC6E00, s0;
	s0 =	sadd.s32 $0x203800, s0;
	s17 =	smul.u32 $0x13800, s10  }
0x8: {  	p0 =	sne.s32 s10, $0x0;
	s4 =	sshll.u32 s3, $0x4;
	_ =	strace $0x80000050  }
0x9: {  	s7 =	ssub.s32 $0x2, s3;
	s3 =	smul.u32 $0x138800, s3;
	s6 =	sshrl.u32 s6, $0x2  }
0xa: {  	s4 =	sor.u32 s10, s4;
	s8 =	sshrl.u32 s7, $0x1;
	s13 =	sadd.s32 s6, s2  }
0xb: {  	s11 =	smul.u32 $0xB4, s4;
	s23 =	sadd.s32 $0x3800, s13;
	[dreg:$0x7] =	wrdreg s13  }
0xc: {  	s9 =	smul.u32 $0x9D80, s4;
	s24 =	sadd.s32 $0x7000, s13;
	[dreg:$0x8] =	wrdreg s23  }
0xd: {  	s4 =	smul.u32 $0x9D8, s4;
	s26 =	sadd.s32 $0xA800, s13;
	[dreg:$0x9] =	wrdreg s24  }
0xe: {  	s7 =	ssub.s32 s7, s8;
	s15 =	sadd.s32 $0xE000, s13;
	[dreg:$0xa] =	wrdreg s26  }
0xf: {  	s21 =	sadd.s32 s17, s3;
	s16 =	sadd.s32 $0x11800, s13;
	[dreg:$0xb] =	wrdreg s15  }
0x10: {  	s3 =	sshrl.u32 s3, $0x3;
	s8 =	simm.s32 $0x2;
	[dreg:$0xc] =	wrdreg s16  }
0x11: {  	s13 =	simm.s32 $0x18180;
	s12 =	sadd.s32 $0x5A, s11;
	[dreg:$0x5] =	wrdreg s11  }
0x12: {  	s9 =	sadd.s32 s5, s9;
	s4 =	sadd.s32 s1, s4;
	[dreg:$0x6] =	wrdreg s12  }
0x13: {  	s18 =	sor.u32 $0x2, s11;
	s23 =	sadd.s32 $0x5C, s11;
	[dreg:$0xd] =	wrdreg s9  }
0x14: {  	s26 =	smax.u32 s7, $0x1;
	s11 =	simm.s32 $0x17F80;
	[dreg:$0xe] =	wrdreg s4  }
0x15: {  	s15 =	simm.s32 $0x18280;
	s22 =	smul.u32 $0xE0, s12;
	[dreg:$0xf] =	wrdreg s18  }
0x16: {  	s25 =	smul.u32 $0xE, s12;
	[dreg:$0x12] =	wrdreg s23;
	s4 =	sshrl.u32 s21, $0x3  }
0x17: {  	[dreg:$0x15] =	wrdreg s26;
	s23 =	simm.s32 $0x13C00;
	s26 =	simm.s32 $0x3  }
0x18: {  	s9 =	simm.s32 $0x17C80;
	s12 =	simm.s32 $0x18080;
	s4 =	sadd.s32 s0, s4  }
0x19: {  	s18 =	simm.s32 $0x1;
	s19 =	sadd.s32 s5, s22;
	[dreg:$0x13] =	wrdreg s4  }
0x1a: {  	s0 =	sadd.s32 s0, s3;
	s20 =	sadd.s32 s1, s25;
	[dreg:$0x10] =	wrdreg s19  }
0x1b: {  	s22 =	smul.u32 $0x4E000, s10;
	s0 =	sadd.s32 $0x27000, s0;
	[dreg:$0x11] =	wrdreg s20  }
0x1c: {  	s4 =	simm.s32 $0x17A80;
	s10 =	simm.s32 $0x17E80;
	[dreg:$0x14] =	wrdreg s0  }
0x1d: {  	s0 =	sadd.s32 $0x138000, s2;
	s20 =	simm.s32 $0x70;
	s24 =	sshrl.u32 s22, $0x2  }
0x1e: {  	s0 =	sshrl.u32 @!p0 s0, $0x3;
	s22 =	simm.s32 $0x17780;
	s25 =	sadd.s32 s24, s2  }
0x1f: {  	[dreg:$0x17] =	wrdreg s0;
	s0 =	simm.s32 $0x17980;
	s3 =	sshrl.u32 s25, $0x3  }
0x20: {  	v0 =	vimm.f32 $0.0e+00;
	s24 =	simm.s32 $0x17B80;
	s25 =	simm.s32 $0x17D80;
	[dreg:$0x16] =	wrdreg s3  }
.LBB2_1:
0x21: {  	[dreg:$0x4] =	wrdreg s14;
	s3 =	simm.s32 $0x0;
	s6 =	simm.s32 $0x200  }
.LBB2_2:
0x22: {  	p1 =	sne.s32 s6, $0xDE00;
	[tilespmem:s3+$0x13C70] =	vst v0  }
0x23: {  	[tilespmem:s3+$0x13C00] =	vst v0  }
0x24: {  	[tilespmem:s3+$0x13C10] =	vst v0  }
.Ltmp0:
0x25: {  	[tilespmem:s3+$0x13C20] =	vst v0;
	(pc) =	sbr.rel @p1 .LBB2_2-.Ltmp0, $4  }
0x26: {  	[tilespmem:s3+$0x13C30] =	vst v0  }
0x27: {  	[tilespmem:s3+$0x13C40] =	vst v0  }
0x28: {  	[tilespmem:s3+$0x13C50] =	vst v0  }
0x29: {  	[tilespmem:s3+$0x13C60] =	vst v0;
	s3 =	sshra.s32 s6, $0x2;
	s6 =	sadd.s32 $0x200, s6  }
0x2a: {  	[tilespmem:s3+$0x13C70] =	vst v0  }
0x2b: {  	[tilespmem:s3+$0x13C00] =	vst v0  }
0x2c: {  	[tilespmem:s3+$0x13C10] =	vst v0  }
0x2d: {  	[tilespmem:s3+$0x13C20] =	vst v0  }
0x2e: {  	[tilespmem:s3+$0x13C30] =	vst v0  }
0x2f: {  	[tilespmem:s3+$0x13C40] =	vst v0  }
0x30: {  	[tilespmem:s3+$0x13C50] =	vst v0  }
0x31: {  	[tilespmem:s3+$0x13C60] =	vst v0;
	s6 =	rddreg [dreg:$0x7]  }
0x32: {  	[spmem:s6] =	stream.linear.scatter [tilespmem:s23], [sflag:$0x3], $0x3800, $0x38;
	[tilespmem:$0x18300] =	vst v63  }
0x33: {  	_ =	swait.ge [sflag:s26], $0x3800  }
0x34: {  	[sflag:s26] =	ssyncset.done $0x0  }
0x35: {  	s7 =	rddreg [dreg:$0x8];
	[sflag:s26] =	ssyncadd.s32 $0xFFFFC800  }
0x36: {  	[spmem:s7] =	stream.linear.scatter [tilespmem:s23], [sflag:$0x3], $0x3800, $0x38;
	[tilespmem:$0x18300] =	vst v63  }
0x37: {  	_ =	swait.ge [sflag:s26], $0x3800  }
0x38: {  	[sflag:s26] =	ssyncset.done $0x0  }
0x39: {  	s14 =	rddreg [dreg:$0x9];
	[sflag:s26] =	ssyncadd.s32 $0xFFFFC800  }
0x3a: {  	[spmem:s14] =	stream.linear.scatter [tilespmem:s23], [sflag:$0x3], $0x3800, $0x38;
	[tilespmem:$0x18300] =	vst v63  }
0x3b: {  	_ =	swait.ge [sflag:s26], $0x3800  }
0x3c: {  	[sflag:s26] =	ssyncset.done $0x0  }
0x3d: {  	s16 =	rddreg [dreg:$0xa];
	[sflag:s26] =	ssyncadd.s32 $0xFFFFC800  }
0x3e: {  	[spmem:s16] =	stream.linear.scatter [tilespmem:s23], [sflag:$0x3], $0x3800, $0x38;
	[tilespmem:$0x18300] =	vst v63  }
0x3f: {  	_ =	swait.ge [sflag:s26], $0x3800  }
0x40: {  	[sflag:s26] =	ssyncset.done $0x0  }
0x41: {  	s17 =	rddreg [dreg:$0xb];
	[sflag:s26] =	ssyncadd.s32 $0xFFFFC800  }
0x42: {  	[spmem:s17] =	stream.linear.scatter [tilespmem:s23], [sflag:$0x3], $0x3800, $0x38;
	[tilespmem:$0x18300] =	vst v63  }
0x43: {  	_ =	swait.ge [sflag:s26], $0x3800  }
0x44: {  	[sflag:s26] =	ssyncset.done $0x0  }
0x45: {  	s19 =	rddreg [dreg:$0xc];
	[sflag:s26] =	ssyncadd.s32 $0xFFFFC800  }
0x46: {  	[spmem:s19] =	stream.linear.scatter [tilespmem:s23], [sflag:$0x3], $0x2400, $0x38;
	[tilespmem:$0x18300] =	vst v63  }
0x47: {  	_ =	swait.ge [sflag:s26], $0x2400  }
0x48: {  	[sflag:s26] =	ssyncset.done $0x0  }
0x49: {  	[sflag:s26] =	ssyncadd.s32 $0xFFFFDC00  }
0x4a: {  	[bflag:$0x0] =	sbarrier.arrive $0xFFFF  }
0x4b: {  	s3 =	simm.s32 $0x0;
	s6 =	simm.s32 $0x17400;
	s7 =	rddreg [dreg:$0xd]  }
0x4c: {  	[tilespmem:s6], [sflag:$0x1] =	stream.linear.gather [hbm4b:s7+s3], $0x80, $0x38;
	[tilespmem:$0x18300] =	vst v63  }
0x4d: {  	s14 =	simm.s32 $0x17500;
	s21 =	sadd.s32 $0x10, s7  }
0x4e: {  	[tilespmem:s14], [sflag:$0x1] =	stream.linear.gather [hbm4b:s21+s3], $0x80, $0x38;
	[tilespmem:$0x18300] =	vst v63  }
0x4f: {  	s17 =	simm.s32 $0x17600;
	s16 =	sadd.s32 $0x20, s7  }
0x50: {  	[tilespmem:s17], [sflag:$0x1] =	stream.linear.gather [hbm4b:s16+s3], $0x80, $0x38;
	[tilespmem:$0x18300] =	vst v63  }
0x51: {  	s19 =	sadd.s32 $0x30, s7;
	s21 =	simm.s32 $0x17700  }
0x52: {  	[tilespmem:s21], [sflag:$0x1] =	stream.linear.gather [hbm4b:s19+s3], $0x80, $0x38;
	[tilespmem:$0x18300] =	vst v63  }
0x53: {  	s16 =	sadd.s32 $0x40, s7;
	s17 =	simm.s32 $0x17800  }
0x54: {  	[tilespmem:s17], [sflag:$0x1] =	stream.linear.gather [hbm4b:s16+s3], $0x80, $0x38;
	[tilespmem:$0x18300] =	vst v63  }
0x55: {  	s19 =	sadd.s32 $0x50, s7;
	s21 =	simm.s32 $0x17900  }
0x56: {  	[tilespmem:s21], [sflag:$0x1] =	stream.linear.gather [hbm4b:s19+s3], $0x80, $0x38;
	[tilespmem:$0x18300] =	vst v63  }
0x57: {  	s16 =	sadd.s32 $0x60, s7;
	s17 =	simm.s32 $0x17A00  }
0x58: {  	[tilespmem:s17], [sflag:$0x1] =	stream.linear.gather [hbm4b:s16+s3], $0x80, $0x38;
	[tilespmem:$0x18300] =	vst v63  }
0x59: {  	s19 =	sadd.s32 $0x70, s7;
	s21 =	simm.s32 $0x17B00  }
0x5a: {  	[tilespmem:s21], [sflag:$0x1] =	stream.linear.gather [hbm4b:s19+s3], $0x80, $0x38;
	[tilespmem:$0x18300] =	vst v63  }
0x5b: {  	s16 =	sadd.s32 $0x80, s7;
	s17 =	simm.s32 $0x17C00  }
0x5c: {  	[tilespmem:s17], [sflag:$0x1] =	stream.linear.gather [hbm4b:s16+s3], $0x80, $0x38;
	[tilespmem:$0x18300] =	vst v63  }
0x5d: {  	s19 =	sadd.s32 $0x90, s7;
	s21 =	simm.s32 $0x17D00  }
0x5e: {  	[tilespmem:s21], [sflag:$0x1] =	stream.linear.gather [hbm4b:s19+s3], $0x80, $0x38;
	[tilespmem:$0x18300] =	vst v63  }
0x5f: {  	s16 =	sadd.s32 $0xA0, s7;
	s17 =	simm.s32 $0x17E00  }
0x60: {  	[tilespmem:s17], [sflag:$0x1] =	stream.linear.gather [hbm4b:s16+s3], $0x80, $0x38;
	[tilespmem:$0x18300] =	vst v63  }
0x61: {  	s19 =	sadd.s32 $0xB0, s7;
	s21 =	simm.s32 $0x17F00  }
0x62: {  	[tilespmem:s21], [sflag:$0x1] =	stream.linear.gather [hbm4b:s19+s3], $0x80, $0x38;
	[tilespmem:$0x18300] =	vst v63  }
0x63: {  	s14 =	sadd.s32 $0xC0, s7;
	s16 =	simm.s32 $0x18000  }
0x64: {  	[tilespmem:s16], [sflag:$0x1] =	stream.linear.gather [hbm4b:s14+s3], $0x80, $0x38;
	[tilespmem:$0x18300] =	vst v63  }
0x65: {  	s17 =	sadd.s32 $0xD0, s7;
	s19 =	simm.s32 $0x18100  }
0x66: {  	[tilespmem:s19], [sflag:$0x1] =	stream.linear.gather [hbm4b:s17+s3], $0x80, $0x38;
	[tilespmem:$0x18300] =	vst v63  }
0x67: {  	s21 =	rddreg [dreg:$0xe];
	s14 =	simm.s32 $0x0  }
0x68: {  	[tilespmem:s28], [sflag:$0x1] =	stream.linear.gather [hbm4b:s21+s3], $0x70, $0x38;
	[tilespmem:$0x18300] =	vst v63  }
.LBB2_4:
0x69: {  	s17 =	sshll.u32 s14, $0x1;
	s6 =	rddreg [dreg:$0x5]  }
0x6a: {  	s6 =	sadd.s32 s17, s6  }
0x6b: {  	s6 =	sadd.s32 $0x1, s6  }
0x6c: {  	s7 =	smul.u32 $0xE0, s6;
	_ =	sdelay $0x1  }
0x6d: {  	s16 =	simm.s32 $0x17480;
	s7 =	sadd.s32 s5, s7  }
0x6e: {  	[tilespmem:s16], [sflag:$0x2] =	stream.linear.gather [hbm4b:s7+s3], $0x80, $0x38;
	[tilespmem:$0x18300] =	vst v63  }
0x6f: {  	s19 =	sadd.s32 $0x10, s7  }
0x70: {  	[tilespmem:s29], [sflag:$0x2] =	stream.linear.gather [hbm4b:s19+s3], $0x80, $0x38;
	[tilespmem:$0x18300] =	vst v63  }
0x71: {  	s21 =	sadd.s32 $0x20, s7  }
0x72: {  	[tilespmem:s30], [sflag:$0x2] =	stream.linear.gather [hbm4b:s21+s3], $0x80, $0x38;
	[tilespmem:$0x18300] =	vst v63  }
0x73: {  	s19 =	sadd.s32 $0x30, s7  }
0x74: {  	[tilespmem:s22], [sflag:$0x2] =	stream.linear.gather [hbm4b:s19+s3], $0x80, $0x38;
	[tilespmem:$0x18300] =	vst v63  }
0x75: {  	s21 =	sadd.s32 $0x40, s7  }
0x76: {  	[tilespmem:s31], [sflag:$0x2] =	stream.linear.gather [hbm4b:s21+s3], $0x80, $0x38;
	[tilespmem:$0x18300] =	vst v63  }
0x77: {  	s19 =	sadd.s32 $0x50, s7  }
0x78: {  	[tilespmem:s0], [sflag:$0x2] =	stream.linear.gather [hbm4b:s19+s3], $0x80, $0x38;
	[tilespmem:$0x18300] =	vst v63  }
0x79: {  	s21 =	sadd.s32 $0x60, s7  }
0x7a: {  	[tilespmem:s4], [sflag:$0x2] =	stream.linear.gather [hbm4b:s21+s3], $0x80, $0x38;
	[tilespmem:$0x18300] =	vst v63  }
0x7b: {  	s19 =	sadd.s32 $0x70, s7  }
0x7c: {  	[tilespmem:s24], [sflag:$0x2] =	stream.linear.gather [hbm4b:s19+s3], $0x80, $0x38;
	[tilespmem:$0x18300] =	vst v63  }
0x7d: {  	s21 =	sadd.s32 $0x80, s7  }
0x7e: {  	[tilespmem:s9], [sflag:$0x2] =	stream.linear.gather [hbm4b:s21+s3], $0x80, $0x38;
	[tilespmem:$0x18300] =	vst v63  }
0x7f: {  	s19 =	sadd.s32 $0x90, s7  }
0x80: {  	[tilespmem:s25], [sflag:$0x2] =	stream.linear.gather [hbm4b:s19+s3], $0x80, $0x38;
	[tilespmem:$0x18300] =	vst v63  }
0x81: {  	s21 =	sadd.s32 $0xA0, s7  }
0x82: {  	[tilespmem:s10], [sflag:$0x2] =	stream.linear.gather [hbm4b:s21+s3], $0x80, $0x38;
	[tilespmem:$0x18300] =	vst v63  }
0x83: {  	s19 =	sadd.s32 $0xB0, s7  }
0x84: {  	[tilespmem:s11], [sflag:$0x2] =	stream.linear.gather [hbm4b:s19+s3], $0x80, $0x38;
	[tilespmem:$0x18300] =	vst v63  }
0x85: {  	s21 =	sadd.s32 $0xC0, s7  }
0x86: {  	[tilespmem:s12], [sflag:$0x2] =	stream.linear.gather [hbm4b:s21+s3], $0x80, $0x38;
	[tilespmem:$0x18300] =	vst v63  }
0x87: {  	s6 =	smul.u32 $0xE, s6;
	s7 =	sadd.s32 $0xD0, s7  }
0x88: {  	[tilespmem:s13], [sflag:$0x2] =	stream.linear.gather [hbm4b:s7+s3], $0x80, $0x38;
	[tilespmem:$0x18300] =	vst v63  }
0x89: {  	s6 =	sadd.s32 s1, s6  }
0x8a: {  	[tilespmem:s15], [sflag:$0x2] =	stream.linear.gather [hbm4b:s6+s3], $0x70, $0x38;
	[tilespmem:$0x18300] =	vst v63  }
0x8b: {  	_ =	swait.ge [sflag:s18], $0x700  }
0x8c: {  	[sflag:s18] =	ssyncset.done $0x0  }
0x8d: {  	[sflag:s18] =	ssyncadd.s32 $0xFFFFF900  }
0x8e: {  	_ =	swait.ge [sflag:s18], $0x70  }
0x8f: {  	s16 =	sand.u32 $0x70, s3;
	s19 =	sand.u32 $0xF00, s3;
	[sflag:s18] =	ssyncset.done $0x0  }
0x90: {  	s6 =	sor.u32 s16, s19;
	[sflag:s18] =	ssyncadd.s32 $0xFFFFFF90  }
0x91: {  	v1 =	vld [tilespmem:s6+$0x17400];
	_ =	sdelay $0x2  }
0x92: {  	s21 =	simm.s32 $0x10;
	s7 =	simm.s32 $0x20  }
0x93: {  	s16 =	sand.u32 $0x70, s21;
	s19 =	sand.u32 $0xF00, s7;
	s6 =	simm.s32 $0x13C00  }
0x94: {  	s16 =	sor.u32 s16, s19;
	[tilespmem:s6+$0x0] =	vst v1  }
0x95: {  	v1 =	vld [tilespmem:s16+$0x17400];
	s16 =	simm.s32 $0x20  }
.LBB2_5:
0x96: {  	p1 =	sne.s32 s16, $0x6F0  }
.Ltmp1:
0x97: {  	_ = 	snop;
	(pc) =	sbr.rel @p1 .LBB2_5-.Ltmp1, $4  }
0x98: {  	s7 =	sadd.s32 $0x20, s7  }
0x99: {  	s19 =	sand.u32 $0x70, s16;
	s6 =	sadd.s32 $0x80, s6;
	s21 =	sand.u32 $0xF00, s7  }
0x9a: {  	s19 =	sor.u32 s19, s21;
	[tilespmem:s6+$0x0] =	vst v1  }
0x9b: {  	s16 =	sadd.s32 $0x10, s16;
	v1 =	vld [tilespmem:s19+$0x17400]  }
0x9c: {  	_ =	sdelay $0x2  }
0x9d: {  	s6 =	sadd.s32 $0x80, s6  }
0x9e: {  	[tilespmem:s6+$0x0] =	vst v1  }
0x9f: {  	[spmem:s2] =	stream.indirect.scatter.add.f32 [tilespmem:s23], [sflag:$0x3], $0x80, s28, s20, $0xb8;
	[tilespmem:$0x18300] =	vst v63  }
0xa0: {  	_ =	swait.ge [sflag:s26], $0x3800  }
0xa1: {  	p1 =	seq.s32 s14, $0x2C;
	s6 =	rddreg [dreg:$0xf]  }
0xa2: {  	s6 =	sadd.s32 @!p1 s17, s6  }
0xa3: {  	s7 =	smul.u32 @!p1 $0xE0, s6  }
0xa4: {  	s16 =	simm.s32 @!p1 $0x0;
	[sflag:s26] =	ssyncset.done $0x0  }
0xa5: {  	[sflag:s26] =	ssyncadd.s32 $0xFFFFC800;
	s17 =	simm.s32 @!p1 $0x17400;
	s7 =	sadd.s32 @!p1 s5, s7  }
0xa6: {  	[tilespmem:s17], [sflag:$0x1] =	stream.linear.gather @!p1 [hbm4b:s7+s16], $0x80, $0x38;
	[tilespmem:$0x18300] =	vst v63  }
0xa7: {  	s19 =	simm.s32 @!p1 $0x17500;
	s17 =	sadd.s32 @!p1 $0x10, s7  }
0xa8: {  	[tilespmem:s19], [sflag:$0x1] =	stream.linear.gather @!p1 [hbm4b:s17+s16], $0x80, $0x38;
	[tilespmem:$0x18300] =	vst v63  }
0xa9: {  	s17 =	sadd.s32 @!p1 $0x20, s7;
	s19 =	simm.s32 @!p1 $0x17600  }
0xaa: {  	[tilespmem:s19], [sflag:$0x1] =	stream.linear.gather @!p1 [hbm4b:s17+s16], $0x80, $0x38;
	[tilespmem:$0x18300] =	vst v63  }
0xab: {  	s17 =	sadd.s32 @!p1 $0x30, s7;
	s19 =	simm.s32 @!p1 $0x17700  }
0xac: {  	[tilespmem:s19], [sflag:$0x1] =	stream.linear.gather @!p1 [hbm4b:s17+s16], $0x80, $0x38;
	[tilespmem:$0x18300] =	vst v63  }
0xad: {  	s17 =	sadd.s32 @!p1 $0x40, s7;
	s19 =	simm.s32 @!p1 $0x17800  }
0xae: {  	[tilespmem:s19], [sflag:$0x1] =	stream.linear.gather @!p1 [hbm4b:s17+s16], $0x80, $0x38;
	[tilespmem:$0x18300] =	vst v63  }
0xaf: {  	s17 =	sadd.s32 @!p1 $0x50, s7;
	s19 =	simm.s32 @!p1 $0x17900  }
0xb0: {  	[tilespmem:s19], [sflag:$0x1] =	stream.linear.gather @!p1 [hbm4b:s17+s16], $0x80, $0x38;
	[tilespmem:$0x18300] =	vst v63  }
0xb1: {  	s17 =	sadd.s32 @!p1 $0x60, s7;
	s19 =	simm.s32 @!p1 $0x17A00  }
0xb2: {  	[tilespmem:s19], [sflag:$0x1] =	stream.linear.gather @!p1 [hbm4b:s17+s16], $0x80, $0x38;
	[tilespmem:$0x18300] =	vst v63  }
0xb3: {  	s17 =	sadd.s32 @!p1 $0x70, s7;
	s19 =	simm.s32 @!p1 $0x17B00  }
0xb4: {  	[tilespmem:s19], [sflag:$0x1] =	stream.linear.gather @!p1 [hbm4b:s17+s16], $0x80, $0x38;
	[tilespmem:$0x18300] =	vst v63  }
0xb5: {  	s17 =	sadd.s32 @!p1 $0x80, s7;
	s19 =	simm.s32 @!p1 $0x17C00  }
0xb6: {  	[tilespmem:s19], [sflag:$0x1] =	stream.linear.gather @!p1 [hbm4b:s17+s16], $0x80, $0x38;
	[tilespmem:$0x18300] =	vst v63  }
0xb7: {  	s17 =	sadd.s32 @!p1 $0x90, s7;
	s19 =	simm.s32 @!p1 $0x17D00  }
0xb8: {  	[tilespmem:s19], [sflag:$0x1] =	stream.linear.gather @!p1 [hbm4b:s17+s16], $0x80, $0x38;
	[tilespmem:$0x18300] =	vst v63  }
0xb9: {  	s17 =	sadd.s32 @!p1 $0xA0, s7;
	s19 =	simm.s32 @!p1 $0x17E00  }
0xba: {  	[tilespmem:s19], [sflag:$0x1] =	stream.linear.gather @!p1 [hbm4b:s17+s16], $0x80, $0x38;
	[tilespmem:$0x18300] =	vst v63  }
0xbb: {  	s17 =	sadd.s32 @!p1 $0xB0, s7;
	s19 =	simm.s32 @!p1 $0x17F00  }
0xbc: {  	[tilespmem:s19], [sflag:$0x1] =	stream.linear.gather @!p1 [hbm4b:s17+s16], $0x80, $0x38;
	[tilespmem:$0x18300] =	vst v63  }
0xbd: {  	s17 =	sadd.s32 @!p1 $0xC0, s7;
	s19 =	simm.s32 @!p1 $0x18000  }
0xbe: {  	[tilespmem:s19], [sflag:$0x1] =	stream.linear.gather @!p1 [hbm4b:s17+s16], $0x80, $0x38;
	[tilespmem:$0x18300] =	vst v63  }
0xbf: {  	s6 =	smul.u32 @!p1 $0xE, s6;
	s7 =	sadd.s32 @!p1 $0xD0, s7;
	s17 =	simm.s32 @!p1 $0x18100  }
0xc0: {  	[tilespmem:s17], [sflag:$0x1] =	stream.linear.gather @!p1 [hbm4b:s7+s16], $0x80, $0x38;
	[tilespmem:$0x18300] =	vst v63  }
0xc1: {  	s6 =	sadd.s32 @!p1 s1, s6;
	s7 =	simm.s32 @!p1 $0x18200  }
0xc2: {  	[tilespmem:s7], [sflag:$0x1] =	stream.linear.gather @!p1 [hbm4b:s6+s16], $0x70, $0x38;
	[tilespmem:$0x18300] =	vst v63  }
0xc3: {  	_ =	swait.ge [sflag:s8], $0x700  }
0xc4: {  	[sflag:s8] =	ssyncset.done $0x0  }
0xc5: {  	[sflag:s8] =	ssyncadd.s32 $0xFFFFF900  }
0xc6: {  	s16 =	simm.s32 $0x0;
	_ =	swait.ge [sflag:s8], $0x70  }
0xc7: {  	s17 =	sand.u32 $0x70, s16;
	s6 =	sand.u32 $0xF00, s16;
	[sflag:s8] =	ssyncset.done $0x0  }
0xc8: {  	s6 =	sor.u32 s17, s6;
	[sflag:s8] =	ssyncadd.s32 $0xFFFFFF90  }
0xc9: {  	v1 =	vld [tilespmem:s6+$0x17480];
	_ =	sdelay $0x2  }
0xca: {  	s19 =	simm.s32 $0x10;
	s6 =	simm.s32 $0x20  }
0xcb: {  	s7 =	sand.u32 $0x70, s19;
	s17 =	simm.s32 $0x13C00;
	s21 =	sand.u32 $0xF00, s6  }
0xcc: {  	s16 =	sor.u32 s7, s21;
	[tilespmem:s17+$0x0] =	vst v1  }
0xcd: {  	s14 =	sadd.s32 $0x1, s14;
	s7 =	simm.s32 $0x20;
	v1 =	vld [tilespmem:s16+$0x17480]  }
.LBB2_7:
0xce: {  	p1 =	sne.s32 s7, $0x6F0  }
.Ltmp2:
0xcf: {  	_ = 	snop;
	(pc) =	sbr.rel @p1 .LBB2_7-.Ltmp2, $4  }
0xd0: {  	s6 =	sadd.s32 $0x20, s6  }
0xd1: {  	s16 =	sand.u32 $0x70, s7;
	s17 =	sadd.s32 $0x80, s17;
	s19 =	sand.u32 $0xF00, s6  }
0xd2: {  	s16 =	sor.u32 s16, s19;
	[tilespmem:s17+$0x0] =	vst v1  }
0xd3: {  	s7 =	sadd.s32 $0x10, s7;
	v1 =	vld [tilespmem:s16+$0x17480]  }
0xd4: {  	_ =	sdelay $0x2  }
0xd5: {  	s6 =	sadd.s32 $0x80, s17;
	p1 =	sne.s32 s14, $0x2D  }
.Ltmp3:
0xd6: {  	[tilespmem:s6+$0x0] =	vst v1;
	(pc) =	sbr.rel @p1 .LBB2_4-.Ltmp3, $4  }
0xd7: {  	[spmem:s2] =	stream.indirect.scatter.add.f32 [tilespmem:s23], [sflag:$0x3], $0x80, s15, s20, $0xb8;
	[tilespmem:$0x18300] =	vst v63  }
0xd8: {  	_ =	swait.ge [sflag:s26], $0x3800  }
0xd9: {  	[sflag:s26] =	ssyncset.done $0x0  }
0xda: {  	[sflag:s26] =	ssyncadd.s32 $0xFFFFC800  }
0xdb: {  	s3 =	simm.s32 $0x0;
	s7 =	rddreg [dreg:$0x10];
	s6 =	simm.s32 $0x17400  }
0xdc: {  	[tilespmem:s6], [sflag:$0x1] =	stream.linear.gather [hbm4b:s7+s3], $0x80, $0x38;
	[tilespmem:$0x18300] =	vst v63  }
0xdd: {  	s14 =	simm.s32 $0x17500;
	s21 =	sadd.s32 $0x10, s7  }
0xde: {  	[tilespmem:s14], [sflag:$0x1] =	stream.linear.gather [hbm4b:s21+s3], $0x80, $0x38;
	[tilespmem:$0x18300] =	vst v63  }
0xdf: {  	s17 =	simm.s32 $0x17600;
	s16 =	sadd.s32 $0x20, s7  }
0xe0: {  	[tilespmem:s17], [sflag:$0x1] =	stream.linear.gather [hbm4b:s16+s3], $0x80, $0x38;
	[tilespmem:$0x18300] =	vst v63  }
0xe1: {  	s19 =	sadd.s32 $0x30, s7;
	s21 =	simm.s32 $0x17700  }
0xe2: {  	[tilespmem:s21], [sflag:$0x1] =	stream.linear.gather [hbm4b:s19+s3], $0x80, $0x38;
	[tilespmem:$0x18300] =	vst v63  }
0xe3: {  	s16 =	sadd.s32 $0x40, s7;
	s17 =	simm.s32 $0x17800  }
0xe4: {  	[tilespmem:s17], [sflag:$0x1] =	stream.linear.gather [hbm4b:s16+s3], $0x80, $0x38;
	[tilespmem:$0x18300] =	vst v63  }
0xe5: {  	s19 =	sadd.s32 $0x50, s7;
	s21 =	simm.s32 $0x17900  }
0xe6: {  	[tilespmem:s21], [sflag:$0x1] =	stream.linear.gather [hbm4b:s19+s3], $0x80, $0x38;
	[tilespmem:$0x18300] =	vst v63  }
0xe7: {  	s16 =	sadd.s32 $0x60, s7;
	s17 =	simm.s32 $0x17A00  }
0xe8: {  	[tilespmem:s17], [sflag:$0x1] =	stream.linear.gather [hbm4b:s16+s3], $0x80, $0x38;
	[tilespmem:$0x18300] =	vst v63  }
0xe9: {  	s19 =	sadd.s32 $0x70, s7;
	s21 =	simm.s32 $0x17B00  }
0xea: {  	[tilespmem:s21], [sflag:$0x1] =	stream.linear.gather [hbm4b:s19+s3], $0x80, $0x38;
	[tilespmem:$0x18300] =	vst v63  }
0xeb: {  	s16 =	sadd.s32 $0x80, s7;
	s17 =	simm.s32 $0x17C00  }
0xec: {  	[tilespmem:s17], [sflag:$0x1] =	stream.linear.gather [hbm4b:s16+s3], $0x80, $0x38;
	[tilespmem:$0x18300] =	vst v63  }
0xed: {  	s19 =	sadd.s32 $0x90, s7;
	s21 =	simm.s32 $0x17D00  }
0xee: {  	[tilespmem:s21], [sflag:$0x1] =	stream.linear.gather [hbm4b:s19+s3], $0x80, $0x38;
	[tilespmem:$0x18300] =	vst v63  }
0xef: {  	s16 =	sadd.s32 $0xA0, s7;
	s17 =	simm.s32 $0x17E00  }
0xf0: {  	[tilespmem:s17], [sflag:$0x1] =	stream.linear.gather [hbm4b:s16+s3], $0x80, $0x38;
	[tilespmem:$0x18300] =	vst v63  }
0xf1: {  	s19 =	sadd.s32 $0xB0, s7;
	s21 =	simm.s32 $0x17F00  }
0xf2: {  	[tilespmem:s21], [sflag:$0x1] =	stream.linear.gather [hbm4b:s19+s3], $0x80, $0x38;
	[tilespmem:$0x18300] =	vst v63  }
0xf3: {  	s14 =	sadd.s32 $0xC0, s7;
	s16 =	simm.s32 $0x18000  }
0xf4: {  	[tilespmem:s16], [sflag:$0x1] =	stream.linear.gather [hbm4b:s14+s3], $0x80, $0x38;
	[tilespmem:$0x18300] =	vst v63  }
0xf5: {  	s17 =	sadd.s32 $0xD0, s7;
	s19 =	simm.s32 $0x18100  }
0xf6: {  	[tilespmem:s19], [sflag:$0x1] =	stream.linear.gather [hbm4b:s17+s3], $0x80, $0x38;
	[tilespmem:$0x18300] =	vst v63  }
0xf7: {  	s21 =	rddreg [dreg:$0x11];
	s14 =	simm.s32 $0x0  }
0xf8: {  	[tilespmem:s28], [sflag:$0x1] =	stream.linear.gather [hbm4b:s21+s3], $0x70, $0x38;
	[tilespmem:$0x18300] =	vst v63  }
.LBB2_10:
0xf9: {  	s17 =	sshll.u32 s14, $0x1;
	s6 =	rddreg [dreg:$0x6]  }
0xfa: {  	s6 =	sadd.s32 s17, s6  }
0xfb: {  	s6 =	sadd.s32 $0x1, s6  }
0xfc: {  	s7 =	smul.u32 $0xE0, s6;
	_ =	sdelay $0x1  }
0xfd: {  	s16 =	simm.s32 $0x17480;
	s7 =	sadd.s32 s5, s7  }
0xfe: {  	[tilespmem:s16], [sflag:$0x2] =	stream.linear.gather [hbm4b:s7+s3], $0x80, $0x38;
	[tilespmem:$0x18300] =	vst v63  }
0xff: {  	s19 =	sadd.s32 $0x10, s7  }
0x100: {  	[tilespmem:s29], [sflag:$0x2] =	stream.linear.gather [hbm4b:s19+s3], $0x80, $0x38;
	[tilespmem:$0x18300] =	vst v63  }
0x101: {  	s21 =	sadd.s32 $0x20, s7  }
0x102: {  	[tilespmem:s30], [sflag:$0x2] =	stream.linear.gather [hbm4b:s21+s3], $0x80, $0x38;
	[tilespmem:$0x18300] =	vst v63  }
0x103: {  	s19 =	sadd.s32 $0x30, s7  }
0x104: {  	[tilespmem:s22], [sflag:$0x2] =	stream.linear.gather [hbm4b:s19+s3], $0x80, $0x38;
	[tilespmem:$0x18300] =	vst v63  }
0x105: {  	s21 =	sadd.s32 $0x40, s7  }
0x106: {  	[tilespmem:s31], [sflag:$0x2] =	stream.linear.gather [hbm4b:s21+s3], $0x80, $0x38;
	[tilespmem:$0x18300] =	vst v63  }
0x107: {  	s19 =	sadd.s32 $0x50, s7  }
0x108: {  	[tilespmem:s0], [sflag:$0x2] =	stream.linear.gather [hbm4b:s19+s3], $0x80, $0x38;
	[tilespmem:$0x18300] =	vst v63  }
0x109: {  	s21 =	sadd.s32 $0x60, s7  }
0x10a: {  	[tilespmem:s4], [sflag:$0x2] =	stream.linear.gather [hbm4b:s21+s3], $0x80, $0x38;
	[tilespmem:$0x18300] =	vst v63  }
0x10b: {  	s19 =	sadd.s32 $0x70, s7  }
0x10c: {  	[tilespmem:s24], [sflag:$0x2] =	stream.linear.gather [hbm4b:s19+s3], $0x80, $0x38;
	[tilespmem:$0x18300] =	vst v63  }
0x10d: {  	s21 =	sadd.s32 $0x80, s7  }
0x10e: {  	[tilespmem:s9], [sflag:$0x2] =	stream.linear.gather [hbm4b:s21+s3], $0x80, $0x38;
	[tilespmem:$0x18300] =	vst v63  }
0x10f: {  	s19 =	sadd.s32 $0x90, s7  }
0x110: {  	[tilespmem:s25], [sflag:$0x2] =	stream.linear.gather [hbm4b:s19+s3], $0x80, $0x38;
	[tilespmem:$0x18300] =	vst v63  }
0x111: {  	s21 =	sadd.s32 $0xA0, s7  }
0x112: {  	[tilespmem:s10], [sflag:$0x2] =	stream.linear.gather [hbm4b:s21+s3], $0x80, $0x38;
	[tilespmem:$0x18300] =	vst v63  }
0x113: {  	s19 =	sadd.s32 $0xB0, s7  }
0x114: {  	[tilespmem:s11], [sflag:$0x2] =	stream.linear.gather [hbm4b:s19+s3], $0x80, $0x38;
	[tilespmem:$0x18300] =	vst v63  }
0x115: {  	s21 =	sadd.s32 $0xC0, s7  }
0x116: {  	[tilespmem:s12], [sflag:$0x2] =	stream.linear.gather [hbm4b:s21+s3], $0x80, $0x38;
	[tilespmem:$0x18300] =	vst v63  }
0x117: {  	s6 =	smul.u32 $0xE, s6;
	s7 =	sadd.s32 $0xD0, s7  }
0x118: {  	[tilespmem:s13], [sflag:$0x2] =	stream.linear.gather [hbm4b:s7+s3], $0x80, $0x38;
	[tilespmem:$0x18300] =	vst v63  }
0x119: {  	s6 =	sadd.s32 s1, s6  }
0x11a: {  	[tilespmem:s15], [sflag:$0x2] =	stream.linear.gather [hbm4b:s6+s3], $0x70, $0x38;
	[tilespmem:$0x18300] =	vst v63  }
0x11b: {  	_ =	swait.ge [sflag:s18], $0x700  }
0x11c: {  	[sflag:s18] =	ssyncset.done $0x0  }
0x11d: {  	[sflag:s18] =	ssyncadd.s32 $0xFFFFF900  }
0x11e: {  	_ =	swait.ge [sflag:s18], $0x70  }
0x11f: {  	s16 =	sand.u32 $0x70, s3;
	s19 =	sand.u32 $0xF00, s3;
	[sflag:s18] =	ssyncset.done $0x0  }
0x120: {  	s6 =	sor.u32 s16, s19;
	[sflag:s18] =	ssyncadd.s32 $0xFFFFFF90  }
0x121: {  	v1 =	vld [tilespmem:s6+$0x17400];
	_ =	sdelay $0x2  }
0x122: {  	s21 =	simm.s32 $0x10;
	s7 =	simm.s32 $0x20  }
0x123: {  	s16 =	sand.u32 $0x70, s21;
	s19 =	sand.u32 $0xF00, s7;
	s6 =	simm.s32 $0x13C00  }
0x124: {  	s16 =	sor.u32 s16, s19;
	[tilespmem:s6+$0x0] =	vst v1  }
0x125: {  	v1 =	vld [tilespmem:s16+$0x17400];
	s16 =	simm.s32 $0x20  }
.LBB2_11:
0x126: {  	p1 =	sne.s32 s16, $0x6F0  }
.Ltmp4:
0x127: {  	_ = 	snop;
	(pc) =	sbr.rel @p1 .LBB2_11-.Ltmp4, $4  }
0x128: {  	s7 =	sadd.s32 $0x20, s7  }
0x129: {  	s19 =	sand.u32 $0x70, s16;
	s6 =	sadd.s32 $0x80, s6;
	s21 =	sand.u32 $0xF00, s7  }
0x12a: {  	s19 =	sor.u32 s19, s21;
	[tilespmem:s6+$0x0] =	vst v1  }
0x12b: {  	s16 =	sadd.s32 $0x10, s16;
	v1 =	vld [tilespmem:s19+$0x17400]  }
0x12c: {  	_ =	sdelay $0x2  }
0x12d: {  	s6 =	sadd.s32 $0x80, s6  }
0x12e: {  	[tilespmem:s6+$0x0] =	vst v1  }
0x12f: {  	[spmem:s2] =	stream.indirect.scatter.add.f32 [tilespmem:s23], [sflag:$0x3], $0x80, s28, s20, $0xb8;
	[tilespmem:$0x18300] =	vst v63  }
0x130: {  	_ =	swait.ge [sflag:s26], $0x3800  }
0x131: {  	p1 =	seq.s32 s14, $0x2C;
	s6 =	rddreg [dreg:$0x12]  }
0x132: {  	s6 =	sadd.s32 @!p1 s17, s6  }
0x133: {  	s7 =	smul.u32 @!p1 $0xE0, s6  }
0x134: {  	s16 =	simm.s32 @!p1 $0x0;
	[sflag:s26] =	ssyncset.done $0x0  }
0x135: {  	[sflag:s26] =	ssyncadd.s32 $0xFFFFC800;
	s17 =	simm.s32 @!p1 $0x17400;
	s7 =	sadd.s32 @!p1 s5, s7  }
0x136: {  	[tilespmem:s17], [sflag:$0x1] =	stream.linear.gather @!p1 [hbm4b:s7+s16], $0x80, $0x38;
	[tilespmem:$0x18300] =	vst v63  }
0x137: {  	s19 =	simm.s32 @!p1 $0x17500;
	s17 =	sadd.s32 @!p1 $0x10, s7  }
0x138: {  	[tilespmem:s19], [sflag:$0x1] =	stream.linear.gather @!p1 [hbm4b:s17+s16], $0x80, $0x38;
	[tilespmem:$0x18300] =	vst v63  }
0x139: {  	s17 =	sadd.s32 @!p1 $0x20, s7;
	s19 =	simm.s32 @!p1 $0x17600  }
0x13a: {  	[tilespmem:s19], [sflag:$0x1] =	stream.linear.gather @!p1 [hbm4b:s17+s16], $0x80, $0x38;
	[tilespmem:$0x18300] =	vst v63  }
0x13b: {  	s17 =	sadd.s32 @!p1 $0x30, s7;
	s19 =	simm.s32 @!p1 $0x17700  }
0x13c: {  	[tilespmem:s19], [sflag:$0x1] =	stream.linear.gather @!p1 [hbm4b:s17+s16], $0x80, $0x38;
	[tilespmem:$0x18300] =	vst v63  }
0x13d: {  	s17 =	sadd.s32 @!p1 $0x40, s7;
	s19 =	simm.s32 @!p1 $0x17800  }
0x13e: {  	[tilespmem:s19], [sflag:$0x1] =	stream.linear.gather @!p1 [hbm4b:s17+s16], $0x80, $0x38;
	[tilespmem:$0x18300] =	vst v63  }
0x13f: {  	s17 =	sadd.s32 @!p1 $0x50, s7;
	s19 =	simm.s32 @!p1 $0x17900  }
0x140: {  	[tilespmem:s19], [sflag:$0x1] =	stream.linear.gather @!p1 [hbm4b:s17+s16], $0x80, $0x38;
	[tilespmem:$0x18300] =	vst v63  }
0x141: {  	s17 =	sadd.s32 @!p1 $0x60, s7;
	s19 =	simm.s32 @!p1 $0x17A00  }
0x142: {  	[tilespmem:s19], [sflag:$0x1] =	stream.linear.gather @!p1 [hbm4b:s17+s16], $0x80, $0x38;
	[tilespmem:$0x18300] =	vst v63  }
0x143: {  	s17 =	sadd.s32 @!p1 $0x70, s7;
	s19 =	simm.s32 @!p1 $0x17B00  }
0x144: {  	[tilespmem:s19], [sflag:$0x1] =	stream.linear.gather @!p1 [hbm4b:s17+s16], $0x80, $0x38;
	[tilespmem:$0x18300] =	vst v63  }
0x145: {  	s17 =	sadd.s32 @!p1 $0x80, s7;
	s19 =	simm.s32 @!p1 $0x17C00  }
0x146: {  	[tilespmem:s19], [sflag:$0x1] =	stream.linear.gather @!p1 [hbm4b:s17+s16], $0x80, $0x38;
	[tilespmem:$0x18300] =	vst v63  }
0x147: {  	s17 =	sadd.s32 @!p1 $0x90, s7;
	s19 =	simm.s32 @!p1 $0x17D00  }
0x148: {  	[tilespmem:s19], [sflag:$0x1] =	stream.linear.gather @!p1 [hbm4b:s17+s16], $0x80, $0x38;
	[tilespmem:$0x18300] =	vst v63  }
0x149: {  	s17 =	sadd.s32 @!p1 $0xA0, s7;
	s19 =	simm.s32 @!p1 $0x17E00  }
0x14a: {  	[tilespmem:s19], [sflag:$0x1] =	stream.linear.gather @!p1 [hbm4b:s17+s16], $0x80, $0x38;
	[tilespmem:$0x18300] =	vst v63  }
0x14b: {  	s17 =	sadd.s32 @!p1 $0xB0, s7;
	s19 =	simm.s32 @!p1 $0x17F00  }
0x14c: {  	[tilespmem:s19], [sflag:$0x1] =	stream.linear.gather @!p1 [hbm4b:s17+s16], $0x80, $0x38;
	[tilespmem:$0x18300] =	vst v63  }
0x14d: {  	s17 =	sadd.s32 @!p1 $0xC0, s7;
	s19 =	simm.s32 @!p1 $0x18000  }
0x14e: {  	[tilespmem:s19], [sflag:$0x1] =	stream.linear.gather @!p1 [hbm4b:s17+s16], $0x80, $0x38;
	[tilespmem:$0x18300] =	vst v63  }
0x14f: {  	s6 =	smul.u32 @!p1 $0xE, s6;
	s7 =	sadd.s32 @!p1 $0xD0, s7;
	s17 =	simm.s32 @!p1 $0x18100  }
0x150: {  	[tilespmem:s17], [sflag:$0x1] =	stream.linear.gather @!p1 [hbm4b:s7+s16], $0x80, $0x38;
	[tilespmem:$0x18300] =	vst v63  }
0x151: {  	s6 =	sadd.s32 @!p1 s1, s6;
	s7 =	simm.s32 @!p1 $0x18200  }
0x152: {  	[tilespmem:s7], [sflag:$0x1] =	stream.linear.gather @!p1 [hbm4b:s6+s16], $0x70, $0x38;
	[tilespmem:$0x18300] =	vst v63  }
0x153: {  	_ =	swait.ge [sflag:s8], $0x700  }
0x154: {  	[sflag:s8] =	ssyncset.done $0x0  }
0x155: {  	[sflag:s8] =	ssyncadd.s32 $0xFFFFF900  }
0x156: {  	s16 =	simm.s32 $0x0;
	_ =	swait.ge [sflag:s8], $0x70  }
0x157: {  	s17 =	sand.u32 $0x70, s16;
	s6 =	sand.u32 $0xF00, s16;
	[sflag:s8] =	ssyncset.done $0x0  }
0x158: {  	s6 =	sor.u32 s17, s6;
	[sflag:s8] =	ssyncadd.s32 $0xFFFFFF90  }
0x159: {  	v1 =	vld [tilespmem:s6+$0x17480];
	_ =	sdelay $0x2  }
0x15a: {  	s19 =	simm.s32 $0x10;
	s6 =	simm.s32 $0x20  }
0x15b: {  	s7 =	sand.u32 $0x70, s19;
	s17 =	simm.s32 $0x13C00;
	s21 =	sand.u32 $0xF00, s6  }
0x15c: {  	s16 =	sor.u32 s7, s21;
	[tilespmem:s17+$0x0] =	vst v1  }
0x15d: {  	s14 =	sadd.s32 $0x1, s14;
	s7 =	simm.s32 $0x20;
	v1 =	vld [tilespmem:s16+$0x17480]  }
.LBB2_13:
0x15e: {  	p1 =	sne.s32 s7, $0x6F0  }
.Ltmp5:
0x15f: {  	_ = 	snop;
	(pc) =	sbr.rel @p1 .LBB2_13-.Ltmp5, $4  }
0x160: {  	s6 =	sadd.s32 $0x20, s6  }
0x161: {  	s16 =	sand.u32 $0x70, s7;
	s17 =	sadd.s32 $0x80, s17;
	s19 =	sand.u32 $0xF00, s6  }
0x162: {  	s16 =	sor.u32 s16, s19;
	[tilespmem:s17+$0x0] =	vst v1  }
0x163: {  	s7 =	sadd.s32 $0x10, s7;
	v1 =	vld [tilespmem:s16+$0x17480]  }
0x164: {  	_ =	sdelay $0x2  }
0x165: {  	s6 =	sadd.s32 $0x80, s17;
	p1 =	sne.s32 s14, $0x2D  }
.Ltmp6:
0x166: {  	[tilespmem:s6+$0x0] =	vst v1;
	(pc) =	sbr.rel @p1 .LBB2_10-.Ltmp6, $4  }
0x167: {  	[spmem:s2] =	stream.indirect.scatter.add.f32 [tilespmem:s23], [sflag:$0x3], $0x80, s15, s20, $0xb8;
	[tilespmem:$0x18300] =	vst v63  }
0x168: {  	_ =	swait.ge [sflag:s26], $0x3800  }
0x169: {  	[sflag:s26] =	ssyncset.done $0x0  }
0x16a: {  	[sflag:s26] =	ssyncadd.s32 $0xFFFFC800  }
0x16b: {  	s3 =	stileid.u32;
	[bflag:$0x0] =	sbarrier.arrive $0xFFFF  }
0x16c: {  	s3 =	sshll.u32 s3, $0x6;
	s6 =	rddreg [dreg:$0x13]  }
0x16d: {  	s7 =	rddreg [dreg:$0x16];
	s3 =	sor.u32 $0x1C03, s3  }
0x16e: {  	[hbm:s6], [sflag:s3] =	dma.local [spmem:s7], $0x2700  }
0x16f: {  	_ =	swait.ge [sflag:s26], $0x2700  }
0x170: {  	[sflag:s26] =	ssyncset.done $0x0;
	s6 =	rddreg [dreg:$0x14]  }
0x171: {  	s7 =	rddreg [dreg:$0x17];
	[sflag:s26] =	ssyncadd.s32 $0xFFFFD900  }
0x172: {  	[hbm:s6], [sflag:s3] =	dma.local @!p0 [spmem:s7], $0x100  }
0x173: {  	s3 =	simm.s32 @!p0 $0x3  }
0x174: {  	_ =	swait.ge @!p0 [sflag:s3], $0x100  }
0x175: {  	s14 =	rddreg [dreg:$0x4]  }
0x176: {  	s21 =	rddreg [dreg:$0x15];
	s14 =	sadd.s32 $0x1, s14  }
0x177: {  	p1 =	sne.s32 s14, s21  }
.Ltmp7:
0x178: {  	_ = 	snop;
	(pc) =	sbr.rel @p1 .LBB2_1-.Ltmp7, $3  }
0x179: {  	_ =	sdelay $0x1  }
0x17a: {  	[sflag:s3] =	ssyncset.done @!p0 $0x0  }
0x17b: {  	[sflag:s3] =	ssyncadd.s32 @!p0 $0xFFFFFF00  }
0x17c: {  	_ =	sfence.sel $0x180000  }
0x17d: {  	[bflag:$0x0] =	sbarrier.arrive $0xFFFF  }
0x17e: {  	_ =	strace $0x90000050  }
0x17f: {  	[bflag:$0x2] =	sbarrier.arrive $0xFFFF  }
0x180: {  	s0 =	rddreg [dreg:$0x3]  }
0x181: {  	s0 =	sadd.s32 @!p0 $0x100000, s0  }
0x182: {  	[sflag:s0] =	ssyncadd.tile.s32 @!p0 $0x1;
	_ =	shalt  }
.Lfunc_end2:
_tile_overlayer_lowered:
.L_overlay_start_2:
0x183: {  	(tag) =	ssettag $0x2  }
0x184: {  	s0 =	rddreg [dreg:$0x0];
	s2 =	stileid.u32  }
0x185: {  	s1 =	rddreg [dreg:$0x1];
	p0 =	sne.s32 s2, $0x0  }
0x186: {  	s3 =	rddreg [dreg:$0x2];
	[bflag:$0x3] =	sbarrier.arrive $0xFFFF;
	s2 =	simm.s32 @!p0 $0x1C03  }
0x187: {  	[timem:s3], [sflag:s2] =	dma.local @!p0 [hbm:s0], s1  }
0x188: {  	s0 =	simm.s32 @!p0 $0x3  }
0x189: {  	_ =	swait.ge @!p0 [sflag:s0], s1  }
0x18a: {  	s1 =	ssub.s32 @!p0 $0x0, s1;
	[sflag:s0] =	ssyncset.done @!p0 $0x0  }
0x18b: {  	[sflag:s0] =	ssyncadd.s32 @!p0 s1  }
0x18c: {  	[bflag:$0x3] =	sbarrier.arrive $0xFFFF  }
0x18d: {  	_ =	shalt  }

// kernel: kernel.16.cloned.1.call-start
scs
__scs_entry_jumppad:
0x0: {  	(pc) =	sbr.rel $0x88, $3  }
0x1: {  	(tag) =	ssettag $0x0;
	lr =	simm.s32 $0x1  }
0x2: {  	[smem:$0x3F95] =	sst lr;
	_ =	strace $0xD0000000  }
0x3: {  	_ = 	snop  }
0x4: {  	_ = 	snop  }
0x5: {  	_ = 	snop  }
0x6: {  	_ = 	snop  }
0x7: {  	_ = 	snop  }
__scs_overlays_trampoline_lowered:
0x8: {  	[smem:$0x3FA4] =	sst s0  }
0x9: {  	[smem:$0x3FA5] =	sst s1  }
0xa: {  	[smem:$0x3FA6] =	sst s2  }
0xb: {  	[smem:$0x3FA7] =	sst s3  }
0xc: {  	[smem:$0x3FA8] =	sst s4  }
0xd: {  	[smem:$0x3FA9] =	sst s5  }
0xe: {  	[smem:$0x3FAA] =	sst s6  }
0xf: {  	[smem:$0x3FAB] =	sst s7  }
0x10: {  	[smem:$0x3FAC] =	sst s8  }
0x11: {  	[smem:$0x3FAD] =	sst s9;
	s0 =	simm.s32 @!p0 $0x0  }
0x12: {  	s1 =	sld [smem:$0x3F93];
	s0 =	simm.s32 @p0 $0x1  }
0x13: {  	[smem:$0x3FAE] =	sst s0;
	s0 =	simm.s32 @!p1 $0x0  }
0x14: {  	s2 =	sld [smem:$0x3F92];
	s0 =	simm.s32 @p1 $0x1  }
0x15: {  	[smem:$0x3FAF] =	sst s0;
	s0 =	simm.s32 @!p2 $0x0  }
0x16: {  	s3 =	sld [smem:$0x3FDB];
	s0 =	simm.s32 @p2 $0x1  }
0x17: {  	s4 =	simm.s32 $0x1BF5;
	[smem:$0x3FB1] =	sst s0  }
0x18: {  	s0 =	sld [smem:$0x3F94];
	_ =	swait.ge [sflag:s4], $0x0  }
0x19: {  	s7 =	sld [smem:$0x3F95]  }
0x1a: {  	s8 =	sadd.s32 $0xFFFFE003, lr  }
0x1b: {  	s9 =	sadd.s32 $0xFFFFFEF7, lr;
	s5 =	simm.s32 $0xFFFFFFFF;
	p2 =	slt.u32 s8, $0xFFFFF086  }
0x1c: {  	p1 =	slt.u32 s9, $0xF7A;
	s5 =	simm.s32 @!p2 $0x0  }
0x1d: {  	s5 =	simm.s32 @p1 $0x1;
	p0 =	seq.s32 s7, s2  }
0x1e: {  	s7 =	smul.u32 @!p0 $0xF7A, s2;
	p2 =	seq.s32 @!p0 s5, $0x0  }
0x1f: {  	s9 =	smul.u32 $0xF7A, s1;
	s8 =	simm.s32 @!p0 $0x1BF5;
	p2 =	por !p2, p0  }
0x20: {  	[sflag:s8] =	ssyncset.s32 @!p0 $0xFFFFF086;
	s6 =	sadd.s32 @!p0 s3, s7;
	s7 =	simm.s32 @!p0 $0x108  }
0x21: {  	s3 =	sadd.s32 s3, s9;
	s6 =	sadd.s32 @!p0 $0x88, s6;
	s7 =	simm.s32 @p2 $0x1082  }
0x22: {  	[simem:s7], [sflag:s8] =	dma.local @!p0 [hbm:s6], $0xF7A  }
0x23: {  	s9 =	sor.u32 $0xD0000000, s2;
	s6 =	simm.s32 $0x108;
	_ =	swait.ge @!p0 [sflag:s8], $0x0  }
0x24: {  	s3 =	sadd.s32 $0x88, s3;
	s6 =	simm.s32 @!p1 $0x1082;
	[sflag:s4] =	ssyncset.s32 $0xFFFFF086  }
0x25: {  	[simem:s6], [sflag:s4] =	dma.local [hbm:s3], $0xF7A  }
0x26: {  	[smem:$0x3F95] =	sst s1;
	(tag) =	ssettag s2;
	_ =	strace s9  }
0x27: {  	s1 =	sld [smem:$0x3FA5]  }
0x28: {  	s2 =	sld [smem:$0x3FA6]  }
0x29: {  	s4 =	sld [smem:$0x3FA8]  }
0x2a: {  	p0 =	seq.s32 s5, $0x0;
	s5 =	sld [smem:$0x3FA9]  }
0x2b: {  	s6 =	sld [smem:$0x3FAA]  }
0x2c: {  	s7 =	sld [smem:$0x3FAB]  }
0x2d: {  	s3 =	simm.s32 $0x108;
	s8 =	sld [smem:$0x3FAC]  }
0x2e: {  	s3 =	simm.s32 @!p0 $0x1082;
	s9 =	sld [smem:$0x3FAD]  }
0x2f: {  	lr =	sadd.s32 s0, s3;
	s0 =	sld [smem:$0x3FA4]  }
0x30: {  	s3 =	sld [smem:$0x3FA7]  }
0x31: {  	[smem:$0x3FB0] =	sst s10  }
0x32: {  	s10 =	sld [smem:$0x3FAE];
	_ =	sdelay $0x3  }
0x33: {  	p0 =	seq.s32 s10, $0x1;
	s10 =	sld [smem:$0x3FB0];
	_ =	sdelay $0x3  }
0x34: {  	[smem:$0x3FB0] =	sst s10  }
0x35: {  	s10 =	sld [smem:$0x3FAF];
	_ =	sdelay $0x3  }
0x36: {  	p1 =	seq.s32 s10, $0x1;
	s10 =	sld [smem:$0x3FB0];
	_ =	sdelay $0x3  }
0x37: {  	[smem:$0x3FB0] =	sst s10  }
0x38: {  	s10 =	sld [smem:$0x3FB1]  }
0x39: {  	_ = 	snop;
	(pc) =	sbr.ind lr, $3  }
0x3a: {  	_ = 	snop  }
0x3b: {  	_ = 	snop  }
0x3c: {  	p2 =	seq.s32 s10, $0x1;
	s10 =	sld [smem:$0x3FB0]  }
0x3d: {  	_ =	shalt  }
0x3e: {  	_ =	shalt  }
0x3f: {  	_ =	shalt  }
0x40: {  	_ =	shalt  }
0x41: {  	_ =	shalt  }
0x42: {  	_ =	shalt  }
0x43: {  	_ =	shalt  }
0x44: {  	_ =	shalt  }
0x45: {  	_ =	shalt  }
0x46: {  	_ =	shalt  }
0x47: {  	_ =	shalt  }
0x48: {  	_ =	shalt  }
0x49: {  	_ =	shalt  }
0x4a: {  	_ =	shalt  }
0x4b: {  	_ =	shalt  }
0x4c: {  	_ =	shalt  }
0x4d: {  	_ =	shalt  }
0x4e: {  	_ =	shalt  }
0x4f: {  	_ =	shalt  }
0x50: {  	_ =	shalt  }
0x51: {  	_ =	shalt  }
0x52: {  	_ =	shalt  }
0x53: {  	_ =	shalt  }
0x54: {  	_ =	shalt  }
0x55: {  	_ =	shalt  }
0x56: {  	_ =	shalt  }
0x57: {  	_ =	shalt  }
0x58: {  	_ =	shalt  }
0x59: {  	_ =	shalt  }
0x5a: {  	_ =	shalt  }
0x5b: {  	_ =	shalt  }
0x5c: {  	_ =	shalt  }
0x5d: {  	_ =	shalt  }
0x5e: {  	_ =	shalt  }
0x5f: {  	_ =	shalt  }
0x60: {  	_ =	shalt  }
0x61: {  	_ =	shalt  }
0x62: {  	_ =	shalt  }
0x63: {  	_ =	shalt  }
0x64: {  	_ =	shalt  }
0x65: {  	_ =	shalt  }
0x66: {  	_ =	shalt  }
0x67: {  	_ =	shalt  }
0x68: {  	_ =	shalt  }
0x69: {  	_ =	shalt  }
0x6a: {  	_ =	shalt  }
0x6b: {  	_ =	shalt  }
0x6c: {  	_ =	shalt  }
0x6d: {  	_ =	shalt  }
0x6e: {  	_ =	shalt  }
0x6f: {  	_ =	shalt  }
0x70: {  	_ =	shalt  }
0x71: {  	_ =	shalt  }
0x72: {  	_ =	shalt  }
0x73: {  	_ =	shalt  }
0x74: {  	_ =	shalt  }
0x75: {  	_ =	shalt  }
0x76: {  	_ =	shalt  }
0x77: {  	_ =	shalt  }
0x78: {  	_ =	shalt  }
0x79: {  	_ =	shalt  }
0x7a: {  	_ =	shalt  }
0x7b: {  	_ =	shalt  }
0x7c: {  	_ =	shalt  }
0x7d: {  	_ =	shalt  }
0x7e: {  	_ =	shalt  }
0x7f: {  	_ =	shalt  }
0x80: {  	_ =	shalt  }
0x81: {  	_ =	shalt  }
0x82: {  	_ =	shalt  }
0x83: {  	_ =	shalt  }
0x84: {  	_ =	shalt  }
0x85: {  	_ =	shalt  }
0x86: {  	_ =	shalt  }
0x87: {  	_ =	shalt  }
.Lfunc_end0:
.L_simem_size_0:
called_computation.2_lowered:
.L_overlay_start_0:
0x88: {  	s2 =	sld [smem:$0x3FD9]  }
0x89: {  	s3 =	sld [smem:$0x3FFE];
	_ =	sdelay $0x1  }
0x8a: {  	s1 =	srdreg.scid  }
0x8b: {  	s0 =	sand.u32 $0x1, s1  }
0x8c: {  	s17 =	sshll.u32 s0, $0xA;
	s2 =	sadd.s32 s3, s2  }
0x8d: {  	s2 =	sadd.s32 s2, s17  }
0x8e: {  	[smem:$0x3FBC] =	sst s2  }
0x8f: {  	_ = 	snop  }
0x90: {  	s18 =	sld [smem:$0x3FD0];
	(tm) =	ssettm $0x1  }
0x91: {  	s19 =	sld [smem:$0x3FFB];
	_ =	sdelay $0x3  }
0x92: {  	_ =	strace s19  }
0x93: {  	s2 =	sld [smem:$0x3FFC];
	_ =	sdelay $0x3  }
0x94: {  	_ =	strace s2  }
0x95: {  	s2 =	sld [smem:$0x3FFD];
	_ =	sdelay $0x3  }
0x96: {  	_ =	strace s2  }
0x97: {  	_ =	strace $0x8FFFFFFF  }
0x98: {  	s20 =	sld [smem:$0x3FDB];
	_ =	sdelay $0x1  }
0x99: {  	s4 =	simm.s32 $_scs_section_size  }
0x9a: {  	s5 =	simm.s32 $_size__tile_overlayer_lowered;
	s6 =	simm.s32 $_tile_overlayer_lowered  }
0x9b: {  	s7 =	simm.s32 $0x1BFF;
	s21 =	sshll.u32 s6, $0x1;
	s4 =	sadd.s32 s4, s20  }
0x9c: {  	s22 =	simm.s32 $0x0;
	s5 =	sshll.u32 s5, $0x1;
	s6 =	sadd.s32 s21, s4  }
0x9d: {  	[timem:s22], [sflag:s7] =	dma.local [hbm:s6], s5  }
0x9e: {  	_ =	swait.ge [sflag:s7], s5  }
0x9f: {  	s5 =	ssub.s32 $0x0, s5;
	[sflag:s7] =	ssyncset.done $0x0  }
0xa0: {  	[sflag:s7] =	ssyncadd.s32 s5;
	_ =	sdelay $0x1  }
0xa1: {  	s23 =	simm.s32 $0x1B8B  }
0xa2: {  	_ =	swait.ge [sflag:s23], $0x1  }
0xa3: {  	[sflag:s23] =	ssyncset.done $0x0  }
0xa4: {  	[sflag:s23] =	ssyncadd.s32 $0xFFFFFFFF  }
0xa5: {  	s5 =	sld [smem:$0x0]  }
0xa6: {  	s6 =	sand.u32 $0xFFFFFFFE, s1  }
0xa7: {  	p0 =	sne.s32 s1, s6  }
0xa8: {  	s6 =	sshll.u32 @p0 s6, $0xE  }
0xa9: {  	s6 =	sadd.s32 @p0 $0x11B8D, s6;
	s7 =	sshll.u32 @p0 s5, $0x11  }
0xaa: {  	s6 =	sor.u32 @p0 s7, s6  }
0xab: {  	[sflag:s6] =	ssyncadd.remote.s32 @p0 $0x1;
	_ =	sdelay $0x1  }
0xac: {  	s6 =	simm.s32 @p0 $0x1B8D  }
0xad: {  	_ =	swait.eq @p0 [sflag:s6], $0x1  }
0xae: {  	[sflag:s6] =	ssyncadd.s32 @p0 $0xFFFFFFFF  }
0xaf: {  	s7 =	sshll.u32 @!p0 s1, $0xE  }
0xb0: {  	s7 =	sor.u32 @!p0 $0x4000, s7;
	s6 =	simm.s32 @!p0 $0x1B8D  }
0xb1: {  	s5 =	sshll.u32 @!p0 s5, $0x11;
	s7 =	sadd.s32 @!p0 $0x11B8D, s7;
	_ =	swait.eq @!p0 [sflag:s6], $0x1  }
0xb2: {  	s5 =	sor.u32 @!p0 s5, s7;
	[sflag:s6] =	ssyncadd.s32 @!p0 $0xFFFFFFFF  }
0xb3: {  	s25 =	simm.s32 $0x1B8E;
	s24 =	sld [smem:$0x3FFE];
	[sflag:s5] =	ssyncadd.remote.s32 @!p0 $0x1  }
0xb4: {  	s26 =	simm.s32 $execute0_lowered;
	[smem:$0x3FD2] =	sst s25  }
0xb5: {  	s6 =	sshll.u32 s26, $0x1;
	_ =	strace $0x8000004C;
	[dreg:$0x1] =	wrdreg $0xFFFFFFFF  }
0xb6: {  	s28 =	simm.s32 $_size_execute0_lowered;
	s4 =	sadd.s32 s4, s6;
	[dreg:$0x0] =	wrdreg $0x0  }
0xb7: {  	s6 =	sshll.u32 s28, $0x1;
	[dreg:$0x2] =	wrdreg s4  }
0xb8: {  	[dreg:$0x3] =	wrdreg s6  }
0xb9: {  	[dreg:$0x4] =	wrdreg $0xC0  }
0xba: {  	_ =	task [dreg:s22], $0x5FFFF  }
0xbb: {  	[dreg:$0x1] =	wrdreg $0xFFFFFFFF  }
0xbc: {  	[dreg:$0x0] =	wrdreg $0x60  }
0xbd: {  	[dreg:$0x2] =	wrdreg s24  }
0xbe: {  	[dreg:$0x3] =	wrdreg s18  }
0xbf: {  	[dreg:$0x4] =	wrdreg $0x0  }
0xc0: {  	[dreg:$0x5] =	wrdreg $0xB  }
0xc1: {  	_ =	task.clear_ibuf [dreg:s22], $0x6FFFF;
	_ =	strace $0x9000004C  }
0xc2: {  	s29 =	simm.s32 $0xB;
	_ =	strace $0x8000004E  }
0xc3: {  	_ =	swait.ge [sflag:s29], $0x1  }
0xc4: {  	[sflag:s29] =	ssyncadd.s32 $0xFFFFFFFF  }
0xc5: {  	_ =	strace $0x9000004E  }
0xc6: {  	_ =	sfence  }
0xc7: {  	s30 =	sld [smem:$0x0];
	_ =	sdelay $0x2  }
0xc8: {  	s31 =	sshll.u32 s1, $0xD;
	s1 =	sshrl.u32 s1, $0x2  }
0xc9: {  	s4 =	sand.u32 $0x4000, s31;
	s1 =	sadd.s32 s1, s30  }
0xca: {  	s0 =	sor.u32 s4, s0;
	s1 =	sshll.u32 s1, $0x11  }
0xcb: {  	s0 =	sor.u32 s1, s0  }
0xcc: {  	s0 =	sadd.s32 $0x8F2B, s0  }
0xcd: {  	[sflag:s0] =	ssyncadd.remote.s32 $0x1  }
0xce: {  	_ =	sfence.sel $0xFFFF  }
0xcf: {  	[dreg:$0x0] =	wrdreg $0xFFFFFFFF;
	(pc) =	sbr.abs _section_cstart, $3  }
0xd0: {  	[dreg:$0x1] =	wrdreg $0xFFFFFFFF  }
0xd1: {  	_ =	task.clear_ibuf [dreg:s22], $0x2FFFF;
	_ =	strace $0x9FFFFFFF  }
0xd2: {  	(tm) =	ssettm $0x7FFFFFFF  }
0xd3: {  	_ =	shalt  }
tec
execute0_lowered:
.L_overlay_start_1:
0x0: {  	(tag) =	ssettag $0x1  }
0x1: {  	s0 =	rddreg [dreg:$0x0]  }
0x2: {  	s1 =	rddreg [dreg:$0x1]  }
0x3: {  	s2 =	rddreg [dreg:$0x2];
	s3 =	simm.s32 $0x0;
	s24 =	stileid.u32  }
0x4: {  	s4 =	srdreg.scid;
	s19 =	simm.s32 $0x2;
	s20 =	simm.s32 $0x17B00  }
0x5: {  	s21 =	simm.s32 $0x17B80;
	s22 =	simm.s32 $0x17400;
	s23 =	simm.s32 $0x70  }
0x6: {  	s26 =	simm.s32 $0x1;
	[smem:$0x7FF] =	sst s3;
	s7 =	smul.u32 $0x4F000, s24  }
0x7: {  	s5 =	sadd.s32 $0x51400, s0;
	s4 =	sand.u32 $0x1, s4;
	s16 =	smul.u32 $0x13800, s24  }
0x8: {  	s6 =	sadd.s32 $0xC6E00, s0;
	s18 =	smul.u32 $0x4E000, s24;
	p0 =	sne.s32 s24, $0x0  }
0x9: {  	_ =	strace $0x8000004D;
	s9 =	ssub.s32 $0x2, s4;
	s15 =	smul.u32 $0x138800, s4  }
0xa: {  	s4 =	sshll.u32 s4, $0x4;
	s8 =	sshrl.u32 s7, $0x2;
	s7 =	sadd.s32 $0xB3200, s0  }
0xb: {  	s10 =	sshrl.u32 s9, $0x1;
	s0 =	sadd.s32 $0x3200, s0;
	s4 =	sor.u32 s24, s4  }
0xc: {  	s29 =	sshrl.u32 s18, $0x2;
	s18 =	simm.s32 $0x13C00;
	s8 =	sadd.s32 s8, s2  }
0xd: {  	s17 =	ssub.s32 s9, s10;
	s14 =	smul.u32 $0xB4, s4;
	s28 =	sadd.s32 s16, s15  }
0xe: {  	s15 =	sshrl.u32 s15, $0x3;
	s31 =	sadd.s32 s29, s2;
	s9 =	sadd.s32 $0x3800, s8  }
0xf: {  	s10 =	sadd.s32 $0x7000, s8;
	s11 =	sadd.s32 $0xA800, s8;
	s12 =	sadd.s32 $0xE000, s8  }
0x10: {  	s13 =	sadd.s32 $0x11800, s8;
	s4 =	sshrl.u32 s28, $0x3;
	s30 =	sadd.s32 s0, s15  }
0x11: {  	s17 =	smax.u32 s17, $0x1;
	s15 =	sadd.s32 s0, s4;
	s4 =	sadd.s32 $0x138000, s2  }
0x12: {  	v0 =	vimm.f32 $0.0e+00;
	s24 =	sshrl.u32 s31, $0x3;
	s16 =	sadd.s32 $0x27000, s30;
	s25 =	sshrl.u32 @!p0 s4, $0x3  }
.LBB2_1:
0x13: {  	s0 =	simm.s32 $0x0;
	s28 =	simm.s32 $0x200  }
.LBB2_2:
0x14: {  	p1 =	sne.s32 s28, $0xDE00;
	[tilespmem:s0+$0x13C70] =	vst v0  }
0x15: {  	[tilespmem:s0+$0x13C00] =	vst v0  }
0x16: {  	[tilespmem:s0+$0x13C10] =	vst v0  }
.Ltmp0:
0x17: {  	[tilespmem:s0+$0x13C20] =	vst v0;
	(pc) =	sbr.rel @p1 .LBB2_2-.Ltmp0, $4  }
0x18: {  	[tilespmem:s0+$0x13C30] =	vst v0  }
0x19: {  	[tilespmem:s0+$0x13C40] =	vst v0  }
0x1a: {  	[tilespmem:s0+$0x13C50] =	vst v0  }
0x1b: {  	[tilespmem:s0+$0x13C60] =	vst v0;
	s0 =	sshra.s32 s28, $0x2;
	s28 =	sadd.s32 $0x200, s28  }
0x1c: {  	[tilespmem:s0+$0x13C70] =	vst v0  }
0x1d: {  	[tilespmem:s0+$0x13C00] =	vst v0  }
0x1e: {  	[tilespmem:s0+$0x13C10] =	vst v0  }
0x1f: {  	[tilespmem:s0+$0x13C20] =	vst v0  }
0x20: {  	[tilespmem:s0+$0x13C30] =	vst v0  }
0x21: {  	[tilespmem:s0+$0x13C40] =	vst v0  }
0x22: {  	[tilespmem:s0+$0x13C50] =	vst v0  }
0x23: {  	[tilespmem:s0+$0x13C60] =	vst v0  }
0x24: {  	[spmem:s8] =	stream.linear.scatter [tilespmem:s18], [sflag:$0x2], $0x3800, $0x38;
	[tilespmem:$0x17C00] =	vst v63  }
0x25: {  	_ =	swait.ge [sflag:s19], $0x3800  }
0x26: {  	[sflag:s19] =	ssyncset.done $0x0  }
0x27: {  	[sflag:s19] =	ssyncadd.s32 $0xFFFFC800  }
0x28: {  	[spmem:s9] =	stream.linear.scatter [tilespmem:s18], [sflag:$0x2], $0x3800, $0x38;
	[tilespmem:$0x17C00] =	vst v63  }
0x29: {  	_ =	swait.ge [sflag:s19], $0x3800  }
0x2a: {  	[sflag:s19] =	ssyncset.done $0x0  }
0x2b: {  	[sflag:s19] =	ssyncadd.s32 $0xFFFFC800  }
0x2c: {  	[spmem:s10] =	stream.linear.scatter [tilespmem:s18], [sflag:$0x2], $0x3800, $0x38;
	[tilespmem:$0x17C00] =	vst v63  }
0x2d: {  	_ =	swait.ge [sflag:s19], $0x3800  }
0x2e: {  	[sflag:s19] =	ssyncset.done $0x0  }
0x2f: {  	[sflag:s19] =	ssyncadd.s32 $0xFFFFC800  }
0x30: {  	[spmem:s11] =	stream.linear.scatter [tilespmem:s18], [sflag:$0x2], $0x3800, $0x38;
	[tilespmem:$0x17C00] =	vst v63  }
0x31: {  	_ =	swait.ge [sflag:s19], $0x3800  }
0x32: {  	[sflag:s19] =	ssyncset.done $0x0  }
0x33: {  	[sflag:s19] =	ssyncadd.s32 $0xFFFFC800  }
0x34: {  	[spmem:s12] =	stream.linear.scatter [tilespmem:s18], [sflag:$0x2], $0x3800, $0x38;
	[tilespmem:$0x17C00] =	vst v63  }
0x35: {  	_ =	swait.ge [sflag:s19], $0x3800  }
0x36: {  	[sflag:s19] =	ssyncset.done $0x0  }
0x37: {  	[sflag:s19] =	ssyncadd.s32 $0xFFFFC800  }
0x38: {  	[spmem:s13] =	stream.linear.scatter [tilespmem:s18], [sflag:$0x2], $0x2400, $0x38;
	[tilespmem:$0x17C00] =	vst v63  }
0x39: {  	_ =	swait.ge [sflag:s19], $0x2400  }
0x3a: {  	[sflag:s19] =	ssyncset.done $0x0  }
0x3b: {  	[sflag:s19] =	ssyncadd.s32 $0xFFFFDC00  }
0x3c: {  	s28 =	simm.s32 $0x0;
	s29 =	simm.s32 $0x0;
	[bflag:$0x0] =	sbarrier.arrive $0xFFFF  }
.LBB2_4:
0x3d: {  	s0 =	sadd.s32 s14, s29  }
0x3e: {  	s4 =	smul.u32 $0xE, s0;
	_ =	sdelay $0x1  }
0x3f: {  	s30 =	sadd.s32 s7, s4  }
0x40: {  	[tilespmem:s20], [sflag:$0x2] =	stream.linear.gather [hbm4b:s30+s28], $0x70, $0x38;
	[tilespmem:$0x17C00] =	vst v63  }
0x41: {  	_ =	swait.ge [sflag:s19], $0x70  }
0x42: {  	[sflag:s19] =	ssyncset.done $0x0  }
0x43: {  	s4 =	sadd.s32 s1, s4;
	[sflag:s19] =	ssyncadd.s32 $0xFFFFFF90  }
0x44: {  	[tilespmem:s21], [sflag:$0x2] =	stream.linear.gather [hbm4b:s4+s28], $0x70, $0x38;
	[tilespmem:$0x17C00] =	vst v63  }
0x45: {  	s0 =	smul.u32 $0xE0, s0;
	_ =	swait.ge [sflag:s19], $0x70  }
0x46: {  	[sflag:s19] =	ssyncset.done $0x0  }
0x47: {  	s0 =	sadd.s32 s6, s0;
	[sflag:s19] =	ssyncadd.s32 $0xFFFFFF90  }
0x48: {  	[tilespmem:s22], [sflag:$0x2] =	stream.linear.gather [hbm4b:s0+s28], $0x700, $0x38;
	[tilespmem:$0x17C00] =	vst v63  }
0x49: {  	_ =	swait.ge [sflag:s19], $0x700  }
0x4a: {  	[sflag:s19] =	ssyncset.done $0x0  }
0x4b: {  	[sflag:s19] =	ssyncadd.s32 $0xFFFFF900  }
0x4c: {  	[tilespmem:s18], [sflag:$0x1] =	stream.indirect.gather [hbm4b:s5+s23], $0x80, s20, s23, $0xb8;
	[tilespmem:$0x17C00] =	vst v63  }
0x4d: {  	_ =	swait.ge [sflag:s26], $0x3800  }
0x4e: {  	[sflag:s26] =	ssyncset.done $0x0  }
0x4f: {  	s30 =	simm.s32 $0x13C40;
	[sflag:s26] =	ssyncadd.s32 $0xFFFFC800  }
0x50: {  	s31 =	simm.s32 $0x13C40;
	s4 =	simm.s32 $0x0;
	s0 =	simm.s32 $0x40;
	v1 =	vld [tilespmem:s30+$0xFFFFFFF0]  }
.LBB2_5:
0x51: {  	p1 =	sne.s32 s0, $0x1BC0;
	v2 =	vld [tilespmem:s4+$0x17400]  }
0x52: {  	v3 =	vld [tilespmem:s30+$0xFFFFFFD0]  }
0x53: {  	v4 =	vld [tilespmem:s30+$0xFFFFFFC0]  }
0x54: {  	v5 =	vld [tilespmem:s30+$0xFFFFFFE0]  }
0x55: {  	v6 =	vld [tilespmem:s30+$0x30]  }
0x56: {  	v7 =	vbroadcast v2, $0x0;
	v8 =	vbroadcast v2, $0x1;
	v9 =	vld [tilespmem:s30+$0x10]  }
0x57: {  	v10 =	vbroadcast v2, $0x2;
	v11 =	vbroadcast v2, $0x3;
	v12 =	vld [tilespmem:s30+$0x0]  }
0x58: {  	v4 =	vmul.f32 v7, v4;
	v3 =	vmul.f32 v3, v8;
	v7 =	vld [tilespmem:s30+$0x20]  }
0x59: {  	v1 =	vmul.f32 v1, v11;
	v5 =	vmul.f32 v5, v10  }
0x5a: {  	v8 =	vbroadcast v2, $0x5;
	[tilespmem:s30+$0xFFFFFFC0] =	vst v4;
	v4 =	vbroadcast v2, $0x4  }
0x5b: {  	[tilespmem:s30+$0xFFFFFFD0] =	vst v3;
	v3 =	vbroadcast v2, $0x6;
	v2 =	vbroadcast v2, $0x7  }
0x5c: {  	[tilespmem:s30+$0xFFFFFFE0] =	vst v5;
	v4 =	vmul.f32 v12, v4;
	v5 =	vmul.f32 v9, v8  }
.Ltmp1:
0x5d: {  	[tilespmem:s30+$0xFFFFFFF0] =	vst v1;
	v1 =	vmul.f32 v7, v3;
	v2 =	vmul.f32 v6, v2;
	(pc) =	sbr.rel @p1 .LBB2_5-.Ltmp1, $4  }
0x5e: {  	[tilespmem:s30+$0x0] =	vst v4  }
0x5f: {  	[tilespmem:s30+$0x10] =	vst v5  }
0x60: {  	s30 =	sadd.s32 $0x80, s30;
	[tilespmem:s31+$0x20] =	vst v1  }
0x61: {  	s4 =	sshra.s32 s0, $0x2;
	s0 =	sadd.s32 $0x40, s0;
	v1 =	vld [tilespmem:s30+$0xFFFFFFF0];
	[tilespmem:s31+$0x30] =	vst v2;
	s31 =	smov.u32 s30  }
0x62: {  	v2 =	vld [tilespmem:s4+$0x17400];
	_ =	sdelay $0x1  }
0x63: {  	v3 =	vld [tilespmem:s30+$0xFFFFFFC0]  }
0x64: {  	v4 =	vld [tilespmem:s30+$0xFFFFFFD0]  }
0x65: {  	v5 =	vld [tilespmem:s30+$0xFFFFFFE0]  }
0x66: {  	v6 =	vbroadcast v2, $0x0  }
0x67: {  	v9 =	vld [tilespmem:s30+$0x10];
	v7 =	vbroadcast v2, $0x1  }
0x68: {  	v8 =	vld [tilespmem:s30+$0x0];
	v10 =	vbroadcast v2, $0x2;
	v3 =	vmul.f32 v6, v3  }
0x69: {  	v60 =	vld [tilespmem:s30+$0x20];
	v59 =	vbroadcast v2, $0x3;
	v4 =	vmul.f32 v4, v7  }
0x6a: {  	v11 =	vld [tilespmem:s30+$0x30];
	v61 =	vbroadcast v2, $0x5;
	v5 =	vmul.f32 v5, v10;
	[tilespmem:s30+$0xFFFFFFC0] =	vst v3  }
0x6b: {  	v1 =	vmul.f32 v1, v59;
	v3 =	vbroadcast v2, $0x4;
	[tilespmem:s30+$0xFFFFFFD0] =	vst v4  }
0x6c: {  	v62 =	vbroadcast v2, $0x6;
	v63 =	vmul.f32 v9, v61;
	[tilespmem:s30+$0xFFFFFFE0] =	vst v5  }
0x6d: {  	v2 =	vbroadcast v2, $0x7;
	[tilespmem:s30+$0xFFFFFFF0] =	vst v1;
	v3 =	vmul.f32 v8, v3  }
0x6e: {  	v1 =	vmul.f32 v60, v62;
	[tilespmem:s30+$0x10] =	vst v63  }
0x6f: {  	s29 =	sadd.s32 $0x1, s29;
	v2 =	vmul.f32 v11, v2;
	[tilespmem:s30+$0x0] =	vst v3  }
0x70: {  	p1 =	sne.s32 s29, $0xB4;
	[tilespmem:s31+$0x20] =	vst v1  }
.Ltmp2:
0x71: {  	[tilespmem:s31+$0x30] =	vst v2;
	(pc) =	sbr.rel @p1 .LBB2_4-.Ltmp2, $4  }
0x72: {  	[spmem:s2] =	stream.indirect.scatter.add.f32 [tilespmem:s18], [sflag:$0x2], $0x80, s21, s23, $0xb8;
	[tilespmem:$0x17C00] =	vst v63  }
0x73: {  	_ =	swait.ge [sflag:s19], $0x3800  }
0x74: {  	[sflag:s19] =	ssyncset.done $0x0  }
0x75: {  	[sflag:s19] =	ssyncadd.s32 $0xFFFFC800  }
0x76: {  	s0 =	stileid.u32  }
0x77: {  	s0 =	sshll.u32 s0, $0x6  }
0x78: {  	[bflag:$0x0] =	sbarrier.arrive $0xFFFF;
	s0 =	sor.u32 $0x1C02, s0  }
0x79: {  	[hbm:s15], [sflag:s0] =	dma.local [spmem:s24], $0x2700  }
0x7a: {  	_ =	swait.ge [sflag:s19], $0x2700  }
0x7b: {  	s3 =	sadd.s32 $0x1, s3;
	[sflag:s19] =	ssyncset.done $0x0  }
0x7c: {  	p1 =	sne.s32 s3, s17;
	[sflag:s19] =	ssyncadd.s32 $0xFFFFD900  }
0x7d: {  	[hbm:s16], [sflag:s0] =	dma.local @!p0 [spmem:s25], $0x100  }
.Ltmp3:
0x7e: {  	_ = 	snop;
	(pc) =	sbr.rel @p1 .LBB2_1-.Ltmp3, $4  }
0x7f: {  	s0 =	simm.s32 @!p0 $0x2  }
0x80: {  	_ =	swait.ge @!p0 [sflag:s0], $0x100  }
0x81: {  	[sflag:s0] =	ssyncset.done @!p0 $0x0  }
0x82: {  	[sflag:s0] =	ssyncadd.s32 @!p0 $0xFFFFFF00  }
0x83: {  	_ =	sfence.sel $0x180000  }
0x84: {  	[bflag:$0x0] =	sbarrier.arrive $0xFFFF  }
0x85: {  	_ =	strace $0x9000004D  }
0x86: {  	[bflag:$0x2] =	sbarrier.arrive $0xFFFF  }
0x87: {  	s0 =	rddreg [dreg:$0x3]  }
0x88: {  	s0 =	sadd.s32 @!p0 $0x100000, s0  }
0x89: {  	[sflag:s0] =	ssyncadd.tile.s32 @!p0 $0x1;
	_ =	shalt  }
.Lfunc_end2:
_tile_overlayer_lowered:
.L_overlay_start_2:
0x8a: {  	(tag) =	ssettag $0x2  }
0x8b: {  	s0 =	rddreg [dreg:$0x0];
	s2 =	stileid.u32  }
0x8c: {  	s1 =	rddreg [dreg:$0x1];
	p0 =	sne.s32 s2, $0x0  }
0x8d: {  	s3 =	rddreg [dreg:$0x2];
	[bflag:$0x3] =	sbarrier.arrive $0xFFFF;
	s2 =	simm.s32 @!p0 $0x1C02  }
0x8e: {  	[timem:s3], [sflag:s2] =	dma.local @!p0 [hbm:s0], s1  }
0x8f: {  	s0 =	simm.s32 @!p0 $0x2  }
0x90: {  	_ =	swait.ge @!p0 [sflag:s0], s1  }
0x91: {  	s1 =	ssub.s32 @!p0 $0x0, s1;
	[sflag:s0] =	ssyncset.done @!p0 $0x0  }
0x92: {  	[sflag:s0] =	ssyncadd.s32 @!p0 s1  }
0x93: {  	[bflag:$0x3] =	sbarrier.arrive $0xFFFF  }
0x94: {  	_ =	shalt  }

// kernel: kernel.19.cloned.1.call-start
scs
__scs_entry_jumppad:
0x0: {  	(pc) =	sbr.rel $0x88, $3  }
0x1: {  	(tag) =	ssettag $0x0;
	lr =	simm.s32 $0x1  }
0x2: {  	[smem:$0x3F95] =	sst lr;
	_ =	strace $0xD0000000  }
0x3: {  	_ = 	snop  }
0x4: {  	_ = 	snop  }
0x5: {  	_ = 	snop  }
0x6: {  	_ = 	snop  }
0x7: {  	_ = 	snop  }
__scs_overlays_trampoline_lowered:
0x8: {  	[smem:$0x3FA4] =	sst s0  }
0x9: {  	[smem:$0x3FA5] =	sst s1  }
0xa: {  	[smem:$0x3FA6] =	sst s2  }
0xb: {  	[smem:$0x3FA7] =	sst s3  }
0xc: {  	[smem:$0x3FA8] =	sst s4  }
0xd: {  	[smem:$0x3FA9] =	sst s5  }
0xe: {  	[smem:$0x3FAA] =	sst s6  }
0xf: {  	[smem:$0x3FAB] =	sst s7  }
0x10: {  	[smem:$0x3FAC] =	sst s8  }
0x11: {  	[smem:$0x3FAD] =	sst s9;
	s0 =	simm.s32 @!p0 $0x0  }
0x12: {  	s1 =	sld [smem:$0x3F93];
	s0 =	simm.s32 @p0 $0x1  }
0x13: {  	[smem:$0x3FAE] =	sst s0;
	s0 =	simm.s32 @!p1 $0x0  }
0x14: {  	s2 =	sld [smem:$0x3F92];
	s0 =	simm.s32 @p1 $0x1  }
0x15: {  	[smem:$0x3FAF] =	sst s0;
	s0 =	simm.s32 @!p2 $0x0  }
0x16: {  	s3 =	sld [smem:$0x3FDB];
	s0 =	simm.s32 @p2 $0x1  }
0x17: {  	s4 =	simm.s32 $0x1BF5;
	[smem:$0x3FB1] =	sst s0  }
0x18: {  	s0 =	sld [smem:$0x3F94];
	_ =	swait.ge [sflag:s4], $0x0  }
0x19: {  	s7 =	sld [smem:$0x3F95]  }
0x1a: {  	s8 =	sadd.s32 $0xFFFFE003, lr  }
0x1b: {  	s9 =	sadd.s32 $0xFFFFFEF7, lr;
	s5 =	simm.s32 $0xFFFFFFFF;
	p2 =	slt.u32 s8, $0xFFFFF086  }
0x1c: {  	p1 =	slt.u32 s9, $0xF7A;
	s5 =	simm.s32 @!p2 $0x0  }
0x1d: {  	s5 =	simm.s32 @p1 $0x1;
	p0 =	seq.s32 s7, s2  }
0x1e: {  	s7 =	smul.u32 @!p0 $0xF7A, s2;
	p2 =	seq.s32 @!p0 s5, $0x0  }
0x1f: {  	s9 =	smul.u32 $0xF7A, s1;
	s8 =	simm.s32 @!p0 $0x1BF5;
	p2 =	por !p2, p0  }
0x20: {  	[sflag:s8] =	ssyncset.s32 @!p0 $0xFFFFF086;
	s6 =	sadd.s32 @!p0 s3, s7;
	s7 =	simm.s32 @!p0 $0x108  }
0x21: {  	s3 =	sadd.s32 s3, s9;
	s6 =	sadd.s32 @!p0 $0x88, s6;
	s7 =	simm.s32 @p2 $0x1082  }
0x22: {  	[simem:s7], [sflag:s8] =	dma.local @!p0 [hbm:s6], $0xF7A  }
0x23: {  	s9 =	sor.u32 $0xD0000000, s2;
	s6 =	simm.s32 $0x108;
	_ =	swait.ge @!p0 [sflag:s8], $0x0  }
0x24: {  	s3 =	sadd.s32 $0x88, s3;
	s6 =	simm.s32 @!p1 $0x1082;
	[sflag:s4] =	ssyncset.s32 $0xFFFFF086  }
0x25: {  	[simem:s6], [sflag:s4] =	dma.local [hbm:s3], $0xF7A  }
0x26: {  	[smem:$0x3F95] =	sst s1;
	(tag) =	ssettag s2;
	_ =	strace s9  }
0x27: {  	s1 =	sld [smem:$0x3FA5]  }
0x28: {  	s2 =	sld [smem:$0x3FA6]  }
0x29: {  	s4 =	sld [smem:$0x3FA8]  }
0x2a: {  	p0 =	seq.s32 s5, $0x0;
	s5 =	sld [smem:$0x3FA9]  }
0x2b: {  	s6 =	sld [smem:$0x3FAA]  }
0x2c: {  	s7 =	sld [smem:$0x3FAB]  }
0x2d: {  	s3 =	simm.s32 $0x108;
	s8 =	sld [smem:$0x3FAC]  }
0x2e: {  	s3 =	simm.s32 @!p0 $0x1082;
	s9 =	sld [smem:$0x3FAD]  }
0x2f: {  	lr =	sadd.s32 s0, s3;
	s0 =	sld [smem:$0x3FA4]  }
0x30: {  	s3 =	sld [smem:$0x3FA7]  }
0x31: {  	[smem:$0x3FB0] =	sst s10  }
0x32: {  	s10 =	sld [smem:$0x3FAE];
	_ =	sdelay $0x3  }
0x33: {  	p0 =	seq.s32 s10, $0x1;
	s10 =	sld [smem:$0x3FB0];
	_ =	sdelay $0x3  }
0x34: {  	[smem:$0x3FB0] =	sst s10  }
0x35: {  	s10 =	sld [smem:$0x3FAF];
	_ =	sdelay $0x3  }
0x36: {  	p1 =	seq.s32 s10, $0x1;
	s10 =	sld [smem:$0x3FB0];
	_ =	sdelay $0x3  }
0x37: {  	[smem:$0x3FB0] =	sst s10  }
0x38: {  	s10 =	sld [smem:$0x3FB1]  }
0x39: {  	_ = 	snop;
	(pc) =	sbr.ind lr, $3  }
0x3a: {  	_ = 	snop  }
0x3b: {  	_ = 	snop  }
0x3c: {  	p2 =	seq.s32 s10, $0x1;
	s10 =	sld [smem:$0x3FB0]  }
0x3d: {  	_ =	shalt  }
0x3e: {  	_ =	shalt  }
0x3f: {  	_ =	shalt  }
0x40: {  	_ =	shalt  }
0x41: {  	_ =	shalt  }
0x42: {  	_ =	shalt  }
0x43: {  	_ =	shalt  }
0x44: {  	_ =	shalt  }
0x45: {  	_ =	shalt  }
0x46: {  	_ =	shalt  }
0x47: {  	_ =	shalt  }
0x48: {  	_ =	shalt  }
0x49: {  	_ =	shalt  }
0x4a: {  	_ =	shalt  }
0x4b: {  	_ =	shalt  }
0x4c: {  	_ =	shalt  }
0x4d: {  	_ =	shalt  }
0x4e: {  	_ =	shalt  }
0x4f: {  	_ =	shalt  }
0x50: {  	_ =	shalt  }
0x51: {  	_ =	shalt  }
0x52: {  	_ =	shalt  }
0x53: {  	_ =	shalt  }
0x54: {  	_ =	shalt  }
0x55: {  	_ =	shalt  }
0x56: {  	_ =	shalt  }
0x57: {  	_ =	shalt  }
0x58: {  	_ =	shalt  }
0x59: {  	_ =	shalt  }
0x5a: {  	_ =	shalt  }
0x5b: {  	_ =	shalt  }
0x5c: {  	_ =	shalt  }
0x5d: {  	_ =	shalt  }
0x5e: {  	_ =	shalt  }
0x5f: {  	_ =	shalt  }
0x60: {  	_ =	shalt  }
0x61: {  	_ =	shalt  }
0x62: {  	_ =	shalt  }
0x63: {  	_ =	shalt  }
0x64: {  	_ =	shalt  }
0x65: {  	_ =	shalt  }
0x66: {  	_ =	shalt  }
0x67: {  	_ =	shalt  }
0x68: {  	_ =	shalt  }
0x69: {  	_ =	shalt  }
0x6a: {  	_ =	shalt  }
0x6b: {  	_ =	shalt  }
0x6c: {  	_ =	shalt  }
0x6d: {  	_ =	shalt  }
0x6e: {  	_ =	shalt  }
0x6f: {  	_ =	shalt  }
0x70: {  	_ =	shalt  }
0x71: {  	_ =	shalt  }
0x72: {  	_ =	shalt  }
0x73: {  	_ =	shalt  }
0x74: {  	_ =	shalt  }
0x75: {  	_ =	shalt  }
0x76: {  	_ =	shalt  }
0x77: {  	_ =	shalt  }
0x78: {  	_ =	shalt  }
0x79: {  	_ =	shalt  }
0x7a: {  	_ =	shalt  }
0x7b: {  	_ =	shalt  }
0x7c: {  	_ =	shalt  }
0x7d: {  	_ =	shalt  }
0x7e: {  	_ =	shalt  }
0x7f: {  	_ =	shalt  }
0x80: {  	_ =	shalt  }
0x81: {  	_ =	shalt  }
0x82: {  	_ =	shalt  }
0x83: {  	_ =	shalt  }
0x84: {  	_ =	shalt  }
0x85: {  	_ =	shalt  }
0x86: {  	_ =	shalt  }
0x87: {  	_ =	shalt  }
.Lfunc_end0:
.L_simem_size_0:
called_computation.3_lowered:
.L_overlay_start_0:
0x88: {  	s2 =	sld [smem:$0x3FD9]  }
0x89: {  	s3 =	sld [smem:$0x3FFE];
	_ =	sdelay $0x1  }
0x8a: {  	s1 =	srdreg.scid  }
0x8b: {  	s0 =	sand.u32 $0x1, s1  }
0x8c: {  	s17 =	sshll.u32 s0, $0xA;
	s2 =	sadd.s32 s3, s2  }
0x8d: {  	s2 =	sadd.s32 s2, s17  }
0x8e: {  	[smem:$0x3FBC] =	sst s2  }
0x8f: {  	_ = 	snop  }
0x90: {  	(tm) =	ssettm $0x1  }
0x91: {  	s18 =	sld [smem:$0x3FFB];
	_ =	sdelay $0x3  }
0x92: {  	_ =	strace s18  }
0x93: {  	s2 =	sld [smem:$0x3FFC];
	_ =	sdelay $0x3  }
0x94: {  	_ =	strace s2  }
0x95: {  	s2 =	sld [smem:$0x3FFD];
	_ =	sdelay $0x3  }
0x96: {  	_ =	strace s2  }
0x97: {  	_ =	strace $0x8FFFFFFF  }
0x98: {  	s19 =	sld [smem:$0x3FDB];
	_ =	sdelay $0x1  }
0x99: {  	s20 =	simm.s32 $_scs_section_size  }
0x9a: {  	s4 =	simm.s32 $_size__tile_overlayer_lowered;
	s5 =	simm.s32 $_tile_overlayer_lowered  }
0x9b: {  	s6 =	simm.s32 $0x1BFF;
	s21 =	sshll.u32 s5, $0x1;
	s3 =	sadd.s32 s20, s19  }
0x9c: {  	s22 =	simm.s32 $0x0;
	s4 =	sshll.u32 s4, $0x1;
	s5 =	sadd.s32 s21, s3  }
0x9d: {  	[timem:s22], [sflag:s6] =	dma.local [hbm:s5], s4  }
0x9e: {  	_ =	swait.ge [sflag:s6], s4  }
0x9f: {  	s4 =	ssub.s32 $0x0, s4;
	[sflag:s6] =	ssyncset.done $0x0  }
0xa0: {  	[sflag:s6] =	ssyncadd.s32 s4;
	_ =	sdelay $0x1  }
0xa1: {  	s23 =	simm.s32 $0x1B8B  }
0xa2: {  	_ =	swait.ge [sflag:s23], $0x1  }
0xa3: {  	[sflag:s23] =	ssyncset.done $0x0  }
0xa4: {  	[sflag:s23] =	ssyncadd.s32 $0xFFFFFFFF  }
0xa5: {  	s4 =	sld [smem:$0x0]  }
0xa6: {  	s5 =	sand.u32 $0xFFFFFFFE, s1  }
0xa7: {  	p0 =	sne.s32 s1, s5  }
0xa8: {  	s5 =	sshll.u32 @p0 s5, $0xE  }
0xa9: {  	s5 =	sadd.s32 @p0 $0x11B8D, s5;
	s6 =	sshll.u32 @p0 s4, $0x11  }
0xaa: {  	s5 =	sor.u32 @p0 s6, s5  }
0xab: {  	[sflag:s5] =	ssyncadd.remote.s32 @p0 $0x1;
	_ =	sdelay $0x1  }
0xac: {  	s5 =	simm.s32 @p0 $0x1B8D  }
0xad: {  	_ =	swait.eq @p0 [sflag:s5], $0x1  }
0xae: {  	[sflag:s5] =	ssyncadd.s32 @p0 $0xFFFFFFFF  }
0xaf: {  	s6 =	sshll.u32 @!p0 s1, $0xE  }
0xb0: {  	s6 =	sor.u32 @!p0 $0x4000, s6;
	s5 =	simm.s32 @!p0 $0x1B8D  }
0xb1: {  	s4 =	sshll.u32 @!p0 s4, $0x11;
	s6 =	sadd.s32 @!p0 $0x11B8D, s6;
	_ =	swait.eq @!p0 [sflag:s5], $0x1  }
0xb2: {  	s4 =	sor.u32 @!p0 s4, s6;
	[sflag:s5] =	ssyncadd.s32 @!p0 $0xFFFFFFFF  }
0xb3: {  	s25 =	simm.s32 $0x1B8E;
	s24 =	sld [smem:$0x3FFE];
	[sflag:s4] =	ssyncadd.remote.s32 @!p0 $0x1  }
0xb4: {  	s26 =	simm.s32 $execute0_lowered;
	[smem:$0x3FD2] =	sst s25  }
0xb5: {  	s5 =	sshll.u32 s26, $0x1;
	_ =	strace $0x80000049;
	[dreg:$0x1] =	wrdreg $0xFFFFFFFF  }
0xb6: {  	s28 =	simm.s32 $_size_execute0_lowered;
	s3 =	sadd.s32 s3, s5;
	[dreg:$0x0] =	wrdreg $0x0  }
0xb7: {  	s5 =	sshll.u32 s28, $0x1;
	[dreg:$0x2] =	wrdreg s3  }
0xb8: {  	[dreg:$0x3] =	wrdreg s5  }
0xb9: {  	[dreg:$0x4] =	wrdreg $0xC0  }
0xba: {  	_ =	task [dreg:s22], $0x5FFFF  }
0xbb: {  	[dreg:$0x1] =	wrdreg $0xFFFFFFFF  }
0xbc: {  	[dreg:$0x0] =	wrdreg $0x60  }
0xbd: {  	[dreg:$0x2] =	wrdreg s24  }
0xbe: {  	[dreg:$0x3] =	wrdreg $0x0  }
0xbf: {  	[dreg:$0x4] =	wrdreg $0x2900  }
0xc0: {  	[dreg:$0x5] =	wrdreg $0x9  }
0xc1: {  	_ =	task.clear_ibuf [dreg:s22], $0x6FFFF;
	_ =	strace $0x90000049  }
0xc2: {  	s29 =	simm.s32 $0x9;
	_ =	strace $0x8000004B  }
0xc3: {  	_ =	swait.ge [sflag:s29], $0x1  }
0xc4: {  	[sflag:s29] =	ssyncadd.s32 $0xFFFFFFFF  }
0xc5: {  	_ =	strace $0x9000004B  }
0xc6: {  	_ =	sfence  }
0xc7: {  	s30 =	sld [smem:$0x0];
	_ =	sdelay $0x2  }
0xc8: {  	s31 =	sshll.u32 s1, $0xD;
	s1 =	sshrl.u32 s1, $0x2  }
0xc9: {  	s4 =	sand.u32 $0x4000, s31;
	s1 =	sadd.s32 s1, s30  }
0xca: {  	s0 =	sor.u32 s4, s0;
	s1 =	sshll.u32 s1, $0x11  }
0xcb: {  	s0 =	sor.u32 s1, s0  }
0xcc: {  	s0 =	sadd.s32 $0x8F2B, s0  }
0xcd: {  	[sflag:s0] =	ssyncadd.remote.s32 $0x1  }
0xce: {  	_ =	sfence.sel $0xFFFF  }
0xcf: {  	[dreg:$0x0] =	wrdreg $0xFFFFFFFF;
	(pc) =	sbr.abs _section_cstart, $3  }
0xd0: {  	[dreg:$0x1] =	wrdreg $0xFFFFFFFF  }
0xd1: {  	_ =	task.clear_ibuf [dreg:s22], $0x2FFFF;
	_ =	strace $0x9FFFFFFF  }
0xd2: {  	(tm) =	ssettm $0x7FFFFFFF  }
0xd3: {  	_ =	shalt  }
tec
execute0_lowered:
.L_overlay_start_1:
0x0: {  	(tag) =	ssettag $0x1  }
0x1: {  	s18 =	rddreg [dreg:$0x0]  }
0x2: {  	s1 =	rddreg [dreg:$0x1]  }
0x3: {  	s2 =	rddreg [dreg:$0x2];
	s3 =	simm.s32 $0x0  }
0x4: {  	v0 =	vimm.s32 $0x0;
	[smem:$0x7FF] =	sst s3  }
0x5: {  	s0 =	rddreg [dreg:$0x3];
	_ =	strace $0x8000004A;
	[tilespmem:$0x540] =	vst v0  }
0x6: {  	[tilespmem:$0x550] =	vst v0  }
0x7: {  	[tilespmem:$0x560] =	vst v0  }
0x8: {  	[tilespmem:$0x570] =	vst v0  }
0x9: {  	[tilespmem:$0x580] =	vst v0  }
0xa: {  	[tilespmem:$0x590] =	vst v0  }
0xb: {  	[tilespmem:$0x5A0] =	vst v0  }
0xc: {  	[tilespmem:$0x5B0] =	vst v0  }
0xd: {  	[tilespmem:$0x5C0] =	vst v0  }
0xe: {  	[tilespmem:$0x5D0] =	vst v0  }
0xf: {  	[tilespmem:$0x5E0] =	vst v0  }
0x10: {  	[tilespmem:$0x5F0] =	vst v0  }
0x11: {  	[tilespmem:$0x600] =	vst v0  }
0x12: {  	[tilespmem:$0x610] =	vst v0  }
0x13: {  	[tilespmem:$0x620] =	vst v0  }
0x14: {  	[tilespmem:$0x630] =	vst v0  }
0x15: {  	[tilespmem:$0x640] =	vst v0  }
0x16: {  	[tilespmem:$0x650] =	vst v0  }
0x17: {  	[tilespmem:$0x660] =	vst v0  }
0x18: {  	[tilespmem:$0x670] =	vst v0  }
0x19: {  	[tilespmem:$0x680] =	vst v0  }
0x1a: {  	[tilespmem:$0x690] =	vst v0  }
0x1b: {  	[tilespmem:$0x6A0] =	vst v0  }
0x1c: {  	v1 =	vimm.s32 $0x1;
	[tilespmem:$0x520] =	vst v0  }
0x1d: {  	[tilespmem:$0xC90] =	vst v1  }
0x1e: {  	[tilespmem:$0xC80] =	vst v1  }
0x1f: {  	[tilespmem:$0xC70] =	vst v1  }
0x20: {  	[tilespmem:$0xC60] =	vst v1  }
0x21: {  	[tilespmem:$0xC50] =	vst v1  }
0x22: {  	[tilespmem:$0xC40] =	vst v1  }
0x23: {  	[tilespmem:$0xC30] =	vst v1  }
0x24: {  	[tilespmem:$0xC20] =	vst v1  }
0x25: {  	[tilespmem:$0x7A0] =	vst v0  }
0x26: {  	[tilespmem:$0x790] =	vst v0  }
0x27: {  	[tilespmem:$0x780] =	vst v0  }
0x28: {  	[tilespmem:$0x770] =	vst v0  }
0x29: {  	[tilespmem:$0x760] =	vst v0  }
0x2a: {  	[tilespmem:$0x750] =	vst v0  }
0x2b: {  	[tilespmem:$0x740] =	vst v0  }
0x2c: {  	[tilespmem:$0x730] =	vst v0  }
0x2d: {  	[tilespmem:$0x720] =	vst v0  }
0x2e: {  	[tilespmem:$0x710] =	vst v0  }
0x2f: {  	[tilespmem:$0x700] =	vst v0  }
0x30: {  	[tilespmem:$0x6F0] =	vst v0  }
0x31: {  	[tilespmem:$0x6E0] =	vst v0  }
0x32: {  	s4 =	stileid.u32;
	[tilespmem:$0x6D0] =	vst v0  }
0x33: {  	s8 =	smul.u32 $0x290, s4;
	[tilespmem:$0x6C0] =	vst v0  }
0x34: {  	[tilespmem:$0x6B0] =	vst v0  }
0x35: {  	s7 =	simm.s32 $0x520;
	s6 =	simm.s32 $0x1;
	[tilespmem:$0x530] =	vst v0;
	s5 =	sadd.s32 s8, s1  }
0x36: {  	[spmem:s5] =	stream.linear.scatter [tilespmem:s7], [sflag:$0x1], $0x290, $0x38;
	[tilespmem:$0xCA0] =	vst v63  }
0x37: {  	_ =	swait.ge [sflag:s6], $0x290  }
0x38: {  	[sflag:s6] =	ssyncset.done $0x0  }
0x39: {  	s8 =	sadd.s32 s8, s2;
	[sflag:s6] =	ssyncadd.s32 $0xFFFFFD70  }
0x3a: {  	[spmem:s8] =	stream.linear.scatter [tilespmem:s7], [sflag:$0x1], $0x290, $0x38;
	[tilespmem:$0xCA0] =	vst v63  }
0x3b: {  	_ =	swait.ge [sflag:s6], $0x290  }
0x3c: {  	s9 =	sshll.u32 s4, $0x7;
	[sflag:s6] =	ssyncset.done $0x0  }
0x3d: {  	s17 =	sadd.s32 s9, s18;
	[sflag:s6] =	ssyncadd.s32 $0xFFFFFD70  }
0x3e: {  	s10 =	simm.s32 $0x820;
	s9 =	sadd.s32 $0x201E00, s17;
	[bflag:$0x0] =	sbarrier.arrive $0xFFFF  }
0x3f: {  	[tilespmem:s10], [sflag:$0x1] =	stream.linear.gather [hbm4b:s9+s3], $0x280, $0x38;
	[tilespmem:$0xCA0] =	vst v63  }
0x40: {  	_ =	swait.ge [sflag:s6], $0x280  }
0x41: {  	[sflag:s6] =	ssyncset.done $0x0  }
0x42: {  	s11 =	simm.s32 $0x80;
	s12 =	simm.s32 $0xC20;
	[sflag:s6] =	ssyncadd.s32 $0xFFFFFD80  }
0x43: {  	[spmem:s1] =	stream.indirect.scatter [tilespmem:s12], [sflag:$0x1], $0x1, s10, s11, $0xb8;
	[tilespmem:$0xCA0] =	vst v63  }
0x44: {  	_ =	swait.ge [sflag:s6], $0x80  }
0x45: {  	[sflag:s6] =	ssyncset.done $0x0  }
0x46: {  	s13 =	simm.s32 $0x8A0;
	[sflag:s6] =	ssyncadd.s32 $0xFFFFFF80  }
0x47: {  	[spmem:s1] =	stream.indirect.scatter [tilespmem:s12], [sflag:$0x1], $0x1, s13, s11, $0xb8;
	[tilespmem:$0xCA0] =	vst v63  }
0x48: {  	_ =	swait.ge [sflag:s6], $0x80  }
0x49: {  	[sflag:s6] =	ssyncset.done $0x0  }
0x4a: {  	s14 =	simm.s32 $0x920;
	[sflag:s6] =	ssyncadd.s32 $0xFFFFFF80  }
0x4b: {  	[spmem:s1] =	stream.indirect.scatter [tilespmem:s12], [sflag:$0x1], $0x1, s14, s11, $0xb8;
	[tilespmem:$0xCA0] =	vst v63  }
0x4c: {  	_ =	swait.ge [sflag:s6], $0x80  }
0x4d: {  	[sflag:s6] =	ssyncset.done $0x0  }
0x4e: {  	s15 =	simm.s32 $0x9A0;
	[sflag:s6] =	ssyncadd.s32 $0xFFFFFF80  }
0x4f: {  	[spmem:s1] =	stream.indirect.scatter [tilespmem:s12], [sflag:$0x1], $0x1, s15, s11, $0xb8;
	[tilespmem:$0xCA0] =	vst v63  }
0x50: {  	_ =	swait.ge [sflag:s6], $0x80  }
0x51: {  	[sflag:s6] =	ssyncset.done $0x0  }
0x52: {  	s16 =	simm.s32 $0xA20;
	[sflag:s6] =	ssyncadd.s32 $0xFFFFFF80  }
0x53: {  	[spmem:s1] =	stream.indirect.scatter [tilespmem:s12], [sflag:$0x1], $0x1, s16, s11, $0xb8;
	[tilespmem:$0xCA0] =	vst v63  }
0x54: {  	_ =	swait.ge [sflag:s6], $0x80  }
0x55: {  	[sflag:s6] =	ssyncset.done $0x0  }
0x56: {  	s17 =	sadd.s32 $0x202600, s17;
	[sflag:s6] =	ssyncadd.s32 $0xFFFFFF80  }
0x57: {  	[tilespmem:s10], [sflag:$0x1] =	stream.linear.gather [hbm4b:s17+s3], $0x280, $0x38;
	[tilespmem:$0xCA0] =	vst v63  }
0x58: {  	_ =	swait.ge [sflag:s6], $0x280  }
0x59: {  	[sflag:s6] =	ssyncset.done $0x0  }
0x5a: {  	[sflag:s6] =	ssyncadd.s32 $0xFFFFFD80  }
0x5b: {  	[spmem:s2] =	stream.indirect.scatter [tilespmem:s12], [sflag:$0x1], $0x1, s10, s11, $0xb8;
	[tilespmem:$0xCA0] =	vst v63  }
0x5c: {  	_ =	swait.ge [sflag:s6], $0x80  }
0x5d: {  	[sflag:s6] =	ssyncset.done $0x0  }
0x5e: {  	[sflag:s6] =	ssyncadd.s32 $0xFFFFFF80  }
0x5f: {  	[spmem:s2] =	stream.indirect.scatter [tilespmem:s12], [sflag:$0x1], $0x1, s13, s11, $0xb8;
	[tilespmem:$0xCA0] =	vst v63  }
0x60: {  	_ =	swait.ge [sflag:s6], $0x80  }
0x61: {  	s19 =	srdreg.scid;
	[sflag:s6] =	ssyncset.done $0x0  }
0x62: {  	s19 =	sand.u32 $0x1, s19;
	[sflag:s6] =	ssyncadd.s32 $0xFFFFFF80  }
0x63: {  	[spmem:s2] =	stream.indirect.scatter [tilespmem:s12], [sflag:$0x1], $0x1, s14, s11, $0xb8;
	[tilespmem:$0xCA0] =	vst v63  }
0x64: {  	s20 =	smul.u32 $0x280, s4;
	s31 =	sshll.u32 s4, $0x6;
	_ =	swait.ge [sflag:s6], $0x80  }
0x65: {  	p0 =	seq.s32 s19, $0x1;
	s19 =	ssub.s32 $0x2, s19;
	[sflag:s6] =	ssyncset.done $0x0  }
0x66: {  	s21 =	sadd.s32 $0x2800, s20;
	s22 =	smov.u32 s20;
	[sflag:s6] =	ssyncadd.s32 $0xFFFFFF80  }
0x67: {  	[spmem:s2] =	stream.indirect.scatter [tilespmem:s12], [sflag:$0x1], $0x1, s15, s11, $0xb8;
	[tilespmem:$0xCA0] =	vst v63  }
0x68: {  	s28 =	sshrl.u32 s19, $0x1;
	s22 =	smov.u32 @p0 s21;
	_ =	swait.ge [sflag:s6], $0x80  }
0x69: {  	s19 =	ssub.s32 s19, s28;
	s29 =	sshrl.u32 s22, $0x3;
	[sflag:s6] =	ssyncset.done $0x0  }
0x6a: {  	s30 =	smax.u32 s19, $0x1;
	s19 =	smov.u32 s1;
	[sflag:s6] =	ssyncadd.s32 $0xFFFFFF80  }
0x6b: {  	[spmem:s2] =	stream.indirect.scatter [tilespmem:s12], [sflag:$0x1], $0x1, s16, s11, $0xb8;
	[tilespmem:$0xCA0] =	vst v63  }
0x6c: {  	s18 =	sadd.s32 s29, s18;
	s19 =	smov.u32 @p0 s2;
	_ =	swait.ge [sflag:s6], $0x80  }
0x6d: {  	p0 =	sne.s32 s30, $0x1;
	s18 =	sadd.s32 $0x202E00, s18;
	[sflag:s6] =	ssyncset.done $0x0  }
.Ltmp0:
0x6e: {  	s20 =	sadd.s32 s20, s19;
	[sflag:s6] =	ssyncadd.s32 $0xFFFFFF80;
	(pc) =	sbr.rel @!p0 .LBB2_2-.Ltmp0, $4  }
0x6f: {  	s19 =	sor.u32 $0x1C01, s31;
	s20 =	sshrl.u32 s20, $0x3;
	[bflag:$0x0] =	sbarrier.arrive $0xFFFF  }
0x70: {  	[hbm:s18], [sflag:s19] =	dma.local [spmem:s20], $0x50  }
0x71: {  	_ =	swait.ge [sflag:s6], $0x50  }
0x72: {  	s21 =	sadd.s32 $0xFFFFFFFF, s30;
	[sflag:s6] =	ssyncset.done $0x0  }
.LBB2_1:
0x73: {  	p0 =	sne.s32 s21, $0x1;
	s21 =	sadd.s32 $0xFFFFFFFF, s21;
	[sflag:s6] =	ssyncadd.s32 $0xFFFFFFB0  }
0x74: {  	[tilespmem:$0x540] =	vst v0  }
0x75: {  	[tilespmem:$0x550] =	vst v0  }
0x76: {  	[tilespmem:$0x560] =	vst v0  }
0x77: {  	[tilespmem:$0x570] =	vst v0  }
0x78: {  	[tilespmem:$0x580] =	vst v0  }
0x79: {  	[tilespmem:$0x590] =	vst v0  }
0x7a: {  	[tilespmem:$0x5A0] =	vst v0  }
0x7b: {  	[tilespmem:$0x5B0] =	vst v0  }
0x7c: {  	[tilespmem:$0x5C0] =	vst v0  }
0x7d: {  	[tilespmem:$0x5D0] =	vst v0  }
0x7e: {  	[tilespmem:$0x5E0] =	vst v0  }
0x7f: {  	[tilespmem:$0x5F0] =	vst v0  }
0x80: {  	[tilespmem:$0x600] =	vst v0  }
0x81: {  	[tilespmem:$0x610] =	vst v0  }
0x82: {  	[tilespmem:$0x620] =	vst v0  }
0x83: {  	[tilespmem:$0x630] =	vst v0  }
0x84: {  	[tilespmem:$0x640] =	vst v0  }
0x85: {  	[tilespmem:$0x650] =	vst v0  }
0x86: {  	[tilespmem:$0x660] =	vst v0  }
0x87: {  	[tilespmem:$0x670] =	vst v0  }
0x88: {  	[tilespmem:$0x680] =	vst v0  }
0x89: {  	[tilespmem:$0x690] =	vst v0  }
0x8a: {  	[tilespmem:$0x6A0] =	vst v0  }
0x8b: {  	[tilespmem:$0x520] =	vst v0  }
0x8c: {  	[tilespmem:$0xC90] =	vst v1  }
0x8d: {  	[tilespmem:$0xC80] =	vst v1  }
0x8e: {  	[tilespmem:$0xC70] =	vst v1  }
0x8f: {  	[tilespmem:$0xC60] =	vst v1  }
0x90: {  	[tilespmem:$0xC50] =	vst v1  }
0x91: {  	[tilespmem:$0xC40] =	vst v1  }
0x92: {  	[tilespmem:$0xC30] =	vst v1  }
0x93: {  	[tilespmem:$0xC20] =	vst v1  }
0x94: {  	[tilespmem:$0x7A0] =	vst v0  }
0x95: {  	[tilespmem:$0x790] =	vst v0  }
0x96: {  	[tilespmem:$0x780] =	vst v0  }
0x97: {  	[tilespmem:$0x770] =	vst v0  }
0x98: {  	[tilespmem:$0x760] =	vst v0  }
0x99: {  	[tilespmem:$0x750] =	vst v0  }
0x9a: {  	[tilespmem:$0x740] =	vst v0  }
0x9b: {  	[tilespmem:$0x730] =	vst v0  }
0x9c: {  	[tilespmem:$0x720] =	vst v0  }
0x9d: {  	[tilespmem:$0x710] =	vst v0  }
0x9e: {  	[tilespmem:$0x700] =	vst v0  }
0x9f: {  	[tilespmem:$0x6F0] =	vst v0  }
0xa0: {  	[tilespmem:$0x6E0] =	vst v0  }
0xa1: {  	[tilespmem:$0x6D0] =	vst v0  }
0xa2: {  	[tilespmem:$0x6C0] =	vst v0  }
0xa3: {  	[tilespmem:$0x6B0] =	vst v0  }
0xa4: {  	[tilespmem:$0x530] =	vst v0  }
0xa5: {  	[spmem:s5] =	stream.linear.scatter [tilespmem:s7], [sflag:$0x1], $0x290, $0x38;
	[tilespmem:$0xCA0] =	vst v63  }
0xa6: {  	_ =	swait.ge [sflag:s6], $0x290  }
0xa7: {  	[sflag:s6] =	ssyncset.done $0x0  }
0xa8: {  	[sflag:s6] =	ssyncadd.s32 $0xFFFFFD70  }
0xa9: {  	[spmem:s8] =	stream.linear.scatter [tilespmem:s7], [sflag:$0x1], $0x290, $0x38;
	[tilespmem:$0xCA0] =	vst v63  }
0xaa: {  	_ =	swait.ge [sflag:s6], $0x290  }
0xab: {  	[sflag:s6] =	ssyncset.done $0x0  }
0xac: {  	[sflag:s6] =	ssyncadd.s32 $0xFFFFFD70  }
0xad: {  	[bflag:$0x0] =	sbarrier.arrive $0xFFFF  }
0xae: {  	[tilespmem:s10], [sflag:$0x1] =	stream.linear.gather [hbm4b:s9+s3], $0x280, $0x38;
	[tilespmem:$0xCA0] =	vst v63  }
0xaf: {  	_ =	swait.ge [sflag:s6], $0x280  }
0xb0: {  	[sflag:s6] =	ssyncset.done $0x0  }
0xb1: {  	[sflag:s6] =	ssyncadd.s32 $0xFFFFFD80  }
0xb2: {  	[spmem:s1] =	stream.indirect.scatter [tilespmem:s12], [sflag:$0x1], $0x1, s10, s11, $0xb8;
	[tilespmem:$0xCA0] =	vst v63  }
0xb3: {  	_ =	swait.ge [sflag:s6], $0x80  }
0xb4: {  	[sflag:s6] =	ssyncset.done $0x0  }
0xb5: {  	[sflag:s6] =	ssyncadd.s32 $0xFFFFFF80  }
0xb6: {  	[spmem:s1] =	stream.indirect.scatter [tilespmem:s12], [sflag:$0x1], $0x1, s13, s11, $0xb8;
	[tilespmem:$0xCA0] =	vst v63  }
0xb7: {  	_ =	swait.ge [sflag:s6], $0x80  }
0xb8: {  	[sflag:s6] =	ssyncset.done $0x0  }
0xb9: {  	[sflag:s6] =	ssyncadd.s32 $0xFFFFFF80  }
0xba: {  	[spmem:s1] =	stream.indirect.scatter [tilespmem:s12], [sflag:$0x1], $0x1, s14, s11, $0xb8;
	[tilespmem:$0xCA0] =	vst v63  }
0xbb: {  	_ =	swait.ge [sflag:s6], $0x80  }
0xbc: {  	[sflag:s6] =	ssyncset.done $0x0  }
0xbd: {  	[sflag:s6] =	ssyncadd.s32 $0xFFFFFF80  }
0xbe: {  	[spmem:s1] =	stream.indirect.scatter [tilespmem:s12], [sflag:$0x1], $0x1, s15, s11, $0xb8;
	[tilespmem:$0xCA0] =	vst v63  }
0xbf: {  	_ =	swait.ge [sflag:s6], $0x80  }
0xc0: {  	[sflag:s6] =	ssyncset.done $0x0  }
0xc1: {  	[sflag:s6] =	ssyncadd.s32 $0xFFFFFF80  }
0xc2: {  	[spmem:s1] =	stream.indirect.scatter [tilespmem:s12], [sflag:$0x1], $0x1, s16, s11, $0xb8;
	[tilespmem:$0xCA0] =	vst v63  }
0xc3: {  	_ =	swait.ge [sflag:s6], $0x80  }
0xc4: {  	[sflag:s6] =	ssyncset.done $0x0  }
0xc5: {  	[sflag:s6] =	ssyncadd.s32 $0xFFFFFF80  }
0xc6: {  	[tilespmem:s10], [sflag:$0x1] =	stream.linear.gather [hbm4b:s17+s3], $0x280, $0x38;
	[tilespmem:$0xCA0] =	vst v63  }
0xc7: {  	_ =	swait.ge [sflag:s6], $0x280  }
0xc8: {  	[sflag:s6] =	ssyncset.done $0x0  }
0xc9: {  	[sflag:s6] =	ssyncadd.s32 $0xFFFFFD80  }
0xca: {  	[spmem:s2] =	stream.indirect.scatter [tilespmem:s12], [sflag:$0x1], $0x1, s10, s11, $0xb8;
	[tilespmem:$0xCA0] =	vst v63  }
0xcb: {  	_ =	swait.ge [sflag:s6], $0x80  }
0xcc: {  	[sflag:s6] =	ssyncset.done $0x0  }
0xcd: {  	[sflag:s6] =	ssyncadd.s32 $0xFFFFFF80  }
0xce: {  	[spmem:s2] =	stream.indirect.scatter [tilespmem:s12], [sflag:$0x1], $0x1, s13, s11, $0xb8;
	[tilespmem:$0xCA0] =	vst v63  }
0xcf: {  	_ =	swait.ge [sflag:s6], $0x80  }
0xd0: {  	[sflag:s6] =	ssyncset.done $0x0  }
0xd1: {  	[sflag:s6] =	ssyncadd.s32 $0xFFFFFF80  }
0xd2: {  	[spmem:s2] =	stream.indirect.scatter [tilespmem:s12], [sflag:$0x1], $0x1, s14, s11, $0xb8;
	[tilespmem:$0xCA0] =	vst v63  }
0xd3: {  	_ =	swait.ge [sflag:s6], $0x80  }
0xd4: {  	[sflag:s6] =	ssyncset.done $0x0  }
0xd5: {  	[sflag:s6] =	ssyncadd.s32 $0xFFFFFF80  }
0xd6: {  	[spmem:s2] =	stream.indirect.scatter [tilespmem:s12], [sflag:$0x1], $0x1, s15, s11, $0xb8;
	[tilespmem:$0xCA0] =	vst v63  }
0xd7: {  	_ =	swait.ge [sflag:s6], $0x80  }
0xd8: {  	[sflag:s6] =	ssyncset.done $0x0  }
0xd9: {  	[sflag:s6] =	ssyncadd.s32 $0xFFFFFF80  }
0xda: {  	[spmem:s2] =	stream.indirect.scatter [tilespmem:s12], [sflag:$0x1], $0x1, s16, s11, $0xb8;
	[tilespmem:$0xCA0] =	vst v63  }
0xdb: {  	_ =	swait.ge [sflag:s6], $0x80  }
0xdc: {  	[sflag:s6] =	ssyncset.done $0x0  }
.Ltmp1:
0xdd: {  	[sflag:s6] =	ssyncadd.s32 $0xFFFFFF80;
	(pc) =	sbr.rel @p0 .LBB2_1-.Ltmp1, $4  }
0xde: {  	[bflag:$0x0] =	sbarrier.arrive $0xFFFF  }
0xdf: {  	[hbm:s18], [sflag:s19] =	dma.local [spmem:s20], $0x50  }
0xe0: {  	_ =	swait.ge [sflag:s6], $0x50  }
0xe1: {  	[sflag:s6] =	ssyncset.done $0x0  }
.LBB2_2:
0xe2: {  	[sflag:s6] =	ssyncadd.s32 $0xFFFFFFB0  }
0xe3: {  	_ =	sfence.sel $0x180000  }
0xe4: {  	[bflag:$0x0] =	sbarrier.arrive $0xFFFF  }
0xe5: {  	p0 =	sne.s32 s4, $0x0;
	_ =	strace $0x9000004A  }
0xe6: {  	s0 =	sadd.s32 @!p0 $0x100000, s0;
	[bflag:$0x2] =	sbarrier.arrive $0xFFFF  }
0xe7: {  	[sflag:s0] =	ssyncadd.tile.s32 @!p0 $0x1;
	_ =	shalt  }
.Lfunc_end2:
_tile_overlayer_lowered:
.L_overlay_start_2:
0xe8: {  	(tag) =	ssettag $0x2  }
0xe9: {  	s0 =	rddreg [dreg:$0x0];
	s2 =	stileid.u32  }
0xea: {  	s1 =	rddreg [dreg:$0x1];
	p0 =	sne.s32 s2, $0x0  }
0xeb: {  	s3 =	rddreg [dreg:$0x2];
	[bflag:$0x3] =	sbarrier.arrive $0xFFFF;
	s2 =	simm.s32 @!p0 $0x1C01  }
0xec: {  	[timem:s3], [sflag:s2] =	dma.local @!p0 [hbm:s0], s1  }
0xed: {  	s0 =	simm.s32 @!p0 $0x1  }
0xee: {  	_ =	swait.ge @!p0 [sflag:s0], s1  }
0xef: {  	s1 =	ssub.s32 @!p0 $0x0, s1;
	[sflag:s0] =	ssyncset.done @!p0 $0x0  }
0xf0: {  	[sflag:s0] =	ssyncadd.s32 @!p0 s1  }
0xf1: {  	[bflag:$0x3] =	sbarrier.arrive $0xFFFF  }
0xf2: {  	_ =	shalt  }

// kernel: kernel.22.cloned.1.call-start
scs
__scs_entry_jumppad:
0x0: {  	(pc) =	sbr.rel $0x88, $3  }
0x1: {  	(tag) =	ssettag $0x0;
	lr =	simm.s32 $0x1  }
0x2: {  	[smem:$0x3F95] =	sst lr;
	_ =	strace $0xD0000000  }
0x3: {  	_ = 	snop  }
0x4: {  	_ = 	snop  }
0x5: {  	_ = 	snop  }
0x6: {  	_ = 	snop  }
0x7: {  	_ = 	snop  }
__scs_overlays_trampoline_lowered:
0x8: {  	[smem:$0x3FA4] =	sst s0  }
0x9: {  	[smem:$0x3FA5] =	sst s1  }
0xa: {  	[smem:$0x3FA6] =	sst s2  }
0xb: {  	[smem:$0x3FA7] =	sst s3  }
0xc: {  	[smem:$0x3FA8] =	sst s4  }
0xd: {  	[smem:$0x3FA9] =	sst s5  }
0xe: {  	[smem:$0x3FAA] =	sst s6  }
0xf: {  	[smem:$0x3FAB] =	sst s7  }
0x10: {  	[smem:$0x3FAC] =	sst s8  }
0x11: {  	[smem:$0x3FAD] =	sst s9;
	s0 =	simm.s32 @!p0 $0x0  }
0x12: {  	s1 =	sld [smem:$0x3F93];
	s0 =	simm.s32 @p0 $0x1  }
0x13: {  	[smem:$0x3FAE] =	sst s0;
	s0 =	simm.s32 @!p1 $0x0  }
0x14: {  	s2 =	sld [smem:$0x3F92];
	s0 =	simm.s32 @p1 $0x1  }
0x15: {  	[smem:$0x3FAF] =	sst s0;
	s0 =	simm.s32 @!p2 $0x0  }
0x16: {  	s3 =	sld [smem:$0x3FDB];
	s0 =	simm.s32 @p2 $0x1  }
0x17: {  	s4 =	simm.s32 $0x1BF5;
	[smem:$0x3FB1] =	sst s0  }
0x18: {  	s0 =	sld [smem:$0x3F94];
	_ =	swait.ge [sflag:s4], $0x0  }
0x19: {  	s7 =	sld [smem:$0x3F95]  }
0x1a: {  	s8 =	sadd.s32 $0xFFFFE003, lr  }
0x1b: {  	s9 =	sadd.s32 $0xFFFFFEF7, lr;
	s5 =	simm.s32 $0xFFFFFFFF;
	p2 =	slt.u32 s8, $0xFFFFF086  }
0x1c: {  	p1 =	slt.u32 s9, $0xF7A;
	s5 =	simm.s32 @!p2 $0x0  }
0x1d: {  	s5 =	simm.s32 @p1 $0x1;
	p0 =	seq.s32 s7, s2  }
0x1e: {  	s7 =	smul.u32 @!p0 $0xF7A, s2;
	p2 =	seq.s32 @!p0 s5, $0x0  }
0x1f: {  	s9 =	smul.u32 $0xF7A, s1;
	s8 =	simm.s32 @!p0 $0x1BF5;
	p2 =	por !p2, p0  }
0x20: {  	[sflag:s8] =	ssyncset.s32 @!p0 $0xFFFFF086;
	s6 =	sadd.s32 @!p0 s3, s7;
	s7 =	simm.s32 @!p0 $0x108  }
0x21: {  	s3 =	sadd.s32 s3, s9;
	s6 =	sadd.s32 @!p0 $0x88, s6;
	s7 =	simm.s32 @p2 $0x1082  }
0x22: {  	[simem:s7], [sflag:s8] =	dma.local @!p0 [hbm:s6], $0xF7A  }
0x23: {  	s9 =	sor.u32 $0xD0000000, s2;
	s6 =	simm.s32 $0x108;
	_ =	swait.ge @!p0 [sflag:s8], $0x0  }
0x24: {  	s3 =	sadd.s32 $0x88, s3;
	s6 =	simm.s32 @!p1 $0x1082;
	[sflag:s4] =	ssyncset.s32 $0xFFFFF086  }
0x25: {  	[simem:s6], [sflag:s4] =	dma.local [hbm:s3], $0xF7A  }
0x26: {  	[smem:$0x3F95] =	sst s1;
	(tag) =	ssettag s2;
	_ =	strace s9  }
0x27: {  	s1 =	sld [smem:$0x3FA5]  }
0x28: {  	s2 =	sld [smem:$0x3FA6]  }
0x29: {  	s4 =	sld [smem:$0x3FA8]  }
0x2a: {  	p0 =	seq.s32 s5, $0x0;
	s5 =	sld [smem:$0x3FA9]  }
0x2b: {  	s6 =	sld [smem:$0x3FAA]  }
0x2c: {  	s7 =	sld [smem:$0x3FAB]  }
0x2d: {  	s3 =	simm.s32 $0x108;
	s8 =	sld [smem:$0x3FAC]  }
0x2e: {  	s3 =	simm.s32 @!p0 $0x1082;
	s9 =	sld [smem:$0x3FAD]  }
0x2f: {  	lr =	sadd.s32 s0, s3;
	s0 =	sld [smem:$0x3FA4]  }
0x30: {  	s3 =	sld [smem:$0x3FA7]  }
0x31: {  	[smem:$0x3FB0] =	sst s10  }
0x32: {  	s10 =	sld [smem:$0x3FAE];
	_ =	sdelay $0x3  }
0x33: {  	p0 =	seq.s32 s10, $0x1;
	s10 =	sld [smem:$0x3FB0];
	_ =	sdelay $0x3  }
0x34: {  	[smem:$0x3FB0] =	sst s10  }
0x35: {  	s10 =	sld [smem:$0x3FAF];
	_ =	sdelay $0x3  }
0x36: {  	p1 =	seq.s32 s10, $0x1;
	s10 =	sld [smem:$0x3FB0];
	_ =	sdelay $0x3  }
0x37: {  	[smem:$0x3FB0] =	sst s10  }
0x38: {  	s10 =	sld [smem:$0x3FB1]  }
0x39: {  	_ = 	snop;
	(pc) =	sbr.ind lr, $3  }
0x3a: {  	_ = 	snop  }
0x3b: {  	_ = 	snop  }
0x3c: {  	p2 =	seq.s32 s10, $0x1;
	s10 =	sld [smem:$0x3FB0]  }
0x3d: {  	_ =	shalt  }
0x3e: {  	_ =	shalt  }
0x3f: {  	_ =	shalt  }
0x40: {  	_ =	shalt  }
0x41: {  	_ =	shalt  }
0x42: {  	_ =	shalt  }
0x43: {  	_ =	shalt  }
0x44: {  	_ =	shalt  }
0x45: {  	_ =	shalt  }
0x46: {  	_ =	shalt  }
0x47: {  	_ =	shalt  }
0x48: {  	_ =	shalt  }
0x49: {  	_ =	shalt  }
0x4a: {  	_ =	shalt  }
0x4b: {  	_ =	shalt  }
0x4c: {  	_ =	shalt  }
0x4d: {  	_ =	shalt  }
0x4e: {  	_ =	shalt  }
0x4f: {  	_ =	shalt  }
0x50: {  	_ =	shalt  }
0x51: {  	_ =	shalt  }
0x52: {  	_ =	shalt  }
0x53: {  	_ =	shalt  }
0x54: {  	_ =	shalt  }
0x55: {  	_ =	shalt  }
0x56: {  	_ =	shalt  }
0x57: {  	_ =	shalt  }
0x58: {  	_ =	shalt  }
0x59: {  	_ =	shalt  }
0x5a: {  	_ =	shalt  }
0x5b: {  	_ =	shalt  }
0x5c: {  	_ =	shalt  }
0x5d: {  	_ =	shalt  }
0x5e: {  	_ =	shalt  }
0x5f: {  	_ =	shalt  }
0x60: {  	_ =	shalt  }
0x61: {  	_ =	shalt  }
0x62: {  	_ =	shalt  }
0x63: {  	_ =	shalt  }
0x64: {  	_ =	shalt  }
0x65: {  	_ =	shalt  }
0x66: {  	_ =	shalt  }
0x67: {  	_ =	shalt  }
0x68: {  	_ =	shalt  }
0x69: {  	_ =	shalt  }
0x6a: {  	_ =	shalt  }
0x6b: {  	_ =	shalt  }
0x6c: {  	_ =	shalt  }
0x6d: {  	_ =	shalt  }
0x6e: {  	_ =	shalt  }
0x6f: {  	_ =	shalt  }
0x70: {  	_ =	shalt  }
0x71: {  	_ =	shalt  }
0x72: {  	_ =	shalt  }
0x73: {  	_ =	shalt  }
0x74: {  	_ =	shalt  }
0x75: {  	_ =	shalt  }
0x76: {  	_ =	shalt  }
0x77: {  	_ =	shalt  }
0x78: {  	_ =	shalt  }
0x79: {  	_ =	shalt  }
0x7a: {  	_ =	shalt  }
0x7b: {  	_ =	shalt  }
0x7c: {  	_ =	shalt  }
0x7d: {  	_ =	shalt  }
0x7e: {  	_ =	shalt  }
0x7f: {  	_ =	shalt  }
0x80: {  	_ =	shalt  }
0x81: {  	_ =	shalt  }
0x82: {  	_ =	shalt  }
0x83: {  	_ =	shalt  }
0x84: {  	_ =	shalt  }
0x85: {  	_ =	shalt  }
0x86: {  	_ =	shalt  }
0x87: {  	_ =	shalt  }
.Lfunc_end0:
.L_simem_size_0:
called_computation.4_lowered:
.L_overlay_start_0:
0x88: {  	s2 =	sld [smem:$0x3FD9]  }
0x89: {  	s3 =	sld [smem:$0x3FFE];
	_ =	sdelay $0x1  }
0x8a: {  	s1 =	srdreg.scid  }
0x8b: {  	s0 =	sand.u32 $0x1, s1  }
0x8c: {  	s17 =	sshll.u32 s0, $0xA;
	s2 =	sadd.s32 s3, s2  }
0x8d: {  	s2 =	sadd.s32 s2, s17  }
0x8e: {  	[smem:$0x3FBC] =	sst s2  }
0x8f: {  	_ = 	snop  }
0x90: {  	s2 =	sld [smem:$0x3FBE]  }
0x91: {  	s18 =	sld [smem:$0x3FD0];
	(tm) =	ssettm $0x1  }
0x92: {  	s4 =	sld [smem:$0x3FFB];
	_ =	sdelay $0x3  }
0x93: {  	_ =	strace s4  }
0x94: {  	s4 =	sld [smem:$0x3FFC];
	_ =	sdelay $0x3  }
0x95: {  	_ =	strace s4  }
0x96: {  	s4 =	sld [smem:$0x3FFD];
	_ =	sdelay $0x3  }
0x97: {  	_ =	strace s4  }
0x98: {  	_ =	strace $0x8FFFFFFF  }
0x99: {  	s19 =	sld [smem:$0x3FDB];
	_ =	sdelay $0x1  }
0x9a: {  	s5 =	simm.s32 $_scs_section_size  }
0x9b: {  	s6 =	simm.s32 $_size__tile_overlayer_lowered;
	s7 =	simm.s32 $_tile_overlayer_lowered  }
0x9c: {  	s22 =	simm.s32 $0x1BFF;
	s21 =	sshll.u32 s7, $0x1;
	s4 =	sadd.s32 s5, s19  }
0x9d: {  	s8 =	simm.s32 $0x0;
	s20 =	sshll.u32 s6, $0x1;
	s6 =	sadd.s32 s21, s4  }
0x9e: {  	[timem:s8], [sflag:s22] =	dma.local [hbm:s6], s20  }
0x9f: {  	_ =	swait.ge [sflag:s22], s20  }
0xa0: {  	s5 =	ssub.s32 $0x0, s20;
	[sflag:s22] =	ssyncset.done $0x0  }
0xa1: {  	[sflag:s22] =	ssyncadd.s32 s5;
	_ =	sdelay $0x1  }
0xa2: {  	s23 =	simm.s32 $0x1B8B  }
0xa3: {  	_ =	swait.ge [sflag:s23], $0x1  }
0xa4: {  	[sflag:s23] =	ssyncset.done $0x0  }
0xa5: {  	s25 =	simm.s32 $0x1B8E;
	s24 =	sld [smem:$0x3FFE];
	[sflag:s23] =	ssyncadd.s32 $0xFFFFFFFF  }
0xa6: {  	s26 =	simm.s32 $execute0_lowered;
	[smem:$0x3FD2] =	sst s25  }
0xa7: {  	s6 =	sshll.u32 s26, $0x1;
	_ =	strace $0x80000052;
	[dreg:$0x1] =	wrdreg $0xFFFFFFFF  }
0xa8: {  	s28 =	simm.s32 $_size_execute0_lowered;
	s4 =	sadd.s32 s4, s6;
	[dreg:$0x0] =	wrdreg $0x0  }
0xa9: {  	s6 =	sshll.u32 s28, $0x1;
	[dreg:$0x2] =	wrdreg s4  }
0xaa: {  	[dreg:$0x3] =	wrdreg s6  }
0xab: {  	[dreg:$0x4] =	wrdreg $0xC0  }
0xac: {  	_ =	task [dreg:s8], $0x5FFFF  }
0xad: {  	[dreg:$0x1] =	wrdreg $0xFFFFFFFF  }
0xae: {  	[dreg:$0x0] =	wrdreg $0x60  }
0xaf: {  	[dreg:$0x2] =	wrdreg s24  }
0xb0: {  	[dreg:$0x3] =	wrdreg s18  }
0xb1: {  	[dreg:$0x4] =	wrdreg s2  }
0xb2: {  	[dreg:$0x5] =	wrdreg $0x0  }
0xb3: {  	[dreg:$0x6] =	wrdreg $0x2800  }
0xb4: {  	[dreg:$0x7] =	wrdreg $0x9  }
0xb5: {  	_ =	task.clear_ibuf [dreg:s8], $0x8FFFF;
	_ =	strace $0x90000052  }
0xb6: {  	s29 =	simm.s32 $0x9;
	_ =	strace $0x80000054  }
0xb7: {  	_ =	swait.ge [sflag:s29], $0x1  }
0xb8: {  	[sflag:s29] =	ssyncadd.s32 $0xFFFFFFFF  }
0xb9: {  	_ =	strace $0x90000054  }
0xba: {  	_ =	sfence  }
0xbb: {  	s30 =	sld [smem:$0x0];
	_ =	sdelay $0x2  }
0xbc: {  	s31 =	sshll.u32 s1, $0xD;
	s1 =	sshrl.u32 s1, $0x2  }
0xbd: {  	s3 =	sand.u32 $0x4000, s31;
	s1 =	sadd.s32 s1, s30  }
0xbe: {  	s0 =	sor.u32 s3, s0;
	s1 =	sshll.u32 s1, $0x11  }
0xbf: {  	s0 =	sor.u32 s1, s0  }
0xc0: {  	s0 =	sadd.s32 $0x8F2B, s0  }
0xc1: {  	[sflag:s0] =	ssyncadd.remote.s32 $0x1  }
0xc2: {  	_ =	sfence.sel $0xFFFF  }
0xc3: {  	[dreg:$0x0] =	wrdreg $0xFFFFFFFF;
	(pc) =	sbr.abs _section_cstart, $3  }
0xc4: {  	[dreg:$0x1] =	wrdreg $0xFFFFFFFF  }
0xc5: {  	_ =	task.clear_ibuf [dreg:s8], $0x2FFFF;
	_ =	strace $0x9FFFFFFF  }
0xc6: {  	(tm) =	ssettm $0x7FFFFFFF  }
0xc7: {  	_ =	shalt  }
tec
execute0_lowered:
.L_overlay_start_1:
0x0: {  	(tag) =	ssettag $0x1  }
0x1: {  	s0 =	rddreg [dreg:$0x0]  }
0x2: {  	s2 =	rddreg [dreg:$0x1]  }
0x3: {  	s3 =	rddreg [dreg:$0x2]  }
0x4: {  	s4 =	rddreg [dreg:$0x3]  }
0x5: {  	s5 =	rddreg [dreg:$0x4];
	s14 =	stileid.u32;
	s6 =	simm.s32 $0x0  }
0x6: {  	s7 =	srdreg.scid;
	s16 =	simm.s32 $0x2;
	s18 =	simm.s32 $0x4700  }
0x7: {  	s19 =	simm.s32 $0x500;
	s20 =	simm.s32 $0x580;
	s21 =	simm.s32 $0x40  }
0x8: {  	s22 =	simm.s32 $0x600;
	s23 =	simm.s32 $0x1;
	s24 =	simm.s32 $0x680  }
0x9: {  	s25 =	simm.s32 $0x700;
	s26 =	simm.s32 $0x2700;
	s28 =	simm.s32 $0x0  }
0xa: {  	s1 =	smul.u32 $0x280, s14;
	[smem:$0x7FF] =	sst s6;
	s13 =	sand.u32 $0x1, s7  }
0xb: {  	s7 =	sadd.s32 $0x9F600, s0;
	s9 =	sadd.s32 $0x2A200, s0;
	s11 =	sshll.u32 s14, $0x6  }
0xc: {  	s14 =	sshll.u32 s14, $0x1;
	_ =	strace $0x80000053;
	s10 =	ssub.s32 $0x2, s13  }
0xd: {  	s11 =	sor.u32 $0x1C02, s11;
	s13 =	sor.u32 s13, s14;
	s8 =	sshrl.u32 s1, $0x3  }
0xe: {  	s31 =	sshrl.u32 s10, $0x1;
	s15 =	sadd.s32 s1, s4;
	s1 =	sadd.s32 s1, s5  }
0xf: {  	s13 =	smul.u32 $0x140, s13;
	s12 =	sadd.s32 s8, s0;
	s8 =	sadd.s32 $0x3000, s0  }
0x10: {  	s0 =	ssub.s32 s10, s31;
	s15 =	sshrl.u32 s15, $0x3;
	s17 =	sshrl.u32 s1, $0x3  }
0x11: {  	s10 =	sadd.s32 $0x201E00, s12;
	s12 =	sadd.s32 $0x202300, s12;
	s14 =	smax.u32 s0, $0x1  }
.LBB2_1:
0x12: {  	[spmem:s15], [sflag:s11] =	dma.local [hbm:s10], $0x50  }
0x13: {  	_ =	swait.ge [sflag:s16], $0x50  }
0x14: {  	[sflag:s16] =	ssyncset.done $0x0  }
0x15: {  	[sflag:s16] =	ssyncadd.s32 $0xFFFFFFB0  }
0x16: {  	[spmem:s17], [sflag:s11] =	dma.local [hbm:s12], $0x50  }
0x17: {  	_ =	swait.ge [sflag:s16], $0x50  }
0x18: {  	[sflag:s16] =	ssyncset.done $0x0  }
0x19: {  	[sflag:s16] =	ssyncadd.s32 $0xFFFFFFB0  }
0x1a: {  	[tilespmem:s18], [sflag:$0x2] =	stream.linear.gather [hbm4b:s3+s6], $0x80, $0x38;
	[tilespmem:$0x4780] =	vst v63  }
0x1b: {  	_ =	swait.ge [sflag:s16], $0x80  }
0x1c: {  	[sflag:s16] =	ssyncset.done $0x0  }
0x1d: {  	[sflag:s16] =	ssyncadd.s32 $0xFFFFFF80  }
0x1e: {  	s29 =	simm.s32 $0x0;
	[bflag:$0x0] =	sbarrier.arrive $0xFFFF  }
.LBB2_2:
0x1f: {  	s0 =	sshll.u32 s29, $0x6  }
0x20: {  	s30 =	sadd.s32 s13, s0  }
0x21: {  	s0 =	sshrl.u32 s30, $0x3  }
0x22: {  	s1 =	simm.s32 $0x0;
	s0 =	sadd.s32 s7, s0  }
0x23: {  	[tilespmem:s19], [sflag:$0x2] =	stream.linear.gather [hbm4b:s0+s1], $0x40, $0x38;
	[tilespmem:$0x4780] =	vst v63  }
0x24: {  	_ =	swait.ge [sflag:s16], $0x40  }
0x25: {  	[sflag:s16] =	ssyncset.done $0x0  }
0x26: {  	s0 =	sadd.s32 $0x500, s0;
	[sflag:s16] =	ssyncadd.s32 $0xFFFFFFC0  }
0x27: {  	[tilespmem:s20], [sflag:$0x2] =	stream.linear.gather [hbm4b:s0+s1], $0x40, $0x38;
	[tilespmem:$0x4780] =	vst v63  }
0x28: {  	_ =	swait.ge [sflag:s16], $0x40  }
0x29: {  	[sflag:s16] =	ssyncset.done $0x0  }
0x2a: {  	[sflag:s16] =	ssyncadd.s32 $0xFFFFFFC0  }
0x2b: {  	[tilespmem:s22], [sflag:$0x1] =	stream.indirect.gather [spmem:s4], $0x1, s19, s21, $0xb8;
	[tilespmem:$0x4780] =	vst v63  }
0x2c: {  	_ =	swait.ge [sflag:s23], $0x40  }
0x2d: {  	[sflag:s23] =	ssyncset.done $0x0  }
0x2e: {  	[sflag:s23] =	ssyncadd.s32 $0xFFFFFFC0  }
0x2f: {  	[tilespmem:s24], [sflag:$0x1] =	stream.indirect.gather [spmem:s5], $0x1, s20, s21, $0xb8;
	[tilespmem:$0x4780] =	vst v63  }
0x30: {  	_ =	swait.ge [sflag:s23], $0x40  }
0x31: {  	[sflag:s23] =	ssyncset.done $0x0  }
0x32: {  	[sflag:s23] =	ssyncadd.s32 $0xFFFFFFC0  }
0x33: {  	[tilespmem:s25], [sflag:$0x1] =	stream.indirect.gather [hbm4b:s8+s21], $0x80, s22, s21, $0xb8;
	[tilespmem:$0x4780] =	vst v63  }
0x34: {  	_ =	swait.ge [sflag:s23], $0x2000  }
0x35: {  	[sflag:s23] =	ssyncset.done $0x0  }
0x36: {  	[sflag:s23] =	ssyncadd.s32 $0xFFFFE000  }
0x37: {  	[tilespmem:s26], [sflag:$0x1] =	stream.indirect.gather [hbm4b:s2+s21], $0x80, s24, s21, $0xb8;
	[tilespmem:$0x4780] =	vst v63  }
0x38: {  	_ =	swait.ge [sflag:s23], $0x2000  }
0x39: {  	[sflag:s23] =	ssyncset.done $0x0  }
0x3a: {  	s31 =	simm.s32 $0x0;
	[sflag:s23] =	ssyncadd.s32 $0xFFFFE000  }
0x3b: {  	v0 =	vld [tilespmem:s31+$0x2700]  }
0x3c: {  	v1 =	vld [tilespmem:s31+$0x700];
	_ =	sdelay $0x1  }
0x3d: {  	v2 =	vld [tilespmem:$0x4700];
	_ =	sdelay $0x2  }
0x3e: {  	v0 =	vadd.f32 v0, v1;
	_ =	sdelay $0x1  }
0x3f: {  	v1 =	vld [tilespmem:s31+$0x2710];
	v0 =	vadd.f32 v2, v0  }
0x40: {  	v2 =	vld [tilespmem:s31+$0x710]  }
0x41: {  	[tilespmem:s31+$0x700] =	vst v0  }
0x42: {  	v0 =	vld [tilespmem:$0x4710];
	_ =	sdelay $0x2  }
0x43: {  	v1 =	vadd.f32 v1, v2;
	_ =	sdelay $0x1  }
0x44: {  	v2 =	vld [tilespmem:s31+$0x720];
	v0 =	vadd.f32 v0, v1  }
0x45: {  	v1 =	vld [tilespmem:s31+$0x2720]  }
0x46: {  	[tilespmem:s31+$0x710] =	vst v0  }
0x47: {  	v0 =	vld [tilespmem:$0x4720];
	_ =	sdelay $0x2  }
0x48: {  	v1 =	vadd.f32 v1, v2;
	_ =	sdelay $0x1  }
0x49: {  	v2 =	vld [tilespmem:s31+$0x730];
	v0 =	vadd.f32 v0, v1  }
0x4a: {  	v1 =	vld [tilespmem:s31+$0x2730]  }
0x4b: {  	[tilespmem:s31+$0x720] =	vst v0  }
0x4c: {  	v0 =	vld [tilespmem:$0x4730];
	_ =	sdelay $0x2  }
0x4d: {  	v1 =	vadd.f32 v1, v2;
	_ =	sdelay $0x1  }
0x4e: {  	v2 =	vld [tilespmem:s31+$0x740];
	v0 =	vadd.f32 v0, v1  }
0x4f: {  	v1 =	vld [tilespmem:s31+$0x2740]  }
0x50: {  	[tilespmem:s31+$0x730] =	vst v0  }
0x51: {  	v0 =	vld [tilespmem:$0x4740];
	_ =	sdelay $0x2  }
0x52: {  	v1 =	vadd.f32 v1, v2;
	_ =	sdelay $0x1  }
0x53: {  	v2 =	vld [tilespmem:s31+$0x750];
	v0 =	vadd.f32 v0, v1  }
0x54: {  	v1 =	vld [tilespmem:s31+$0x2750]  }
0x55: {  	[tilespmem:s31+$0x740] =	vst v0  }
0x56: {  	v0 =	vld [tilespmem:$0x4750];
	_ =	sdelay $0x2  }
0x57: {  	v1 =	vadd.f32 v1, v2;
	_ =	sdelay $0x1  }
0x58: {  	v2 =	vld [tilespmem:s31+$0x760];
	v0 =	vadd.f32 v0, v1  }
0x59: {  	v1 =	vld [tilespmem:s31+$0x2760]  }
0x5a: {  	[tilespmem:s31+$0x750] =	vst v0  }
0x5b: {  	v0 =	vld [tilespmem:$0x4760];
	_ =	sdelay $0x2  }
0x5c: {  	v1 =	vadd.f32 v1, v2;
	_ =	sdelay $0x1  }
0x5d: {  	v2 =	vld [tilespmem:s31+$0x770];
	v0 =	vadd.f32 v0, v1  }
0x5e: {  	v1 =	vld [tilespmem:s31+$0x2770]  }
0x5f: {  	[tilespmem:s31+$0x760] =	vst v0  }
0x60: {  	v3 =	vld [tilespmem:$0x4770];
	_ =	sdelay $0x2  }
0x61: {  	v1 =	vadd.f32 v1, v2  }
0x62: {  	s1 =	simm.s32 $0x80  }
0x63: {  	s0 =	simm.s32 $0x400;
	v0 =	vld [tilespmem:s1+$0x2700];
	v1 =	vadd.f32 v3, v1  }
.LBB2_3:
0x64: {  	p0 =	sne.s32 s0, $0x7E00;
	v2 =	vld [tilespmem:s1+$0x700]  }
0x65: {  	[tilespmem:s31+$0x770] =	vst v1;
	s31 =	smov.u32 s1  }
0x66: {  	v1 =	vld [tilespmem:$0x4700];
	_ =	sdelay $0x2  }
0x67: {  	v0 =	vadd.f32 v0, v2;
	_ =	sdelay $0x1  }
0x68: {  	v0 =	vadd.f32 v1, v0;
	v1 =	vld [tilespmem:s31+$0x2710]  }
0x69: {  	v2 =	vld [tilespmem:s31+$0x710]  }
0x6a: {  	[tilespmem:s31+$0x700] =	vst v0  }
0x6b: {  	v0 =	vld [tilespmem:$0x4710];
	_ =	sdelay $0x2  }
0x6c: {  	v1 =	vadd.f32 v1, v2;
	_ =	sdelay $0x1  }
0x6d: {  	v0 =	vadd.f32 v0, v1;
	v1 =	vld [tilespmem:s31+$0x2720]  }
0x6e: {  	v2 =	vld [tilespmem:s31+$0x720]  }
0x6f: {  	[tilespmem:s31+$0x710] =	vst v0  }
0x70: {  	v0 =	vld [tilespmem:$0x4720];
	_ =	sdelay $0x2  }
0x71: {  	v1 =	vadd.f32 v1, v2;
	_ =	sdelay $0x1  }
0x72: {  	v0 =	vadd.f32 v0, v1;
	v1 =	vld [tilespmem:s31+$0x2730]  }
0x73: {  	v2 =	vld [tilespmem:s31+$0x730]  }
0x74: {  	[tilespmem:s31+$0x720] =	vst v0  }
0x75: {  	v0 =	vld [tilespmem:$0x4730];
	_ =	sdelay $0x2  }
0x76: {  	v1 =	vadd.f32 v1, v2;
	_ =	sdelay $0x1  }
0x77: {  	v0 =	vadd.f32 v0, v1;
	v1 =	vld [tilespmem:s31+$0x2740]  }
0x78: {  	v2 =	vld [tilespmem:s31+$0x740]  }
0x79: {  	[tilespmem:s31+$0x730] =	vst v0  }
0x7a: {  	v0 =	vld [tilespmem:$0x4740];
	_ =	sdelay $0x2  }
0x7b: {  	v1 =	vadd.f32 v1, v2;
	_ =	sdelay $0x1  }
0x7c: {  	v0 =	vadd.f32 v0, v1;
	v1 =	vld [tilespmem:s31+$0x2750]  }
0x7d: {  	v2 =	vld [tilespmem:s31+$0x750]  }
0x7e: {  	[tilespmem:s31+$0x740] =	vst v0  }
0x7f: {  	v0 =	vld [tilespmem:$0x4750];
	_ =	sdelay $0x2  }
0x80: {  	v1 =	vadd.f32 v1, v2;
	_ =	sdelay $0x1  }
0x81: {  	v0 =	vadd.f32 v0, v1;
	v1 =	vld [tilespmem:s31+$0x2760]  }
0x82: {  	v2 =	vld [tilespmem:s31+$0x760]  }
0x83: {  	[tilespmem:s31+$0x750] =	vst v0  }
0x84: {  	v0 =	vld [tilespmem:$0x4760];
	_ =	sdelay $0x2  }
0x85: {  	v1 =	vadd.f32 v1, v2;
	_ =	sdelay $0x1  }
0x86: {  	v0 =	vadd.f32 v0, v1;
	v1 =	vld [tilespmem:s31+$0x2770]  }
0x87: {  	v2 =	vld [tilespmem:s31+$0x770]  }
0x88: {  	[tilespmem:s31+$0x760] =	vst v0  }
0x89: {  	v3 =	vld [tilespmem:$0x4770]  }
.Ltmp0:
0x8a: {  	(pc) =	sbr.rel @p0 .LBB2_3-.Ltmp0, $4  }
0x8b: {  	_ = 	snop  }
0x8c: {  	v1 =	vadd.f32 v1, v2  }
0x8d: {  	s1 =	sshra.s32 s0, $0x2  }
0x8e: {  	s0 =	sadd.s32 $0x200, s0;
	v0 =	vld [tilespmem:s1+$0x2700];
	v1 =	vadd.f32 v3, v1  }
0x8f: {  	v2 =	vld [tilespmem:s1+$0x700]  }
0x90: {  	[tilespmem:s31+$0x770] =	vst v1  }
0x91: {  	v1 =	vld [tilespmem:$0x4700];
	_ =	sdelay $0x2  }
0x92: {  	v0 =	vadd.f32 v0, v2;
	_ =	sdelay $0x1  }
0x93: {  	v50 =	vld [tilespmem:s1+$0x2710];
	v0 =	vadd.f32 v1, v0  }
0x94: {  	v51 =	vld [tilespmem:s1+$0x710]  }
0x95: {  	[tilespmem:s1+$0x700] =	vst v0  }
0x96: {  	v0 =	vld [tilespmem:$0x4710];
	_ =	sdelay $0x2  }
0x97: {  	v1 =	vadd.f32 v50, v51;
	_ =	sdelay $0x1  }
0x98: {  	v52 =	vld [tilespmem:s1+$0x2720];
	v0 =	vadd.f32 v0, v1  }
0x99: {  	v53 =	vld [tilespmem:s1+$0x720]  }
0x9a: {  	[tilespmem:s1+$0x710] =	vst v0  }
0x9b: {  	v0 =	vld [tilespmem:$0x4720];
	_ =	sdelay $0x2  }
0x9c: {  	v1 =	vadd.f32 v52, v53;
	_ =	sdelay $0x1  }
0x9d: {  	v54 =	vld [tilespmem:s1+$0x2730];
	v0 =	vadd.f32 v0, v1  }
0x9e: {  	v55 =	vld [tilespmem:s1+$0x730]  }
0x9f: {  	[tilespmem:s1+$0x720] =	vst v0  }
0xa0: {  	v0 =	vld [tilespmem:$0x4730];
	_ =	sdelay $0x2  }
0xa1: {  	v1 =	vadd.f32 v54, v55;
	_ =	sdelay $0x1  }
0xa2: {  	v56 =	vld [tilespmem:s1+$0x2740];
	v0 =	vadd.f32 v0, v1  }
0xa3: {  	v57 =	vld [tilespmem:s1+$0x740]  }
0xa4: {  	[tilespmem:s1+$0x730] =	vst v0  }
0xa5: {  	v0 =	vld [tilespmem:$0x4740];
	_ =	sdelay $0x2  }
0xa6: {  	v1 =	vadd.f32 v56, v57;
	_ =	sdelay $0x1  }
0xa7: {  	v58 =	vld [tilespmem:s1+$0x2750];
	v0 =	vadd.f32 v0, v1  }
0xa8: {  	v59 =	vld [tilespmem:s1+$0x750]  }
0xa9: {  	[tilespmem:s1+$0x740] =	vst v0  }
0xaa: {  	v0 =	vld [tilespmem:$0x4750];
	_ =	sdelay $0x2  }
0xab: {  	v1 =	vadd.f32 v58, v59;
	_ =	sdelay $0x1  }
0xac: {  	v60 =	vld [tilespmem:s1+$0x2760];
	v0 =	vadd.f32 v0, v1  }
0xad: {  	v61 =	vld [tilespmem:s1+$0x760]  }
0xae: {  	[tilespmem:s1+$0x750] =	vst v0  }
0xaf: {  	v0 =	vld [tilespmem:$0x4760];
	_ =	sdelay $0x2  }
0xb0: {  	v1 =	vadd.f32 v60, v61;
	_ =	sdelay $0x1  }
0xb1: {  	v62 =	vld [tilespmem:s1+$0x2770];
	v0 =	vadd.f32 v0, v1  }
0xb2: {  	v63 =	vld [tilespmem:s1+$0x770]  }
0xb3: {  	[tilespmem:s1+$0x760] =	vst v0  }
0xb4: {  	v0 =	vld [tilespmem:$0x4770];
	_ =	sdelay $0x2  }
0xb5: {  	v1 =	vadd.f32 v62, v63;
	_ =	sdelay $0x1  }
0xb6: {  	s29 =	sadd.s32 $0x1, s29;
	v0 =	vadd.f32 v0, v1  }
0xb7: {  	s0 =	sshll.u32 s30, $0x4;
	p0 =	sne.s32 s29, $0x5  }
.Ltmp1:
0xb8: {  	s0 =	sadd.s32 s9, s0;
	[tilespmem:s1+$0x770] =	vst v0;
	(pc) =	sbr.rel @p0 .LBB2_2-.Ltmp1, $4  }
0xb9: {  	[hbm4b:s0+s6] =	stream.linear.scatter [tilespmem:s25], [sflag:$0x2], $0x2000, $0x38;
	[tilespmem:$0x4780] =	vst v63  }
0xba: {  	_ =	swait.ge [sflag:s16], $0x2000  }
0xbb: {  	[sflag:s16] =	ssyncset.done $0x0  }
0xbc: {  	[sflag:s16] =	ssyncadd.s32 $0xFFFFE000  }
0xbd: {  	s28 =	sadd.s32 $0x1, s28  }
0xbe: {  	p0 =	sne.s32 s28, s14  }
.Ltmp2:
0xbf: {  	_ = 	snop;
	(pc) =	sbr.rel @p0 .LBB2_1-.Ltmp2, $1  }
0xc0: {  	_ =	sdelay $0x3  }
0xc1: {  	_ =	sfence.sel $0x180000  }
0xc2: {  	[bflag:$0x0] =	sbarrier.arrive $0xFFFF  }
0xc3: {  	_ =	strace $0x90000053  }
0xc4: {  	s0 =	stileid.u32;
	[bflag:$0x2] =	sbarrier.arrive $0xFFFF  }
0xc5: {  	p0 =	sne.s32 s0, $0x0;
	s0 =	rddreg [dreg:$0x5]  }
0xc6: {  	s0 =	sadd.s32 @!p0 $0x100000, s0  }
0xc7: {  	[sflag:s0] =	ssyncadd.tile.s32 @!p0 $0x1;
	_ =	shalt  }
.Lfunc_end2:
_tile_overlayer_lowered:
.L_overlay_start_2:
0xc8: {  	(tag) =	ssettag $0x2  }
0xc9: {  	s0 =	rddreg [dreg:$0x0];
	s2 =	stileid.u32  }
0xca: {  	s1 =	rddreg [dreg:$0x1];
	p0 =	sne.s32 s2, $0x0  }
0xcb: {  	s3 =	rddreg [dreg:$0x2];
	[bflag:$0x3] =	sbarrier.arrive $0xFFFF;
	s2 =	simm.s32 @!p0 $0x1C02  }
0xcc: {  	[timem:s3], [sflag:s2] =	dma.local @!p0 [hbm:s0], s1  }
0xcd: {  	s0 =	simm.s32 @!p0 $0x2  }
0xce: {  	_ =	swait.ge @!p0 [sflag:s0], s1  }
0xcf: {  	s1 =	ssub.s32 @!p0 $0x0, s1;
	[sflag:s0] =	ssyncset.done @!p0 $0x0  }
0xd0: {  	[sflag:s0] =	ssyncadd.s32 @!p0 s1  }
0xd1: {  	[bflag:$0x3] =	sbarrier.arrive $0xFFFF  }
0xd2: {  	_ =	shalt  }

</sc_bundles>
